<compile_context>
chip_gen: v7x
topology: tpu7x:2x2x1
jax: 0.10.2.dev20260603
libtpu: 0.0.44.dev20260713+nightly
codegen_flags: <defaults>
</compile_context>

<pallas_src>
import functools

import jax
import jax.numpy as jnp
from jax import lax
from jax.experimental import pallas as pl
from jax.experimental.pallas import tpu as pltpu
from jax.experimental.pallas import tpu_sc as plsc

N = 10000
E = 320000
D = 128
F_IN = 3
T = 8
OUT = 3

NC = 2
NS = 16
NW = NC * NS
NPAD = 10240
RPT = NPAD // NS



def _mesh():
    return plsc.VectorSubcoreMesh(core_axis_name="c", subcore_axis_name="s")


@functools.cache
def _sc_gather_kernel(ne):
    epw = ne // NW
    chunk = 40 if epw % 80 else 80
    nchunk = epw // chunk
    nchunk2 = nchunk + 1
    kg = 3

    def body(hs_hbm, hd_hbm, src_hbm, dst_hbm, g_out,
             si_v, di_v,
             gs0, gd0, gs1, gd1, gs2, gd2,
             sg0, sg1, sg2, so0, so1, so2):
        wid = lax.axis_index("s") * NC + lax.axis_index("c")
        base = wid * epw
        pltpu.sync_copy(src_hbm.at[pl.ds(base, epw)], si_v)
        pltpu.sync_copy(dst_hbm.at[pl.ds(base, epw)], di_v)

        gsb = (gs0, gs1, gs2)
        gdb = (gd0, gd1, gd2)
        sg = (sg0, sg1, sg2)
        so = (so0, so1, so2)

        def issue_gather(c, j):
            io = pl.multiple_of(lax.rem(c, nchunk) * chunk, 8)
            pltpu.async_copy(hs_hbm.at[si_v.at[pl.ds(io, chunk)]],
                             gsb[j], sg[j])
            pltpu.async_copy(hd_hbm.at[di_v.at[pl.ds(io, chunk)]],
                             gdb[j], sg[j])

        def wait_gather(j):
            pltpu.make_async_copy(hs_hbm.at[pl.ds(0, chunk)], gsb[j],
                                  sg[j]).wait()
            pltpu.make_async_copy(hd_hbm.at[pl.ds(0, chunk)], gdb[j],
                                  sg[j]).wait()

        def add_rows(j):
            a, b = gsb[j], gdb[j]

            def arow(rr, carry):
                for u in range(2):
                    r = rr * 2 + u
                    for g in range(D // 16):
                        sl = pl.ds(g * 16, 16)
                        a[r, sl] = a[r, sl] + b[r, sl]
                return carry

            lax.fori_loop(0, chunk // 2, arow, 0)

        def issue_out(c, j):
            o = pl.multiple_of(base + lax.rem(c, nchunk) * chunk, 8)
            pltpu.async_copy(gsb[j], g_out.at[pl.ds(o, chunk)], so[j])

        def wait_out(j):
            pltpu.make_async_copy(gsb[j], g_out.at[pl.ds(0, chunk)],
                                  so[j]).wait()

        issue_gather(0, 0)
        issue_gather(1, 1)

        def super_body(cc, carry):
            for j in range(kg):
                c = cc * kg + j
                jj = (j + kg - 1) % kg
                if j == 0:
                    @pl.when(cc > 0)
                    def _():
                        wait_out(jj)
                        issue_gather(c + 2, jj)

                    @pl.when(cc == 0)
                    def _():
                        issue_gather(c + 2, jj)
                else:
                    wait_out(jj)

                    @pl.when(c + 2 < nchunk2)
                    def _():
                        issue_gather(c + 2, jj)
                wait_gather(j)
                add_rows(j)
                issue_out(c, j)
            return carry

        lax.fori_loop(0, nchunk2 // kg, super_body, 0)
        wait_out(kg - 1)

    buf = pltpu.VMEM((chunk, D), jnp.float32)
    return pl.kernel(
        body,
        out_type=jax.ShapeDtypeStruct((ne, D), jnp.float32),
        mesh=_mesh(),
        scratch_types=[
            pltpu.VMEM((epw,), jnp.int32),
            pltpu.VMEM((epw,), jnp.int32),
            buf, buf, buf, buf, buf, buf,
            pltpu.SemaphoreType.DMA,
            pltpu.SemaphoreType.DMA,
            pltpu.SemaphoreType.DMA,
            pltpu.SemaphoreType.DMA,
            pltpu.SemaphoreType.DMA,
            pltpu.SemaphoreType.DMA,
        ],
    )


def _sc_gather(hs, hd, src, dst):
    return _sc_gather_kernel(src.shape[0])(hs, hd, src, dst)



@functools.cache
def _sc_scatter_kernel(ne):
    epw = ne // NW
    chunk = 40 if epw % 80 else 80
    nchunk = epw // chunk
    nchunk2 = nchunk + 1

    def body(e_hbm, dst_hbm, out_hbm,
             i0, i1, e0, e1, z_v, si0, si1, se0, se1, acc_sh):
        cid = lax.axis_index("c")
        sid = lax.axis_index("s")

        def zrow(r, carry):
            def zcol(jc, carry2):
                z_v[r, pl.ds(jc * 16, 16)] = jnp.zeros((16,), jnp.float32)
                return carry2
            return lax.fori_loop(0, D // 16, zcol, carry)

        lax.fori_loop(0, 80, zrow, 0)
        rbase = pl.multiple_of(sid * RPT, 8)
        for b in range(RPT // 80):
            pltpu.sync_copy(z_v, acc_sh.at[pl.ds(rbase + b * 80, 80)])
        plsc.subcore_barrier()

        ebase = (cid * NS + sid) * epw
        ib = (i0, i1)
        eb = (e0, e1)
        sib = (si0, si1)
        seb = (se0, se1)

        def issue_loads(c, j):
            o = pl.multiple_of(ebase + lax.rem(c, nchunk) * chunk, 8)
            pltpu.async_copy(dst_hbm.at[pl.ds(o, chunk)], ib[j], sib[j])
            pltpu.async_copy(e_hbm.at[pl.ds(o, chunk)], eb[j], seb[j])

        def wait_loads(j):
            pltpu.make_async_copy(dst_hbm.at[pl.ds(0, chunk)], ib[j],
                                  sib[j]).wait()
            pltpu.make_async_copy(e_hbm.at[pl.ds(0, chunk)], eb[j],
                                  seb[j]).wait()

        issue_loads(0, 0)
        issue_loads(1, 1)

        def super_body(cc, carry):
            for j in range(2):
                c = cc * 2 + j
                wait_loads(j)
                if j == 0:
                    pltpu.sync_copy(eb[j], acc_sh.at[ib[j]], add=True)
                else:
                    @pl.when(c < nchunk)
                    def _():
                        pltpu.sync_copy(eb[j], acc_sh.at[ib[j]], add=True)

                @pl.when(c + 2 < nchunk2)
                def _():
                    issue_loads(c + 2, j)
            return carry

        lax.fori_loop(0, nchunk2 // 2, super_body, 0)
        plsc.subcore_barrier()

        for b in range(RPT // 80):
            r = pl.multiple_of(rbase + b * 80, 8)
            pltpu.sync_copy(acc_sh.at[pl.ds(r, 80)], z_v)
            pltpu.sync_copy(z_v, out_hbm.at[cid, pl.ds(r, 80)])

    return pl.kernel(
        body,
        out_type=jax.ShapeDtypeStruct((NC, NPAD, D), jnp.float32),
        mesh=_mesh(),
        scratch_types=[
            pltpu.VMEM((chunk,), jnp.int32),
            pltpu.VMEM((chunk,), jnp.int32),
            pltpu.VMEM((chunk, D), jnp.float32),
            pltpu.VMEM((chunk, D), jnp.float32),
            pltpu.VMEM((80, D), jnp.float32),
            pltpu.SemaphoreType.DMA,
            pltpu.SemaphoreType.DMA,
            pltpu.SemaphoreType.DMA,
            pltpu.SemaphoreType.DMA,
            pltpu.VMEM_SHARED((NPAD, D), jnp.float32),
        ],
    )


def _sc_scatter(e, dst):
    return _sc_scatter_kernel(dst.shape[0])(e, dst)


BN = 2000
BE = 2560
BEH = 2000


def _mlp2_kern(x_ref, w1_ref, b1_ref, w2_ref, b2_ref, o_ref):
    t = jnp.dot(x_ref[...], w1_ref[...],
                preferred_element_type=jnp.float32) + b1_ref[...]
    u = jnp.maximum(t, 0.0).astype(jnp.bfloat16)
    o_ref[...] = (jnp.dot(u, w2_ref[...], preferred_element_type=jnp.float32)
                  + b2_ref[...]).astype(o_ref.dtype)


def _mlp2_call(xb, w1, b1, w2, b2, br, out_dtype=jnp.float32):
    rows, k = xb.shape
    dout = w2.shape[1]
    return pl.pallas_call(
        _mlp2_kern,
        grid=(rows // br,),
        in_specs=[
            pl.BlockSpec((br, k), lambda i: (i, 0)),
            pl.BlockSpec((k, D), lambda i: (0, 0)),
            pl.BlockSpec((1, D), lambda i: (0, 0)),
            pl.BlockSpec((D, dout), lambda i: (0, 0)),
            pl.BlockSpec((1, dout), lambda i: (0, 0)),
        ],
        out_specs=pl.BlockSpec((br, dout), lambda i: (i, 0)),
        out_shape=jax.ShapeDtypeStruct((rows, dout), out_dtype),
    )(xb, w1, b1, w2, b2)


def _enc_node_kern(x_ref, w1_ref, b1_ref, w2_ref, b2_ref, wa_ref, wb_ref,
                   h_ref, hs_ref, hd_ref):
    t = jnp.dot(x_ref[...], w1_ref[...],
                preferred_element_type=jnp.float32) + b1_ref[...]
    u = jnp.maximum(t, 0.0).astype(jnp.bfloat16)
    h = jnp.dot(u, w2_ref[...],
                preferred_element_type=jnp.float32) + b2_ref[...]
    h_ref[...] = h
    hb = h.astype(jnp.bfloat16)
    hs_ref[...] = jnp.dot(hb, wa_ref[...], preferred_element_type=jnp.float32)
    hd_ref[...] = jnp.dot(hb, wb_ref[...], preferred_element_type=jnp.float32)


def _enc_node_call(xb, w1, b1, w2, b2, wa, wb):
    k = xb.shape[1]
    wspec = pl.BlockSpec((D, D), lambda i: (0, 0))
    nspec = pl.BlockSpec((BN, D), lambda i: (i, 0))
    return pl.pallas_call(
        _enc_node_kern,
        grid=(N // BN,),
        in_specs=[
            pl.BlockSpec((BN, k), lambda i: (i, 0)),
            pl.BlockSpec((k, D), lambda i: (0, 0)),
            pl.BlockSpec((1, D), lambda i: (0, 0)),
            wspec,
            pl.BlockSpec((1, D), lambda i: (0, 0)),
            wspec, wspec,
        ],
        out_specs=[nspec, nspec, nspec],
        out_shape=[jax.ShapeDtypeStruct((N, D), jnp.float32)] * 3,
    )(xb, w1, b1, w2, b2, wa, wb)


def _edge_upd_kern(g_ref, e_ref, wc_ref, b1_ref, w2_ref, b2_ref, o_ref):
    e = e_ref[...]
    eb = e if e.dtype == jnp.bfloat16 else e.astype(jnp.bfloat16)
    t = (g_ref[...] + b1_ref[...]
         + jnp.dot(eb, wc_ref[...], preferred_element_type=jnp.float32))
    u = jnp.maximum(t, 0.0).astype(jnp.bfloat16)
    o_ref[...] = (e.astype(jnp.float32)
                  + jnp.dot(u, w2_ref[...],
                            preferred_element_type=jnp.float32) + b2_ref[...])


def _edge_upd_call(g, e, wc, b1, w2, b2):
    ne = e.shape[0]
    br = 8000 if ne % 8000 == 0 else BEH
    return pl.pallas_call(
        _edge_upd_kern,
        grid=(ne // br,),
        in_specs=[
            pl.BlockSpec((br, D), lambda i: (i, 0)),
            pl.BlockSpec((br, D), lambda i: (i, 0)),
            pl.BlockSpec((D, D), lambda i: (0, 0)),
            pl.BlockSpec((1, D), lambda i: (0, 0)),
            pl.BlockSpec((D, D), lambda i: (0, 0)),
            pl.BlockSpec((1, D), lambda i: (0, 0)),
        ],
        out_specs=pl.BlockSpec((br, D), lambda i: (i, 0)),
        out_shape=jax.ShapeDtypeStruct((ne, D), jnp.float32),
    )(g, e, wc, b1, w2, b2)


def _node_core(h_ref, p0_ref, p1_ref, wh_ref, wa_ref, b1_ref, w2_ref,
               b2_ref):
    h = h_ref[...]
    agg = (p0_ref[...] + p1_ref[...]).astype(jnp.bfloat16)
    t = (jnp.dot(h.astype(jnp.bfloat16), wh_ref[...],
                 preferred_element_type=jnp.float32)
         + jnp.dot(agg, wa_ref[...], preferred_element_type=jnp.float32)
         + b1_ref[...])
    u = jnp.maximum(t, 0.0).astype(jnp.bfloat16)
    return h + jnp.dot(u, w2_ref[...],
                       preferred_element_type=jnp.float32) + b2_ref[...]


def _node_upd_mid_kern(h_ref, p0_ref, p1_ref, wh_ref, wa_ref, b1_ref,
                       w2_ref, b2_ref, wa2_ref, wb2_ref,
                       o_ref, hs_ref, hd_ref):
    hn = _node_core(h_ref, p0_ref, p1_ref, wh_ref, wa_ref, b1_ref, w2_ref,
                    b2_ref)
    o_ref[...] = hn
    hb = hn.astype(jnp.bfloat16)
    hs_ref[...] = jnp.dot(hb, wa2_ref[...],
                          preferred_element_type=jnp.float32)
    hd_ref[...] = jnp.dot(hb, wb2_ref[...],
                          preferred_element_type=jnp.float32)


def _node_upd_mid_call(h, p0, p1, wh, wa, b1, w2, b2, wa2, wb2):
    pspec = pl.BlockSpec((BN, D), lambda i: (i, 0))
    wspec = pl.BlockSpec((D, D), lambda i: (0, 0))
    bspec = pl.BlockSpec((1, D), lambda i: (0, 0))
    return pl.pallas_call(
        _node_upd_mid_kern,
        grid=(N // BN,),
        in_specs=[pspec, pspec, pspec, wspec, wspec, bspec, wspec, bspec,
                  wspec, wspec],
        out_specs=[pspec, pspec, pspec],
        out_shape=[jax.ShapeDtypeStruct((N, D), jnp.float32)] * 3,
    )(h, p0, p1, wh, wa, b1, w2, b2, wa2, wb2)


def _node_upd_dec_kern(h_ref, p0_ref, p1_ref, wh_ref, wa_ref, b1_ref,
                       w2_ref, b2_ref, wd1_ref, bd1_ref, wd2_ref, bd2_ref,
                       xt_ref, dt_ref, y_ref):
    hn = _node_core(h_ref, p0_ref, p1_ref, wh_ref, wa_ref, b1_ref, w2_ref,
                    b2_ref)
    t = (jnp.dot(hn.astype(jnp.bfloat16), wd1_ref[...],
                 preferred_element_type=jnp.float32) + bd1_ref[...])
    u = jnp.maximum(t, 0.0).astype(jnp.bfloat16)
    delta = jnp.dot(u, wd2_ref[...],
                    preferred_element_type=jnp.float32) + bd2_ref[...]
    y_ref[...] = xt_ref[...] + delta * dt_ref[...]


def _node_upd_dec_call(h, p0, p1, wh, wa, b1, w2, b2, wd1, bd1, wd2, bd2,
                       xt, dt):
    pspec = pl.BlockSpec((BN, D), lambda i: (i, 0))
    wspec = pl.BlockSpec((D, D), lambda i: (0, 0))
    bspec = pl.BlockSpec((1, D), lambda i: (0, 0))
    return pl.pallas_call(
        _node_upd_dec_kern,
        grid=(N // BN,),
        in_specs=[pspec, pspec, pspec, wspec, wspec, bspec, wspec, bspec,
                  wspec, bspec,
                  pl.BlockSpec((D, OUT), lambda i: (0, 0)),
                  pl.BlockSpec((1, OUT), lambda i: (0, 0)),
                  pl.BlockSpec((BN, OUT), lambda i: (i, 0)),
                  pl.BlockSpec((BN, 1), lambda i: (i, 0))],
        out_specs=pl.BlockSpec((BN, OUT), lambda i: (i, 0)),
        out_shape=jax.ShapeDtypeStruct((N, OUT), jnp.float32),
    )(h, p0, p1, wh, wa, b1, w2, b2, wd1, bd1, wd2, bd2, xt, dt)




def kernel(x, node_mass, x_initial, edge_attr, pos, edge_surf_index,
           edge_index, delta_t, params):
    p = params
    bf = jnp.bfloat16
    x_t = x[:, :, -1]
    enc_in = jnp.concatenate(
        [x.reshape(N, -1), node_mass, x_initial.reshape(N, -1)],
        axis=-1).astype(bf)
    src = edge_index[0].astype(jnp.int32)
    dst = edge_index[1].astype(jnp.int32)

    def row(b):
        return b.reshape(1, -1)

    def lw(l):
        we1 = p[f"L{l}_We1"]
        return (we1[:D].astype(bf), we1[D:2 * D].astype(bf),
                we1[2 * D:].astype(bf))

    wa0, wb0, wc0 = lw(0)
    wa1, wb1, wc1 = lw(1)

    h, hs, hd = _enc_node_call(enc_in, p["W_enc1"].astype(bf),
                               row(p["b_enc1"]), p["W_enc2"].astype(bf),
                               row(p["b_enc2"]), wa0, wb0)
    ea = edge_attr.astype(bf)
    e = _mlp2_call(ea, p["W_eenc1"].astype(bf), row(p["b_eenc1"]),
                   p["W_eenc2"].astype(bf), row(p["b_eenc2"]), 8000,
                   out_dtype=bf)

    g = _sc_gather(hs, hd, src, dst)
    e = _edge_upd_call(g, e, wc0, row(p["L0_be1"]),
                       p["L0_We2"].astype(bf), row(p["L0_be2"]))
    parts = _sc_scatter(e, dst)
    wn1 = p["L0_Wn1"]
    h, hs, hd = _node_upd_mid_call(h, parts[0, :N], parts[1, :N],
                                   wn1[:D].astype(bf), wn1[D:].astype(bf),
                                   row(p["L0_bn1"]),
                                   p["L0_Wn2"].astype(bf), row(p["L0_bn2"]),
                                   wa1, wb1)

    g = _sc_gather(hs, hd, src, dst)
    e = _edge_upd_call(g, e, wc1, row(p["L1_be1"]),
                       p["L1_We2"].astype(bf), row(p["L1_be2"]))
    parts = _sc_scatter(e, dst)
    wn1 = p["L1_Wn1"]
    y = _node_upd_dec_call(h, parts[0, :N], parts[1, :N],
                           wn1[:D].astype(bf), wn1[D:].astype(bf),
                           row(p["L1_bn1"]),
                           p["L1_Wn2"].astype(bf), row(p["L1_bn2"]),
                           p["W_dec1"].astype(bf), row(p["b_dec1"]),
                           p["W_dec2"].astype(bf), row(p["b_dec2"]),
                           x_t, delta_t[:, None])
    return y

# --- scband reference (transcript-rebuilt; emitter-appended) ---
"""Pipeline reference for scband-encode-decode-gnngeneral-85487029060212 (READ-ONLY COPY).

The authoritative reference and input builder live on the scoring server;
editing this copy changes nothing except your own understanding.
"""

import jax, jax.numpy as jnp
import numpy as np

N = 10000
E = 320000
E_SURF = 80000
T = 8
F_IN = 3
D = 128
D_EDGE = 16
OUT = 3


def _mlp2(x, W1, b1, W2, b2):
    return jnp.dot(jax.nn.relu(jnp.dot(x, W1) + b1), W2) + b2


def _glorot(k, shape):
    fan = shape[0] + shape[1]
    return jax.random.normal(k, shape, dtype=jnp.float32) * np.sqrt(2.0 / fan)


def setup_inputs(seed: int = 0) -> dict:
    key = jax.random.key(seed)
    ks = jax.random.split(key, 32)
    inp = {}
    inp["x"] = jax.random.normal(ks[0], (N, F_IN, T), dtype=jnp.float32)
    inp["node_mass"] = jax.random.uniform(ks[1], (N, 1), dtype=jnp.float32)
    inp["x_initial"] = jax.random.normal(ks[2], (N, F_IN, T), dtype=jnp.float32)
    inp["edge_attr"] = jax.random.normal(ks[3], (E, D_EDGE), dtype=jnp.float32)
    inp["pos"] = jax.random.normal(ks[4], (N, 3), dtype=jnp.float32)
    inp["edge_surf_index"] = jax.random.randint(ks[5], (2, E_SURF), 0, N, dtype=jnp.int64) if jax.config.jax_enable_x64 else jax.random.randint(ks[5], (2, E_SURF), 0, N)
    inp["edge_index"] = jax.random.randint(ks[6], (2, E), 0, N)
    inp["delta_t"] = jax.random.uniform(ks[7], (N,), dtype=jnp.float32) * 0.01
    enc_in = F_IN * T + 1 + F_IN * T  # 49
    p = {}
    p["W_enc1"] = _glorot(ks[8], (enc_in, D)); p["b_enc1"] = jnp.zeros((D,), jnp.float32)
    p["W_enc2"] = _glorot(ks[9], (D, D)); p["b_enc2"] = jnp.zeros((D,), jnp.float32)
    p["W_eenc1"] = _glorot(ks[10], (D_EDGE, D)); p["b_eenc1"] = jnp.zeros((D,), jnp.float32)
    p["W_eenc2"] = _glorot(ks[11], (D, D)); p["b_eenc2"] = jnp.zeros((D,), jnp.float32)
    for l in range(2):
        p[f"L{l}_We1"] = _glorot(ks[12 + 4 * l], (3 * D, D)); p[f"L{l}_be1"] = jnp.zeros((D,), jnp.float32)
        p[f"L{l}_We2"] = _glorot(ks[13 + 4 * l], (D, D)); p[f"L{l}_be2"] = jnp.zeros((D,), jnp.float32)
        p[f"L{l}_Wn1"] = _glorot(ks[14 + 4 * l], (2 * D, D)); p[f"L{l}_bn1"] = jnp.zeros((D,), jnp.float32)
        p[f"L{l}_Wn2"] = _glorot(ks[15 + 4 * l], (D, D)); p[f"L{l}_bn2"] = jnp.zeros((D,), jnp.float32)
    p["W_dec1"] = _glorot(ks[20], (D, D)); p["b_dec1"] = jnp.zeros((D,), jnp.float32)
    p["W_dec2"] = _glorot(ks[21], (D, OUT)); p["b_dec2"] = jnp.zeros((OUT,), jnp.float32)
    inp["params"] = p
    return inp


def reference(x, node_mass, x_initial, edge_attr, pos, edge_surf_index, edge_index, delta_t, params):
    p = params
    x_t = x[:, :, -1]
    # node encoder
    enc_in = jnp.concatenate([x.reshape(N, -1), node_mass, x_initial.reshape(N, -1)], axis=-1)
    h_topo = _mlp2(enc_in, p["W_enc1"], p["b_enc1"], p["W_enc2"], p["b_enc2"])
    # edge encoder
    e = _mlp2(edge_attr, p["W_eenc1"], p["b_eenc1"], p["W_eenc2"], p["b_eenc2"])
    # layers_surf is None -> h_surf = zeros_like(h_topo)
    h_surf = jnp.zeros_like(h_topo)
    # surface_mask.index_fill_(0, edge_surf_index.view(-1), 1.0)
    surface_mask = jnp.zeros((N,), dtype=h_surf.dtype).at[edge_surf_index.reshape(-1)].set(1.0)
    h = h_topo + h_surf * surface_mask[:, None]
    src = edge_index[0]
    dst = edge_index[1]
    for l in range(2):
        ef = jnp.concatenate([h[src], h[dst], e], axis=-1)
        e = e + _mlp2(ef, p[f"L{l}_We1"], p[f"L{l}_be1"], p[f"L{l}_We2"], p[f"L{l}_be2"])
        agg = jax.ops.segment_sum(e, dst, num_segments=N)
        nf = jnp.concatenate([h, agg], axis=-1)
        h = h + _mlp2(nf, p[f"L{l}_Wn1"], p[f"L{l}_bn1"], p[f"L{l}_Wn2"], p[f"L{l}_bn2"])
    delta_pred = _mlp2(h, p["W_dec1"], p["b_dec1"], p["W_dec2"], p["b_dec2"])
    y_t = x_t + delta_pred * delta_t[:, None]
    return y_t

if __name__ == "__main__":
    import jax
    _d = setup_inputs()
    print(jax.jit(kernel)(*tuple(_d.values())))

</pallas_src>

<mosaic_0001>
#map = affine_map<(d0, d1) -> (0, 0)>
#map1 = affine_map<(d0, d1) -> (0)>
module attributes {stable_mosaic.version = 14 : i64} {
  func.func @body(%arg0: i32, %arg1: i32, %arg2: memref<10000x128xf32, #tpu.memory_space<hbm>>, %arg3: memref<10000x128xf32, #tpu.memory_space<hbm>>, %arg4: memref<320000xi32, #tpu.memory_space<hbm>>, %arg5: memref<320000xi32, #tpu.memory_space<hbm>>, %arg6: memref<320000x128xf32, #tpu.memory_space<hbm>>, %arg7: memref<10000xi32, #tpu.memory_space<vmem>>, %arg8: memref<10000xi32, #tpu.memory_space<vmem>>, %arg9: memref<80x128xf32, #tpu.memory_space<vmem>>, %arg10: memref<80x128xf32, #tpu.memory_space<vmem>>, %arg11: memref<80x128xf32, #tpu.memory_space<vmem>>, %arg12: memref<80x128xf32, #tpu.memory_space<vmem>>, %arg13: memref<80x128xf32, #tpu.memory_space<vmem>>, %arg14: memref<80x128xf32, #tpu.memory_space<vmem>>, %arg15: memref<!tpu.dma_semaphore, #tpu.memory_space<semaphore_mem>>, %arg16: memref<!tpu.dma_semaphore, #tpu.memory_space<semaphore_mem>>, %arg17: memref<!tpu.dma_semaphore, #tpu.memory_space<semaphore_mem>>, %arg18: memref<!tpu.dma_semaphore, #tpu.memory_space<semaphore_mem>>, %arg19: memref<!tpu.dma_semaphore, #tpu.memory_space<semaphore_mem>>, %arg20: memref<!tpu.dma_semaphore, #tpu.memory_space<semaphore_mem>>) attributes {dimension_semantics = [#tpu.dimension_semantics<core_parallel>, #tpu.dimension_semantics<subcore_parallel>], iteration_bounds = array<i64: 2, 16>, scalar_prefetch = 0 : i64, scratch_operands = 14 : i64, tpu.core_type = #tpu.core_type<sc_vector_subcore>, window_params = [{transform_indices = #map}, {transform_indices = #map}, {transform_indices = #map1}, {transform_indices = #map1}, {transform_indices = #map}]} {
    %mul3A = arith.constant 2 : i32
    %mul3A_0 = arith.muli %arg1, %mul3A : i32
    %add3A = arith.addi %mul3A_0, %arg0 : i32
    %mul3A_1 = arith.constant 10000 : i32
    %mul3A_2 = arith.muli %add3A, %mul3A_1 : i32
    "tpu.region"() ({
      %run_scoped3A = tpu.sem_alloc : memref<!tpu.dma_semaphore, #tpu.memory_space<semaphore_mem>>
      %dma_start3A_38 = tpu.memref_slice %arg4[%mul3A_2] : memref<320000xi32, #tpu.memory_space<hbm>> -> memref<10000xi32, #tpu.memory_space<hbm>>
      %dma_start3A_39 = tpu.memref_slice %arg4[%mul3A_2] : memref<320000xi32, #tpu.memory_space<hbm>> -> memref<10000xi32, #tpu.memory_space<hbm>>
      tpu.enqueue_dma source(%dma_start3A_39 : memref<10000xi32, #tpu.memory_space<hbm>>) target(%arg7 : memref<10000xi32, #tpu.memory_space<vmem>>) target_semaphore(%run_scoped3A : memref<!tpu.dma_semaphore, #tpu.memory_space<semaphore_mem>>)
      %dma_wait3A_40 = tpu.memref_slice %arg4[%mul3A_2] : memref<320000xi32, #tpu.memory_space<hbm>> -> memref<10000xi32, #tpu.memory_space<hbm>>
      %dma_wait3A_41 = tpu.memref_slice %arg4[%mul3A_2] : memref<320000xi32, #tpu.memory_space<hbm>> -> memref<10000xi32, #tpu.memory_space<hbm>>
      tpu.wait_dma2 semaphore(%run_scoped3A : memref<!tpu.dma_semaphore, #tpu.memory_space<semaphore_mem>>) src(%dma_wait3A_41 : memref<10000xi32, #tpu.memory_space<hbm>>) dst(%arg7 : memref<10000xi32, #tpu.memory_space<vmem>>)
      tpu.yield
    }) : () -> ()
    "tpu.region"() ({
      %run_scoped3A = tpu.sem_alloc : memref<!tpu.dma_semaphore, #tpu.memory_space<semaphore_mem>>
      %dma_start3A_38 = tpu.memref_slice %arg5[%mul3A_2] : memref<320000xi32, #tpu.memory_space<hbm>> -> memref<10000xi32, #tpu.memory_space<hbm>>
      %dma_start3A_39 = tpu.memref_slice %arg5[%mul3A_2] : memref<320000xi32, #tpu.memory_space<hbm>> -> memref<10000xi32, #tpu.memory_space<hbm>>
      tpu.enqueue_dma source(%dma_start3A_39 : memref<10000xi32, #tpu.memory_space<hbm>>) target(%arg8 : memref<10000xi32, #tpu.memory_space<vmem>>) target_semaphore(%run_scoped3A : memref<!tpu.dma_semaphore, #tpu.memory_space<semaphore_mem>>)
      %dma_wait3A_40 = tpu.memref_slice %arg5[%mul3A_2] : memref<320000xi32, #tpu.memory_space<hbm>> -> memref<10000xi32, #tpu.memory_space<hbm>>
      %dma_wait3A_41 = tpu.memref_slice %arg5[%mul3A_2] : memref<320000xi32, #tpu.memory_space<hbm>> -> memref<10000xi32, #tpu.memory_space<hbm>>
      tpu.wait_dma2 semaphore(%run_scoped3A : memref<!tpu.dma_semaphore, #tpu.memory_space<semaphore_mem>>) src(%dma_wait3A_41 : memref<10000xi32, #tpu.memory_space<hbm>>) dst(%arg8 : memref<10000xi32, #tpu.memory_space<vmem>>)
      tpu.yield
    }) : () -> ()
    %rem3A = arith.constant 0 : i32
    %rem3A_3 = arith.constant 125 : i32
    %rem3A_4 = arith.remsi %rem3A, %rem3A_3 : i32
    %mul3A_5 = arith.constant 80 : i32
    %mul3A_6 = arith.muli %rem3A_4, %mul3A_5 : i32
    %multiple_of3A = tpu.assume_multiple %mul3A_6, 8 : i32
    %dma_start3A = tpu.memref_slice %arg7[%multiple_of3A] : memref<10000xi32, #tpu.memory_space<vmem>> -> memref<80xi32, #tpu.memory_space<vmem>>
    %dma_start3A_7 = arith.constant 0 : i32
    %dma_start3A_8 = arith.constant 0 : i32
    %dma_start3A_9 = tpu.memref_slice %arg2[%dma_start3A_7, %dma_start3A_8] : memref<10000x128xf32, #tpu.memory_space<hbm>> -> memref<10000x128xf32, #tpu.memory_space<hbm>>
    tpu.enqueue_indirect_dma source(%dma_start3A_9 : memref<10000x128xf32, #tpu.memory_space<hbm>>) target(%arg9 : memref<80x128xf32, #tpu.memory_space<vmem>>) offsets(%dma_start3A : memref<80xi32, #tpu.memory_space<vmem>>) semaphore(%arg15 : memref<!tpu.dma_semaphore, #tpu.memory_space<semaphore_mem>>)
    %dma_start3A_10 = tpu.memref_slice %arg8[%multiple_of3A] : memref<10000xi32, #tpu.memory_space<vmem>> -> memref<80xi32, #tpu.memory_space<vmem>>
    %dma_start3A_11 = arith.constant 0 : i32
    %dma_start3A_12 = arith.constant 0 : i32
    %dma_start3A_13 = tpu.memref_slice %arg3[%dma_start3A_11, %dma_start3A_12] : memref<10000x128xf32, #tpu.memory_space<hbm>> -> memref<10000x128xf32, #tpu.memory_space<hbm>>
    tpu.enqueue_indirect_dma source(%dma_start3A_13 : memref<10000x128xf32, #tpu.memory_space<hbm>>) target(%arg10 : memref<80x128xf32, #tpu.memory_space<vmem>>) offsets(%dma_start3A_10 : memref<80xi32, #tpu.memory_space<vmem>>) semaphore(%arg15 : memref<!tpu.dma_semaphore, #tpu.memory_space<semaphore_mem>>)
    %rem3A_14 = arith.constant 1 : i32
    %rem3A_15 = arith.constant 125 : i32
    %rem3A_16 = arith.remsi %rem3A_14, %rem3A_15 : i32
    %mul3A_17 = arith.constant 80 : i32
    %mul3A_18 = arith.muli %rem3A_16, %mul3A_17 : i32
    %multiple_of3A_19 = tpu.assume_multiple %mul3A_18, 8 : i32
    %dma_start3A_20 = tpu.memref_slice %arg7[%multiple_of3A_19] : memref<10000xi32, #tpu.memory_space<vmem>> -> memref<80xi32, #tpu.memory_space<vmem>>
    %dma_start3A_21 = arith.constant 0 : i32
    %dma_start3A_22 = arith.constant 0 : i32
    %dma_start3A_23 = tpu.memref_slice %arg2[%dma_start3A_21, %dma_start3A_22] : memref<10000x128xf32, #tpu.memory_space<hbm>> -> memref<10000x128xf32, #tpu.memory_space<hbm>>
    tpu.enqueue_indirect_dma source(%dma_start3A_23 : memref<10000x128xf32, #tpu.memory_space<hbm>>) target(%arg11 : memref<80x128xf32, #tpu.memory_space<vmem>>) offsets(%dma_start3A_20 : memref<80xi32, #tpu.memory_space<vmem>>) semaphore(%arg16 : memref<!tpu.dma_semaphore, #tpu.memory_space<semaphore_mem>>)
    %dma_start3A_24 = tpu.memref_slice %arg8[%multiple_of3A_19] : memref<10000xi32, #tpu.memory_space<vmem>> -> memref<80xi32, #tpu.memory_space<vmem>>
    %dma_start3A_25 = arith.constant 0 : i32
    %dma_start3A_26 = arith.constant 0 : i32
    %dma_start3A_27 = tpu.memref_slice %arg3[%dma_start3A_25, %dma_start3A_26] : memref<10000x128xf32, #tpu.memory_space<hbm>> -> memref<10000x128xf32, #tpu.memory_space<hbm>>
    tpu.enqueue_indirect_dma source(%dma_start3A_27 : memref<10000x128xf32, #tpu.memory_space<hbm>>) target(%arg12 : memref<80x128xf32, #tpu.memory_space<vmem>>) offsets(%dma_start3A_24 : memref<80xi32, #tpu.memory_space<vmem>>) semaphore(%arg16 : memref<!tpu.dma_semaphore, #tpu.memory_space<semaphore_mem>>)
    %scan3A = arith.constant 0 : i32
    %scan3A_28 = arith.constant 0 : i32
    %scan3A_29 = arith.constant 42 : i32
    %scan3A_30 = arith.addi %scan3A_28, %scan3A_29 : i32
    %scan3A_31 = arith.constant 1 : i32
    scf.for %scan3A_38 = %scan3A_28 to %scan3A_30 step %scan3A_31  : i32 {
      %mul3A_39 = arith.constant 3 : i32
      %mul3A_40 = arith.muli %scan3A_38, %mul3A_39 : i32
      %add3A_41 = arith.constant 0 : i32
      %add3A_42 = arith.addi %mul3A_40, %add3A_41 : i32
      %gt3A = arith.constant 0 : i32
      %gt3A_43 = arith.cmpi sgt, %scan3A_38, %gt3A : i32
      %convert_element_type3A = arith.extui %gt3A_43 : i1 to i32
      %cond3A = arith.constant 0 : i32
      %cond3A_44 = arith.cmpi ne, %convert_element_type3A, %cond3A : i32
      scf.if %cond3A_44 {
        %dma_wait3A_166 = arith.constant 0 : i32
        %dma_wait3A_167 = arith.constant 0 : i32
        %dma_wait3A_168 = tpu.memref_slice %arg6[%dma_wait3A_166, %dma_wait3A_167] : memref<320000x128xf32, #tpu.memory_space<hbm>> -> memref<80x128xf32, #tpu.memory_space<hbm>>
        %dma_wait3A_169 = arith.constant 0 : i32
        %dma_wait3A_170 = arith.constant 0 : i32
        %dma_wait3A_171 = tpu.memref_slice %arg6[%dma_wait3A_169, %dma_wait3A_170] : memref<320000x128xf32, #tpu.memory_space<hbm>> -> memref<80x128xf32, #tpu.memory_space<hbm>>
        tpu.wait_dma2 semaphore(%arg20 : memref<!tpu.dma_semaphore, #tpu.memory_space<semaphore_mem>>) src(%arg13 : memref<80x128xf32, #tpu.memory_space<vmem>>) dst(%dma_wait3A_171 : memref<80x128xf32, #tpu.memory_space<hbm>>)
        %add3A_172 = arith.constant 2 : i32
        %add3A_173 = arith.addi %add3A_42, %add3A_172 : i32
        %rem3A_174 = arith.constant 125 : i32
        %rem3A_175 = arith.remsi %add3A_173, %rem3A_174 : i32
        %mul3A_176 = arith.constant 80 : i32
        %mul3A_177 = arith.muli %rem3A_175, %mul3A_176 : i32
        %multiple_of3A_178 = tpu.assume_multiple %mul3A_177, 8 : i32
        %dma_start3A_179 = tpu.memref_slice %arg7[%multiple_of3A_178] : memref<10000xi32, #tpu.memory_space<vmem>> -> memref<80xi32, #tpu.memory_space<vmem>>
        %dma_start3A_180 = arith.constant 0 : i32
        %dma_start3A_181 = arith.constant 0 : i32
        %dma_start3A_182 = tpu.memref_slice %arg2[%dma_start3A_180, %dma_start3A_181] : memref<10000x128xf32, #tpu.memory_space<hbm>> -> memref<10000x128xf32, #tpu.memory_space<hbm>>
        tpu.enqueue_indirect_dma source(%dma_start3A_182 : memref<10000x128xf32, #tpu.memory_space<hbm>>) target(%arg13 : memref<80x128xf32, #tpu.memory_space<vmem>>) offsets(%dma_start3A_179 : memref<80xi32, #tpu.memory_space<vmem>>) semaphore(%arg17 : memref<!tpu.dma_semaphore, #tpu.memory_space<semaphore_mem>>)
        %dma_start3A_183 = tpu.memref_slice %arg8[%multiple_of3A_178] : memref<10000xi32, #tpu.memory_space<vmem>> -> memref<80xi32, #tpu.memory_space<vmem>>
        %dma_start3A_184 = arith.constant 0 : i32
        %dma_start3A_185 = arith.constant 0 : i32
        %dma_start3A_186 = tpu.memref_slice %arg3[%dma_start3A_184, %dma_start3A_185] : memref<10000x128xf32, #tpu.memory_space<hbm>> -> memref<10000x128xf32, #tpu.memory_space<hbm>>
        tpu.enqueue_indirect_dma source(%dma_start3A_186 : memref<10000x128xf32, #tpu.memory_space<hbm>>) target(%arg14 : memref<80x128xf32, #tpu.memory_space<vmem>>) offsets(%dma_start3A_183 : memref<80xi32, #tpu.memory_space<vmem>>) semaphore(%arg17 : memref<!tpu.dma_semaphore, #tpu.memory_space<semaphore_mem>>)
      } else {
      }
      %eq3A = arith.constant 0 : i32
      %eq3A_45 = arith.cmpi eq, %scan3A_38, %eq3A : i32
      %convert_element_type3A_46 = arith.extui %eq3A_45 : i1 to i32
      %cond3A_47 = arith.constant 0 : i32
      %cond3A_48 = arith.cmpi ne, %convert_element_type3A_46, %cond3A_47 : i32
      scf.if %cond3A_48 {
        %add3A_166 = arith.constant 2 : i32
        %add3A_167 = arith.addi %add3A_42, %add3A_166 : i32
        %rem3A_168 = arith.constant 125 : i32
        %rem3A_169 = arith.remsi %add3A_167, %rem3A_168 : i32
        %mul3A_170 = arith.constant 80 : i32
        %mul3A_171 = arith.muli %rem3A_169, %mul3A_170 : i32
        %multiple_of3A_172 = tpu.assume_multiple %mul3A_171, 8 : i32
        %dma_start3A_173 = tpu.memref_slice %arg7[%multiple_of3A_172] : memref<10000xi32, #tpu.memory_space<vmem>> -> memref<80xi32, #tpu.memory_space<vmem>>
        %dma_start3A_174 = arith.constant 0 : i32
        %dma_start3A_175 = arith.constant 0 : i32
        %dma_start3A_176 = tpu.memref_slice %arg2[%dma_start3A_174, %dma_start3A_175] : memref<10000x128xf32, #tpu.memory_space<hbm>> -> memref<10000x128xf32, #tpu.memory_space<hbm>>
        tpu.enqueue_indirect_dma source(%dma_start3A_176 : memref<10000x128xf32, #tpu.memory_space<hbm>>) target(%arg13 : memref<80x128xf32, #tpu.memory_space<vmem>>) offsets(%dma_start3A_173 : memref<80xi32, #tpu.memory_space<vmem>>) semaphore(%arg17 : memref<!tpu.dma_semaphore, #tpu.memory_space<semaphore_mem>>)
        %dma_start3A_177 = tpu.memref_slice %arg8[%multiple_of3A_172] : memref<10000xi32, #tpu.memory_space<vmem>> -> memref<80xi32, #tpu.memory_space<vmem>>
        %dma_start3A_178 = arith.constant 0 : i32
        %dma_start3A_179 = arith.constant 0 : i32
        %dma_start3A_180 = tpu.memref_slice %arg3[%dma_start3A_178, %dma_start3A_179] : memref<10000x128xf32, #tpu.memory_space<hbm>> -> memref<10000x128xf32, #tpu.memory_space<hbm>>
        tpu.enqueue_indirect_dma source(%dma_start3A_180 : memref<10000x128xf32, #tpu.memory_space<hbm>>) target(%arg14 : memref<80x128xf32, #tpu.memory_space<vmem>>) offsets(%dma_start3A_177 : memref<80xi32, #tpu.memory_space<vmem>>) semaphore(%arg17 : memref<!tpu.dma_semaphore, #tpu.memory_space<semaphore_mem>>)
      } else {
      }
      %dma_wait3A_49 = arith.constant 0 : i32
      %dma_wait3A_50 = arith.constant 0 : i32
      %dma_wait3A_51 = tpu.memref_slice %arg2[%dma_wait3A_49, %dma_wait3A_50] : memref<10000x128xf32, #tpu.memory_space<hbm>> -> memref<80x128xf32, #tpu.memory_space<hbm>>
      %dma_wait3A_52 = arith.constant 0 : i32
      %dma_wait3A_53 = arith.constant 0 : i32
      %dma_wait3A_54 = tpu.memref_slice %arg2[%dma_wait3A_52, %dma_wait3A_53] : memref<10000x128xf32, #tpu.memory_space<hbm>> -> memref<80x128xf32, #tpu.memory_space<hbm>>
      tpu.wait_dma2 semaphore(%arg15 : memref<!tpu.dma_semaphore, #tpu.memory_space<semaphore_mem>>) src(%dma_wait3A_54 : memref<80x128xf32, #tpu.memory_space<hbm>>) dst(%arg9 : memref<80x128xf32, #tpu.memory_space<vmem>>)
      %dma_wait3A_55 = arith.constant 0 : i32
      %dma_wait3A_56 = arith.constant 0 : i32
      %dma_wait3A_57 = tpu.memref_slice %arg3[%dma_wait3A_55, %dma_wait3A_56] : memref<10000x128xf32, #tpu.memory_space<hbm>> -> memref<80x128xf32, #tpu.memory_space<hbm>>
      %dma_wait3A_58 = arith.constant 0 : i32
      %dma_wait3A_59 = arith.constant 0 : i32
      %dma_wait3A_60 = tpu.memref_slice %arg3[%dma_wait3A_58, %dma_wait3A_59] : memref<10000x128xf32, #tpu.memory_space<hbm>> -> memref<80x128xf32, #tpu.memory_space<hbm>>
      tpu.wait_dma2 semaphore(%arg15 : memref<!tpu.dma_semaphore, #tpu.memory_space<semaphore_mem>>) src(%dma_wait3A_60 : memref<80x128xf32, #tpu.memory_space<hbm>>) dst(%arg10 : memref<80x128xf32, #tpu.memory_space<vmem>>)
      %scan3A_61 = arith.constant 0 : i32
      %scan3A_62 = arith.constant 0 : i32
      %scan3A_63 = arith.constant 40 : i32
      %scan3A_64 = arith.addi %scan3A_62, %scan3A_63 : i32
      %scan3A_65 = arith.constant 1 : i32
      scf.for %scan3A_166 = %scan3A_62 to %scan3A_64 step %scan3A_65  : i32 {
        %mul3A_167 = arith.constant 2 : i32
        %mul3A_168 = arith.muli %scan3A_166, %mul3A_167 : i32
        %add3A_169 = arith.constant 0 : i32
        %add3A_170 = arith.addi %mul3A_168, %add3A_169 : i32
        %get3A = arith.index_cast %add3A_170 : i32 to index
        %get3A_171 = arith.constant 0 : index
        %get3A_172 = tpu.vector_load %arg9[%get3A, %get3A_171] {strides = array<i32>} : memref<80x128xf32, #tpu.memory_space<vmem>>, vector<1x16xf32>,
        %get3A_173 = vector.shape_cast %get3A_172 : vector<1x16xf32> to vector<16xf32>
        %get3A_174 = arith.index_cast %add3A_170 : i32 to index
        %get3A_175 = arith.constant 0 : index
        %get3A_176 = tpu.vector_load %arg10[%get3A_174, %get3A_175] {strides = array<i32>} : memref<80x128xf32, #tpu.memory_space<vmem>>, vector<1x16xf32>,
        %get3A_177 = vector.shape_cast %get3A_176 : vector<1x16xf32> to vector<16xf32>
        %add3A_178 = arith.addf %get3A_173, %get3A_177 : vector<16xf32>
        %swap3A = arith.index_cast %add3A_170 : i32 to index
        %swap3A_179 = arith.constant 0 : index
        %swap3A_180 = tpu.vector_load %arg9[%swap3A, %swap3A_179] {strides = array<i32>} : memref<80x128xf32, #tpu.memory_space<vmem>>, vector<1x16xf32>,
        %swap3A_181 = vector.shape_cast %swap3A_180 : vector<1x16xf32> to vector<16xf32>
        %swap3A_182 = vector.shape_cast %add3A_178 : vector<16xf32> to vector<1x16xf32>
        tpu.vector_store %arg9[%swap3A, %swap3A_179], %swap3A_182 {strides = array<i32>} : memref<80x128xf32, #tpu.memory_space<vmem>>, vector<1x16xf32>,
        %get3A_183 = arith.index_cast %add3A_170 : i32 to index
        %get3A_184 = arith.constant 16 : index
        %get3A_185 = tpu.vector_load %arg9[%get3A_183, %get3A_184] {strides = array<i32>} : memref<80x128xf32, #tpu.memory_space<vmem>>, vector<1x16xf32>,
        %get3A_186 = vector.shape_cast %get3A_185 : vector<1x16xf32> to vector<16xf32>
        %get3A_187 = arith.index_cast %add3A_170 : i32 to index
        %get3A_188 = arith.constant 16 : index
        %get3A_189 = tpu.vector_load %arg10[%get3A_187, %get3A_188] {strides = array<i32>} : memref<80x128xf32, #tpu.memory_space<vmem>>, vector<1x16xf32>,
        %get3A_190 = vector.shape_cast %get3A_189 : vector<1x16xf32> to vector<16xf32>
        %add3A_191 = arith.addf %get3A_186, %get3A_190 : vector<16xf32>
        %swap3A_192 = arith.index_cast %add3A_170 : i32 to index
        %swap3A_193 = arith.constant 16 : index
        %swap3A_194 = tpu.vector_load %arg9[%swap3A_192, %swap3A_193] {strides = array<i32>} : memref<80x128xf32, #tpu.memory_space<vmem>>, vector<1x16xf32>,
        %swap3A_195 = vector.shape_cast %swap3A_194 : vector<1x16xf32> to vector<16xf32>
        %swap3A_196 = vector.shape_cast %add3A_191 : vector<16xf32> to vector<1x16xf32>
        tpu.vector_store %arg9[%swap3A_192, %swap3A_193], %swap3A_196 {strides = array<i32>} : memref<80x128xf32, #tpu.memory_space<vmem>>, vector<1x16xf32>,
        %get3A_197 = arith.index_cast %add3A_170 : i32 to index
        %get3A_198 = arith.constant 32 : index
        %get3A_199 = tpu.vector_load %arg9[%get3A_197, %get3A_198] {strides = array<i32>} : memref<80x128xf32, #tpu.memory_space<vmem>>, vector<1x16xf32>,
        %get3A_200 = vector.shape_cast %get3A_199 : vector<1x16xf32> to vector<16xf32>
        %get3A_201 = arith.index_cast %add3A_170 : i32 to index
        %get3A_202 = arith.constant 32 : index
        %get3A_203 = tpu.vector_load %arg10[%get3A_201, %get3A_202] {strides = array<i32>} : memref<80x128xf32, #tpu.memory_space<vmem>>, vector<1x16xf32>,
        %get3A_204 = vector.shape_cast %get3A_203 : vector<1x16xf32> to vector<16xf32>
        %add3A_205 = arith.addf %get3A_200, %get3A_204 : vector<16xf32>
        %swap3A_206 = arith.index_cast %add3A_170 : i32 to index
        %swap3A_207 = arith.constant 32 : index
        %swap3A_208 = tpu.vector_load %arg9[%swap3A_206, %swap3A_207] {strides = array<i32>} : memref<80x128xf32, #tpu.memory_space<vmem>>, vector<1x16xf32>,
        %swap3A_209 = vector.shape_cast %swap3A_208 : vector<1x16xf32> to vector<16xf32>
        %swap3A_210 = vector.shape_cast %add3A_205 : vector<16xf32> to vector<1x16xf32>
        tpu.vector_store %arg9[%swap3A_206, %swap3A_207], %swap3A_210 {strides = array<i32>} : memref<80x128xf32, #tpu.memory_space<vmem>>, vector<1x16xf32>,
        %get3A_211 = arith.index_cast %add3A_170 : i32 to index
        %get3A_212 = arith.constant 48 : index
        %get3A_213 = tpu.vector_load %arg9[%get3A_211, %get3A_212] {strides = array<i32>} : memref<80x128xf32, #tpu.memory_space<vmem>>, vector<1x16xf32>,
        %get3A_214 = vector.shape_cast %get3A_213 : vector<1x16xf32> to vector<16xf32>
        %get3A_215 = arith.index_cast %add3A_170 : i32 to index
        %get3A_216 = arith.constant 48 : index
        %get3A_217 = tpu.vector_load %arg10[%get3A_215, %get3A_216] {strides = array<i32>} : memref<80x128xf32, #tpu.memory_space<vmem>>, vector<1x16xf32>,
        %get3A_218 = vector.shape_cast %get3A_217 : vector<1x16xf32> to vector<16xf32>
        %add3A_219 = arith.addf %get3A_214, %get3A_218 : vector<16xf32>
        %swap3A_220 = arith.index_cast %add3A_170 : i32 to index
        %swap3A_221 = arith.constant 48 : index
        %swap3A_222 = tpu.vector_load %arg9[%swap3A_220, %swap3A_221] {strides = array<i32>} : memref<80x128xf32, #tpu.memory_space<vmem>>, vector<1x16xf32>,
        %swap3A_223 = vector.shape_cast %swap3A_222 : vector<1x16xf32> to vector<16xf32>
        %swap3A_224 = vector.shape_cast %add3A_219 : vector<16xf32> to vector<1x16xf32>
        tpu.vector_store %arg9[%swap3A_220, %swap3A_221], %swap3A_224 {strides = array<i32>} : memref<80x128xf32, #tpu.memory_space<vmem>>, vector<1x16xf32>,
        %get3A_225 = arith.index_cast %add3A_170 : i32 to index
        %get3A_226 = arith.constant 64 : index
        %get3A_227 = tpu.vector_load %arg9[%get3A_225, %get3A_226] {strides = array<i32>} : memref<80x128xf32, #tpu.memory_space<vmem>>, vector<1x16xf32>,
        %get3A_228 = vector.shape_cast %get3A_227 : vector<1x16xf32> to vector<16xf32>
        %get3A_229 = arith.index_cast %add3A_170 : i32 to index
        %get3A_230 = arith.constant 64 : index
        %get3A_231 = tpu.vector_load %arg10[%get3A_229, %get3A_230] {strides = array<i32>} : memref<80x128xf32, #tpu.memory_space<vmem>>, vector<1x16xf32>,
        %get3A_232 = vector.shape_cast %get3A_231 : vector<1x16xf32> to vector<16xf32>
        %add3A_233 = arith.addf %get3A_228, %get3A_232 : vector<16xf32>
        %swap3A_234 = arith.index_cast %add3A_170 : i32 to index
        %swap3A_235 = arith.constant 64 : index
        %swap3A_236 = tpu.vector_load %arg9[%swap3A_234, %swap3A_235] {strides = array<i32>} : memref<80x128xf32, #tpu.memory_space<vmem>>, vector<1x16xf32>,
        %swap3A_237 = vector.shape_cast %swap3A_236 : vector<1x16xf32> to vector<16xf32>
        %swap3A_238 = vector.shape_cast %add3A_233 : vector<16xf32> to vector<1x16xf32>
        tpu.vector_store %arg9[%swap3A_234, %swap3A_235], %swap3A_238 {strides = array<i32>} : memref<80x128xf32, #tpu.memory_space<vmem>>, vector<1x16xf32>,
        %get3A_239 = arith.index_cast %add3A_170 : i32 to index
        %get3A_240 = arith.constant 80 : index
        %get3A_241 = tpu.vector_load %arg9[%get3A_239, %get3A_240] {strides = array<i32>} : memref<80x128xf32, #tpu.memory_space<vmem>>, vector<1x16xf32>,
        %get3A_242 = vector.shape_cast %get3A_241 : vector<1x16xf32> to vector<16xf32>
        %get3A_243 = arith.index_cast %add3A_170 : i32 to index
        %get3A_244 = arith.constant 80 : index
        %get3A_245 = tpu.vector_load %arg10[%get3A_243, %get3A_244] {strides = array<i32>} : memref<80x128xf32, #tpu.memory_space<vmem>>, vector<1x16xf32>,
        %get3A_246 = vector.shape_cast %get3A_245 : vector<1x16xf32> to vector<16xf32>
        %add3A_247 = arith.addf %get3A_242, %get3A_246 : vector<16xf32>
        %swap3A_248 = arith.index_cast %add3A_170 : i32 to index
        %swap3A_249 = arith.constant 80 : index
        %swap3A_250 = tpu.vector_load %arg9[%swap3A_248, %swap3A_249] {strides = array<i32>} : memref<80x128xf32, #tpu.memory_space<vmem>>, vector<1x16xf32>,
        %swap3A_251 = vector.shape_cast %swap3A_250 : vector<1x16xf32> to vector<16xf32>
        %swap3A_252 = vector.shape_cast %add3A_247 : vector<16xf32> to vector<1x16xf32>
        tpu.vector_store %arg9[%swap3A_248, %swap3A_249], %swap3A_252 {strides = array<i32>} : memref<80x128xf32, #tpu.memory_space<vmem>>, vector<1x16xf32>,
        %get3A_253 = arith.index_cast %add3A_170 : i32 to index
        %get3A_254 = arith.constant 96 : index
        %get3A_255 = tpu.vector_load %arg9[%get3A_253, %get3A_254] {strides = array<i32>} : memref<80x128xf32, #tpu.memory_space<vmem>>, vector<1x16xf32>,
        %get3A_256 = vector.shape_cast %get3A_255 : vector<1x16xf32> to vector<16xf32>
        %get3A_257 = arith.index_cast %add3A_170 : i32 to index
        %get3A_258 = arith.constant 96 : index
        %get3A_259 = tpu.vector_load %arg10[%get3A_257, %get3A_258] {strides = array<i32>} : memref<80x128xf32, #tpu.memory_space<vmem>>, vector<1x16xf32>,
        %get3A_260 = vector.shape_cast %get3A_259 : vector<1x16xf32> to vector<16xf32>
        %add3A_261 = arith.addf %get3A_256, %get3A_260 : vector<16xf32>
        %swap3A_262 = arith.index_cast %add3A_170 : i32 to index
        %swap3A_263 = arith.constant 96 : index
        %swap3A_264 = tpu.vector_load %arg9[%swap3A_262, %swap3A_263] {strides = array<i32>} : memref<80x128xf32, #tpu.memory_space<vmem>>, vector<1x16xf32>,
        %swap3A_265 = vector.shape_cast %swap3A_264 : vector<1x16xf32> to vector<16xf32>
        %swap3A_266 = vector.shape_cast %add3A_261 : vector<16xf32> to vector<1x16xf32>
        tpu.vector_store %arg9[%swap3A_262, %swap3A_263], %swap3A_266 {strides = array<i32>} : memref<80x128xf32, #tpu.memory_space<vmem>>, vector<1x16xf32>,
        %get3A_267 = arith.index_cast %add3A_170 : i32 to index
        %get3A_268 = arith.constant 112 : index
        %get3A_269 = tpu.vector_load %arg9[%get3A_267, %get3A_268] {strides = array<i32>} : memref<80x128xf32, #tpu.memory_space<vmem>>, vector<1x16xf32>,
        %get3A_270 = vector.shape_cast %get3A_269 : vector<1x16xf32> to vector<16xf32>
        %get3A_271 = arith.index_cast %add3A_170 : i32 to index
        %get3A_272 = arith.constant 112 : index
        %get3A_273 = tpu.vector_load %arg10[%get3A_271, %get3A_272] {strides = array<i32>} : memref<80x128xf32, #tpu.memory_space<vmem>>, vector<1x16xf32>,
        %get3A_274 = vector.shape_cast %get3A_273 : vector<1x16xf32> to vector<16xf32>
        %add3A_275 = arith.addf %get3A_270, %get3A_274 : vector<16xf32>
        %swap3A_276 = arith.index_cast %add3A_170 : i32 to index
        %swap3A_277 = arith.constant 112 : index
        %swap3A_278 = tpu.vector_load %arg9[%swap3A_276, %swap3A_277] {strides = array<i32>} : memref<80x128xf32, #tpu.memory_space<vmem>>, vector<1x16xf32>,
        %swap3A_279 = vector.shape_cast %swap3A_278 : vector<1x16xf32> to vector<16xf32>
        %swap3A_280 = vector.shape_cast %add3A_275 : vector<16xf32> to vector<1x16xf32>
        tpu.vector_store %arg9[%swap3A_276, %swap3A_277], %swap3A_280 {strides = array<i32>} : memref<80x128xf32, #tpu.memory_space<vmem>>, vector<1x16xf32>,
        %mul3A_281 = arith.constant 2 : i32
        %mul3A_282 = arith.muli %scan3A_166, %mul3A_281 : i32
        %add3A_283 = arith.constant 1 : i32
        %add3A_284 = arith.addi %mul3A_282, %add3A_283 : i32
        %get3A_285 = arith.index_cast %add3A_284 : i32 to index
        %get3A_286 = arith.constant 0 : index
        %get3A_287 = tpu.vector_load %arg9[%get3A_285, %get3A_286] {strides = array<i32>} : memref<80x128xf32, #tpu.memory_space<vmem>>, vector<1x16xf32>,
        %get3A_288 = vector.shape_cast %get3A_287 : vector<1x16xf32> to vector<16xf32>
        %get3A_289 = arith.index_cast %add3A_284 : i32 to index
        %get3A_290 = arith.constant 0 : index
        %get3A_291 = tpu.vector_load %arg10[%get3A_289, %get3A_290] {strides = array<i32>} : memref<80x128xf32, #tpu.memory_space<vmem>>, vector<1x16xf32>,
        %get3A_292 = vector.shape_cast %get3A_291 : vector<1x16xf32> to vector<16xf32>
        %add3A_293 = arith.addf %get3A_288, %get3A_292 : vector<16xf32>
        %swap3A_294 = arith.index_cast %add3A_284 : i32 to index
        %swap3A_295 = arith.constant 0 : index
        %swap3A_296 = tpu.vector_load %arg9[%swap3A_294, %swap3A_295] {strides = array<i32>} : memref<80x128xf32, #tpu.memory_space<vmem>>, vector<1x16xf32>,
        %swap3A_297 = vector.shape_cast %swap3A_296 : vector<1x16xf32> to vector<16xf32>
        %swap3A_298 = vector.shape_cast %add3A_293 : vector<16xf32> to vector<1x16xf32>
        tpu.vector_store %arg9[%swap3A_294, %swap3A_295], %swap3A_298 {strides = array<i32>} : memref<80x128xf32, #tpu.memory_space<vmem>>, vector<1x16xf32>,
        %get3A_299 = arith.index_cast %add3A_284 : i32 to index
        %get3A_300 = arith.constant 16 : index
        %get3A_301 = tpu.vector_load %arg9[%get3A_299, %get3A_300] {strides = array<i32>} : memref<80x128xf32, #tpu.memory_space<vmem>>, vector<1x16xf32>,
        %get3A_302 = vector.shape_cast %get3A_301 : vector<1x16xf32> to vector<16xf32>
        %get3A_303 = arith.index_cast %add3A_284 : i32 to index
        %get3A_304 = arith.constant 16 : index
        %get3A_305 = tpu.vector_load %arg10[%get3A_303, %get3A_304] {strides = array<i32>} : memref<80x128xf32, #tpu.memory_space<vmem>>, vector<1x16xf32>,
        %get3A_306 = vector.shape_cast %get3A_305 : vector<1x16xf32> to vector<16xf32>
        %add3A_307 = arith.addf %get3A_302, %get3A_306 : vector<16xf32>
        %swap3A_308 = arith.index_cast %add3A_284 : i32 to index
        %swap3A_309 = arith.constant 16 : index
        %swap3A_310 = tpu.vector_load %arg9[%swap3A_308, %swap3A_309] {strides = array<i32>} : memref<80x128xf32, #tpu.memory_space<vmem>>, vector<1x16xf32>,
        %swap3A_311 = vector.shape_cast %swap3A_310 : vector<1x16xf32> to vector<16xf32>
        %swap3A_312 = vector.shape_cast %add3A_307 : vector<16xf32> to vector<1x16xf32>
        tpu.vector_store %arg9[%swap3A_308, %swap3A_309], %swap3A_312 {strides = array<i32>} : memref<80x128xf32, #tpu.memory_space<vmem>>, vector<1x16xf32>,
        %get3A_313 = arith.index_cast %add3A_284 : i32 to index
        %get3A_314 = arith.constant 32 : index
        %get3A_315 = tpu.vector_load %arg9[%get3A_313, %get3A_314] {strides = array<i32>} : memref<80x128xf32, #tpu.memory_space<vmem>>, vector<1x16xf32>,
        %get3A_316 = vector.shape_cast %get3A_315 : vector<1x16xf32> to vector<16xf32>
        %get3A_317 = arith.index_cast %add3A_284 : i32 to index
        %get3A_318 = arith.constant 32 : index
        %get3A_319 = tpu.vector_load %arg10[%get3A_317, %get3A_318] {strides = array<i32>} : memref<80x128xf32, #tpu.memory_space<vmem>>, vector<1x16xf32>,
        %get3A_320 = vector.shape_cast %get3A_319 : vector<1x16xf32> to vector<16xf32>
        %add3A_321 = arith.addf %get3A_316, %get3A_320 : vector<16xf32>
        %swap3A_322 = arith.index_cast %add3A_284 : i32 to index
        %swap3A_323 = arith.constant 32 : index
        %swap3A_324 = tpu.vector_load %arg9[%swap3A_322, %swap3A_323] {strides = array<i32>} : memref<80x128xf32, #tpu.memory_space<vmem>>, vector<1x16xf32>,
        %swap3A_325 = vector.shape_cast %swap3A_324 : vector<1x16xf32> to vector<16xf32>
        %swap3A_326 = vector.shape_cast %add3A_321 : vector<16xf32> to vector<1x16xf32>
        tpu.vector_store %arg9[%swap3A_322, %swap3A_323], %swap3A_326 {strides = array<i32>} : memref<80x128xf32, #tpu.memory_space<vmem>>, vector<1x16xf32>,
        %get3A_327 = arith.index_cast %add3A_284 : i32 to index
        %get3A_328 = arith.constant 48 : index
        %get3A_329 = tpu.vector_load %arg9[%get3A_327, %get3A_328] {strides = array<i32>} : memref<80x128xf32, #tpu.memory_space<vmem>>, vector<1x16xf32>,
        %get3A_330 = vector.shape_cast %get3A_329 : vector<1x16xf32> to vector<16xf32>
        %get3A_331 = arith.index_cast %add3A_284 : i32 to index
        %get3A_332 = arith.constant 48 : index
        %get3A_333 = tpu.vector_load %arg10[%get3A_331, %get3A_332] {strides = array<i32>} : memref<80x128xf32, #tpu.memory_space<vmem>>, vector<1x16xf32>,
        %get3A_334 = vector.shape_cast %get3A_333 : vector<1x16xf32> to vector<16xf32>
        %add3A_335 = arith.addf %get3A_330, %get3A_334 : vector<16xf32>
        %swap3A_336 = arith.index_cast %add3A_284 : i32 to index
        %swap3A_337 = arith.constant 48 : index
        %swap3A_338 = tpu.vector_load %arg9[%swap3A_336, %swap3A_337] {strides = array<i32>} : memref<80x128xf32, #tpu.memory_space<vmem>>, vector<1x16xf32>,
        %swap3A_339 = vector.shape_cast %swap3A_338 : vector<1x16xf32> to vector<16xf32>
        %swap3A_340 = vector.shape_cast %add3A_335 : vector<16xf32> to vector<1x16xf32>
        tpu.vector_store %arg9[%swap3A_336, %swap3A_337], %swap3A_340 {strides = array<i32>} : memref<80x128xf32, #tpu.memory_space<vmem>>, vector<1x16xf32>,
        %get3A_341 = arith.index_cast %add3A_284 : i32 to index
        %get3A_342 = arith.constant 64 : index
        %get3A_343 = tpu.vector_load %arg9[%get3A_341, %get3A_342] {strides = array<i32>} : memref<80x128xf32, #tpu.memory_space<vmem>>, vector<1x16xf32>,
        %get3A_344 = vector.shape_cast %get3A_343 : vector<1x16xf32> to vector<16xf32>
        %get3A_345 = arith.index_cast %add3A_284 : i32 to index
        %get3A_346 = arith.constant 64 : index
        %get3A_347 = tpu.vector_load %arg10[%get3A_345, %get3A_346] {strides = array<i32>} : memref<80x128xf32, #tpu.memory_space<vmem>>, vector<1x16xf32>,
        %get3A_348 = vector.shape_cast %get3A_347 : vector<1x16xf32> to vector<16xf32>
        %add3A_349 = arith.addf %get3A_344, %get3A_348 : vector<16xf32>
        %swap3A_350 = arith.index_cast %add3A_284 : i32 to index
        %swap3A_351 = arith.constant 64 : index
        %swap3A_352 = tpu.vector_load %arg9[%swap3A_350, %swap3A_351] {strides = array<i32>} : memref<80x128xf32, #tpu.memory_space<vmem>>, vector<1x16xf32>,
        %swap3A_353 = vector.shape_cast %swap3A_352 : vector<1x16xf32> to vector<16xf32>
        %swap3A_354 = vector.shape_cast %add3A_349 : vector<16xf32> to vector<1x16xf32>
        tpu.vector_store %arg9[%swap3A_350, %swap3A_351], %swap3A_354 {strides = array<i32>} : memref<80x128xf32, #tpu.memory_space<vmem>>, vector<1x16xf32>,
        %get3A_355 = arith.index_cast %add3A_284 : i32 to index
        %get3A_356 = arith.constant 80 : index
        %get3A_357 = tpu.vector_load %arg9[%get3A_355, %get3A_356] {strides = array<i32>} : memref<80x128xf32, #tpu.memory_space<vmem>>, vector<1x16xf32>,
        %get3A_358 = vector.shape_cast %get3A_357 : vector<1x16xf32> to vector<16xf32>
        %get3A_359 = arith.index_cast %add3A_284 : i32 to index
        %get3A_360 = arith.constant 80 : index
        %get3A_361 = tpu.vector_load %arg10[%get3A_359, %get3A_360] {strides = array<i32>} : memref<80x128xf32, #tpu.memory_space<vmem>>, vector<1x16xf32>,
        %get3A_362 = vector.shape_cast %get3A_361 : vector<1x16xf32> to vector<16xf32>
        %add3A_363 = arith.addf %get3A_358, %get3A_362 : vector<16xf32>
        %swap3A_364 = arith.index_cast %add3A_284 : i32 to index
        %swap3A_365 = arith.constant 80 : index
        %swap3A_366 = tpu.vector_load %arg9[%swap3A_364, %swap3A_365] {strides = array<i32>} : memref<80x128xf32, #tpu.memory_space<vmem>>, vector<1x16xf32>,
        %swap3A_367 = vector.shape_cast %swap3A_366 : vector<1x16xf32> to vector<16xf32>
        %swap3A_368 = vector.shape_cast %add3A_363 : vector<16xf32> to vector<1x16xf32>
        tpu.vector_store %arg9[%swap3A_364, %swap3A_365], %swap3A_368 {strides = array<i32>} : memref<80x128xf32, #tpu.memory_space<vmem>>, vector<1x16xf32>,
        %get3A_369 = arith.index_cast %add3A_284 : i32 to index
        %get3A_370 = arith.constant 96 : index
        %get3A_371 = tpu.vector_load %arg9[%get3A_369, %get3A_370] {strides = array<i32>} : memref<80x128xf32, #tpu.memory_space<vmem>>, vector<1x16xf32>,
        %get3A_372 = vector.shape_cast %get3A_371 : vector<1x16xf32> to vector<16xf32>
        %get3A_373 = arith.index_cast %add3A_284 : i32 to index
        %get3A_374 = arith.constant 96 : index
        %get3A_375 = tpu.vector_load %arg10[%get3A_373, %get3A_374] {strides = array<i32>} : memref<80x128xf32, #tpu.memory_space<vmem>>, vector<1x16xf32>,
        %get3A_376 = vector.shape_cast %get3A_375 : vector<1x16xf32> to vector<16xf32>
        %add3A_377 = arith.addf %get3A_372, %get3A_376 : vector<16xf32>
        %swap3A_378 = arith.index_cast %add3A_284 : i32 to index
        %swap3A_379 = arith.constant 96 : index
        %swap3A_380 = tpu.vector_load %arg9[%swap3A_378, %swap3A_379] {strides = array<i32>} : memref<80x128xf32, #tpu.memory_space<vmem>>, vector<1x16xf32>,
        %swap3A_381 = vector.shape_cast %swap3A_380 : vector<1x16xf32> to vector<16xf32>
        %swap3A_382 = vector.shape_cast %add3A_377 : vector<16xf32> to vector<1x16xf32>
        tpu.vector_store %arg9[%swap3A_378, %swap3A_379], %swap3A_382 {strides = array<i32>} : memref<80x128xf32, #tpu.memory_space<vmem>>, vector<1x16xf32>,
        %get3A_383 = arith.index_cast %add3A_284 : i32 to index
        %get3A_384 = arith.constant 112 : index
        %get3A_385 = tpu.vector_load %arg9[%get3A_383, %get3A_384] {strides = array<i32>} : memref<80x128xf32, #tpu.memory_space<vmem>>, vector<1x16xf32>,
        %get3A_386 = vector.shape_cast %get3A_385 : vector<1x16xf32> to vector<16xf32>
        %get3A_387 = arith.index_cast %add3A_284 : i32 to index
        %get3A_388 = arith.constant 112 : index
        %get3A_389 = tpu.vector_load %arg10[%get3A_387, %get3A_388] {strides = array<i32>} : memref<80x128xf32, #tpu.memory_space<vmem>>, vector<1x16xf32>,
        %get3A_390 = vector.shape_cast %get3A_389 : vector<1x16xf32> to vector<16xf32>
        %add3A_391 = arith.addf %get3A_386, %get3A_390 : vector<16xf32>
        %swap3A_392 = arith.index_cast %add3A_284 : i32 to index
        %swap3A_393 = arith.constant 112 : index
        %swap3A_394 = tpu.vector_load %arg9[%swap3A_392, %swap3A_393] {strides = array<i32>} : memref<80x128xf32, #tpu.memory_space<vmem>>, vector<1x16xf32>,
        %swap3A_395 = vector.shape_cast %swap3A_394 : vector<1x16xf32> to vector<16xf32>
        %swap3A_396 = vector.shape_cast %add3A_391 : vector<16xf32> to vector<1x16xf32>
        tpu.vector_store %arg9[%swap3A_392, %swap3A_393], %swap3A_396 {strides = array<i32>} : memref<80x128xf32, #tpu.memory_space<vmem>>, vector<1x16xf32>,
      }
      %scan3A_66 = arith.constant 40 : i32
      %rem3A_67 = arith.constant 125 : i32
      %rem3A_68 = arith.remsi %add3A_42, %rem3A_67 : i32
      %mul3A_69 = arith.constant 80 : i32
      %mul3A_70 = arith.muli %rem3A_68, %mul3A_69 : i32
      %add3A_71 = arith.addi %mul3A_2, %mul3A_70 : i32
      %multiple_of3A_72 = tpu.assume_multiple %add3A_71, 8 : i32
      %dma_start3A_73 = arith.constant 0 : i32
      %dma_start3A_74 = tpu.memref_slice %arg6[%multiple_of3A_72, %dma_start3A_73] : memref<320000x128xf32, #tpu.memory_space<hbm>> -> memref<80x128xf32, #tpu.memory_space<hbm>>
      %dma_start3A_75 = arith.constant 0 : i32
      %dma_start3A_76 = tpu.memref_slice %arg6[%multiple_of3A_72, %dma_start3A_75] : memref<320000x128xf32, #tpu.memory_space<hbm>> -> memref<80x128xf32, #tpu.memory_space<hbm>>
      tpu.enqueue_dma source(%arg9 : memref<80x128xf32, #tpu.memory_space<vmem>>) target(%dma_start3A_76 : memref<80x128xf32, #tpu.memory_space<hbm>>) target_semaphore(%arg18 : memref<!tpu.dma_semaphore, #tpu.memory_space<semaphore_mem>>)
      %mul3A_77 = arith.constant 3 : i32
      %mul3A_78 = arith.muli %scan3A_38, %mul3A_77 : i32
      %add3A_79 = arith.constant 1 : i32
      %add3A_80 = arith.addi %mul3A_78, %add3A_79 : i32
      %dma_wait3A_81 = arith.constant 0 : i32
      %dma_wait3A_82 = arith.constant 0 : i32
      %dma_wait3A_83 = tpu.memref_slice %arg6[%dma_wait3A_81, %dma_wait3A_82] : memref<320000x128xf32, #tpu.memory_space<hbm>> -> memref<80x128xf32, #tpu.memory_space<hbm>>
      %dma_wait3A_84 = arith.constant 0 : i32
      %dma_wait3A_85 = arith.constant 0 : i32
      %dma_wait3A_86 = tpu.memref_slice %arg6[%dma_wait3A_84, %dma_wait3A_85] : memref<320000x128xf32, #tpu.memory_space<hbm>> -> memref<80x128xf32, #tpu.memory_space<hbm>>
      tpu.wait_dma2 semaphore(%arg18 : memref<!tpu.dma_semaphore, #tpu.memory_space<semaphore_mem>>) src(%arg9 : memref<80x128xf32, #tpu.memory_space<vmem>>) dst(%dma_wait3A_86 : memref<80x128xf32, #tpu.memory_space<hbm>>)
      %add3A_87 = arith.constant 2 : i32
      %add3A_88 = arith.addi %add3A_80, %add3A_87 : i32
      %lt3A = arith.constant 126 : i32
      %lt3A_89 = arith.cmpi slt, %add3A_88, %lt3A : i32
      %convert_element_type3A_90 = arith.extui %lt3A_89 : i1 to i32
      %cond3A_91 = arith.constant 0 : i32
      %cond3A_92 = arith.cmpi ne, %convert_element_type3A_90, %cond3A_91 : i32
      scf.if %cond3A_92 {
        %add3A_166 = arith.constant 2 : i32
        %add3A_167 = arith.addi %add3A_80, %add3A_166 : i32
        %rem3A_168 = arith.constant 125 : i32
        %rem3A_169 = arith.remsi %add3A_167, %rem3A_168 : i32
        %mul3A_170 = arith.constant 80 : i32
        %mul3A_171 = arith.muli %rem3A_169, %mul3A_170 : i32
        %multiple_of3A_172 = tpu.assume_multiple %mul3A_171, 8 : i32
        %dma_start3A_173 = tpu.memref_slice %arg7[%multiple_of3A_172] : memref<10000xi32, #tpu.memory_space<vmem>> -> memref<80xi32, #tpu.memory_space<vmem>>
        %dma_start3A_174 = arith.constant 0 : i32
        %dma_start3A_175 = arith.constant 0 : i32
        %dma_start3A_176 = tpu.memref_slice %arg2[%dma_start3A_174, %dma_start3A_175] : memref<10000x128xf32, #tpu.memory_space<hbm>> -> memref<10000x128xf32, #tpu.memory_space<hbm>>
        tpu.enqueue_indirect_dma source(%dma_start3A_176 : memref<10000x128xf32, #tpu.memory_space<hbm>>) target(%arg9 : memref<80x128xf32, #tpu.memory_space<vmem>>) offsets(%dma_start3A_173 : memref<80xi32, #tpu.memory_space<vmem>>) semaphore(%arg15 : memref<!tpu.dma_semaphore, #tpu.memory_space<semaphore_mem>>)
        %dma_start3A_177 = tpu.memref_slice %arg8[%multiple_of3A_172] : memref<10000xi32, #tpu.memory_space<vmem>> -> memref<80xi32, #tpu.memory_space<vmem>>
        %dma_start3A_178 = arith.constant 0 : i32
        %dma_start3A_179 = arith.constant 0 : i32
        %dma_start3A_180 = tpu.memref_slice %arg3[%dma_start3A_178, %dma_start3A_179] : memref<10000x128xf32, #tpu.memory_space<hbm>> -> memref<10000x128xf32, #tpu.memory_space<hbm>>
        tpu.enqueue_indirect_dma source(%dma_start3A_180 : memref<10000x128xf32, #tpu.memory_space<hbm>>) target(%arg10 : memref<80x128xf32, #tpu.memory_space<vmem>>) offsets(%dma_start3A_177 : memref<80xi32, #tpu.memory_space<vmem>>) semaphore(%arg15 : memref<!tpu.dma_semaphore, #tpu.memory_space<semaphore_mem>>)
      } else {
      }
      %dma_wait3A_93 = arith.constant 0 : i32
      %dma_wait3A_94 = arith.constant 0 : i32
      %dma_wait3A_95 = tpu.memref_slice %arg2[%dma_wait3A_93, %dma_wait3A_94] : memref<10000x128xf32, #tpu.memory_space<hbm>> -> memref<80x128xf32, #tpu.memory_space<hbm>>
      %dma_wait3A_96 = arith.constant 0 : i32
      %dma_wait3A_97 = arith.constant 0 : i32
      %dma_wait3A_98 = tpu.memref_slice %arg2[%dma_wait3A_96, %dma_wait3A_97] : memref<10000x128xf32, #tpu.memory_space<hbm>> -> memref<80x128xf32, #tpu.memory_space<hbm>>
      tpu.wait_dma2 semaphore(%arg16 : memref<!tpu.dma_semaphore, #tpu.memory_space<semaphore_mem>>) src(%dma_wait3A_98 : memref<80x128xf32, #tpu.memory_space<hbm>>) dst(%arg11 : memref<80x128xf32, #tpu.memory_space<vmem>>)
      %dma_wait3A_99 = arith.constant 0 : i32
      %dma_wait3A_100 = arith.constant 0 : i32
      %dma_wait3A_101 = tpu.memref_slice %arg3[%dma_wait3A_99, %dma_wait3A_100] : memref<10000x128xf32, #tpu.memory_space<hbm>> -> memref<80x128xf32, #tpu.memory_space<hbm>>
      %dma_wait3A_102 = arith.constant 0 : i32
      %dma_wait3A_103 = arith.constant 0 : i32
      %dma_wait3A_104 = tpu.memref_slice %arg3[%dma_wait3A_102, %dma_wait3A_103] : memref<10000x128xf32, #tpu.memory_space<hbm>> -> memref<80x128xf32, #tpu.memory_space<hbm>>
      tpu.wait_dma2 semaphore(%arg16 : memref<!tpu.dma_semaphore, #tpu.memory_space<semaphore_mem>>) src(%dma_wait3A_104 : memref<80x128xf32, #tpu.memory_space<hbm>>) dst(%arg12 : memref<80x128xf32, #tpu.memory_space<vmem>>)
      %scan3A_105 = arith.constant 0 : i32
      %scan3A_106 = arith.constant 0 : i32
      %scan3A_107 = arith.constant 40 : i32
      %scan3A_108 = arith.addi %scan3A_106, %scan3A_107 : i32
      %scan3A_109 = arith.constant 1 : i32
      scf.for %scan3A_166 = %scan3A_106 to %scan3A_108 step %scan3A_109  : i32 {
        %mul3A_167 = arith.constant 2 : i32
        %mul3A_168 = arith.muli %scan3A_166, %mul3A_167 : i32
        %add3A_169 = arith.constant 0 : i32
        %add3A_170 = arith.addi %mul3A_168, %add3A_169 : i32
        %get3A = arith.index_cast %add3A_170 : i32 to index
        %get3A_171 = arith.constant 0 : index
        %get3A_172 = tpu.vector_load %arg11[%get3A, %get3A_171] {strides = array<i32>} : memref<80x128xf32, #tpu.memory_space<vmem>>, vector<1x16xf32>,
        %get3A_173 = vector.shape_cast %get3A_172 : vector<1x16xf32> to vector<16xf32>
        %get3A_174 = arith.index_cast %add3A_170 : i32 to index
        %get3A_175 = arith.constant 0 : index
        %get3A_176 = tpu.vector_load %arg12[%get3A_174, %get3A_175] {strides = array<i32>} : memref<80x128xf32, #tpu.memory_space<vmem>>, vector<1x16xf32>,
        %get3A_177 = vector.shape_cast %get3A_176 : vector<1x16xf32> to vector<16xf32>
        %add3A_178 = arith.addf %get3A_173, %get3A_177 : vector<16xf32>
        %swap3A = arith.index_cast %add3A_170 : i32 to index
        %swap3A_179 = arith.constant 0 : index
        %swap3A_180 = tpu.vector_load %arg11[%swap3A, %swap3A_179] {strides = array<i32>} : memref<80x128xf32, #tpu.memory_space<vmem>>, vector<1x16xf32>,
        %swap3A_181 = vector.shape_cast %swap3A_180 : vector<1x16xf32> to vector<16xf32>
        %swap3A_182 = vector.shape_cast %add3A_178 : vector<16xf32> to vector<1x16xf32>
        tpu.vector_store %arg11[%swap3A, %swap3A_179], %swap3A_182 {strides = array<i32>} : memref<80x128xf32, #tpu.memory_space<vmem>>, vector<1x16xf32>,
        %get3A_183 = arith.index_cast %add3A_170 : i32 to index
        %get3A_184 = arith.constant 16 : index
        %get3A_185 = tpu.vector_load %arg11[%get3A_183, %get3A_184] {strides = array<i32>} : memref<80x128xf32, #tpu.memory_space<vmem>>, vector<1x16xf32>,
        %get3A_186 = vector.shape_cast %get3A_185 : vector<1x16xf32> to vector<16xf32>
        %get3A_187 = arith.index_cast %add3A_170 : i32 to index
        %get3A_188 = arith.constant 16 : index
        %get3A_189 = tpu.vector_load %arg12[%get3A_187, %get3A_188] {strides = array<i32>} : memref<80x128xf32, #tpu.memory_space<vmem>>, vector<1x16xf32>,
        %get3A_190 = vector.shape_cast %get3A_189 : vector<1x16xf32> to vector<16xf32>
        %add3A_191 = arith.addf %get3A_186, %get3A_190 : vector<16xf32>
        %swap3A_192 = arith.index_cast %add3A_170 : i32 to index
        %swap3A_193 = arith.constant 16 : index
        %swap3A_194 = tpu.vector_load %arg11[%swap3A_192, %swap3A_193] {strides = array<i32>} : memref<80x128xf32, #tpu.memory_space<vmem>>, vector<1x16xf32>,
        %swap3A_195 = vector.shape_cast %swap3A_194 : vector<1x16xf32> to vector<16xf32>
        %swap3A_196 = vector.shape_cast %add3A_191 : vector<16xf32> to vector<1x16xf32>
        tpu.vector_store %arg11[%swap3A_192, %swap3A_193], %swap3A_196 {strides = array<i32>} : memref<80x128xf32, #tpu.memory_space<vmem>>, vector<1x16xf32>,
        %get3A_197 = arith.index_cast %add3A_170 : i32 to index
        %get3A_198 = arith.constant 32 : index
        %get3A_199 = tpu.vector_load %arg11[%get3A_197, %get3A_198] {strides = array<i32>} : memref<80x128xf32, #tpu.memory_space<vmem>>, vector<1x16xf32>,
        %get3A_200 = vector.shape_cast %get3A_199 : vector<1x16xf32> to vector<16xf32>
        %get3A_201 = arith.index_cast %add3A_170 : i32 to index
        %get3A_202 = arith.constant 32 : index
        %get3A_203 = tpu.vector_load %arg12[%get3A_201, %get3A_202] {strides = array<i32>} : memref<80x128xf32, #tpu.memory_space<vmem>>, vector<1x16xf32>,
        %get3A_204 = vector.shape_cast %get3A_203 : vector<1x16xf32> to vector<16xf32>
        %add3A_205 = arith.addf %get3A_200, %get3A_204 : vector<16xf32>
        %swap3A_206 = arith.index_cast %add3A_170 : i32 to index
        %swap3A_207 = arith.constant 32 : index
        %swap3A_208 = tpu.vector_load %arg11[%swap3A_206, %swap3A_207] {strides = array<i32>} : memref<80x128xf32, #tpu.memory_space<vmem>>, vector<1x16xf32>,
        %swap3A_209 = vector.shape_cast %swap3A_208 : vector<1x16xf32> to vector<16xf32>
        %swap3A_210 = vector.shape_cast %add3A_205 : vector<16xf32> to vector<1x16xf32>
        tpu.vector_store %arg11[%swap3A_206, %swap3A_207], %swap3A_210 {strides = array<i32>} : memref<80x128xf32, #tpu.memory_space<vmem>>, vector<1x16xf32>,
        %get3A_211 = arith.index_cast %add3A_170 : i32 to index
        %get3A_212 = arith.constant 48 : index
        %get3A_213 = tpu.vector_load %arg11[%get3A_211, %get3A_212] {strides = array<i32>} : memref<80x128xf32, #tpu.memory_space<vmem>>, vector<1x16xf32>,
        %get3A_214 = vector.shape_cast %get3A_213 : vector<1x16xf32> to vector<16xf32>
        %get3A_215 = arith.index_cast %add3A_170 : i32 to index
        %get3A_216 = arith.constant 48 : index
        %get3A_217 = tpu.vector_load %arg12[%get3A_215, %get3A_216] {strides = array<i32>} : memref<80x128xf32, #tpu.memory_space<vmem>>, vector<1x16xf32>,
        %get3A_218 = vector.shape_cast %get3A_217 : vector<1x16xf32> to vector<16xf32>
        %add3A_219 = arith.addf %get3A_214, %get3A_218 : vector<16xf32>
        %swap3A_220 = arith.index_cast %add3A_170 : i32 to index
        %swap3A_221 = arith.constant 48 : index
        %swap3A_222 = tpu.vector_load %arg11[%swap3A_220, %swap3A_221] {strides = array<i32>} : memref<80x128xf32, #tpu.memory_space<vmem>>, vector<1x16xf32>,
        %swap3A_223 = vector.shape_cast %swap3A_222 : vector<1x16xf32> to vector<16xf32>
        %swap3A_224 = vector.shape_cast %add3A_219 : vector<16xf32> to vector<1x16xf32>
        tpu.vector_store %arg11[%swap3A_220, %swap3A_221], %swap3A_224 {strides = array<i32>} : memref<80x128xf32, #tpu.memory_space<vmem>>, vector<1x16xf32>,
        %get3A_225 = arith.index_cast %add3A_170 : i32 to index
        %get3A_226 = arith.constant 64 : index
        %get3A_227 = tpu.vector_load %arg11[%get3A_225, %get3A_226] {strides = array<i32>} : memref<80x128xf32, #tpu.memory_space<vmem>>, vector<1x16xf32>,
        %get3A_228 = vector.shape_cast %get3A_227 : vector<1x16xf32> to vector<16xf32>
        %get3A_229 = arith.index_cast %add3A_170 : i32 to index
        %get3A_230 = arith.constant 64 : index
        %get3A_231 = tpu.vector_load %arg12[%get3A_229, %get3A_230] {strides = array<i32>} : memref<80x128xf32, #tpu.memory_space<vmem>>, vector<1x16xf32>,
        %get3A_232 = vector.shape_cast %get3A_231 : vector<1x16xf32> to vector<16xf32>
        %add3A_233 = arith.addf %get3A_228, %get3A_232 : vector<16xf32>
        %swap3A_234 = arith.index_cast %add3A_170 : i32 to index
        %swap3A_235 = arith.constant 64 : index
        %swap3A_236 = tpu.vector_load %arg11[%swap3A_234, %swap3A_235] {strides = array<i32>} : memref<80x128xf32, #tpu.memory_space<vmem>>, vector<1x16xf32>,
        %swap3A_237 = vector.shape_cast %swap3A_236 : vector<1x16xf32> to vector<16xf32>
        %swap3A_238 = vector.shape_cast %add3A_233 : vector<16xf32> to vector<1x16xf32>
        tpu.vector_store %arg11[%swap3A_234, %swap3A_235], %swap3A_238 {strides = array<i32>} : memref<80x128xf32, #tpu.memory_space<vmem>>, vector<1x16xf32>,
        %get3A_239 = arith.index_cast %add3A_170 : i32 to index
        %get3A_240 = arith.constant 80 : index
        %get3A_241 = tpu.vector_load %arg11[%get3A_239, %get3A_240] {strides = array<i32>} : memref<80x128xf32, #tpu.memory_space<vmem>>, vector<1x16xf32>,
        %get3A_242 = vector.shape_cast %get3A_241 : vector<1x16xf32> to vector<16xf32>
        %get3A_243 = arith.index_cast %add3A_170 : i32 to index
        %get3A_244 = arith.constant 80 : index
        %get3A_245 = tpu.vector_load %arg12[%get3A_243, %get3A_244] {strides = array<i32>} : memref<80x128xf32, #tpu.memory_space<vmem>>, vector<1x16xf32>,
        %get3A_246 = vector.shape_cast %get3A_245 : vector<1x16xf32> to vector<16xf32>
        %add3A_247 = arith.addf %get3A_242, %get3A_246 : vector<16xf32>
        %swap3A_248 = arith.index_cast %add3A_170 : i32 to index
        %swap3A_249 = arith.constant 80 : index
        %swap3A_250 = tpu.vector_load %arg11[%swap3A_248, %swap3A_249] {strides = array<i32>} : memref<80x128xf32, #tpu.memory_space<vmem>>, vector<1x16xf32>,
        %swap3A_251 = vector.shape_cast %swap3A_250 : vector<1x16xf32> to vector<16xf32>
        %swap3A_252 = vector.shape_cast %add3A_247 : vector<16xf32> to vector<1x16xf32>
        tpu.vector_store %arg11[%swap3A_248, %swap3A_249], %swap3A_252 {strides = array<i32>} : memref<80x128xf32, #tpu.memory_space<vmem>>, vector<1x16xf32>,
        %get3A_253 = arith.index_cast %add3A_170 : i32 to index
        %get3A_254 = arith.constant 96 : index
        %get3A_255 = tpu.vector_load %arg11[%get3A_253, %get3A_254] {strides = array<i32>} : memref<80x128xf32, #tpu.memory_space<vmem>>, vector<1x16xf32>,
        %get3A_256 = vector.shape_cast %get3A_255 : vector<1x16xf32> to vector<16xf32>
        %get3A_257 = arith.index_cast %add3A_170 : i32 to index
        %get3A_258 = arith.constant 96 : index
        %get3A_259 = tpu.vector_load %arg12[%get3A_257, %get3A_258] {strides = array<i32>} : memref<80x128xf32, #tpu.memory_space<vmem>>, vector<1x16xf32>,
        %get3A_260 = vector.shape_cast %get3A_259 : vector<1x16xf32> to vector<16xf32>
        %add3A_261 = arith.addf %get3A_256, %get3A_260 : vector<16xf32>
        %swap3A_262 = arith.index_cast %add3A_170 : i32 to index
        %swap3A_263 = arith.constant 96 : index
        %swap3A_264 = tpu.vector_load %arg11[%swap3A_262, %swap3A_263] {strides = array<i32>} : memref<80x128xf32, #tpu.memory_space<vmem>>, vector<1x16xf32>,
        %swap3A_265 = vector.shape_cast %swap3A_264 : vector<1x16xf32> to vector<16xf32>
        %swap3A_266 = vector.shape_cast %add3A_261 : vector<16xf32> to vector<1x16xf32>
        tpu.vector_store %arg11[%swap3A_262, %swap3A_263], %swap3A_266 {strides = array<i32>} : memref<80x128xf32, #tpu.memory_space<vmem>>, vector<1x16xf32>,
        %get3A_267 = arith.index_cast %add3A_170 : i32 to index
        %get3A_268 = arith.constant 112 : index
        %get3A_269 = tpu.vector_load %arg11[%get3A_267, %get3A_268] {strides = array<i32>} : memref<80x128xf32, #tpu.memory_space<vmem>>, vector<1x16xf32>,
        %get3A_270 = vector.shape_cast %get3A_269 : vector<1x16xf32> to vector<16xf32>
        %get3A_271 = arith.index_cast %add3A_170 : i32 to index
        %get3A_272 = arith.constant 112 : index
        %get3A_273 = tpu.vector_load %arg12[%get3A_271, %get3A_272] {strides = array<i32>} : memref<80x128xf32, #tpu.memory_space<vmem>>, vector<1x16xf32>,
        %get3A_274 = vector.shape_cast %get3A_273 : vector<1x16xf32> to vector<16xf32>
        %add3A_275 = arith.addf %get3A_270, %get3A_274 : vector<16xf32>
        %swap3A_276 = arith.index_cast %add3A_170 : i32 to index
        %swap3A_277 = arith.constant 112 : index
        %swap3A_278 = tpu.vector_load %arg11[%swap3A_276, %swap3A_277] {strides = array<i32>} : memref<80x128xf32, #tpu.memory_space<vmem>>, vector<1x16xf32>,
        %swap3A_279 = vector.shape_cast %swap3A_278 : vector<1x16xf32> to vector<16xf32>
        %swap3A_280 = vector.shape_cast %add3A_275 : vector<16xf32> to vector<1x16xf32>
        tpu.vector_store %arg11[%swap3A_276, %swap3A_277], %swap3A_280 {strides = array<i32>} : memref<80x128xf32, #tpu.memory_space<vmem>>, vector<1x16xf32>,
        %mul3A_281 = arith.constant 2 : i32
        %mul3A_282 = arith.muli %scan3A_166, %mul3A_281 : i32
        %add3A_283 = arith.constant 1 : i32
        %add3A_284 = arith.addi %mul3A_282, %add3A_283 : i32
        %get3A_285 = arith.index_cast %add3A_284 : i32 to index
        %get3A_286 = arith.constant 0 : index
        %get3A_287 = tpu.vector_load %arg11[%get3A_285, %get3A_286] {strides = array<i32>} : memref<80x128xf32, #tpu.memory_space<vmem>>, vector<1x16xf32>,
        %get3A_288 = vector.shape_cast %get3A_287 : vector<1x16xf32> to vector<16xf32>
        %get3A_289 = arith.index_cast %add3A_284 : i32 to index
        %get3A_290 = arith.constant 0 : index
        %get3A_291 = tpu.vector_load %arg12[%get3A_289, %get3A_290] {strides = array<i32>} : memref<80x128xf32, #tpu.memory_space<vmem>>, vector<1x16xf32>,
        %get3A_292 = vector.shape_cast %get3A_291 : vector<1x16xf32> to vector<16xf32>
        %add3A_293 = arith.addf %get3A_288, %get3A_292 : vector<16xf32>
        %swap3A_294 = arith.index_cast %add3A_284 : i32 to index
        %swap3A_295 = arith.constant 0 : index
        %swap3A_296 = tpu.vector_load %arg11[%swap3A_294, %swap3A_295] {strides = array<i32>} : memref<80x128xf32, #tpu.memory_space<vmem>>, vector<1x16xf32>,
        %swap3A_297 = vector.shape_cast %swap3A_296 : vector<1x16xf32> to vector<16xf32>
        %swap3A_298 = vector.shape_cast %add3A_293 : vector<16xf32> to vector<1x16xf32>
        tpu.vector_store %arg11[%swap3A_294, %swap3A_295], %swap3A_298 {strides = array<i32>} : memref<80x128xf32, #tpu.memory_space<vmem>>, vector<1x16xf32>,
        %get3A_299 = arith.index_cast %add3A_284 : i32 to index
        %get3A_300 = arith.constant 16 : index
        %get3A_301 = tpu.vector_load %arg11[%get3A_299, %get3A_300] {strides = array<i32>} : memref<80x128xf32, #tpu.memory_space<vmem>>, vector<1x16xf32>,
        %get3A_302 = vector.shape_cast %get3A_301 : vector<1x16xf32> to vector<16xf32>
        %get3A_303 = arith.index_cast %add3A_284 : i32 to index
        %get3A_304 = arith.constant 16 : index
        %get3A_305 = tpu.vector_load %arg12[%get3A_303, %get3A_304] {strides = array<i32>} : memref<80x128xf32, #tpu.memory_space<vmem>>, vector<1x16xf32>,
        %get3A_306 = vector.shape_cast %get3A_305 : vector<1x16xf32> to vector<16xf32>
        %add3A_307 = arith.addf %get3A_302, %get3A_306 : vector<16xf32>
        %swap3A_308 = arith.index_cast %add3A_284 : i32 to index
        %swap3A_309 = arith.constant 16 : index
        %swap3A_310 = tpu.vector_load %arg11[%swap3A_308, %swap3A_309] {strides = array<i32>} : memref<80x128xf32, #tpu.memory_space<vmem>>, vector<1x16xf32>,
        %swap3A_311 = vector.shape_cast %swap3A_310 : vector<1x16xf32> to vector<16xf32>
        %swap3A_312 = vector.shape_cast %add3A_307 : vector<16xf32> to vector<1x16xf32>
        tpu.vector_store %arg11[%swap3A_308, %swap3A_309], %swap3A_312 {strides = array<i32>} : memref<80x128xf32, #tpu.memory_space<vmem>>, vector<1x16xf32>,
        %get3A_313 = arith.index_cast %add3A_284 : i32 to index
        %get3A_314 = arith.constant 32 : index
        %get3A_315 = tpu.vector_load %arg11[%get3A_313, %get3A_314] {strides = array<i32>} : memref<80x128xf32, #tpu.memory_space<vmem>>, vector<1x16xf32>,
        %get3A_316 = vector.shape_cast %get3A_315 : vector<1x16xf32> to vector<16xf32>
        %get3A_317 = arith.index_cast %add3A_284 : i32 to index
        %get3A_318 = arith.constant 32 : index
        %get3A_319 = tpu.vector_load %arg12[%get3A_317, %get3A_318] {strides = array<i32>} : memref<80x128xf32, #tpu.memory_space<vmem>>, vector<1x16xf32>,
        %get3A_320 = vector.shape_cast %get3A_319 : vector<1x16xf32> to vector<16xf32>
        %add3A_321 = arith.addf %get3A_316, %get3A_320 : vector<16xf32>
        %swap3A_322 = arith.index_cast %add3A_284 : i32 to index
        %swap3A_323 = arith.constant 32 : index
        %swap3A_324 = tpu.vector_load %arg11[%swap3A_322, %swap3A_323] {strides = array<i32>} : memref<80x128xf32, #tpu.memory_space<vmem>>, vector<1x16xf32>,
        %swap3A_325 = vector.shape_cast %swap3A_324 : vector<1x16xf32> to vector<16xf32>
        %swap3A_326 = vector.shape_cast %add3A_321 : vector<16xf32> to vector<1x16xf32>
        tpu.vector_store %arg11[%swap3A_322, %swap3A_323], %swap3A_326 {strides = array<i32>} : memref<80x128xf32, #tpu.memory_space<vmem>>, vector<1x16xf32>,
        %get3A_327 = arith.index_cast %add3A_284 : i32 to index
        %get3A_328 = arith.constant 48 : index
        %get3A_329 = tpu.vector_load %arg11[%get3A_327, %get3A_328] {strides = array<i32>} : memref<80x128xf32, #tpu.memory_space<vmem>>, vector<1x16xf32>,
        %get3A_330 = vector.shape_cast %get3A_329 : vector<1x16xf32> to vector<16xf32>
        %get3A_331 = arith.index_cast %add3A_284 : i32 to index
        %get3A_332 = arith.constant 48 : index
        %get3A_333 = tpu.vector_load %arg12[%get3A_331, %get3A_332] {strides = array<i32>} : memref<80x128xf32, #tpu.memory_space<vmem>>, vector<1x16xf32>,
        %get3A_334 = vector.shape_cast %get3A_333 : vector<1x16xf32> to vector<16xf32>
        %add3A_335 = arith.addf %get3A_330, %get3A_334 : vector<16xf32>
        %swap3A_336 = arith.index_cast %add3A_284 : i32 to index
        %swap3A_337 = arith.constant 48 : index
        %swap3A_338 = tpu.vector_load %arg11[%swap3A_336, %swap3A_337] {strides = array<i32>} : memref<80x128xf32, #tpu.memory_space<vmem>>, vector<1x16xf32>,
        %swap3A_339 = vector.shape_cast %swap3A_338 : vector<1x16xf32> to vector<16xf32>
        %swap3A_340 = vector.shape_cast %add3A_335 : vector<16xf32> to vector<1x16xf32>
        tpu.vector_store %arg11[%swap3A_336, %swap3A_337], %swap3A_340 {strides = array<i32>} : memref<80x128xf32, #tpu.memory_space<vmem>>, vector<1x16xf32>,
        %get3A_341 = arith.index_cast %add3A_284 : i32 to index
        %get3A_342 = arith.constant 64 : index
        %get3A_343 = tpu.vector_load %arg11[%get3A_341, %get3A_342] {strides = array<i32>} : memref<80x128xf32, #tpu.memory_space<vmem>>, vector<1x16xf32>,
        %get3A_344 = vector.shape_cast %get3A_343 : vector<1x16xf32> to vector<16xf32>
        %get3A_345 = arith.index_cast %add3A_284 : i32 to index
        %get3A_346 = arith.constant 64 : index
        %get3A_347 = tpu.vector_load %arg12[%get3A_345, %get3A_346] {strides = array<i32>} : memref<80x128xf32, #tpu.memory_space<vmem>>, vector<1x16xf32>,
        %get3A_348 = vector.shape_cast %get3A_347 : vector<1x16xf32> to vector<16xf32>
        %add3A_349 = arith.addf %get3A_344, %get3A_348 : vector<16xf32>
        %swap3A_350 = arith.index_cast %add3A_284 : i32 to index
        %swap3A_351 = arith.constant 64 : index
        %swap3A_352 = tpu.vector_load %arg11[%swap3A_350, %swap3A_351] {strides = array<i32>} : memref<80x128xf32, #tpu.memory_space<vmem>>, vector<1x16xf32>,
        %swap3A_353 = vector.shape_cast %swap3A_352 : vector<1x16xf32> to vector<16xf32>
        %swap3A_354 = vector.shape_cast %add3A_349 : vector<16xf32> to vector<1x16xf32>
        tpu.vector_store %arg11[%swap3A_350, %swap3A_351], %swap3A_354 {strides = array<i32>} : memref<80x128xf32, #tpu.memory_space<vmem>>, vector<1x16xf32>,
        %get3A_355 = arith.index_cast %add3A_284 : i32 to index
        %get3A_356 = arith.constant 80 : index
        %get3A_357 = tpu.vector_load %arg11[%get3A_355, %get3A_356] {strides = array<i32>} : memref<80x128xf32, #tpu.memory_space<vmem>>, vector<1x16xf32>,
        %get3A_358 = vector.shape_cast %get3A_357 : vector<1x16xf32> to vector<16xf32>
        %get3A_359 = arith.index_cast %add3A_284 : i32 to index
        %get3A_360 = arith.constant 80 : index
        %get3A_361 = tpu.vector_load %arg12[%get3A_359, %get3A_360] {strides = array<i32>} : memref<80x128xf32, #tpu.memory_space<vmem>>, vector<1x16xf32>,
        %get3A_362 = vector.shape_cast %get3A_361 : vector<1x16xf32> to vector<16xf32>
        %add3A_363 = arith.addf %get3A_358, %get3A_362 : vector<16xf32>
        %swap3A_364 = arith.index_cast %add3A_284 : i32 to index
        %swap3A_365 = arith.constant 80 : index
        %swap3A_366 = tpu.vector_load %arg11[%swap3A_364, %swap3A_365] {strides = array<i32>} : memref<80x128xf32, #tpu.memory_space<vmem>>, vector<1x16xf32>,
        %swap3A_367 = vector.shape_cast %swap3A_366 : vector<1x16xf32> to vector<16xf32>
        %swap3A_368 = vector.shape_cast %add3A_363 : vector<16xf32> to vector<1x16xf32>
        tpu.vector_store %arg11[%swap3A_364, %swap3A_365], %swap3A_368 {strides = array<i32>} : memref<80x128xf32, #tpu.memory_space<vmem>>, vector<1x16xf32>,
        %get3A_369 = arith.index_cast %add3A_284 : i32 to index
        %get3A_370 = arith.constant 96 : index
        %get3A_371 = tpu.vector_load %arg11[%get3A_369, %get3A_370] {strides = array<i32>} : memref<80x128xf32, #tpu.memory_space<vmem>>, vector<1x16xf32>,
        %get3A_372 = vector.shape_cast %get3A_371 : vector<1x16xf32> to vector<16xf32>
        %get3A_373 = arith.index_cast %add3A_284 : i32 to index
        %get3A_374 = arith.constant 96 : index
        %get3A_375 = tpu.vector_load %arg12[%get3A_373, %get3A_374] {strides = array<i32>} : memref<80x128xf32, #tpu.memory_space<vmem>>, vector<1x16xf32>,
        %get3A_376 = vector.shape_cast %get3A_375 : vector<1x16xf32> to vector<16xf32>
        %add3A_377 = arith.addf %get3A_372, %get3A_376 : vector<16xf32>
        %swap3A_378 = arith.index_cast %add3A_284 : i32 to index
        %swap3A_379 = arith.constant 96 : index
        %swap3A_380 = tpu.vector_load %arg11[%swap3A_378, %swap3A_379] {strides = array<i32>} : memref<80x128xf32, #tpu.memory_space<vmem>>, vector<1x16xf32>,
        %swap3A_381 = vector.shape_cast %swap3A_380 : vector<1x16xf32> to vector<16xf32>
        %swap3A_382 = vector.shape_cast %add3A_377 : vector<16xf32> to vector<1x16xf32>
        tpu.vector_store %arg11[%swap3A_378, %swap3A_379], %swap3A_382 {strides = array<i32>} : memref<80x128xf32, #tpu.memory_space<vmem>>, vector<1x16xf32>,
        %get3A_383 = arith.index_cast %add3A_284 : i32 to index
        %get3A_384 = arith.constant 112 : index
        %get3A_385 = tpu.vector_load %arg11[%get3A_383, %get3A_384] {strides = array<i32>} : memref<80x128xf32, #tpu.memory_space<vmem>>, vector<1x16xf32>,
        %get3A_386 = vector.shape_cast %get3A_385 : vector<1x16xf32> to vector<16xf32>
        %get3A_387 = arith.index_cast %add3A_284 : i32 to index
        %get3A_388 = arith.constant 112 : index
        %get3A_389 = tpu.vector_load %arg12[%get3A_387, %get3A_388] {strides = array<i32>} : memref<80x128xf32, #tpu.memory_space<vmem>>, vector<1x16xf32>,
        %get3A_390 = vector.shape_cast %get3A_389 : vector<1x16xf32> to vector<16xf32>
        %add3A_391 = arith.addf %get3A_386, %get3A_390 : vector<16xf32>
        %swap3A_392 = arith.index_cast %add3A_284 : i32 to index
        %swap3A_393 = arith.constant 112 : index
        %swap3A_394 = tpu.vector_load %arg11[%swap3A_392, %swap3A_393] {strides = array<i32>} : memref<80x128xf32, #tpu.memory_space<vmem>>, vector<1x16xf32>,
        %swap3A_395 = vector.shape_cast %swap3A_394 : vector<1x16xf32> to vector<16xf32>
        %swap3A_396 = vector.shape_cast %add3A_391 : vector<16xf32> to vector<1x16xf32>
        tpu.vector_store %arg11[%swap3A_392, %swap3A_393], %swap3A_396 {strides = array<i32>} : memref<80x128xf32, #tpu.memory_space<vmem>>, vector<1x16xf32>,
      }
      %scan3A_110 = arith.constant 40 : i32
      %rem3A_111 = arith.constant 125 : i32
      %rem3A_112 = arith.remsi %add3A_80, %rem3A_111 : i32
      %mul3A_113 = arith.constant 80 : i32
      %mul3A_114 = arith.muli %rem3A_112, %mul3A_113 : i32
      %add3A_115 = arith.addi %mul3A_2, %mul3A_114 : i32
      %multiple_of3A_116 = tpu.assume_multiple %add3A_115, 8 : i32
      %dma_start3A_117 = arith.constant 0 : i32
      %dma_start3A_118 = tpu.memref_slice %arg6[%multiple_of3A_116, %dma_start3A_117] : memref<320000x128xf32, #tpu.memory_space<hbm>> -> memref<80x128xf32, #tpu.memory_space<hbm>>
      %dma_start3A_119 = arith.constant 0 : i32
      %dma_start3A_120 = tpu.memref_slice %arg6[%multiple_of3A_116, %dma_start3A_119] : memref<320000x128xf32, #tpu.memory_space<hbm>> -> memref<80x128xf32, #tpu.memory_space<hbm>>
      tpu.enqueue_dma source(%arg11 : memref<80x128xf32, #tpu.memory_space<vmem>>) target(%dma_start3A_120 : memref<80x128xf32, #tpu.memory_space<hbm>>) target_semaphore(%arg19 : memref<!tpu.dma_semaphore, #tpu.memory_space<semaphore_mem>>)
      %mul3A_121 = arith.constant 3 : i32
      %mul3A_122 = arith.muli %scan3A_38, %mul3A_121 : i32
      %add3A_123 = arith.constant 2 : i32
      %add3A_124 = arith.addi %mul3A_122, %add3A_123 : i32
      %dma_wait3A_125 = arith.constant 0 : i32
      %dma_wait3A_126 = arith.constant 0 : i32
      %dma_wait3A_127 = tpu.memref_slice %arg6[%dma_wait3A_125, %dma_wait3A_126] : memref<320000x128xf32, #tpu.memory_space<hbm>> -> memref<80x128xf32, #tpu.memory_space<hbm>>
      %dma_wait3A_128 = arith.constant 0 : i32
      %dma_wait3A_129 = arith.constant 0 : i32
      %dma_wait3A_130 = tpu.memref_slice %arg6[%dma_wait3A_128, %dma_wait3A_129] : memref<320000x128xf32, #tpu.memory_space<hbm>> -> memref<80x128xf32, #tpu.memory_space<hbm>>
      tpu.wait_dma2 semaphore(%arg19 : memref<!tpu.dma_semaphore, #tpu.memory_space<semaphore_mem>>) src(%arg11 : memref<80x128xf32, #tpu.memory_space<vmem>>) dst(%dma_wait3A_130 : memref<80x128xf32, #tpu.memory_space<hbm>>)
      %add3A_131 = arith.constant 2 : i32
      %add3A_132 = arith.addi %add3A_124, %add3A_131 : i32
      %lt3A_133 = arith.constant 126 : i32
      %lt3A_134 = arith.cmpi slt, %add3A_132, %lt3A_133 : i32
      %convert_element_type3A_135 = arith.extui %lt3A_134 : i1 to i32
      %cond3A_136 = arith.constant 0 : i32
      %cond3A_137 = arith.cmpi ne, %convert_element_type3A_135, %cond3A_136 : i32
      scf.if %cond3A_137 {
        %add3A_166 = arith.constant 2 : i32
        %add3A_167 = arith.addi %add3A_124, %add3A_166 : i32
        %rem3A_168 = arith.constant 125 : i32
        %rem3A_169 = arith.remsi %add3A_167, %rem3A_168 : i32
        %mul3A_170 = arith.constant 80 : i32
        %mul3A_171 = arith.muli %rem3A_169, %mul3A_170 : i32
        %multiple_of3A_172 = tpu.assume_multiple %mul3A_171, 8 : i32
        %dma_start3A_173 = tpu.memref_slice %arg7[%multiple_of3A_172] : memref<10000xi32, #tpu.memory_space<vmem>> -> memref<80xi32, #tpu.memory_space<vmem>>
        %dma_start3A_174 = arith.constant 0 : i32
        %dma_start3A_175 = arith.constant 0 : i32
        %dma_start3A_176 = tpu.memref_slice %arg2[%dma_start3A_174, %dma_start3A_175] : memref<10000x128xf32, #tpu.memory_space<hbm>> -> memref<10000x128xf32, #tpu.memory_space<hbm>>
        tpu.enqueue_indirect_dma source(%dma_start3A_176 : memref<10000x128xf32, #tpu.memory_space<hbm>>) target(%arg11 : memref<80x128xf32, #tpu.memory_space<vmem>>) offsets(%dma_start3A_173 : memref<80xi32, #tpu.memory_space<vmem>>) semaphore(%arg16 : memref<!tpu.dma_semaphore, #tpu.memory_space<semaphore_mem>>)
        %dma_start3A_177 = tpu.memref_slice %arg8[%multiple_of3A_172] : memref<10000xi32, #tpu.memory_space<vmem>> -> memref<80xi32, #tpu.memory_space<vmem>>
        %dma_start3A_178 = arith.constant 0 : i32
        %dma_start3A_179 = arith.constant 0 : i32
        %dma_start3A_180 = tpu.memref_slice %arg3[%dma_start3A_178, %dma_start3A_179] : memref<10000x128xf32, #tpu.memory_space<hbm>> -> memref<10000x128xf32, #tpu.memory_space<hbm>>
        tpu.enqueue_indirect_dma source(%dma_start3A_180 : memref<10000x128xf32, #tpu.memory_space<hbm>>) target(%arg12 : memref<80x128xf32, #tpu.memory_space<vmem>>) offsets(%dma_start3A_177 : memref<80xi32, #tpu.memory_space<vmem>>) semaphore(%arg16 : memref<!tpu.dma_semaphore, #tpu.memory_space<semaphore_mem>>)
      } else {
      }
      %dma_wait3A_138 = arith.constant 0 : i32
      %dma_wait3A_139 = arith.constant 0 : i32
      %dma_wait3A_140 = tpu.memref_slice %arg2[%dma_wait3A_138, %dma_wait3A_139] : memref<10000x128xf32, #tpu.memory_space<hbm>> -> memref<80x128xf32, #tpu.memory_space<hbm>>
      %dma_wait3A_141 = arith.constant 0 : i32
      %dma_wait3A_142 = arith.constant 0 : i32
      %dma_wait3A_143 = tpu.memref_slice %arg2[%dma_wait3A_141, %dma_wait3A_142] : memref<10000x128xf32, #tpu.memory_space<hbm>> -> memref<80x128xf32, #tpu.memory_space<hbm>>
      tpu.wait_dma2 semaphore(%arg17 : memref<!tpu.dma_semaphore, #tpu.memory_space<semaphore_mem>>) src(%dma_wait3A_143 : memref<80x128xf32, #tpu.memory_space<hbm>>) dst(%arg13 : memref<80x128xf32, #tpu.memory_space<vmem>>)
      %dma_wait3A_144 = arith.constant 0 : i32
      %dma_wait3A_145 = arith.constant 0 : i32
      %dma_wait3A_146 = tpu.memref_slice %arg3[%dma_wait3A_144, %dma_wait3A_145] : memref<10000x128xf32, #tpu.memory_space<hbm>> -> memref<80x128xf32, #tpu.memory_space<hbm>>
      %dma_wait3A_147 = arith.constant 0 : i32
      %dma_wait3A_148 = arith.constant 0 : i32
      %dma_wait3A_149 = tpu.memref_slice %arg3[%dma_wait3A_147, %dma_wait3A_148] : memref<10000x128xf32, #tpu.memory_space<hbm>> -> memref<80x128xf32, #tpu.memory_space<hbm>>
      tpu.wait_dma2 semaphore(%arg17 : memref<!tpu.dma_semaphore, #tpu.memory_space<semaphore_mem>>) src(%dma_wait3A_149 : memref<80x128xf32, #tpu.memory_space<hbm>>) dst(%arg14 : memref<80x128xf32, #tpu.memory_space<vmem>>)
      %scan3A_150 = arith.constant 0 : i32
      %scan3A_151 = arith.constant 0 : i32
      %scan3A_152 = arith.constant 40 : i32
      %scan3A_153 = arith.addi %scan3A_151, %scan3A_152 : i32
      %scan3A_154 = arith.constant 1 : i32
      scf.for %scan3A_166 = %scan3A_151 to %scan3A_153 step %scan3A_154  : i32 {
        %mul3A_167 = arith.constant 2 : i32
        %mul3A_168 = arith.muli %scan3A_166, %mul3A_167 : i32
        %add3A_169 = arith.constant 0 : i32
        %add3A_170 = arith.addi %mul3A_168, %add3A_169 : i32
        %get3A = arith.index_cast %add3A_170 : i32 to index
        %get3A_171 = arith.constant 0 : index
        %get3A_172 = tpu.vector_load %arg13[%get3A, %get3A_171] {strides = array<i32>} : memref<80x128xf32, #tpu.memory_space<vmem>>, vector<1x16xf32>,
        %get3A_173 = vector.shape_cast %get3A_172 : vector<1x16xf32> to vector<16xf32>
        %get3A_174 = arith.index_cast %add3A_170 : i32 to index
        %get3A_175 = arith.constant 0 : index
        %get3A_176 = tpu.vector_load %arg14[%get3A_174, %get3A_175] {strides = array<i32>} : memref<80x128xf32, #tpu.memory_space<vmem>>, vector<1x16xf32>,
        %get3A_177 = vector.shape_cast %get3A_176 : vector<1x16xf32> to vector<16xf32>
        %add3A_178 = arith.addf %get3A_173, %get3A_177 : vector<16xf32>
        %swap3A = arith.index_cast %add3A_170 : i32 to index
        %swap3A_179 = arith.constant 0 : index
        %swap3A_180 = tpu.vector_load %arg13[%swap3A, %swap3A_179] {strides = array<i32>} : memref<80x128xf32, #tpu.memory_space<vmem>>, vector<1x16xf32>,
        %swap3A_181 = vector.shape_cast %swap3A_180 : vector<1x16xf32> to vector<16xf32>
        %swap3A_182 = vector.shape_cast %add3A_178 : vector<16xf32> to vector<1x16xf32>
        tpu.vector_store %arg13[%swap3A, %swap3A_179], %swap3A_182 {strides = array<i32>} : memref<80x128xf32, #tpu.memory_space<vmem>>, vector<1x16xf32>,
        %get3A_183 = arith.index_cast %add3A_170 : i32 to index
        %get3A_184 = arith.constant 16 : index
        %get3A_185 = tpu.vector_load %arg13[%get3A_183, %get3A_184] {strides = array<i32>} : memref<80x128xf32, #tpu.memory_space<vmem>>, vector<1x16xf32>,
        %get3A_186 = vector.shape_cast %get3A_185 : vector<1x16xf32> to vector<16xf32>
        %get3A_187 = arith.index_cast %add3A_170 : i32 to index
        %get3A_188 = arith.constant 16 : index
        %get3A_189 = tpu.vector_load %arg14[%get3A_187, %get3A_188] {strides = array<i32>} : memref<80x128xf32, #tpu.memory_space<vmem>>, vector<1x16xf32>,
        %get3A_190 = vector.shape_cast %get3A_189 : vector<1x16xf32> to vector<16xf32>
        %add3A_191 = arith.addf %get3A_186, %get3A_190 : vector<16xf32>
        %swap3A_192 = arith.index_cast %add3A_170 : i32 to index
        %swap3A_193 = arith.constant 16 : index
        %swap3A_194 = tpu.vector_load %arg13[%swap3A_192, %swap3A_193] {strides = array<i32>} : memref<80x128xf32, #tpu.memory_space<vmem>>, vector<1x16xf32>,
        %swap3A_195 = vector.shape_cast %swap3A_194 : vector<1x16xf32> to vector<16xf32>
        %swap3A_196 = vector.shape_cast %add3A_191 : vector<16xf32> to vector<1x16xf32>
        tpu.vector_store %arg13[%swap3A_192, %swap3A_193], %swap3A_196 {strides = array<i32>} : memref<80x128xf32, #tpu.memory_space<vmem>>, vector<1x16xf32>,
        %get3A_197 = arith.index_cast %add3A_170 : i32 to index
        %get3A_198 = arith.constant 32 : index
        %get3A_199 = tpu.vector_load %arg13[%get3A_197, %get3A_198] {strides = array<i32>} : memref<80x128xf32, #tpu.memory_space<vmem>>, vector<1x16xf32>,
        %get3A_200 = vector.shape_cast %get3A_199 : vector<1x16xf32> to vector<16xf32>
        %get3A_201 = arith.index_cast %add3A_170 : i32 to index
        %get3A_202 = arith.constant 32 : index
        %get3A_203 = tpu.vector_load %arg14[%get3A_201, %get3A_202] {strides = array<i32>} : memref<80x128xf32, #tpu.memory_space<vmem>>, vector<1x16xf32>,
        %get3A_204 = vector.shape_cast %get3A_203 : vector<1x16xf32> to vector<16xf32>
        %add3A_205 = arith.addf %get3A_200, %get3A_204 : vector<16xf32>
        %swap3A_206 = arith.index_cast %add3A_170 : i32 to index
        %swap3A_207 = arith.constant 32 : index
        %swap3A_208 = tpu.vector_load %arg13[%swap3A_206, %swap3A_207] {strides = array<i32>} : memref<80x128xf32, #tpu.memory_space<vmem>>, vector<1x16xf32>,
        %swap3A_209 = vector.shape_cast %swap3A_208 : vector<1x16xf32> to vector<16xf32>
        %swap3A_210 = vector.shape_cast %add3A_205 : vector<16xf32> to vector<1x16xf32>
        tpu.vector_store %arg13[%swap3A_206, %swap3A_207], %swap3A_210 {strides = array<i32>} : memref<80x128xf32, #tpu.memory_space<vmem>>, vector<1x16xf32>,
        %get3A_211 = arith.index_cast %add3A_170 : i32 to index
        %get3A_212 = arith.constant 48 : index
        %get3A_213 = tpu.vector_load %arg13[%get3A_211, %get3A_212] {strides = array<i32>} : memref<80x128xf32, #tpu.memory_space<vmem>>, vector<1x16xf32>,
        %get3A_214 = vector.shape_cast %get3A_213 : vector<1x16xf32> to vector<16xf32>
        %get3A_215 = arith.index_cast %add3A_170 : i32 to index
        %get3A_216 = arith.constant 48 : index
        %get3A_217 = tpu.vector_load %arg14[%get3A_215, %get3A_216] {strides = array<i32>} : memref<80x128xf32, #tpu.memory_space<vmem>>, vector<1x16xf32>,
        %get3A_218 = vector.shape_cast %get3A_217 : vector<1x16xf32> to vector<16xf32>
        %add3A_219 = arith.addf %get3A_214, %get3A_218 : vector<16xf32>
        %swap3A_220 = arith.index_cast %add3A_170 : i32 to index
        %swap3A_221 = arith.constant 48 : index
        %swap3A_222 = tpu.vector_load %arg13[%swap3A_220, %swap3A_221] {strides = array<i32>} : memref<80x128xf32, #tpu.memory_space<vmem>>, vector<1x16xf32>,
        %swap3A_223 = vector.shape_cast %swap3A_222 : vector<1x16xf32> to vector<16xf32>
        %swap3A_224 = vector.shape_cast %add3A_219 : vector<16xf32> to vector<1x16xf32>
        tpu.vector_store %arg13[%swap3A_220, %swap3A_221], %swap3A_224 {strides = array<i32>} : memref<80x128xf32, #tpu.memory_space<vmem>>, vector<1x16xf32>,
        %get3A_225 = arith.index_cast %add3A_170 : i32 to index
        %get3A_226 = arith.constant 64 : index
        %get3A_227 = tpu.vector_load %arg13[%get3A_225, %get3A_226] {strides = array<i32>} : memref<80x128xf32, #tpu.memory_space<vmem>>, vector<1x16xf32>,
        %get3A_228 = vector.shape_cast %get3A_227 : vector<1x16xf32> to vector<16xf32>
        %get3A_229 = arith.index_cast %add3A_170 : i32 to index
        %get3A_230 = arith.constant 64 : index
        %get3A_231 = tpu.vector_load %arg14[%get3A_229, %get3A_230] {strides = array<i32>} : memref<80x128xf32, #tpu.memory_space<vmem>>, vector<1x16xf32>,
        %get3A_232 = vector.shape_cast %get3A_231 : vector<1x16xf32> to vector<16xf32>
        %add3A_233 = arith.addf %get3A_228, %get3A_232 : vector<16xf32>
        %swap3A_234 = arith.index_cast %add3A_170 : i32 to index
        %swap3A_235 = arith.constant 64 : index
        %swap3A_236 = tpu.vector_load %arg13[%swap3A_234, %swap3A_235] {strides = array<i32>} : memref<80x128xf32, #tpu.memory_space<vmem>>, vector<1x16xf32>,
        %swap3A_237 = vector.shape_cast %swap3A_236 : vector<1x16xf32> to vector<16xf32>
        %swap3A_238 = vector.shape_cast %add3A_233 : vector<16xf32> to vector<1x16xf32>
        tpu.vector_store %arg13[%swap3A_234, %swap3A_235], %swap3A_238 {strides = array<i32>} : memref<80x128xf32, #tpu.memory_space<vmem>>, vector<1x16xf32>,
        %get3A_239 = arith.index_cast %add3A_170 : i32 to index
        %get3A_240 = arith.constant 80 : index
        %get3A_241 = tpu.vector_load %arg13[%get3A_239, %get3A_240] {strides = array<i32>} : memref<80x128xf32, #tpu.memory_space<vmem>>, vector<1x16xf32>,
        %get3A_242 = vector.shape_cast %get3A_241 : vector<1x16xf32> to vector<16xf32>
        %get3A_243 = arith.index_cast %add3A_170 : i32 to index
        %get3A_244 = arith.constant 80 : index
        %get3A_245 = tpu.vector_load %arg14[%get3A_243, %get3A_244] {strides = array<i32>} : memref<80x128xf32, #tpu.memory_space<vmem>>, vector<1x16xf32>,
        %get3A_246 = vector.shape_cast %get3A_245 : vector<1x16xf32> to vector<16xf32>
        %add3A_247 = arith.addf %get3A_242, %get3A_246 : vector<16xf32>
        %swap3A_248 = arith.index_cast %add3A_170 : i32 to index
        %swap3A_249 = arith.constant 80 : index
        %swap3A_250 = tpu.vector_load %arg13[%swap3A_248, %swap3A_249] {strides = array<i32>} : memref<80x128xf32, #tpu.memory_space<vmem>>, vector<1x16xf32>,
        %swap3A_251 = vector.shape_cast %swap3A_250 : vector<1x16xf32> to vector<16xf32>
        %swap3A_252 = vector.shape_cast %add3A_247 : vector<16xf32> to vector<1x16xf32>
        tpu.vector_store %arg13[%swap3A_248, %swap3A_249], %swap3A_252 {strides = array<i32>} : memref<80x128xf32, #tpu.memory_space<vmem>>, vector<1x16xf32>,
        %get3A_253 = arith.index_cast %add3A_170 : i32 to index
        %get3A_254 = arith.constant 96 : index
        %get3A_255 = tpu.vector_load %arg13[%get3A_253, %get3A_254] {strides = array<i32>} : memref<80x128xf32, #tpu.memory_space<vmem>>, vector<1x16xf32>,
        %get3A_256 = vector.shape_cast %get3A_255 : vector<1x16xf32> to vector<16xf32>
        %get3A_257 = arith.index_cast %add3A_170 : i32 to index
        %get3A_258 = arith.constant 96 : index
        %get3A_259 = tpu.vector_load %arg14[%get3A_257, %get3A_258] {strides = array<i32>} : memref<80x128xf32, #tpu.memory_space<vmem>>, vector<1x16xf32>,
        %get3A_260 = vector.shape_cast %get3A_259 : vector<1x16xf32> to vector<16xf32>
        %add3A_261 = arith.addf %get3A_256, %get3A_260 : vector<16xf32>
        %swap3A_262 = arith.index_cast %add3A_170 : i32 to index
        %swap3A_263 = arith.constant 96 : index
        %swap3A_264 = tpu.vector_load %arg13[%swap3A_262, %swap3A_263] {strides = array<i32>} : memref<80x128xf32, #tpu.memory_space<vmem>>, vector<1x16xf32>,
        %swap3A_265 = vector.shape_cast %swap3A_264 : vector<1x16xf32> to vector<16xf32>
        %swap3A_266 = vector.shape_cast %add3A_261 : vector<16xf32> to vector<1x16xf32>
        tpu.vector_store %arg13[%swap3A_262, %swap3A_263], %swap3A_266 {strides = array<i32>} : memref<80x128xf32, #tpu.memory_space<vmem>>, vector<1x16xf32>,
        %get3A_267 = arith.index_cast %add3A_170 : i32 to index
        %get3A_268 = arith.constant 112 : index
        %get3A_269 = tpu.vector_load %arg13[%get3A_267, %get3A_268] {strides = array<i32>} : memref<80x128xf32, #tpu.memory_space<vmem>>, vector<1x16xf32>,
        %get3A_270 = vector.shape_cast %get3A_269 : vector<1x16xf32> to vector<16xf32>
        %get3A_271 = arith.index_cast %add3A_170 : i32 to index
        %get3A_272 = arith.constant 112 : index
        %get3A_273 = tpu.vector_load %arg14[%get3A_271, %get3A_272] {strides = array<i32>} : memref<80x128xf32, #tpu.memory_space<vmem>>, vector<1x16xf32>,
        %get3A_274 = vector.shape_cast %get3A_273 : vector<1x16xf32> to vector<16xf32>
        %add3A_275 = arith.addf %get3A_270, %get3A_274 : vector<16xf32>
        %swap3A_276 = arith.index_cast %add3A_170 : i32 to index
        %swap3A_277 = arith.constant 112 : index
        %swap3A_278 = tpu.vector_load %arg13[%swap3A_276, %swap3A_277] {strides = array<i32>} : memref<80x128xf32, #tpu.memory_space<vmem>>, vector<1x16xf32>,
        %swap3A_279 = vector.shape_cast %swap3A_278 : vector<1x16xf32> to vector<16xf32>
        %swap3A_280 = vector.shape_cast %add3A_275 : vector<16xf32> to vector<1x16xf32>
        tpu.vector_store %arg13[%swap3A_276, %swap3A_277], %swap3A_280 {strides = array<i32>} : memref<80x128xf32, #tpu.memory_space<vmem>>, vector<1x16xf32>,
        %mul3A_281 = arith.constant 2 : i32
        %mul3A_282 = arith.muli %scan3A_166, %mul3A_281 : i32
        %add3A_283 = arith.constant 1 : i32
        %add3A_284 = arith.addi %mul3A_282, %add3A_283 : i32
        %get3A_285 = arith.index_cast %add3A_284 : i32 to index
        %get3A_286 = arith.constant 0 : index
        %get3A_287 = tpu.vector_load %arg13[%get3A_285, %get3A_286] {strides = array<i32>} : memref<80x128xf32, #tpu.memory_space<vmem>>, vector<1x16xf32>,
        %get3A_288 = vector.shape_cast %get3A_287 : vector<1x16xf32> to vector<16xf32>
        %get3A_289 = arith.index_cast %add3A_284 : i32 to index
        %get3A_290 = arith.constant 0 : index
        %get3A_291 = tpu.vector_load %arg14[%get3A_289, %get3A_290] {strides = array<i32>} : memref<80x128xf32, #tpu.memory_space<vmem>>, vector<1x16xf32>,
        %get3A_292 = vector.shape_cast %get3A_291 : vector<1x16xf32> to vector<16xf32>
        %add3A_293 = arith.addf %get3A_288, %get3A_292 : vector<16xf32>
        %swap3A_294 = arith.index_cast %add3A_284 : i32 to index
        %swap3A_295 = arith.constant 0 : index
        %swap3A_296 = tpu.vector_load %arg13[%swap3A_294, %swap3A_295] {strides = array<i32>} : memref<80x128xf32, #tpu.memory_space<vmem>>, vector<1x16xf32>,
        %swap3A_297 = vector.shape_cast %swap3A_296 : vector<1x16xf32> to vector<16xf32>
        %swap3A_298 = vector.shape_cast %add3A_293 : vector<16xf32> to vector<1x16xf32>
        tpu.vector_store %arg13[%swap3A_294, %swap3A_295], %swap3A_298 {strides = array<i32>} : memref<80x128xf32, #tpu.memory_space<vmem>>, vector<1x16xf32>,
        %get3A_299 = arith.index_cast %add3A_284 : i32 to index
        %get3A_300 = arith.constant 16 : index
        %get3A_301 = tpu.vector_load %arg13[%get3A_299, %get3A_300] {strides = array<i32>} : memref<80x128xf32, #tpu.memory_space<vmem>>, vector<1x16xf32>,
        %get3A_302 = vector.shape_cast %get3A_301 : vector<1x16xf32> to vector<16xf32>
        %get3A_303 = arith.index_cast %add3A_284 : i32 to index
        %get3A_304 = arith.constant 16 : index
        %get3A_305 = tpu.vector_load %arg14[%get3A_303, %get3A_304] {strides = array<i32>} : memref<80x128xf32, #tpu.memory_space<vmem>>, vector<1x16xf32>,
        %get3A_306 = vector.shape_cast %get3A_305 : vector<1x16xf32> to vector<16xf32>
        %add3A_307 = arith.addf %get3A_302, %get3A_306 : vector<16xf32>
        %swap3A_308 = arith.index_cast %add3A_284 : i32 to index
        %swap3A_309 = arith.constant 16 : index
        %swap3A_310 = tpu.vector_load %arg13[%swap3A_308, %swap3A_309] {strides = array<i32>} : memref<80x128xf32, #tpu.memory_space<vmem>>, vector<1x16xf32>,
        %swap3A_311 = vector.shape_cast %swap3A_310 : vector<1x16xf32> to vector<16xf32>
        %swap3A_312 = vector.shape_cast %add3A_307 : vector<16xf32> to vector<1x16xf32>
        tpu.vector_store %arg13[%swap3A_308, %swap3A_309], %swap3A_312 {strides = array<i32>} : memref<80x128xf32, #tpu.memory_space<vmem>>, vector<1x16xf32>,
        %get3A_313 = arith.index_cast %add3A_284 : i32 to index
        %get3A_314 = arith.constant 32 : index
        %get3A_315 = tpu.vector_load %arg13[%get3A_313, %get3A_314] {strides = array<i32>} : memref<80x128xf32, #tpu.memory_space<vmem>>, vector<1x16xf32>,
        %get3A_316 = vector.shape_cast %get3A_315 : vector<1x16xf32> to vector<16xf32>
        %get3A_317 = arith.index_cast %add3A_284 : i32 to index
        %get3A_318 = arith.constant 32 : index
        %get3A_319 = tpu.vector_load %arg14[%get3A_317, %get3A_318] {strides = array<i32>} : memref<80x128xf32, #tpu.memory_space<vmem>>, vector<1x16xf32>,
        %get3A_320 = vector.shape_cast %get3A_319 : vector<1x16xf32> to vector<16xf32>
        %add3A_321 = arith.addf %get3A_316, %get3A_320 : vector<16xf32>
        %swap3A_322 = arith.index_cast %add3A_284 : i32 to index
        %swap3A_323 = arith.constant 32 : index
        %swap3A_324 = tpu.vector_load %arg13[%swap3A_322, %swap3A_323] {strides = array<i32>} : memref<80x128xf32, #tpu.memory_space<vmem>>, vector<1x16xf32>,
        %swap3A_325 = vector.shape_cast %swap3A_324 : vector<1x16xf32> to vector<16xf32>
        %swap3A_326 = vector.shape_cast %add3A_321 : vector<16xf32> to vector<1x16xf32>
        tpu.vector_store %arg13[%swap3A_322, %swap3A_323], %swap3A_326 {strides = array<i32>} : memref<80x128xf32, #tpu.memory_space<vmem>>, vector<1x16xf32>,
        %get3A_327 = arith.index_cast %add3A_284 : i32 to index
        %get3A_328 = arith.constant 48 : index
        %get3A_329 = tpu.vector_load %arg13[%get3A_327, %get3A_328] {strides = array<i32>} : memref<80x128xf32, #tpu.memory_space<vmem>>, vector<1x16xf32>,
        %get3A_330 = vector.shape_cast %get3A_329 : vector<1x16xf32> to vector<16xf32>
        %get3A_331 = arith.index_cast %add3A_284 : i32 to index
        %get3A_332 = arith.constant 48 : index
        %get3A_333 = tpu.vector_load %arg14[%get3A_331, %get3A_332] {strides = array<i32>} : memref<80x128xf32, #tpu.memory_space<vmem>>, vector<1x16xf32>,
        %get3A_334 = vector.shape_cast %get3A_333 : vector<1x16xf32> to vector<16xf32>
        %add3A_335 = arith.addf %get3A_330, %get3A_334 : vector<16xf32>
        %swap3A_336 = arith.index_cast %add3A_284 : i32 to index
        %swap3A_337 = arith.constant 48 : index
        %swap3A_338 = tpu.vector_load %arg13[%swap3A_336, %swap3A_337] {strides = array<i32>} : memref<80x128xf32, #tpu.memory_space<vmem>>, vector<1x16xf32>,
        %swap3A_339 = vector.shape_cast %swap3A_338 : vector<1x16xf32> to vector<16xf32>
        %swap3A_340 = vector.shape_cast %add3A_335 : vector<16xf32> to vector<1x16xf32>
        tpu.vector_store %arg13[%swap3A_336, %swap3A_337], %swap3A_340 {strides = array<i32>} : memref<80x128xf32, #tpu.memory_space<vmem>>, vector<1x16xf32>,
        %get3A_341 = arith.index_cast %add3A_284 : i32 to index
        %get3A_342 = arith.constant 64 : index
        %get3A_343 = tpu.vector_load %arg13[%get3A_341, %get3A_342] {strides = array<i32>} : memref<80x128xf32, #tpu.memory_space<vmem>>, vector<1x16xf32>,
        %get3A_344 = vector.shape_cast %get3A_343 : vector<1x16xf32> to vector<16xf32>
        %get3A_345 = arith.index_cast %add3A_284 : i32 to index
        %get3A_346 = arith.constant 64 : index
        %get3A_347 = tpu.vector_load %arg14[%get3A_345, %get3A_346] {strides = array<i32>} : memref<80x128xf32, #tpu.memory_space<vmem>>, vector<1x16xf32>,
        %get3A_348 = vector.shape_cast %get3A_347 : vector<1x16xf32> to vector<16xf32>
        %add3A_349 = arith.addf %get3A_344, %get3A_348 : vector<16xf32>
        %swap3A_350 = arith.index_cast %add3A_284 : i32 to index
        %swap3A_351 = arith.constant 64 : index
        %swap3A_352 = tpu.vector_load %arg13[%swap3A_350, %swap3A_351] {strides = array<i32>} : memref<80x128xf32, #tpu.memory_space<vmem>>, vector<1x16xf32>,
        %swap3A_353 = vector.shape_cast %swap3A_352 : vector<1x16xf32> to vector<16xf32>
        %swap3A_354 = vector.shape_cast %add3A_349 : vector<16xf32> to vector<1x16xf32>
        tpu.vector_store %arg13[%swap3A_350, %swap3A_351], %swap3A_354 {strides = array<i32>} : memref<80x128xf32, #tpu.memory_space<vmem>>, vector<1x16xf32>,
        %get3A_355 = arith.index_cast %add3A_284 : i32 to index
        %get3A_356 = arith.constant 80 : index
        %get3A_357 = tpu.vector_load %arg13[%get3A_355, %get3A_356] {strides = array<i32>} : memref<80x128xf32, #tpu.memory_space<vmem>>, vector<1x16xf32>,
        %get3A_358 = vector.shape_cast %get3A_357 : vector<1x16xf32> to vector<16xf32>
        %get3A_359 = arith.index_cast %add3A_284 : i32 to index
        %get3A_360 = arith.constant 80 : index
        %get3A_361 = tpu.vector_load %arg14[%get3A_359, %get3A_360] {strides = array<i32>} : memref<80x128xf32, #tpu.memory_space<vmem>>, vector<1x16xf32>,
        %get3A_362 = vector.shape_cast %get3A_361 : vector<1x16xf32> to vector<16xf32>
        %add3A_363 = arith.addf %get3A_358, %get3A_362 : vector<16xf32>
        %swap3A_364 = arith.index_cast %add3A_284 : i32 to index
        %swap3A_365 = arith.constant 80 : index
        %swap3A_366 = tpu.vector_load %arg13[%swap3A_364, %swap3A_365] {strides = array<i32>} : memref<80x128xf32, #tpu.memory_space<vmem>>, vector<1x16xf32>,
        %swap3A_367 = vector.shape_cast %swap3A_366 : vector<1x16xf32> to vector<16xf32>
        %swap3A_368 = vector.shape_cast %add3A_363 : vector<16xf32> to vector<1x16xf32>
        tpu.vector_store %arg13[%swap3A_364, %swap3A_365], %swap3A_368 {strides = array<i32>} : memref<80x128xf32, #tpu.memory_space<vmem>>, vector<1x16xf32>,
        %get3A_369 = arith.index_cast %add3A_284 : i32 to index
        %get3A_370 = arith.constant 96 : index
        %get3A_371 = tpu.vector_load %arg13[%get3A_369, %get3A_370] {strides = array<i32>} : memref<80x128xf32, #tpu.memory_space<vmem>>, vector<1x16xf32>,
        %get3A_372 = vector.shape_cast %get3A_371 : vector<1x16xf32> to vector<16xf32>
        %get3A_373 = arith.index_cast %add3A_284 : i32 to index
        %get3A_374 = arith.constant 96 : index
        %get3A_375 = tpu.vector_load %arg14[%get3A_373, %get3A_374] {strides = array<i32>} : memref<80x128xf32, #tpu.memory_space<vmem>>, vector<1x16xf32>,
        %get3A_376 = vector.shape_cast %get3A_375 : vector<1x16xf32> to vector<16xf32>
        %add3A_377 = arith.addf %get3A_372, %get3A_376 : vector<16xf32>
        %swap3A_378 = arith.index_cast %add3A_284 : i32 to index
        %swap3A_379 = arith.constant 96 : index
        %swap3A_380 = tpu.vector_load %arg13[%swap3A_378, %swap3A_379] {strides = array<i32>} : memref<80x128xf32, #tpu.memory_space<vmem>>, vector<1x16xf32>,
        %swap3A_381 = vector.shape_cast %swap3A_380 : vector<1x16xf32> to vector<16xf32>
        %swap3A_382 = vector.shape_cast %add3A_377 : vector<16xf32> to vector<1x16xf32>
        tpu.vector_store %arg13[%swap3A_378, %swap3A_379], %swap3A_382 {strides = array<i32>} : memref<80x128xf32, #tpu.memory_space<vmem>>, vector<1x16xf32>,
        %get3A_383 = arith.index_cast %add3A_284 : i32 to index
        %get3A_384 = arith.constant 112 : index
        %get3A_385 = tpu.vector_load %arg13[%get3A_383, %get3A_384] {strides = array<i32>} : memref<80x128xf32, #tpu.memory_space<vmem>>, vector<1x16xf32>,
        %get3A_386 = vector.shape_cast %get3A_385 : vector<1x16xf32> to vector<16xf32>
        %get3A_387 = arith.index_cast %add3A_284 : i32 to index
        %get3A_388 = arith.constant 112 : index
        %get3A_389 = tpu.vector_load %arg14[%get3A_387, %get3A_388] {strides = array<i32>} : memref<80x128xf32, #tpu.memory_space<vmem>>, vector<1x16xf32>,
        %get3A_390 = vector.shape_cast %get3A_389 : vector<1x16xf32> to vector<16xf32>
        %add3A_391 = arith.addf %get3A_386, %get3A_390 : vector<16xf32>
        %swap3A_392 = arith.index_cast %add3A_284 : i32 to index
        %swap3A_393 = arith.constant 112 : index
        %swap3A_394 = tpu.vector_load %arg13[%swap3A_392, %swap3A_393] {strides = array<i32>} : memref<80x128xf32, #tpu.memory_space<vmem>>, vector<1x16xf32>,
        %swap3A_395 = vector.shape_cast %swap3A_394 : vector<1x16xf32> to vector<16xf32>
        %swap3A_396 = vector.shape_cast %add3A_391 : vector<16xf32> to vector<1x16xf32>
        tpu.vector_store %arg13[%swap3A_392, %swap3A_393], %swap3A_396 {strides = array<i32>} : memref<80x128xf32, #tpu.memory_space<vmem>>, vector<1x16xf32>,
      }
      %scan3A_155 = arith.constant 40 : i32
      %rem3A_156 = arith.constant 125 : i32
      %rem3A_157 = arith.remsi %add3A_124, %rem3A_156 : i32
      %mul3A_158 = arith.constant 80 : i32
      %mul3A_159 = arith.muli %rem3A_157, %mul3A_158 : i32
      %add3A_160 = arith.addi %mul3A_2, %mul3A_159 : i32
      %multiple_of3A_161 = tpu.assume_multiple %add3A_160, 8 : i32
      %dma_start3A_162 = arith.constant 0 : i32
      %dma_start3A_163 = tpu.memref_slice %arg6[%multiple_of3A_161, %dma_start3A_162] : memref<320000x128xf32, #tpu.memory_space<hbm>> -> memref<80x128xf32, #tpu.memory_space<hbm>>
      %dma_start3A_164 = arith.constant 0 : i32
      %dma_start3A_165 = tpu.memref_slice %arg6[%multiple_of3A_161, %dma_start3A_164] : memref<320000x128xf32, #tpu.memory_space<hbm>> -> memref<80x128xf32, #tpu.memory_space<hbm>>
      tpu.enqueue_dma source(%arg13 : memref<80x128xf32, #tpu.memory_space<vmem>>) target(%dma_start3A_165 : memref<80x128xf32, #tpu.memory_space<hbm>>) target_semaphore(%arg20 : memref<!tpu.dma_semaphore, #tpu.memory_space<semaphore_mem>>)
    }
    %scan3A_32 = arith.constant 42 : i32
    %dma_wait3A = arith.constant 0 : i32
    %dma_wait3A_33 = arith.constant 0 : i32
    %dma_wait3A_34 = tpu.memref_slice %arg6[%dma_wait3A, %dma_wait3A_33] : memref<320000x128xf32, #tpu.memory_space<hbm>> -> memref<80x128xf32, #tpu.memory_space<hbm>>
    %dma_wait3A_35 = arith.constant 0 : i32
    %dma_wait3A_36 = arith.constant 0 : i32
    %dma_wait3A_37 = tpu.memref_slice %arg6[%dma_wait3A_35, %dma_wait3A_36] : memref<320000x128xf32, #tpu.memory_space<hbm>> -> memref<80x128xf32, #tpu.memory_space<hbm>>
    tpu.wait_dma2 semaphore(%arg20 : memref<!tpu.dma_semaphore, #tpu.memory_space<semaphore_mem>>) src(%arg13 : memref<80x128xf32, #tpu.memory_space<vmem>>) dst(%dma_wait3A_37 : memref<80x128xf32, #tpu.memory_space<hbm>>)
    return
  }
}

#map = affine_map<(d0, d1) -> (0, 0)>
#map1 = affine_map<(d0, d1) -> (0)>
#map2 = affine_map<(d0, d1) -> (0, 0, 0)>
module attributes {stable_mosaic.version = 14 : i64} {
  func.func @body(%arg0: i32, %arg1: i32, %arg2: memref<320000x128xf32, #tpu.memory_space<hbm>>, %arg3: memref<320000xi32, #tpu.memory_space<hbm>>, %arg4: memref<2x10240x128xf32, #tpu.memory_space<hbm>>, %arg5: memref<80xi32, #tpu.memory_space<vmem>>, %arg6: memref<80xi32, #tpu.memory_space<vmem>>, %arg7: memref<80x128xf32, #tpu.memory_space<vmem>>, %arg8: memref<80x128xf32, #tpu.memory_space<vmem>>, %arg9: memref<80x128xf32, #tpu.memory_space<vmem>>, %arg10: memref<!tpu.dma_semaphore, #tpu.memory_space<semaphore_mem>>, %arg11: memref<!tpu.dma_semaphore, #tpu.memory_space<semaphore_mem>>, %arg12: memref<!tpu.dma_semaphore, #tpu.memory_space<semaphore_mem>>, %arg13: memref<!tpu.dma_semaphore, #tpu.memory_space<semaphore_mem>>, %arg14: memref<10240x128xf32, #tpu.memory_space<vmem_shared>>) attributes {dimension_semantics = [#tpu.dimension_semantics<core_parallel>, #tpu.dimension_semantics<subcore_parallel>], iteration_bounds = array<i64: 2, 16>, scalar_prefetch = 0 : i64, scratch_operands = 10 : i64, tpu.core_type = #tpu.core_type<sc_vector_subcore>, window_params = [{transform_indices = #map}, {transform_indices = #map1}, {transform_indices = #map2}]} {
    %scan3A = arith.constant 0 : i32
    %scan3A_0 = arith.constant 0 : i32
    %scan3A_1 = arith.constant 80 : i32
    %scan3A_2 = arith.addi %scan3A_0, %scan3A_1 : i32
    %scan3A_3 = arith.constant 1 : i32
    scf.for %scan3A_81 = %scan3A_0 to %scan3A_2 step %scan3A_3  : i32 {
      %scan3A_82 = arith.constant 0 : i32
      %scan3A_83 = arith.constant 8 : i32
      %scan3A_84 = arith.addi %scan3A_82, %scan3A_83 : i32
      %scan3A_85 = arith.constant 1 : i32
      scf.for %scan3A_87 = %scan3A_82 to %scan3A_84 step %scan3A_85  : i32 {
        %broadcast_in_dim3A = arith.constant 0.000000e+00 : f32
        %broadcast_in_dim3A_88 = vector.broadcast %broadcast_in_dim3A : f32 to vector<16xf32>
        %mul3A_89 = arith.constant 16 : i32
        %mul3A_90 = arith.muli %scan3A_87, %mul3A_89 : i32
        %swap3A = arith.index_cast %scan3A_81 : i32 to index
        %swap3A_91 = arith.index_cast %mul3A_90 : i32 to index
        %swap3A_92 = tpu.vector_load %arg9[%swap3A, %swap3A_91] {strides = array<i32>} : memref<80x128xf32, #tpu.memory_space<vmem>>, vector<1x16xf32>,
        %swap3A_93 = vector.shape_cast %swap3A_92 : vector<1x16xf32> to vector<16xf32>
        %swap3A_94 = vector.shape_cast %broadcast_in_dim3A_88 : vector<16xf32> to vector<1x16xf32>
        tpu.vector_store %arg9[%swap3A, %swap3A_91], %swap3A_94 {strides = array<i32>} : memref<80x128xf32, #tpu.memory_space<vmem>>, vector<1x16xf32>,
      }
      %scan3A_86 = arith.constant 8 : i32
    }
    %scan3A_4 = arith.constant 80 : i32
    %mul3A = arith.constant 640 : i32
    %mul3A_5 = arith.muli %arg1, %mul3A : i32
    %multiple_of3A = tpu.assume_multiple %mul3A_5, 8 : i32
    %add3A = arith.constant 0 : i32
    %add3A_6 = arith.addi %multiple_of3A, %add3A : i32
    "tpu.region"() ({
      %run_scoped3A = tpu.sem_alloc : memref<!tpu.dma_semaphore, #tpu.memory_space<semaphore_mem>>
      %dma_start3A_81 = arith.constant 0 : i32
      %dma_start3A_82 = tpu.memref_slice %arg14[%add3A_6, %dma_start3A_81] : memref<10240x128xf32, #tpu.memory_space<vmem_shared>> -> memref<80x128xf32, #tpu.memory_space<vmem_shared>>
      %dma_start3A_83 = arith.constant 0 : i32
      %dma_start3A_84 = tpu.memref_slice %arg14[%add3A_6, %dma_start3A_83] : memref<10240x128xf32, #tpu.memory_space<vmem_shared>> -> memref<80x128xf32, #tpu.memory_space<vmem_shared>>
      tpu.enqueue_dma source(%arg9 : memref<80x128xf32, #tpu.memory_space<vmem>>) target(%dma_start3A_84 : memref<80x128xf32, #tpu.memory_space<vmem_shared>>) target_semaphore(%run_scoped3A : memref<!tpu.dma_semaphore, #tpu.memory_space<semaphore_mem>>)
      %dma_wait3A = arith.constant 0 : i32
      %dma_wait3A_85 = tpu.memref_slice %arg14[%add3A_6, %dma_wait3A] : memref<10240x128xf32, #tpu.memory_space<vmem_shared>> -> memref<80x128xf32, #tpu.memory_space<vmem_shared>>
      %dma_wait3A_86 = arith.constant 0 : i32
      %dma_wait3A_87 = tpu.memref_slice %arg14[%add3A_6, %dma_wait3A_86] : memref<10240x128xf32, #tpu.memory_space<vmem_shared>> -> memref<80x128xf32, #tpu.memory_space<vmem_shared>>
      tpu.wait_dma2 semaphore(%run_scoped3A : memref<!tpu.dma_semaphore, #tpu.memory_space<semaphore_mem>>) src(%arg9 : memref<80x128xf32, #tpu.memory_space<vmem>>) dst(%dma_wait3A_87 : memref<80x128xf32, #tpu.memory_space<vmem_shared>>)
      tpu.yield
    }) : () -> ()
    %add3A_7 = arith.constant 80 : i32
    %add3A_8 = arith.addi %multiple_of3A, %add3A_7 : i32
    "tpu.region"() ({
      %run_scoped3A = tpu.sem_alloc : memref<!tpu.dma_semaphore, #tpu.memory_space<semaphore_mem>>
      %dma_start3A_81 = arith.constant 0 : i32
      %dma_start3A_82 = tpu.memref_slice %arg14[%add3A_8, %dma_start3A_81] : memref<10240x128xf32, #tpu.memory_space<vmem_shared>> -> memref<80x128xf32, #tpu.memory_space<vmem_shared>>
      %dma_start3A_83 = arith.constant 0 : i32
      %dma_start3A_84 = tpu.memref_slice %arg14[%add3A_8, %dma_start3A_83] : memref<10240x128xf32, #tpu.memory_space<vmem_shared>> -> memref<80x128xf32, #tpu.memory_space<vmem_shared>>
      tpu.enqueue_dma source(%arg9 : memref<80x128xf32, #tpu.memory_space<vmem>>) target(%dma_start3A_84 : memref<80x128xf32, #tpu.memory_space<vmem_shared>>) target_semaphore(%run_scoped3A : memref<!tpu.dma_semaphore, #tpu.memory_space<semaphore_mem>>)
      %dma_wait3A = arith.constant 0 : i32
      %dma_wait3A_85 = tpu.memref_slice %arg14[%add3A_8, %dma_wait3A] : memref<10240x128xf32, #tpu.memory_space<vmem_shared>> -> memref<80x128xf32, #tpu.memory_space<vmem_shared>>
      %dma_wait3A_86 = arith.constant 0 : i32
      %dma_wait3A_87 = tpu.memref_slice %arg14[%add3A_8, %dma_wait3A_86] : memref<10240x128xf32, #tpu.memory_space<vmem_shared>> -> memref<80x128xf32, #tpu.memory_space<vmem_shared>>
      tpu.wait_dma2 semaphore(%run_scoped3A : memref<!tpu.dma_semaphore, #tpu.memory_space<semaphore_mem>>) src(%arg9 : memref<80x128xf32, #tpu.memory_space<vmem>>) dst(%dma_wait3A_87 : memref<80x128xf32, #tpu.memory_space<vmem_shared>>)
      tpu.yield
    }) : () -> ()
    %add3A_9 = arith.constant 160 : i32
    %add3A_10 = arith.addi %multiple_of3A, %add3A_9 : i32
    "tpu.region"() ({
      %run_scoped3A = tpu.sem_alloc : memref<!tpu.dma_semaphore, #tpu.memory_space<semaphore_mem>>
      %dma_start3A_81 = arith.constant 0 : i32
      %dma_start3A_82 = tpu.memref_slice %arg14[%add3A_10, %dma_start3A_81] : memref<10240x128xf32, #tpu.memory_space<vmem_shared>> -> memref<80x128xf32, #tpu.memory_space<vmem_shared>>
      %dma_start3A_83 = arith.constant 0 : i32
      %dma_start3A_84 = tpu.memref_slice %arg14[%add3A_10, %dma_start3A_83] : memref<10240x128xf32, #tpu.memory_space<vmem_shared>> -> memref<80x128xf32, #tpu.memory_space<vmem_shared>>
      tpu.enqueue_dma source(%arg9 : memref<80x128xf32, #tpu.memory_space<vmem>>) target(%dma_start3A_84 : memref<80x128xf32, #tpu.memory_space<vmem_shared>>) target_semaphore(%run_scoped3A : memref<!tpu.dma_semaphore, #tpu.memory_space<semaphore_mem>>)
      %dma_wait3A = arith.constant 0 : i32
      %dma_wait3A_85 = tpu.memref_slice %arg14[%add3A_10, %dma_wait3A] : memref<10240x128xf32, #tpu.memory_space<vmem_shared>> -> memref<80x128xf32, #tpu.memory_space<vmem_shared>>
      %dma_wait3A_86 = arith.constant 0 : i32
      %dma_wait3A_87 = tpu.memref_slice %arg14[%add3A_10, %dma_wait3A_86] : memref<10240x128xf32, #tpu.memory_space<vmem_shared>> -> memref<80x128xf32, #tpu.memory_space<vmem_shared>>
      tpu.wait_dma2 semaphore(%run_scoped3A : memref<!tpu.dma_semaphore, #tpu.memory_space<semaphore_mem>>) src(%arg9 : memref<80x128xf32, #tpu.memory_space<vmem>>) dst(%dma_wait3A_87 : memref<80x128xf32, #tpu.memory_space<vmem_shared>>)
      tpu.yield
    }) : () -> ()
    %add3A_11 = arith.constant 240 : i32
    %add3A_12 = arith.addi %multiple_of3A, %add3A_11 : i32
    "tpu.region"() ({
      %run_scoped3A = tpu.sem_alloc : memref<!tpu.dma_semaphore, #tpu.memory_space<semaphore_mem>>
      %dma_start3A_81 = arith.constant 0 : i32
      %dma_start3A_82 = tpu.memref_slice %arg14[%add3A_12, %dma_start3A_81] : memref<10240x128xf32, #tpu.memory_space<vmem_shared>> -> memref<80x128xf32, #tpu.memory_space<vmem_shared>>
      %dma_start3A_83 = arith.constant 0 : i32
      %dma_start3A_84 = tpu.memref_slice %arg14[%add3A_12, %dma_start3A_83] : memref<10240x128xf32, #tpu.memory_space<vmem_shared>> -> memref<80x128xf32, #tpu.memory_space<vmem_shared>>
      tpu.enqueue_dma source(%arg9 : memref<80x128xf32, #tpu.memory_space<vmem>>) target(%dma_start3A_84 : memref<80x128xf32, #tpu.memory_space<vmem_shared>>) target_semaphore(%run_scoped3A : memref<!tpu.dma_semaphore, #tpu.memory_space<semaphore_mem>>)
      %dma_wait3A = arith.constant 0 : i32
      %dma_wait3A_85 = tpu.memref_slice %arg14[%add3A_12, %dma_wait3A] : memref<10240x128xf32, #tpu.memory_space<vmem_shared>> -> memref<80x128xf32, #tpu.memory_space<vmem_shared>>
      %dma_wait3A_86 = arith.constant 0 : i32
      %dma_wait3A_87 = tpu.memref_slice %arg14[%add3A_12, %dma_wait3A_86] : memref<10240x128xf32, #tpu.memory_space<vmem_shared>> -> memref<80x128xf32, #tpu.memory_space<vmem_shared>>
      tpu.wait_dma2 semaphore(%run_scoped3A : memref<!tpu.dma_semaphore, #tpu.memory_space<semaphore_mem>>) src(%arg9 : memref<80x128xf32, #tpu.memory_space<vmem>>) dst(%dma_wait3A_87 : memref<80x128xf32, #tpu.memory_space<vmem_shared>>)
      tpu.yield
    }) : () -> ()
    %add3A_13 = arith.constant 320 : i32
    %add3A_14 = arith.addi %multiple_of3A, %add3A_13 : i32
    "tpu.region"() ({
      %run_scoped3A = tpu.sem_alloc : memref<!tpu.dma_semaphore, #tpu.memory_space<semaphore_mem>>
      %dma_start3A_81 = arith.constant 0 : i32
      %dma_start3A_82 = tpu.memref_slice %arg14[%add3A_14, %dma_start3A_81] : memref<10240x128xf32, #tpu.memory_space<vmem_shared>> -> memref<80x128xf32, #tpu.memory_space<vmem_shared>>
      %dma_start3A_83 = arith.constant 0 : i32
      %dma_start3A_84 = tpu.memref_slice %arg14[%add3A_14, %dma_start3A_83] : memref<10240x128xf32, #tpu.memory_space<vmem_shared>> -> memref<80x128xf32, #tpu.memory_space<vmem_shared>>
      tpu.enqueue_dma source(%arg9 : memref<80x128xf32, #tpu.memory_space<vmem>>) target(%dma_start3A_84 : memref<80x128xf32, #tpu.memory_space<vmem_shared>>) target_semaphore(%run_scoped3A : memref<!tpu.dma_semaphore, #tpu.memory_space<semaphore_mem>>)
      %dma_wait3A = arith.constant 0 : i32
      %dma_wait3A_85 = tpu.memref_slice %arg14[%add3A_14, %dma_wait3A] : memref<10240x128xf32, #tpu.memory_space<vmem_shared>> -> memref<80x128xf32, #tpu.memory_space<vmem_shared>>
      %dma_wait3A_86 = arith.constant 0 : i32
      %dma_wait3A_87 = tpu.memref_slice %arg14[%add3A_14, %dma_wait3A_86] : memref<10240x128xf32, #tpu.memory_space<vmem_shared>> -> memref<80x128xf32, #tpu.memory_space<vmem_shared>>
      tpu.wait_dma2 semaphore(%run_scoped3A : memref<!tpu.dma_semaphore, #tpu.memory_space<semaphore_mem>>) src(%arg9 : memref<80x128xf32, #tpu.memory_space<vmem>>) dst(%dma_wait3A_87 : memref<80x128xf32, #tpu.memory_space<vmem_shared>>)
      tpu.yield
    }) : () -> ()
    %add3A_15 = arith.constant 400 : i32
    %add3A_16 = arith.addi %multiple_of3A, %add3A_15 : i32
    "tpu.region"() ({
      %run_scoped3A = tpu.sem_alloc : memref<!tpu.dma_semaphore, #tpu.memory_space<semaphore_mem>>
      %dma_start3A_81 = arith.constant 0 : i32
      %dma_start3A_82 = tpu.memref_slice %arg14[%add3A_16, %dma_start3A_81] : memref<10240x128xf32, #tpu.memory_space<vmem_shared>> -> memref<80x128xf32, #tpu.memory_space<vmem_shared>>
      %dma_start3A_83 = arith.constant 0 : i32
      %dma_start3A_84 = tpu.memref_slice %arg14[%add3A_16, %dma_start3A_83] : memref<10240x128xf32, #tpu.memory_space<vmem_shared>> -> memref<80x128xf32, #tpu.memory_space<vmem_shared>>
      tpu.enqueue_dma source(%arg9 : memref<80x128xf32, #tpu.memory_space<vmem>>) target(%dma_start3A_84 : memref<80x128xf32, #tpu.memory_space<vmem_shared>>) target_semaphore(%run_scoped3A : memref<!tpu.dma_semaphore, #tpu.memory_space<semaphore_mem>>)
      %dma_wait3A = arith.constant 0 : i32
      %dma_wait3A_85 = tpu.memref_slice %arg14[%add3A_16, %dma_wait3A] : memref<10240x128xf32, #tpu.memory_space<vmem_shared>> -> memref<80x128xf32, #tpu.memory_space<vmem_shared>>
      %dma_wait3A_86 = arith.constant 0 : i32
      %dma_wait3A_87 = tpu.memref_slice %arg14[%add3A_16, %dma_wait3A_86] : memref<10240x128xf32, #tpu.memory_space<vmem_shared>> -> memref<80x128xf32, #tpu.memory_space<vmem_shared>>
      tpu.wait_dma2 semaphore(%run_scoped3A : memref<!tpu.dma_semaphore, #tpu.memory_space<semaphore_mem>>) src(%arg9 : memref<80x128xf32, #tpu.memory_space<vmem>>) dst(%dma_wait3A_87 : memref<80x128xf32, #tpu.memory_space<vmem_shared>>)
      tpu.yield
    }) : () -> ()
    %add3A_17 = arith.constant 480 : i32
    %add3A_18 = arith.addi %multiple_of3A, %add3A_17 : i32
    "tpu.region"() ({
      %run_scoped3A = tpu.sem_alloc : memref<!tpu.dma_semaphore, #tpu.memory_space<semaphore_mem>>
      %dma_start3A_81 = arith.constant 0 : i32
      %dma_start3A_82 = tpu.memref_slice %arg14[%add3A_18, %dma_start3A_81] : memref<10240x128xf32, #tpu.memory_space<vmem_shared>> -> memref<80x128xf32, #tpu.memory_space<vmem_shared>>
      %dma_start3A_83 = arith.constant 0 : i32
      %dma_start3A_84 = tpu.memref_slice %arg14[%add3A_18, %dma_start3A_83] : memref<10240x128xf32, #tpu.memory_space<vmem_shared>> -> memref<80x128xf32, #tpu.memory_space<vmem_shared>>
      tpu.enqueue_dma source(%arg9 : memref<80x128xf32, #tpu.memory_space<vmem>>) target(%dma_start3A_84 : memref<80x128xf32, #tpu.memory_space<vmem_shared>>) target_semaphore(%run_scoped3A : memref<!tpu.dma_semaphore, #tpu.memory_space<semaphore_mem>>)
      %dma_wait3A = arith.constant 0 : i32
      %dma_wait3A_85 = tpu.memref_slice %arg14[%add3A_18, %dma_wait3A] : memref<10240x128xf32, #tpu.memory_space<vmem_shared>> -> memref<80x128xf32, #tpu.memory_space<vmem_shared>>
      %dma_wait3A_86 = arith.constant 0 : i32
      %dma_wait3A_87 = tpu.memref_slice %arg14[%add3A_18, %dma_wait3A_86] : memref<10240x128xf32, #tpu.memory_space<vmem_shared>> -> memref<80x128xf32, #tpu.memory_space<vmem_shared>>
      tpu.wait_dma2 semaphore(%run_scoped3A : memref<!tpu.dma_semaphore, #tpu.memory_space<semaphore_mem>>) src(%arg9 : memref<80x128xf32, #tpu.memory_space<vmem>>) dst(%dma_wait3A_87 : memref<80x128xf32, #tpu.memory_space<vmem_shared>>)
      tpu.yield
    }) : () -> ()
    %add3A_19 = arith.constant 560 : i32
    %add3A_20 = arith.addi %multiple_of3A, %add3A_19 : i32
    "tpu.region"() ({
      %run_scoped3A = tpu.sem_alloc : memref<!tpu.dma_semaphore, #tpu.memory_space<semaphore_mem>>
      %dma_start3A_81 = arith.constant 0 : i32
      %dma_start3A_82 = tpu.memref_slice %arg14[%add3A_20, %dma_start3A_81] : memref<10240x128xf32, #tpu.memory_space<vmem_shared>> -> memref<80x128xf32, #tpu.memory_space<vmem_shared>>
      %dma_start3A_83 = arith.constant 0 : i32
      %dma_start3A_84 = tpu.memref_slice %arg14[%add3A_20, %dma_start3A_83] : memref<10240x128xf32, #tpu.memory_space<vmem_shared>> -> memref<80x128xf32, #tpu.memory_space<vmem_shared>>
      tpu.enqueue_dma source(%arg9 : memref<80x128xf32, #tpu.memory_space<vmem>>) target(%dma_start3A_84 : memref<80x128xf32, #tpu.memory_space<vmem_shared>>) target_semaphore(%run_scoped3A : memref<!tpu.dma_semaphore, #tpu.memory_space<semaphore_mem>>)
      %dma_wait3A = arith.constant 0 : i32
      %dma_wait3A_85 = tpu.memref_slice %arg14[%add3A_20, %dma_wait3A] : memref<10240x128xf32, #tpu.memory_space<vmem_shared>> -> memref<80x128xf32, #tpu.memory_space<vmem_shared>>
      %dma_wait3A_86 = arith.constant 0 : i32
      %dma_wait3A_87 = tpu.memref_slice %arg14[%add3A_20, %dma_wait3A_86] : memref<10240x128xf32, #tpu.memory_space<vmem_shared>> -> memref<80x128xf32, #tpu.memory_space<vmem_shared>>
      tpu.wait_dma2 semaphore(%run_scoped3A : memref<!tpu.dma_semaphore, #tpu.memory_space<semaphore_mem>>) src(%arg9 : memref<80x128xf32, #tpu.memory_space<vmem>>) dst(%dma_wait3A_87 : memref<80x128xf32, #tpu.memory_space<vmem_shared>>)
      tpu.yield
    }) : () -> ()
    %barrier3A = arith.constant 0 : index
    tpu.barrier barrier_id(%barrier3A)
    %mul3A_21 = arith.constant 16 : i32
    %mul3A_22 = arith.muli %arg0, %mul3A_21 : i32
    %add3A_23 = arith.addi %mul3A_22, %arg1 : i32
    %mul3A_24 = arith.constant 10000 : i32
    %mul3A_25 = arith.muli %add3A_23, %mul3A_24 : i32
    %rem3A = arith.constant 0 : i32
    %rem3A_26 = arith.constant 125 : i32
    %rem3A_27 = arith.remsi %rem3A, %rem3A_26 : i32
    %mul3A_28 = arith.constant 80 : i32
    %mul3A_29 = arith.muli %rem3A_27, %mul3A_28 : i32
    %add3A_30 = arith.addi %mul3A_25, %mul3A_29 : i32
    %multiple_of3A_31 = tpu.assume_multiple %add3A_30, 8 : i32
    %dma_start3A = tpu.memref_slice %arg3[%multiple_of3A_31] : memref<320000xi32, #tpu.memory_space<hbm>> -> memref<80xi32, #tpu.memory_space<hbm>>
    %dma_start3A_32 = tpu.memref_slice %arg3[%multiple_of3A_31] : memref<320000xi32, #tpu.memory_space<hbm>> -> memref<80xi32, #tpu.memory_space<hbm>>
    tpu.enqueue_dma source(%dma_start3A_32 : memref<80xi32, #tpu.memory_space<hbm>>) target(%arg5 : memref<80xi32, #tpu.memory_space<vmem>>) target_semaphore(%arg10 : memref<!tpu.dma_semaphore, #tpu.memory_space<semaphore_mem>>)
    %dma_start3A_33 = arith.constant 0 : i32
    %dma_start3A_34 = tpu.memref_slice %arg2[%multiple_of3A_31, %dma_start3A_33] : memref<320000x128xf32, #tpu.memory_space<hbm>> -> memref<80x128xf32, #tpu.memory_space<hbm>>
    %dma_start3A_35 = arith.constant 0 : i32
    %dma_start3A_36 = tpu.memref_slice %arg2[%multiple_of3A_31, %dma_start3A_35] : memref<320000x128xf32, #tpu.memory_space<hbm>> -> memref<80x128xf32, #tpu.memory_space<hbm>>
    tpu.enqueue_dma source(%dma_start3A_36 : memref<80x128xf32, #tpu.memory_space<hbm>>) target(%arg7 : memref<80x128xf32, #tpu.memory_space<vmem>>) target_semaphore(%arg12 : memref<!tpu.dma_semaphore, #tpu.memory_space<semaphore_mem>>)
    %rem3A_37 = arith.constant 1 : i32
    %rem3A_38 = arith.constant 125 : i32
    %rem3A_39 = arith.remsi %rem3A_37, %rem3A_38 : i32
    %mul3A_40 = arith.constant 80 : i32
    %mul3A_41 = arith.muli %rem3A_39, %mul3A_40 : i32
    %add3A_42 = arith.addi %mul3A_25, %mul3A_41 : i32
    %multiple_of3A_43 = tpu.assume_multiple %add3A_42, 8 : i32
    %dma_start3A_44 = tpu.memref_slice %arg3[%multiple_of3A_43] : memref<320000xi32, #tpu.memory_space<hbm>> -> memref<80xi32, #tpu.memory_space<hbm>>
    %dma_start3A_45 = tpu.memref_slice %arg3[%multiple_of3A_43] : memref<320000xi32, #tpu.memory_space<hbm>> -> memref<80xi32, #tpu.memory_space<hbm>>
    tpu.enqueue_dma source(%dma_start3A_45 : memref<80xi32, #tpu.memory_space<hbm>>) target(%arg6 : memref<80xi32, #tpu.memory_space<vmem>>) target_semaphore(%arg11 : memref<!tpu.dma_semaphore, #tpu.memory_space<semaphore_mem>>)
    %dma_start3A_46 = arith.constant 0 : i32
    %dma_start3A_47 = tpu.memref_slice %arg2[%multiple_of3A_43, %dma_start3A_46] : memref<320000x128xf32, #tpu.memory_space<hbm>> -> memref<80x128xf32, #tpu.memory_space<hbm>>
    %dma_start3A_48 = arith.constant 0 : i32
    %dma_start3A_49 = tpu.memref_slice %arg2[%multiple_of3A_43, %dma_start3A_48] : memref<320000x128xf32, #tpu.memory_space<hbm>> -> memref<80x128xf32, #tpu.memory_space<hbm>>
    tpu.enqueue_dma source(%dma_start3A_49 : memref<80x128xf32, #tpu.memory_space<hbm>>) target(%arg8 : memref<80x128xf32, #tpu.memory_space<vmem>>) target_semaphore(%arg13 : memref<!tpu.dma_semaphore, #tpu.memory_space<semaphore_mem>>)
    %scan3A_50 = arith.constant 0 : i32
    %scan3A_51 = arith.constant 0 : i32
    %scan3A_52 = arith.constant 63 : i32
    %scan3A_53 = arith.addi %scan3A_51, %scan3A_52 : i32
    %scan3A_54 = arith.constant 1 : i32
    scf.for %scan3A_81 = %scan3A_51 to %scan3A_53 step %scan3A_54  : i32 {
      %mul3A_82 = arith.constant 2 : i32
      %mul3A_83 = arith.muli %scan3A_81, %mul3A_82 : i32
      %add3A_84 = arith.constant 0 : i32
      %add3A_85 = arith.addi %mul3A_83, %add3A_84 : i32
      %dma_wait3A = arith.constant 0 : i32
      %dma_wait3A_86 = tpu.memref_slice %arg3[%dma_wait3A] : memref<320000xi32, #tpu.memory_space<hbm>> -> memref<80xi32, #tpu.memory_space<hbm>>
      %dma_wait3A_87 = arith.constant 0 : i32
      %dma_wait3A_88 = tpu.memref_slice %arg3[%dma_wait3A_87] : memref<320000xi32, #tpu.memory_space<hbm>> -> memref<80xi32, #tpu.memory_space<hbm>>
      tpu.wait_dma2 semaphore(%arg10 : memref<!tpu.dma_semaphore, #tpu.memory_space<semaphore_mem>>) src(%dma_wait3A_88 : memref<80xi32, #tpu.memory_space<hbm>>) dst(%arg5 : memref<80xi32, #tpu.memory_space<vmem>>)
      %dma_wait3A_89 = arith.constant 0 : i32
      %dma_wait3A_90 = arith.constant 0 : i32
      %dma_wait3A_91 = tpu.memref_slice %arg2[%dma_wait3A_89, %dma_wait3A_90] : memref<320000x128xf32, #tpu.memory_space<hbm>> -> memref<80x128xf32, #tpu.memory_space<hbm>>
      %dma_wait3A_92 = arith.constant 0 : i32
      %dma_wait3A_93 = arith.constant 0 : i32
      %dma_wait3A_94 = tpu.memref_slice %arg2[%dma_wait3A_92, %dma_wait3A_93] : memref<320000x128xf32, #tpu.memory_space<hbm>> -> memref<80x128xf32, #tpu.memory_space<hbm>>
      tpu.wait_dma2 semaphore(%arg12 : memref<!tpu.dma_semaphore, #tpu.memory_space<semaphore_mem>>) src(%dma_wait3A_94 : memref<80x128xf32, #tpu.memory_space<hbm>>) dst(%arg7 : memref<80x128xf32, #tpu.memory_space<vmem>>)
      "tpu.region"() ({
        %run_scoped3A = tpu.sem_alloc : memref<!tpu.dma_semaphore, #tpu.memory_space<semaphore_mem>>
        %dma_start3A_125 = arith.constant 0 : i32
        %dma_start3A_126 = arith.constant 0 : i32
        %dma_start3A_127 = tpu.memref_slice %arg14[%dma_start3A_125, %dma_start3A_126] : memref<10240x128xf32, #tpu.memory_space<vmem_shared>> -> memref<10240x128xf32, #tpu.memory_space<vmem_shared>>
        tpu.enqueue_indirect_dma source(%arg7 : memref<80x128xf32, #tpu.memory_space<vmem>>) target(%dma_start3A_127 : memref<10240x128xf32, #tpu.memory_space<vmem_shared>>) offsets(%arg5 : memref<80xi32, #tpu.memory_space<vmem>>) semaphore(%run_scoped3A : memref<!tpu.dma_semaphore, #tpu.memory_space<semaphore_mem>>) {add = true}
        %dma_wait3A_128 = arith.constant 0 : i32
        %dma_wait3A_129 = arith.constant 0 : i32
        %dma_wait3A_130 = tpu.memref_slice %arg14[%dma_wait3A_128, %dma_wait3A_129] : memref<10240x128xf32, #tpu.memory_space<vmem_shared>> -> memref<10240x128xf32, #tpu.memory_space<vmem_shared>>
        tpu.wait_indirect_dma semaphore(%run_scoped3A : memref<!tpu.dma_semaphore, #tpu.memory_space<semaphore_mem>>) src(%arg7 : memref<80x128xf32, #tpu.memory_space<vmem>>) dst(%dma_wait3A_130 : memref<10240x128xf32, #tpu.memory_space<vmem_shared>>)
        tpu.yield
      }) : () -> ()
      %add3A_95 = arith.constant 2 : i32
      %add3A_96 = arith.addi %add3A_85, %add3A_95 : i32
      %lt3A = arith.constant 126 : i32
      %lt3A_97 = arith.cmpi slt, %add3A_96, %lt3A : i32
      %convert_element_type3A = arith.extui %lt3A_97 : i1 to i32
      %cond3A = arith.constant 0 : i32
      %cond3A_98 = arith.cmpi ne, %convert_element_type3A, %cond3A : i32
      scf.if %cond3A_98 {
        %add3A_125 = arith.constant 2 : i32
        %add3A_126 = arith.addi %add3A_85, %add3A_125 : i32
        %rem3A_127 = arith.constant 125 : i32
        %rem3A_128 = arith.remsi %add3A_126, %rem3A_127 : i32
        %mul3A_129 = arith.constant 80 : i32
        %mul3A_130 = arith.muli %rem3A_128, %mul3A_129 : i32
        %add3A_131 = arith.addi %mul3A_25, %mul3A_130 : i32
        %multiple_of3A_132 = tpu.assume_multiple %add3A_131, 8 : i32
        %dma_start3A_133 = tpu.memref_slice %arg3[%multiple_of3A_132] : memref<320000xi32, #tpu.memory_space<hbm>> -> memref<80xi32, #tpu.memory_space<hbm>>
        %dma_start3A_134 = tpu.memref_slice %arg3[%multiple_of3A_132] : memref<320000xi32, #tpu.memory_space<hbm>> -> memref<80xi32, #tpu.memory_space<hbm>>
        tpu.enqueue_dma source(%dma_start3A_134 : memref<80xi32, #tpu.memory_space<hbm>>) target(%arg5 : memref<80xi32, #tpu.memory_space<vmem>>) target_semaphore(%arg10 : memref<!tpu.dma_semaphore, #tpu.memory_space<semaphore_mem>>)
        %dma_start3A_135 = arith.constant 0 : i32
        %dma_start3A_136 = tpu.memref_slice %arg2[%multiple_of3A_132, %dma_start3A_135] : memref<320000x128xf32, #tpu.memory_space<hbm>> -> memref<80x128xf32, #tpu.memory_space<hbm>>
        %dma_start3A_137 = arith.constant 0 : i32
        %dma_start3A_138 = tpu.memref_slice %arg2[%multiple_of3A_132, %dma_start3A_137] : memref<320000x128xf32, #tpu.memory_space<hbm>> -> memref<80x128xf32, #tpu.memory_space<hbm>>
        tpu.enqueue_dma source(%dma_start3A_138 : memref<80x128xf32, #tpu.memory_space<hbm>>) target(%arg7 : memref<80x128xf32, #tpu.memory_space<vmem>>) target_semaphore(%arg12 : memref<!tpu.dma_semaphore, #tpu.memory_space<semaphore_mem>>)
      } else {
      }
      %mul3A_99 = arith.constant 2 : i32
      %mul3A_100 = arith.muli %scan3A_81, %mul3A_99 : i32
      %add3A_101 = arith.constant 1 : i32
      %add3A_102 = arith.addi %mul3A_100, %add3A_101 : i32
      %dma_wait3A_103 = arith.constant 0 : i32
      %dma_wait3A_104 = tpu.memref_slice %arg3[%dma_wait3A_103] : memref<320000xi32, #tpu.memory_space<hbm>> -> memref<80xi32, #tpu.memory_space<hbm>>
      %dma_wait3A_105 = arith.constant 0 : i32
      %dma_wait3A_106 = tpu.memref_slice %arg3[%dma_wait3A_105] : memref<320000xi32, #tpu.memory_space<hbm>> -> memref<80xi32, #tpu.memory_space<hbm>>
      tpu.wait_dma2 semaphore(%arg11 : memref<!tpu.dma_semaphore, #tpu.memory_space<semaphore_mem>>) src(%dma_wait3A_106 : memref<80xi32, #tpu.memory_space<hbm>>) dst(%arg6 : memref<80xi32, #tpu.memory_space<vmem>>)
      %dma_wait3A_107 = arith.constant 0 : i32
      %dma_wait3A_108 = arith.constant 0 : i32
      %dma_wait3A_109 = tpu.memref_slice %arg2[%dma_wait3A_107, %dma_wait3A_108] : memref<320000x128xf32, #tpu.memory_space<hbm>> -> memref<80x128xf32, #tpu.memory_space<hbm>>
      %dma_wait3A_110 = arith.constant 0 : i32
      %dma_wait3A_111 = arith.constant 0 : i32
      %dma_wait3A_112 = tpu.memref_slice %arg2[%dma_wait3A_110, %dma_wait3A_111] : memref<320000x128xf32, #tpu.memory_space<hbm>> -> memref<80x128xf32, #tpu.memory_space<hbm>>
      tpu.wait_dma2 semaphore(%arg13 : memref<!tpu.dma_semaphore, #tpu.memory_space<semaphore_mem>>) src(%dma_wait3A_112 : memref<80x128xf32, #tpu.memory_space<hbm>>) dst(%arg8 : memref<80x128xf32, #tpu.memory_space<vmem>>)
      %lt3A_113 = arith.constant 125 : i32
      %lt3A_114 = arith.cmpi slt, %add3A_102, %lt3A_113 : i32
      %convert_element_type3A_115 = arith.extui %lt3A_114 : i1 to i32
      %cond3A_116 = arith.constant 0 : i32
      %cond3A_117 = arith.cmpi ne, %convert_element_type3A_115, %cond3A_116 : i32
      scf.if %cond3A_117 {
        "tpu.region"() ({
          %run_scoped3A = tpu.sem_alloc : memref<!tpu.dma_semaphore, #tpu.memory_space<semaphore_mem>>
          %dma_start3A_125 = arith.constant 0 : i32
          %dma_start3A_126 = arith.constant 0 : i32
          %dma_start3A_127 = tpu.memref_slice %arg14[%dma_start3A_125, %dma_start3A_126] : memref<10240x128xf32, #tpu.memory_space<vmem_shared>> -> memref<10240x128xf32, #tpu.memory_space<vmem_shared>>
          tpu.enqueue_indirect_dma source(%arg8 : memref<80x128xf32, #tpu.memory_space<vmem>>) target(%dma_start3A_127 : memref<10240x128xf32, #tpu.memory_space<vmem_shared>>) offsets(%arg6 : memref<80xi32, #tpu.memory_space<vmem>>) semaphore(%run_scoped3A : memref<!tpu.dma_semaphore, #tpu.memory_space<semaphore_mem>>) {add = true}
          %dma_wait3A_128 = arith.constant 0 : i32
          %dma_wait3A_129 = arith.constant 0 : i32
          %dma_wait3A_130 = tpu.memref_slice %arg14[%dma_wait3A_128, %dma_wait3A_129] : memref<10240x128xf32, #tpu.memory_space<vmem_shared>> -> memref<10240x128xf32, #tpu.memory_space<vmem_shared>>
          tpu.wait_indirect_dma semaphore(%run_scoped3A : memref<!tpu.dma_semaphore, #tpu.memory_space<semaphore_mem>>) src(%arg8 : memref<80x128xf32, #tpu.memory_space<vmem>>) dst(%dma_wait3A_130 : memref<10240x128xf32, #tpu.memory_space<vmem_shared>>)
          tpu.yield
        }) : () -> ()
      } else {
      }
      %add3A_118 = arith.constant 2 : i32
      %add3A_119 = arith.addi %add3A_102, %add3A_118 : i32
      %lt3A_120 = arith.constant 126 : i32
      %lt3A_121 = arith.cmpi slt, %add3A_119, %lt3A_120 : i32
      %convert_element_type3A_122 = arith.extui %lt3A_121 : i1 to i32
      %cond3A_123 = arith.constant 0 : i32
      %cond3A_124 = arith.cmpi ne, %convert_element_type3A_122, %cond3A_123 : i32
      scf.if %cond3A_124 {
        %add3A_125 = arith.constant 2 : i32
        %add3A_126 = arith.addi %add3A_102, %add3A_125 : i32
        %rem3A_127 = arith.constant 125 : i32
        %rem3A_128 = arith.remsi %add3A_126, %rem3A_127 : i32
        %mul3A_129 = arith.constant 80 : i32
        %mul3A_130 = arith.muli %rem3A_128, %mul3A_129 : i32
        %add3A_131 = arith.addi %mul3A_25, %mul3A_130 : i32
        %multiple_of3A_132 = tpu.assume_multiple %add3A_131, 8 : i32
        %dma_start3A_133 = tpu.memref_slice %arg3[%multiple_of3A_132] : memref<320000xi32, #tpu.memory_space<hbm>> -> memref<80xi32, #tpu.memory_space<hbm>>
        %dma_start3A_134 = tpu.memref_slice %arg3[%multiple_of3A_132] : memref<320000xi32, #tpu.memory_space<hbm>> -> memref<80xi32, #tpu.memory_space<hbm>>
        tpu.enqueue_dma source(%dma_start3A_134 : memref<80xi32, #tpu.memory_space<hbm>>) target(%arg6 : memref<80xi32, #tpu.memory_space<vmem>>) target_semaphore(%arg11 : memref<!tpu.dma_semaphore, #tpu.memory_space<semaphore_mem>>)
        %dma_start3A_135 = arith.constant 0 : i32
        %dma_start3A_136 = tpu.memref_slice %arg2[%multiple_of3A_132, %dma_start3A_135] : memref<320000x128xf32, #tpu.memory_space<hbm>> -> memref<80x128xf32, #tpu.memory_space<hbm>>
        %dma_start3A_137 = arith.constant 0 : i32
        %dma_start3A_138 = tpu.memref_slice %arg2[%multiple_of3A_132, %dma_start3A_137] : memref<320000x128xf32, #tpu.memory_space<hbm>> -> memref<80x128xf32, #tpu.memory_space<hbm>>
        tpu.enqueue_dma source(%dma_start3A_138 : memref<80x128xf32, #tpu.memory_space<hbm>>) target(%arg8 : memref<80x128xf32, #tpu.memory_space<vmem>>) target_semaphore(%arg13 : memref<!tpu.dma_semaphore, #tpu.memory_space<semaphore_mem>>)
      } else {
      }
    }
    %scan3A_55 = arith.constant 63 : i32
    %barrier3A_56 = arith.constant 0 : index
    tpu.barrier barrier_id(%barrier3A_56)
    %add3A_57 = arith.constant 0 : i32
    %add3A_58 = arith.addi %multiple_of3A, %add3A_57 : i32
    %multiple_of3A_59 = tpu.assume_multiple %add3A_58, 8 : i32
    "tpu.region"() ({
      %run_scoped3A = tpu.sem_alloc : memref<!tpu.dma_semaphore, #tpu.memory_space<semaphore_mem>>
      %dma_start3A_81 = arith.constant 0 : i32
      %dma_start3A_82 = tpu.memref_slice %arg14[%multiple_of3A_59, %dma_start3A_81] : memref<10240x128xf32, #tpu.memory_space<vmem_shared>> -> memref<80x128xf32, #tpu.memory_space<vmem_shared>>
      %dma_start3A_83 = arith.constant 0 : i32
      %dma_start3A_84 = tpu.memref_slice %arg14[%multiple_of3A_59, %dma_start3A_83] : memref<10240x128xf32, #tpu.memory_space<vmem_shared>> -> memref<80x128xf32, #tpu.memory_space<vmem_shared>>
      tpu.enqueue_dma source(%dma_start3A_84 : memref<80x128xf32, #tpu.memory_space<vmem_shared>>) target(%arg9 : memref<80x128xf32, #tpu.memory_space<vmem>>) target_semaphore(%run_scoped3A : memref<!tpu.dma_semaphore, #tpu.memory_space<semaphore_mem>>)
      %dma_wait3A = arith.constant 0 : i32
      %dma_wait3A_85 = tpu.memref_slice %arg14[%multiple_of3A_59, %dma_wait3A] : memref<10240x128xf32, #tpu.memory_space<vmem_shared>> -> memref<80x128xf32, #tpu.memory_space<vmem_shared>>
      %dma_wait3A_86 = arith.constant 0 : i32
      %dma_wait3A_87 = tpu.memref_slice %arg14[%multiple_of3A_59, %dma_wait3A_86] : memref<10240x128xf32, #tpu.memory_space<vmem_shared>> -> memref<80x128xf32, #tpu.memory_space<vmem_shared>>
      tpu.wait_dma2 semaphore(%run_scoped3A : memref<!tpu.dma_semaphore, #tpu.memory_space<semaphore_mem>>) src(%dma_wait3A_87 : memref<80x128xf32, #tpu.memory_space<vmem_shared>>) dst(%arg9 : memref<80x128xf32, #tpu.memory_space<vmem>>)
      tpu.yield
    }) : () -> ()
    "tpu.region"() ({
      %run_scoped3A = tpu.sem_alloc : memref<!tpu.dma_semaphore, #tpu.memory_space<semaphore_mem>>
      %dma_start3A_81 = arith.constant 0 : i32
      %dma_start3A_82 = tpu.memref_slice %arg4[%arg0, %multiple_of3A_59, %dma_start3A_81] : memref<2x10240x128xf32, #tpu.memory_space<hbm>> -> memref<1x80x128xf32, #tpu.memory_space<hbm>>
      %dma_start3A_83 = tpu.memref_squeeze %dma_start3A_82 : memref<1x80x128xf32, #tpu.memory_space<hbm>> -> memref<80x128xf32, #tpu.memory_space<hbm>>
      %dma_start3A_84 = arith.constant 0 : i32
      %dma_start3A_85 = tpu.memref_slice %arg4[%arg0, %multiple_of3A_59, %dma_start3A_84] : memref<2x10240x128xf32, #tpu.memory_space<hbm>> -> memref<1x80x128xf32, #tpu.memory_space<hbm>>
      %dma_start3A_86 = tpu.memref_squeeze %dma_start3A_85 : memref<1x80x128xf32, #tpu.memory_space<hbm>> -> memref<80x128xf32, #tpu.memory_space<hbm>>
      tpu.enqueue_dma source(%arg9 : memref<80x128xf32, #tpu.memory_space<vmem>>) target(%dma_start3A_86 : memref<80x128xf32, #tpu.memory_space<hbm>>) target_semaphore(%run_scoped3A : memref<!tpu.dma_semaphore, #tpu.memory_space<semaphore_mem>>)
      %dma_wait3A = arith.constant 0 : i32
      %dma_wait3A_87 = tpu.memref_slice %arg4[%arg0, %multiple_of3A_59, %dma_wait3A] : memref<2x10240x128xf32, #tpu.memory_space<hbm>> -> memref<1x80x128xf32, #tpu.memory_space<hbm>>
      %dma_wait3A_88 = tpu.memref_squeeze %dma_wait3A_87 : memref<1x80x128xf32, #tpu.memory_space<hbm>> -> memref<80x128xf32, #tpu.memory_space<hbm>>
      %dma_wait3A_89 = arith.constant 0 : i32
      %dma_wait3A_90 = tpu.memref_slice %arg4[%arg0, %multiple_of3A_59, %dma_wait3A_89] : memref<2x10240x128xf32, #tpu.memory_space<hbm>> -> memref<1x80x128xf32, #tpu.memory_space<hbm>>
      %dma_wait3A_91 = tpu.memref_squeeze %dma_wait3A_90 : memref<1x80x128xf32, #tpu.memory_space<hbm>> -> memref<80x128xf32, #tpu.memory_space<hbm>>
      tpu.wait_dma2 semaphore(%run_scoped3A : memref<!tpu.dma_semaphore, #tpu.memory_space<semaphore_mem>>) src(%arg9 : memref<80x128xf32, #tpu.memory_space<vmem>>) dst(%dma_wait3A_91 : memref<80x128xf32, #tpu.memory_space<hbm>>)
      tpu.yield
    }) : () -> ()
    %add3A_60 = arith.constant 80 : i32
    %add3A_61 = arith.addi %multiple_of3A, %add3A_60 : i32
    %multiple_of3A_62 = tpu.assume_multiple %add3A_61, 8 : i32
    "tpu.region"() ({
      %run_scoped3A = tpu.sem_alloc : memref<!tpu.dma_semaphore, #tpu.memory_space<semaphore_mem>>
      %dma_start3A_81 = arith.constant 0 : i32
      %dma_start3A_82 = tpu.memref_slice %arg14[%multiple_of3A_62, %dma_start3A_81] : memref<10240x128xf32, #tpu.memory_space<vmem_shared>> -> memref<80x128xf32, #tpu.memory_space<vmem_shared>>
      %dma_start3A_83 = arith.constant 0 : i32
      %dma_start3A_84 = tpu.memref_slice %arg14[%multiple_of3A_62, %dma_start3A_83] : memref<10240x128xf32, #tpu.memory_space<vmem_shared>> -> memref<80x128xf32, #tpu.memory_space<vmem_shared>>
      tpu.enqueue_dma source(%dma_start3A_84 : memref<80x128xf32, #tpu.memory_space<vmem_shared>>) target(%arg9 : memref<80x128xf32, #tpu.memory_space<vmem>>) target_semaphore(%run_scoped3A : memref<!tpu.dma_semaphore, #tpu.memory_space<semaphore_mem>>)
      %dma_wait3A = arith.constant 0 : i32
      %dma_wait3A_85 = tpu.memref_slice %arg14[%multiple_of3A_62, %dma_wait3A] : memref<10240x128xf32, #tpu.memory_space<vmem_shared>> -> memref<80x128xf32, #tpu.memory_space<vmem_shared>>
      %dma_wait3A_86 = arith.constant 0 : i32
      %dma_wait3A_87 = tpu.memref_slice %arg14[%multiple_of3A_62, %dma_wait3A_86] : memref<10240x128xf32, #tpu.memory_space<vmem_shared>> -> memref<80x128xf32, #tpu.memory_space<vmem_shared>>
      tpu.wait_dma2 semaphore(%run_scoped3A : memref<!tpu.dma_semaphore, #tpu.memory_space<semaphore_mem>>) src(%dma_wait3A_87 : memref<80x128xf32, #tpu.memory_space<vmem_shared>>) dst(%arg9 : memref<80x128xf32, #tpu.memory_space<vmem>>)
      tpu.yield
    }) : () -> ()
    "tpu.region"() ({
      %run_scoped3A = tpu.sem_alloc : memref<!tpu.dma_semaphore, #tpu.memory_space<semaphore_mem>>
      %dma_start3A_81 = arith.constant 0 : i32
      %dma_start3A_82 = tpu.memref_slice %arg4[%arg0, %multiple_of3A_62, %dma_start3A_81] : memref<2x10240x128xf32, #tpu.memory_space<hbm>> -> memref<1x80x128xf32, #tpu.memory_space<hbm>>
      %dma_start3A_83 = tpu.memref_squeeze %dma_start3A_82 : memref<1x80x128xf32, #tpu.memory_space<hbm>> -> memref<80x128xf32, #tpu.memory_space<hbm>>
      %dma_start3A_84 = arith.constant 0 : i32
      %dma_start3A_85 = tpu.memref_slice %arg4[%arg0, %multiple_of3A_62, %dma_start3A_84] : memref<2x10240x128xf32, #tpu.memory_space<hbm>> -> memref<1x80x128xf32, #tpu.memory_space<hbm>>
      %dma_start3A_86 = tpu.memref_squeeze %dma_start3A_85 : memref<1x80x128xf32, #tpu.memory_space<hbm>> -> memref<80x128xf32, #tpu.memory_space<hbm>>
      tpu.enqueue_dma source(%arg9 : memref<80x128xf32, #tpu.memory_space<vmem>>) target(%dma_start3A_86 : memref<80x128xf32, #tpu.memory_space<hbm>>) target_semaphore(%run_scoped3A : memref<!tpu.dma_semaphore, #tpu.memory_space<semaphore_mem>>)
      %dma_wait3A = arith.constant 0 : i32
      %dma_wait3A_87 = tpu.memref_slice %arg4[%arg0, %multiple_of3A_62, %dma_wait3A] : memref<2x10240x128xf32, #tpu.memory_space<hbm>> -> memref<1x80x128xf32, #tpu.memory_space<hbm>>
      %dma_wait3A_88 = tpu.memref_squeeze %dma_wait3A_87 : memref<1x80x128xf32, #tpu.memory_space<hbm>> -> memref<80x128xf32, #tpu.memory_space<hbm>>
      %dma_wait3A_89 = arith.constant 0 : i32
      %dma_wait3A_90 = tpu.memref_slice %arg4[%arg0, %multiple_of3A_62, %dma_wait3A_89] : memref<2x10240x128xf32, #tpu.memory_space<hbm>> -> memref<1x80x128xf32, #tpu.memory_space<hbm>>
      %dma_wait3A_91 = tpu.memref_squeeze %dma_wait3A_90 : memref<1x80x128xf32, #tpu.memory_space<hbm>> -> memref<80x128xf32, #tpu.memory_space<hbm>>
      tpu.wait_dma2 semaphore(%run_scoped3A : memref<!tpu.dma_semaphore, #tpu.memory_space<semaphore_mem>>) src(%arg9 : memref<80x128xf32, #tpu.memory_space<vmem>>) dst(%dma_wait3A_91 : memref<80x128xf32, #tpu.memory_space<hbm>>)
      tpu.yield
    }) : () -> ()
    %add3A_63 = arith.constant 160 : i32
    %add3A_64 = arith.addi %multiple_of3A, %add3A_63 : i32
    %multiple_of3A_65 = tpu.assume_multiple %add3A_64, 8 : i32
    "tpu.region"() ({
      %run_scoped3A = tpu.sem_alloc : memref<!tpu.dma_semaphore, #tpu.memory_space<semaphore_mem>>
      %dma_start3A_81 = arith.constant 0 : i32
      %dma_start3A_82 = tpu.memref_slice %arg14[%multiple_of3A_65, %dma_start3A_81] : memref<10240x128xf32, #tpu.memory_space<vmem_shared>> -> memref<80x128xf32, #tpu.memory_space<vmem_shared>>
      %dma_start3A_83 = arith.constant 0 : i32
      %dma_start3A_84 = tpu.memref_slice %arg14[%multiple_of3A_65, %dma_start3A_83] : memref<10240x128xf32, #tpu.memory_space<vmem_shared>> -> memref<80x128xf32, #tpu.memory_space<vmem_shared>>
      tpu.enqueue_dma source(%dma_start3A_84 : memref<80x128xf32, #tpu.memory_space<vmem_shared>>) target(%arg9 : memref<80x128xf32, #tpu.memory_space<vmem>>) target_semaphore(%run_scoped3A : memref<!tpu.dma_semaphore, #tpu.memory_space<semaphore_mem>>)
      %dma_wait3A = arith.constant 0 : i32
      %dma_wait3A_85 = tpu.memref_slice %arg14[%multiple_of3A_65, %dma_wait3A] : memref<10240x128xf32, #tpu.memory_space<vmem_shared>> -> memref<80x128xf32, #tpu.memory_space<vmem_shared>>
      %dma_wait3A_86 = arith.constant 0 : i32
      %dma_wait3A_87 = tpu.memref_slice %arg14[%multiple_of3A_65, %dma_wait3A_86] : memref<10240x128xf32, #tpu.memory_space<vmem_shared>> -> memref<80x128xf32, #tpu.memory_space<vmem_shared>>
      tpu.wait_dma2 semaphore(%run_scoped3A : memref<!tpu.dma_semaphore, #tpu.memory_space<semaphore_mem>>) src(%dma_wait3A_87 : memref<80x128xf32, #tpu.memory_space<vmem_shared>>) dst(%arg9 : memref<80x128xf32, #tpu.memory_space<vmem>>)
      tpu.yield
    }) : () -> ()
    "tpu.region"() ({
      %run_scoped3A = tpu.sem_alloc : memref<!tpu.dma_semaphore, #tpu.memory_space<semaphore_mem>>
      %dma_start3A_81 = arith.constant 0 : i32
      %dma_start3A_82 = tpu.memref_slice %arg4[%arg0, %multiple_of3A_65, %dma_start3A_81] : memref<2x10240x128xf32, #tpu.memory_space<hbm>> -> memref<1x80x128xf32, #tpu.memory_space<hbm>>
      %dma_start3A_83 = tpu.memref_squeeze %dma_start3A_82 : memref<1x80x128xf32, #tpu.memory_space<hbm>> -> memref<80x128xf32, #tpu.memory_space<hbm>>
      %dma_start3A_84 = arith.constant 0 : i32
      %dma_start3A_85 = tpu.memref_slice %arg4[%arg0, %multiple_of3A_65, %dma_start3A_84] : memref<2x10240x128xf32, #tpu.memory_space<hbm>> -> memref<1x80x128xf32, #tpu.memory_space<hbm>>
      %dma_start3A_86 = tpu.memref_squeeze %dma_start3A_85 : memref<1x80x128xf32, #tpu.memory_space<hbm>> -> memref<80x128xf32, #tpu.memory_space<hbm>>
      tpu.enqueue_dma source(%arg9 : memref<80x128xf32, #tpu.memory_space<vmem>>) target(%dma_start3A_86 : memref<80x128xf32, #tpu.memory_space<hbm>>) target_semaphore(%run_scoped3A : memref<!tpu.dma_semaphore, #tpu.memory_space<semaphore_mem>>)
      %dma_wait3A = arith.constant 0 : i32
      %dma_wait3A_87 = tpu.memref_slice %arg4[%arg0, %multiple_of3A_65, %dma_wait3A] : memref<2x10240x128xf32, #tpu.memory_space<hbm>> -> memref<1x80x128xf32, #tpu.memory_space<hbm>>
      %dma_wait3A_88 = tpu.memref_squeeze %dma_wait3A_87 : memref<1x80x128xf32, #tpu.memory_space<hbm>> -> memref<80x128xf32, #tpu.memory_space<hbm>>
      %dma_wait3A_89 = arith.constant 0 : i32
      %dma_wait3A_90 = tpu.memref_slice %arg4[%arg0, %multiple_of3A_65, %dma_wait3A_89] : memref<2x10240x128xf32, #tpu.memory_space<hbm>> -> memref<1x80x128xf32, #tpu.memory_space<hbm>>
      %dma_wait3A_91 = tpu.memref_squeeze %dma_wait3A_90 : memref<1x80x128xf32, #tpu.memory_space<hbm>> -> memref<80x128xf32, #tpu.memory_space<hbm>>
      tpu.wait_dma2 semaphore(%run_scoped3A : memref<!tpu.dma_semaphore, #tpu.memory_space<semaphore_mem>>) src(%arg9 : memref<80x128xf32, #tpu.memory_space<vmem>>) dst(%dma_wait3A_91 : memref<80x128xf32, #tpu.memory_space<hbm>>)
      tpu.yield
    }) : () -> ()
    %add3A_66 = arith.constant 240 : i32
    %add3A_67 = arith.addi %multiple_of3A, %add3A_66 : i32
    %multiple_of3A_68 = tpu.assume_multiple %add3A_67, 8 : i32
    "tpu.region"() ({
      %run_scoped3A = tpu.sem_alloc : memref<!tpu.dma_semaphore, #tpu.memory_space<semaphore_mem>>
      %dma_start3A_81 = arith.constant 0 : i32
      %dma_start3A_82 = tpu.memref_slice %arg14[%multiple_of3A_68, %dma_start3A_81] : memref<10240x128xf32, #tpu.memory_space<vmem_shared>> -> memref<80x128xf32, #tpu.memory_space<vmem_shared>>
      %dma_start3A_83 = arith.constant 0 : i32
      %dma_start3A_84 = tpu.memref_slice %arg14[%multiple_of3A_68, %dma_start3A_83] : memref<10240x128xf32, #tpu.memory_space<vmem_shared>> -> memref<80x128xf32, #tpu.memory_space<vmem_shared>>
      tpu.enqueue_dma source(%dma_start3A_84 : memref<80x128xf32, #tpu.memory_space<vmem_shared>>) target(%arg9 : memref<80x128xf32, #tpu.memory_space<vmem>>) target_semaphore(%run_scoped3A : memref<!tpu.dma_semaphore, #tpu.memory_space<semaphore_mem>>)
      %dma_wait3A = arith.constant 0 : i32
      %dma_wait3A_85 = tpu.memref_slice %arg14[%multiple_of3A_68, %dma_wait3A] : memref<10240x128xf32, #tpu.memory_space<vmem_shared>> -> memref<80x128xf32, #tpu.memory_space<vmem_shared>>
      %dma_wait3A_86 = arith.constant 0 : i32
      %dma_wait3A_87 = tpu.memref_slice %arg14[%multiple_of3A_68, %dma_wait3A_86] : memref<10240x128xf32, #tpu.memory_space<vmem_shared>> -> memref<80x128xf32, #tpu.memory_space<vmem_shared>>
      tpu.wait_dma2 semaphore(%run_scoped3A : memref<!tpu.dma_semaphore, #tpu.memory_space<semaphore_mem>>) src(%dma_wait3A_87 : memref<80x128xf32, #tpu.memory_space<vmem_shared>>) dst(%arg9 : memref<80x128xf32, #tpu.memory_space<vmem>>)
      tpu.yield
    }) : () -> ()
    "tpu.region"() ({
      %run_scoped3A = tpu.sem_alloc : memref<!tpu.dma_semaphore, #tpu.memory_space<semaphore_mem>>
      %dma_start3A_81 = arith.constant 0 : i32
      %dma_start3A_82 = tpu.memref_slice %arg4[%arg0, %multiple_of3A_68, %dma_start3A_81] : memref<2x10240x128xf32, #tpu.memory_space<hbm>> -> memref<1x80x128xf32, #tpu.memory_space<hbm>>
      %dma_start3A_83 = tpu.memref_squeeze %dma_start3A_82 : memref<1x80x128xf32, #tpu.memory_space<hbm>> -> memref<80x128xf32, #tpu.memory_space<hbm>>
      %dma_start3A_84 = arith.constant 0 : i32
      %dma_start3A_85 = tpu.memref_slice %arg4[%arg0, %multiple_of3A_68, %dma_start3A_84] : memref<2x10240x128xf32, #tpu.memory_space<hbm>> -> memref<1x80x128xf32, #tpu.memory_space<hbm>>
      %dma_start3A_86 = tpu.memref_squeeze %dma_start3A_85 : memref<1x80x128xf32, #tpu.memory_space<hbm>> -> memref<80x128xf32, #tpu.memory_space<hbm>>
      tpu.enqueue_dma source(%arg9 : memref<80x128xf32, #tpu.memory_space<vmem>>) target(%dma_start3A_86 : memref<80x128xf32, #tpu.memory_space<hbm>>) target_semaphore(%run_scoped3A : memref<!tpu.dma_semaphore, #tpu.memory_space<semaphore_mem>>)
      %dma_wait3A = arith.constant 0 : i32
      %dma_wait3A_87 = tpu.memref_slice %arg4[%arg0, %multiple_of3A_68, %dma_wait3A] : memref<2x10240x128xf32, #tpu.memory_space<hbm>> -> memref<1x80x128xf32, #tpu.memory_space<hbm>>
      %dma_wait3A_88 = tpu.memref_squeeze %dma_wait3A_87 : memref<1x80x128xf32, #tpu.memory_space<hbm>> -> memref<80x128xf32, #tpu.memory_space<hbm>>
      %dma_wait3A_89 = arith.constant 0 : i32
      %dma_wait3A_90 = tpu.memref_slice %arg4[%arg0, %multiple_of3A_68, %dma_wait3A_89] : memref<2x10240x128xf32, #tpu.memory_space<hbm>> -> memref<1x80x128xf32, #tpu.memory_space<hbm>>
      %dma_wait3A_91 = tpu.memref_squeeze %dma_wait3A_90 : memref<1x80x128xf32, #tpu.memory_space<hbm>> -> memref<80x128xf32, #tpu.memory_space<hbm>>
      tpu.wait_dma2 semaphore(%run_scoped3A : memref<!tpu.dma_semaphore, #tpu.memory_space<semaphore_mem>>) src(%arg9 : memref<80x128xf32, #tpu.memory_space<vmem>>) dst(%dma_wait3A_91 : memref<80x128xf32, #tpu.memory_space<hbm>>)
      tpu.yield
    }) : () -> ()
    %add3A_69 = arith.constant 320 : i32
    %add3A_70 = arith.addi %multiple_of3A, %add3A_69 : i32
    %multiple_of3A_71 = tpu.assume_multiple %add3A_70, 8 : i32
    "tpu.region"() ({
      %run_scoped3A = tpu.sem_alloc : memref<!tpu.dma_semaphore, #tpu.memory_space<semaphore_mem>>
      %dma_start3A_81 = arith.constant 0 : i32
      %dma_start3A_82 = tpu.memref_slice %arg14[%multiple_of3A_71, %dma_start3A_81] : memref<10240x128xf32, #tpu.memory_space<vmem_shared>> -> memref<80x128xf32, #tpu.memory_space<vmem_shared>>
      %dma_start3A_83 = arith.constant 0 : i32
      %dma_start3A_84 = tpu.memref_slice %arg14[%multiple_of3A_71, %dma_start3A_83] : memref<10240x128xf32, #tpu.memory_space<vmem_shared>> -> memref<80x128xf32, #tpu.memory_space<vmem_shared>>
      tpu.enqueue_dma source(%dma_start3A_84 : memref<80x128xf32, #tpu.memory_space<vmem_shared>>) target(%arg9 : memref<80x128xf32, #tpu.memory_space<vmem>>) target_semaphore(%run_scoped3A : memref<!tpu.dma_semaphore, #tpu.memory_space<semaphore_mem>>)
      %dma_wait3A = arith.constant 0 : i32
      %dma_wait3A_85 = tpu.memref_slice %arg14[%multiple_of3A_71, %dma_wait3A] : memref<10240x128xf32, #tpu.memory_space<vmem_shared>> -> memref<80x128xf32, #tpu.memory_space<vmem_shared>>
      %dma_wait3A_86 = arith.constant 0 : i32
      %dma_wait3A_87 = tpu.memref_slice %arg14[%multiple_of3A_71, %dma_wait3A_86] : memref<10240x128xf32, #tpu.memory_space<vmem_shared>> -> memref<80x128xf32, #tpu.memory_space<vmem_shared>>
      tpu.wait_dma2 semaphore(%run_scoped3A : memref<!tpu.dma_semaphore, #tpu.memory_space<semaphore_mem>>) src(%dma_wait3A_87 : memref<80x128xf32, #tpu.memory_space<vmem_shared>>) dst(%arg9 : memref<80x128xf32, #tpu.memory_space<vmem>>)
      tpu.yield
    }) : () -> ()
    "tpu.region"() ({
      %run_scoped3A = tpu.sem_alloc : memref<!tpu.dma_semaphore, #tpu.memory_space<semaphore_mem>>
      %dma_start3A_81 = arith.constant 0 : i32
      %dma_start3A_82 = tpu.memref_slice %arg4[%arg0, %multiple_of3A_71, %dma_start3A_81] : memref<2x10240x128xf32, #tpu.memory_space<hbm>> -> memref<1x80x128xf32, #tpu.memory_space<hbm>>
      %dma_start3A_83 = tpu.memref_squeeze %dma_start3A_82 : memref<1x80x128xf32, #tpu.memory_space<hbm>> -> memref<80x128xf32, #tpu.memory_space<hbm>>
      %dma_start3A_84 = arith.constant 0 : i32
      %dma_start3A_85 = tpu.memref_slice %arg4[%arg0, %multiple_of3A_71, %dma_start3A_84] : memref<2x10240x128xf32, #tpu.memory_space<hbm>> -> memref<1x80x128xf32, #tpu.memory_space<hbm>>
      %dma_start3A_86 = tpu.memref_squeeze %dma_start3A_85 : memref<1x80x128xf32, #tpu.memory_space<hbm>> -> memref<80x128xf32, #tpu.memory_space<hbm>>
      tpu.enqueue_dma source(%arg9 : memref<80x128xf32, #tpu.memory_space<vmem>>) target(%dma_start3A_86 : memref<80x128xf32, #tpu.memory_space<hbm>>) target_semaphore(%run_scoped3A : memref<!tpu.dma_semaphore, #tpu.memory_space<semaphore_mem>>)
      %dma_wait3A = arith.constant 0 : i32
      %dma_wait3A_87 = tpu.memref_slice %arg4[%arg0, %multiple_of3A_71, %dma_wait3A] : memref<2x10240x128xf32, #tpu.memory_space<hbm>> -> memref<1x80x128xf32, #tpu.memory_space<hbm>>
      %dma_wait3A_88 = tpu.memref_squeeze %dma_wait3A_87 : memref<1x80x128xf32, #tpu.memory_space<hbm>> -> memref<80x128xf32, #tpu.memory_space<hbm>>
      %dma_wait3A_89 = arith.constant 0 : i32
      %dma_wait3A_90 = tpu.memref_slice %arg4[%arg0, %multiple_of3A_71, %dma_wait3A_89] : memref<2x10240x128xf32, #tpu.memory_space<hbm>> -> memref<1x80x128xf32, #tpu.memory_space<hbm>>
      %dma_wait3A_91 = tpu.memref_squeeze %dma_wait3A_90 : memref<1x80x128xf32, #tpu.memory_space<hbm>> -> memref<80x128xf32, #tpu.memory_space<hbm>>
      tpu.wait_dma2 semaphore(%run_scoped3A : memref<!tpu.dma_semaphore, #tpu.memory_space<semaphore_mem>>) src(%arg9 : memref<80x128xf32, #tpu.memory_space<vmem>>) dst(%dma_wait3A_91 : memref<80x128xf32, #tpu.memory_space<hbm>>)
      tpu.yield
    }) : () -> ()
    %add3A_72 = arith.constant 400 : i32
    %add3A_73 = arith.addi %multiple_of3A, %add3A_72 : i32
    %multiple_of3A_74 = tpu.assume_multiple %add3A_73, 8 : i32
    "tpu.region"() ({
      %run_scoped3A = tpu.sem_alloc : memref<!tpu.dma_semaphore, #tpu.memory_space<semaphore_mem>>
      %dma_start3A_81 = arith.constant 0 : i32
      %dma_start3A_82 = tpu.memref_slice %arg14[%multiple_of3A_74, %dma_start3A_81] : memref<10240x128xf32, #tpu.memory_space<vmem_shared>> -> memref<80x128xf32, #tpu.memory_space<vmem_shared>>
      %dma_start3A_83 = arith.constant 0 : i32
      %dma_start3A_84 = tpu.memref_slice %arg14[%multiple_of3A_74, %dma_start3A_83] : memref<10240x128xf32, #tpu.memory_space<vmem_shared>> -> memref<80x128xf32, #tpu.memory_space<vmem_shared>>
      tpu.enqueue_dma source(%dma_start3A_84 : memref<80x128xf32, #tpu.memory_space<vmem_shared>>) target(%arg9 : memref<80x128xf32, #tpu.memory_space<vmem>>) target_semaphore(%run_scoped3A : memref<!tpu.dma_semaphore, #tpu.memory_space<semaphore_mem>>)
      %dma_wait3A = arith.constant 0 : i32
      %dma_wait3A_85 = tpu.memref_slice %arg14[%multiple_of3A_74, %dma_wait3A] : memref<10240x128xf32, #tpu.memory_space<vmem_shared>> -> memref<80x128xf32, #tpu.memory_space<vmem_shared>>
      %dma_wait3A_86 = arith.constant 0 : i32
      %dma_wait3A_87 = tpu.memref_slice %arg14[%multiple_of3A_74, %dma_wait3A_86] : memref<10240x128xf32, #tpu.memory_space<vmem_shared>> -> memref<80x128xf32, #tpu.memory_space<vmem_shared>>
      tpu.wait_dma2 semaphore(%run_scoped3A : memref<!tpu.dma_semaphore, #tpu.memory_space<semaphore_mem>>) src(%dma_wait3A_87 : memref<80x128xf32, #tpu.memory_space<vmem_shared>>) dst(%arg9 : memref<80x128xf32, #tpu.memory_space<vmem>>)
      tpu.yield
    }) : () -> ()
    "tpu.region"() ({
      %run_scoped3A = tpu.sem_alloc : memref<!tpu.dma_semaphore, #tpu.memory_space<semaphore_mem>>
      %dma_start3A_81 = arith.constant 0 : i32
      %dma_start3A_82 = tpu.memref_slice %arg4[%arg0, %multiple_of3A_74, %dma_start3A_81] : memref<2x10240x128xf32, #tpu.memory_space<hbm>> -> memref<1x80x128xf32, #tpu.memory_space<hbm>>
      %dma_start3A_83 = tpu.memref_squeeze %dma_start3A_82 : memref<1x80x128xf32, #tpu.memory_space<hbm>> -> memref<80x128xf32, #tpu.memory_space<hbm>>
      %dma_start3A_84 = arith.constant 0 : i32
      %dma_start3A_85 = tpu.memref_slice %arg4[%arg0, %multiple_of3A_74, %dma_start3A_84] : memref<2x10240x128xf32, #tpu.memory_space<hbm>> -> memref<1x80x128xf32, #tpu.memory_space<hbm>>
      %dma_start3A_86 = tpu.memref_squeeze %dma_start3A_85 : memref<1x80x128xf32, #tpu.memory_space<hbm>> -> memref<80x128xf32, #tpu.memory_space<hbm>>
      tpu.enqueue_dma source(%arg9 : memref<80x128xf32, #tpu.memory_space<vmem>>) target(%dma_start3A_86 : memref<80x128xf32, #tpu.memory_space<hbm>>) target_semaphore(%run_scoped3A : memref<!tpu.dma_semaphore, #tpu.memory_space<semaphore_mem>>)
      %dma_wait3A = arith.constant 0 : i32
      %dma_wait3A_87 = tpu.memref_slice %arg4[%arg0, %multiple_of3A_74, %dma_wait3A] : memref<2x10240x128xf32, #tpu.memory_space<hbm>> -> memref<1x80x128xf32, #tpu.memory_space<hbm>>
      %dma_wait3A_88 = tpu.memref_squeeze %dma_wait3A_87 : memref<1x80x128xf32, #tpu.memory_space<hbm>> -> memref<80x128xf32, #tpu.memory_space<hbm>>
      %dma_wait3A_89 = arith.constant 0 : i32
      %dma_wait3A_90 = tpu.memref_slice %arg4[%arg0, %multiple_of3A_74, %dma_wait3A_89] : memref<2x10240x128xf32, #tpu.memory_space<hbm>> -> memref<1x80x128xf32, #tpu.memory_space<hbm>>
      %dma_wait3A_91 = tpu.memref_squeeze %dma_wait3A_90 : memref<1x80x128xf32, #tpu.memory_space<hbm>> -> memref<80x128xf32, #tpu.memory_space<hbm>>
      tpu.wait_dma2 semaphore(%run_scoped3A : memref<!tpu.dma_semaphore, #tpu.memory_space<semaphore_mem>>) src(%arg9 : memref<80x128xf32, #tpu.memory_space<vmem>>) dst(%dma_wait3A_91 : memref<80x128xf32, #tpu.memory_space<hbm>>)
      tpu.yield
    }) : () -> ()
    %add3A_75 = arith.constant 480 : i32
    %add3A_76 = arith.addi %multiple_of3A, %add3A_75 : i32
    %multiple_of3A_77 = tpu.assume_multiple %add3A_76, 8 : i32
    "tpu.region"() ({
      %run_scoped3A = tpu.sem_alloc : memref<!tpu.dma_semaphore, #tpu.memory_space<semaphore_mem>>
      %dma_start3A_81 = arith.constant 0 : i32
      %dma_start3A_82 = tpu.memref_slice %arg14[%multiple_of3A_77, %dma_start3A_81] : memref<10240x128xf32, #tpu.memory_space<vmem_shared>> -> memref<80x128xf32, #tpu.memory_space<vmem_shared>>
      %dma_start3A_83 = arith.constant 0 : i32
      %dma_start3A_84 = tpu.memref_slice %arg14[%multiple_of3A_77, %dma_start3A_83] : memref<10240x128xf32, #tpu.memory_space<vmem_shared>> -> memref<80x128xf32, #tpu.memory_space<vmem_shared>>
      tpu.enqueue_dma source(%dma_start3A_84 : memref<80x128xf32, #tpu.memory_space<vmem_shared>>) target(%arg9 : memref<80x128xf32, #tpu.memory_space<vmem>>) target_semaphore(%run_scoped3A : memref<!tpu.dma_semaphore, #tpu.memory_space<semaphore_mem>>)
      %dma_wait3A = arith.constant 0 : i32
      %dma_wait3A_85 = tpu.memref_slice %arg14[%multiple_of3A_77, %dma_wait3A] : memref<10240x128xf32, #tpu.memory_space<vmem_shared>> -> memref<80x128xf32, #tpu.memory_space<vmem_shared>>
      %dma_wait3A_86 = arith.constant 0 : i32
      %dma_wait3A_87 = tpu.memref_slice %arg14[%multiple_of3A_77, %dma_wait3A_86] : memref<10240x128xf32, #tpu.memory_space<vmem_shared>> -> memref<80x128xf32, #tpu.memory_space<vmem_shared>>
      tpu.wait_dma2 semaphore(%run_scoped3A : memref<!tpu.dma_semaphore, #tpu.memory_space<semaphore_mem>>) src(%dma_wait3A_87 : memref<80x128xf32, #tpu.memory_space<vmem_shared>>) dst(%arg9 : memref<80x128xf32, #tpu.memory_space<vmem>>)
      tpu.yield
    }) : () -> ()
    "tpu.region"() ({
      %run_scoped3A = tpu.sem_alloc : memref<!tpu.dma_semaphore, #tpu.memory_space<semaphore_mem>>
      %dma_start3A_81 = arith.constant 0 : i32
      %dma_start3A_82 = tpu.memref_slice %arg4[%arg0, %multiple_of3A_77, %dma_start3A_81] : memref<2x10240x128xf32, #tpu.memory_space<hbm>> -> memref<1x80x128xf32, #tpu.memory_space<hbm>>
      %dma_start3A_83 = tpu.memref_squeeze %dma_start3A_82 : memref<1x80x128xf32, #tpu.memory_space<hbm>> -> memref<80x128xf32, #tpu.memory_space<hbm>>
      %dma_start3A_84 = arith.constant 0 : i32
      %dma_start3A_85 = tpu.memref_slice %arg4[%arg0, %multiple_of3A_77, %dma_start3A_84] : memref<2x10240x128xf32, #tpu.memory_space<hbm>> -> memref<1x80x128xf32, #tpu.memory_space<hbm>>
      %dma_start3A_86 = tpu.memref_squeeze %dma_start3A_85 : memref<1x80x128xf32, #tpu.memory_space<hbm>> -> memref<80x128xf32, #tpu.memory_space<hbm>>
      tpu.enqueue_dma source(%arg9 : memref<80x128xf32, #tpu.memory_space<vmem>>) target(%dma_start3A_86 : memref<80x128xf32, #tpu.memory_space<hbm>>) target_semaphore(%run_scoped3A : memref<!tpu.dma_semaphore, #tpu.memory_space<semaphore_mem>>)
      %dma_wait3A = arith.constant 0 : i32
      %dma_wait3A_87 = tpu.memref_slice %arg4[%arg0, %multiple_of3A_77, %dma_wait3A] : memref<2x10240x128xf32, #tpu.memory_space<hbm>> -> memref<1x80x128xf32, #tpu.memory_space<hbm>>
      %dma_wait3A_88 = tpu.memref_squeeze %dma_wait3A_87 : memref<1x80x128xf32, #tpu.memory_space<hbm>> -> memref<80x128xf32, #tpu.memory_space<hbm>>
      %dma_wait3A_89 = arith.constant 0 : i32
      %dma_wait3A_90 = tpu.memref_slice %arg4[%arg0, %multiple_of3A_77, %dma_wait3A_89] : memref<2x10240x128xf32, #tpu.memory_space<hbm>> -> memref<1x80x128xf32, #tpu.memory_space<hbm>>
      %dma_wait3A_91 = tpu.memref_squeeze %dma_wait3A_90 : memref<1x80x128xf32, #tpu.memory_space<hbm>> -> memref<80x128xf32, #tpu.memory_space<hbm>>
      tpu.wait_dma2 semaphore(%run_scoped3A : memref<!tpu.dma_semaphore, #tpu.memory_space<semaphore_mem>>) src(%arg9 : memref<80x128xf32, #tpu.memory_space<vmem>>) dst(%dma_wait3A_91 : memref<80x128xf32, #tpu.memory_space<hbm>>)
      tpu.yield
    }) : () -> ()
    %add3A_78 = arith.constant 560 : i32
    %add3A_79 = arith.addi %multiple_of3A, %add3A_78 : i32
    %multiple_of3A_80 = tpu.assume_multiple %add3A_79, 8 : i32
    "tpu.region"() ({
      %run_scoped3A = tpu.sem_alloc : memref<!tpu.dma_semaphore, #tpu.memory_space<semaphore_mem>>
      %dma_start3A_81 = arith.constant 0 : i32
      %dma_start3A_82 = tpu.memref_slice %arg14[%multiple_of3A_80, %dma_start3A_81] : memref<10240x128xf32, #tpu.memory_space<vmem_shared>> -> memref<80x128xf32, #tpu.memory_space<vmem_shared>>
      %dma_start3A_83 = arith.constant 0 : i32
      %dma_start3A_84 = tpu.memref_slice %arg14[%multiple_of3A_80, %dma_start3A_83] : memref<10240x128xf32, #tpu.memory_space<vmem_shared>> -> memref<80x128xf32, #tpu.memory_space<vmem_shared>>
      tpu.enqueue_dma source(%dma_start3A_84 : memref<80x128xf32, #tpu.memory_space<vmem_shared>>) target(%arg9 : memref<80x128xf32, #tpu.memory_space<vmem>>) target_semaphore(%run_scoped3A : memref<!tpu.dma_semaphore, #tpu.memory_space<semaphore_mem>>)
      %dma_wait3A = arith.constant 0 : i32
      %dma_wait3A_85 = tpu.memref_slice %arg14[%multiple_of3A_80, %dma_wait3A] : memref<10240x128xf32, #tpu.memory_space<vmem_shared>> -> memref<80x128xf32, #tpu.memory_space<vmem_shared>>
      %dma_wait3A_86 = arith.constant 0 : i32
      %dma_wait3A_87 = tpu.memref_slice %arg14[%multiple_of3A_80, %dma_wait3A_86] : memref<10240x128xf32, #tpu.memory_space<vmem_shared>> -> memref<80x128xf32, #tpu.memory_space<vmem_shared>>
      tpu.wait_dma2 semaphore(%run_scoped3A : memref<!tpu.dma_semaphore, #tpu.memory_space<semaphore_mem>>) src(%dma_wait3A_87 : memref<80x128xf32, #tpu.memory_space<vmem_shared>>) dst(%arg9 : memref<80x128xf32, #tpu.memory_space<vmem>>)
      tpu.yield
    }) : () -> ()
    "tpu.region"() ({
      %run_scoped3A = tpu.sem_alloc : memref<!tpu.dma_semaphore, #tpu.memory_space<semaphore_mem>>
      %dma_start3A_81 = arith.constant 0 : i32
      %dma_start3A_82 = tpu.memref_slice %arg4[%arg0, %multiple_of3A_80, %dma_start3A_81] : memref<2x10240x128xf32, #tpu.memory_space<hbm>> -> memref<1x80x128xf32, #tpu.memory_space<hbm>>
      %dma_start3A_83 = tpu.memref_squeeze %dma_start3A_82 : memref<1x80x128xf32, #tpu.memory_space<hbm>> -> memref<80x128xf32, #tpu.memory_space<hbm>>
      %dma_start3A_84 = arith.constant 0 : i32
      %dma_start3A_85 = tpu.memref_slice %arg4[%arg0, %multiple_of3A_80, %dma_start3A_84] : memref<2x10240x128xf32, #tpu.memory_space<hbm>> -> memref<1x80x128xf32, #tpu.memory_space<hbm>>
      %dma_start3A_86 = tpu.memref_squeeze %dma_start3A_85 : memref<1x80x128xf32, #tpu.memory_space<hbm>> -> memref<80x128xf32, #tpu.memory_space<hbm>>
      tpu.enqueue_dma source(%arg9 : memref<80x128xf32, #tpu.memory_space<vmem>>) target(%dma_start3A_86 : memref<80x128xf32, #tpu.memory_space<hbm>>) target_semaphore(%run_scoped3A : memref<!tpu.dma_semaphore, #tpu.memory_space<semaphore_mem>>)
      %dma_wait3A = arith.constant 0 : i32
      %dma_wait3A_87 = tpu.memref_slice %arg4[%arg0, %multiple_of3A_80, %dma_wait3A] : memref<2x10240x128xf32, #tpu.memory_space<hbm>> -> memref<1x80x128xf32, #tpu.memory_space<hbm>>
      %dma_wait3A_88 = tpu.memref_squeeze %dma_wait3A_87 : memref<1x80x128xf32, #tpu.memory_space<hbm>> -> memref<80x128xf32, #tpu.memory_space<hbm>>
      %dma_wait3A_89 = arith.constant 0 : i32
      %dma_wait3A_90 = tpu.memref_slice %arg4[%arg0, %multiple_of3A_80, %dma_wait3A_89] : memref<2x10240x128xf32, #tpu.memory_space<hbm>> -> memref<1x80x128xf32, #tpu.memory_space<hbm>>
      %dma_wait3A_91 = tpu.memref_squeeze %dma_wait3A_90 : memref<1x80x128xf32, #tpu.memory_space<hbm>> -> memref<80x128xf32, #tpu.memory_space<hbm>>
      tpu.wait_dma2 semaphore(%run_scoped3A : memref<!tpu.dma_semaphore, #tpu.memory_space<semaphore_mem>>) src(%arg9 : memref<80x128xf32, #tpu.memory_space<vmem>>) dst(%dma_wait3A_91 : memref<80x128xf32, #tpu.memory_space<hbm>>)
      tpu.yield
    }) : () -> ()
    return
  }
}

#map = affine_map<(d0, d1) -> (0, 0)>
#map1 = affine_map<(d0, d1) -> (0)>
#map2 = affine_map<(d0, d1) -> (0, 0, 0)>
module attributes {stable_mosaic.version = 14 : i64} {
  func.func @body(%arg0: i32, %arg1: i32, %arg2: memref<320000x128xf32, #tpu.memory_space<hbm>>, %arg3: memref<320000xi32, #tpu.memory_space<hbm>>, %arg4: memref<2x10240x128xf32, #tpu.memory_space<hbm>>, %arg5: memref<80xi32, #tpu.memory_space<vmem>>, %arg6: memref<80xi32, #tpu.memory_space<vmem>>, %arg7: memref<80x128xf32, #tpu.memory_space<vmem>>, %arg8: memref<80x128xf32, #tpu.memory_space<vmem>>, %arg9: memref<80x128xf32, #tpu.memory_space<vmem>>, %arg10: memref<!tpu.dma_semaphore, #tpu.memory_space<semaphore_mem>>, %arg11: memref<!tpu.dma_semaphore, #tpu.memory_space<semaphore_mem>>, %arg12: memref<!tpu.dma_semaphore, #tpu.memory_space<semaphore_mem>>, %arg13: memref<!tpu.dma_semaphore, #tpu.memory_space<semaphore_mem>>, %arg14: memref<10240x128xf32, #tpu.memory_space<vmem_shared>>) attributes {dimension_semantics = [#tpu.dimension_semantics<core_parallel>, #tpu.dimension_semantics<subcore_parallel>], iteration_bounds = array<i64: 2, 16>, scalar_prefetch = 0 : i64, scratch_operands = 10 : i64, tpu.core_type = #tpu.core_type<sc_vector_subcore>, window_params = [{transform_indices = #map}, {transform_indices = #map1}, {transform_indices = #map2}]} {
    %scan3A = arith.constant 0 : i32
    %scan3A_0 = arith.constant 0 : i32
    %scan3A_1 = arith.constant 80 : i32
    %scan3A_2 = arith.addi %scan3A_0, %scan3A_1 : i32
    %scan3A_3 = arith.constant 1 : i32
    scf.for %scan3A_81 = %scan3A_0 to %scan3A_2 step %scan3A_3  : i32 {
      %scan3A_82 = arith.constant 0 : i32
      %scan3A_83 = arith.constant 8 : i32
      %scan3A_84 = arith.addi %scan3A_82, %scan3A_83 : i32
      %scan3A_85 = arith.constant 1 : i32
      scf.for %scan3A_87 = %scan3A_82 to %scan3A_84 step %scan3A_85  : i32 {
        %broadcast_in_dim3A = arith.constant 0.000000e+00 : f32
        %broadcast_in_dim3A_88 = vector.broadcast %broadcast_in_dim3A : f32 to vector<16xf32>
        %mul3A_89 = arith.constant 16 : i32
        %mul3A_90 = arith.muli %scan3A_87, %mul3A_89 : i32
        %swap3A = arith.index_cast %scan3A_81 : i32 to index
        %swap3A_91 = arith.index_cast %mul3A_90 : i32 to index
        %swap3A_92 = tpu.vector_load %arg9[%swap3A, %swap3A_91] {strides = array<i32>} : memref<80x128xf32, #tpu.memory_space<vmem>>, vector<1x16xf32>,
        %swap3A_93 = vector.shape_cast %swap3A_92 : vector<1x16xf32> to vector<16xf32>
        %swap3A_94 = vector.shape_cast %broadcast_in_dim3A_88 : vector<16xf32> to vector<1x16xf32>
        tpu.vector_store %arg9[%swap3A, %swap3A_91], %swap3A_94 {strides = array<i32>} : memref<80x128xf32, #tpu.memory_space<vmem>>, vector<1x16xf32>,
      }
      %scan3A_86 = arith.constant 8 : i32
    }
    %scan3A_4 = arith.constant 80 : i32
    %mul3A = arith.constant 640 : i32
    %mul3A_5 = arith.muli %arg1, %mul3A : i32
    %multiple_of3A = tpu.assume_multiple %mul3A_5, 8 : i32
    %add3A = arith.constant 0 : i32
    %add3A_6 = arith.addi %multiple_of3A, %add3A : i32
    "tpu.region"() ({
      %run_scoped3A = tpu.sem_alloc : memref<!tpu.dma_semaphore, #tpu.memory_space<semaphore_mem>>
      %dma_start3A_81 = arith.constant 0 : i32
      %dma_start3A_82 = tpu.memref_slice %arg14[%add3A_6, %dma_start3A_81] : memref<10240x128xf32, #tpu.memory_space<vmem_shared>> -> memref<80x128xf32, #tpu.memory_space<vmem_shared>>
      %dma_start3A_83 = arith.constant 0 : i32
      %dma_start3A_84 = tpu.memref_slice %arg14[%add3A_6, %dma_start3A_83] : memref<10240x128xf32, #tpu.memory_space<vmem_shared>> -> memref<80x128xf32, #tpu.memory_space<vmem_shared>>
      tpu.enqueue_dma source(%arg9 : memref<80x128xf32, #tpu.memory_space<vmem>>) target(%dma_start3A_84 : memref<80x128xf32, #tpu.memory_space<vmem_shared>>) target_semaphore(%run_scoped3A : memref<!tpu.dma_semaphore, #tpu.memory_space<semaphore_mem>>)
      %dma_wait3A = arith.constant 0 : i32
      %dma_wait3A_85 = tpu.memref_slice %arg14[%add3A_6, %dma_wait3A] : memref<10240x128xf32, #tpu.memory_space<vmem_shared>> -> memref<80x128xf32, #tpu.memory_space<vmem_shared>>
      %dma_wait3A_86 = arith.constant 0 : i32
      %dma_wait3A_87 = tpu.memref_slice %arg14[%add3A_6, %dma_wait3A_86] : memref<10240x128xf32, #tpu.memory_space<vmem_shared>> -> memref<80x128xf32, #tpu.memory_space<vmem_shared>>
      tpu.wait_dma2 semaphore(%run_scoped3A : memref<!tpu.dma_semaphore, #tpu.memory_space<semaphore_mem>>) src(%arg9 : memref<80x128xf32, #tpu.memory_space<vmem>>) dst(%dma_wait3A_87 : memref<80x128xf32, #tpu.memory_space<vmem_shared>>)
      tpu.yield
    }) : () -> ()
    %add3A_7 = arith.constant 80 : i32
    %add3A_8 = arith.addi %multiple_of3A, %add3A_7 : i32
    "tpu.region"() ({
      %run_scoped3A = tpu.sem_alloc : memref<!tpu.dma_semaphore, #tpu.memory_space<semaphore_mem>>
      %dma_start3A_81 = arith.constant 0 : i32
      %dma_start3A_82 = tpu.memref_slice %arg14[%add3A_8, %dma_start3A_81] : memref<10240x128xf32, #tpu.memory_space<vmem_shared>> -> memref<80x128xf32, #tpu.memory_space<vmem_shared>>
      %dma_start3A_83 = arith.constant 0 : i32
      %dma_start3A_84 = tpu.memref_slice %arg14[%add3A_8, %dma_start3A_83] : memref<10240x128xf32, #tpu.memory_space<vmem_shared>> -> memref<80x128xf32, #tpu.memory_space<vmem_shared>>
      tpu.enqueue_dma source(%arg9 : memref<80x128xf32, #tpu.memory_space<vmem>>) target(%dma_start3A_84 : memref<80x128xf32, #tpu.memory_space<vmem_shared>>) target_semaphore(%run_scoped3A : memref<!tpu.dma_semaphore, #tpu.memory_space<semaphore_mem>>)
      %dma_wait3A = arith.constant 0 : i32
      %dma_wait3A_85 = tpu.memref_slice %arg14[%add3A_8, %dma_wait3A] : memref<10240x128xf32, #tpu.memory_space<vmem_shared>> -> memref<80x128xf32, #tpu.memory_space<vmem_shared>>
      %dma_wait3A_86 = arith.constant 0 : i32
      %dma_wait3A_87 = tpu.memref_slice %arg14[%add3A_8, %dma_wait3A_86] : memref<10240x128xf32, #tpu.memory_space<vmem_shared>> -> memref<80x128xf32, #tpu.memory_space<vmem_shared>>
      tpu.wait_dma2 semaphore(%run_scoped3A : memref<!tpu.dma_semaphore, #tpu.memory_space<semaphore_mem>>) src(%arg9 : memref<80x128xf32, #tpu.memory_space<vmem>>) dst(%dma_wait3A_87 : memref<80x128xf32, #tpu.memory_space<vmem_shared>>)
      tpu.yield
    }) : () -> ()
    %add3A_9 = arith.constant 160 : i32
    %add3A_10 = arith.addi %multiple_of3A, %add3A_9 : i32
    "tpu.region"() ({
      %run_scoped3A = tpu.sem_alloc : memref<!tpu.dma_semaphore, #tpu.memory_space<semaphore_mem>>
      %dma_start3A_81 = arith.constant 0 : i32
      %dma_start3A_82 = tpu.memref_slice %arg14[%add3A_10, %dma_start3A_81] : memref<10240x128xf32, #tpu.memory_space<vmem_shared>> -> memref<80x128xf32, #tpu.memory_space<vmem_shared>>
      %dma_start3A_83 = arith.constant 0 : i32
      %dma_start3A_84 = tpu.memref_slice %arg14[%add3A_10, %dma_start3A_83] : memref<10240x128xf32, #tpu.memory_space<vmem_shared>> -> memref<80x128xf32, #tpu.memory_space<vmem_shared>>
      tpu.enqueue_dma source(%arg9 : memref<80x128xf32, #tpu.memory_space<vmem>>) target(%dma_start3A_84 : memref<80x128xf32, #tpu.memory_space<vmem_shared>>) target_semaphore(%run_scoped3A : memref<!tpu.dma_semaphore, #tpu.memory_space<semaphore_mem>>)
      %dma_wait3A = arith.constant 0 : i32
      %dma_wait3A_85 = tpu.memref_slice %arg14[%add3A_10, %dma_wait3A] : memref<10240x128xf32, #tpu.memory_space<vmem_shared>> -> memref<80x128xf32, #tpu.memory_space<vmem_shared>>
      %dma_wait3A_86 = arith.constant 0 : i32
      %dma_wait3A_87 = tpu.memref_slice %arg14[%add3A_10, %dma_wait3A_86] : memref<10240x128xf32, #tpu.memory_space<vmem_shared>> -> memref<80x128xf32, #tpu.memory_space<vmem_shared>>
      tpu.wait_dma2 semaphore(%run_scoped3A : memref<!tpu.dma_semaphore, #tpu.memory_space<semaphore_mem>>) src(%arg9 : memref<80x128xf32, #tpu.memory_space<vmem>>) dst(%dma_wait3A_87 : memref<80x128xf32, #tpu.memory_space<vmem_shared>>)
      tpu.yield
    }) : () -> ()
    %add3A_11 = arith.constant 240 : i32
    %add3A_12 = arith.addi %multiple_of3A, %add3A_11 : i32
    "tpu.region"() ({
      %run_scoped3A = tpu.sem_alloc : memref<!tpu.dma_semaphore, #tpu.memory_space<semaphore_mem>>
      %dma_start3A_81 = arith.constant 0 : i32
      %dma_start3A_82 = tpu.memref_slice %arg14[%add3A_12, %dma_start3A_81] : memref<10240x128xf32, #tpu.memory_space<vmem_shared>> -> memref<80x128xf32, #tpu.memory_space<vmem_shared>>
      %dma_start3A_83 = arith.constant 0 : i32
      %dma_start3A_84 = tpu.memref_slice %arg14[%add3A_12, %dma_start3A_83] : memref<10240x128xf32, #tpu.memory_space<vmem_shared>> -> memref<80x128xf32, #tpu.memory_space<vmem_shared>>
      tpu.enqueue_dma source(%arg9 : memref<80x128xf32, #tpu.memory_space<vmem>>) target(%dma_start3A_84 : memref<80x128xf32, #tpu.memory_space<vmem_shared>>) target_semaphore(%run_scoped3A : memref<!tpu.dma_semaphore, #tpu.memory_space<semaphore_mem>>)
      %dma_wait3A = arith.constant 0 : i32
      %dma_wait3A_85 = tpu.memref_slice %arg14[%add3A_12, %dma_wait3A] : memref<10240x128xf32, #tpu.memory_space<vmem_shared>> -> memref<80x128xf32, #tpu.memory_space<vmem_shared>>
      %dma_wait3A_86 = arith.constant 0 : i32
      %dma_wait3A_87 = tpu.memref_slice %arg14[%add3A_12, %dma_wait3A_86] : memref<10240x128xf32, #tpu.memory_space<vmem_shared>> -> memref<80x128xf32, #tpu.memory_space<vmem_shared>>
      tpu.wait_dma2 semaphore(%run_scoped3A : memref<!tpu.dma_semaphore, #tpu.memory_space<semaphore_mem>>) src(%arg9 : memref<80x128xf32, #tpu.memory_space<vmem>>) dst(%dma_wait3A_87 : memref<80x128xf32, #tpu.memory_space<vmem_shared>>)
      tpu.yield
    }) : () -> ()
    %add3A_13 = arith.constant 320 : i32
    %add3A_14 = arith.addi %multiple_of3A, %add3A_13 : i32
    "tpu.region"() ({
      %run_scoped3A = tpu.sem_alloc : memref<!tpu.dma_semaphore, #tpu.memory_space<semaphore_mem>>
      %dma_start3A_81 = arith.constant 0 : i32
      %dma_start3A_82 = tpu.memref_slice %arg14[%add3A_14, %dma_start3A_81] : memref<10240x128xf32, #tpu.memory_space<vmem_shared>> -> memref<80x128xf32, #tpu.memory_space<vmem_shared>>
      %dma_start3A_83 = arith.constant 0 : i32
      %dma_start3A_84 = tpu.memref_slice %arg14[%add3A_14, %dma_start3A_83] : memref<10240x128xf32, #tpu.memory_space<vmem_shared>> -> memref<80x128xf32, #tpu.memory_space<vmem_shared>>
      tpu.enqueue_dma source(%arg9 : memref<80x128xf32, #tpu.memory_space<vmem>>) target(%dma_start3A_84 : memref<80x128xf32, #tpu.memory_space<vmem_shared>>) target_semaphore(%run_scoped3A : memref<!tpu.dma_semaphore, #tpu.memory_space<semaphore_mem>>)
      %dma_wait3A = arith.constant 0 : i32
      %dma_wait3A_85 = tpu.memref_slice %arg14[%add3A_14, %dma_wait3A] : memref<10240x128xf32, #tpu.memory_space<vmem_shared>> -> memref<80x128xf32, #tpu.memory_space<vmem_shared>>
      %dma_wait3A_86 = arith.constant 0 : i32
      %dma_wait3A_87 = tpu.memref_slice %arg14[%add3A_14, %dma_wait3A_86] : memref<10240x128xf32, #tpu.memory_space<vmem_shared>> -> memref<80x128xf32, #tpu.memory_space<vmem_shared>>
      tpu.wait_dma2 semaphore(%run_scoped3A : memref<!tpu.dma_semaphore, #tpu.memory_space<semaphore_mem>>) src(%arg9 : memref<80x128xf32, #tpu.memory_space<vmem>>) dst(%dma_wait3A_87 : memref<80x128xf32, #tpu.memory_space<vmem_shared>>)
      tpu.yield
    }) : () -> ()
    %add3A_15 = arith.constant 400 : i32
    %add3A_16 = arith.addi %multiple_of3A, %add3A_15 : i32
    "tpu.region"() ({
      %run_scoped3A = tpu.sem_alloc : memref<!tpu.dma_semaphore, #tpu.memory_space<semaphore_mem>>
      %dma_start3A_81 = arith.constant 0 : i32
      %dma_start3A_82 = tpu.memref_slice %arg14[%add3A_16, %dma_start3A_81] : memref<10240x128xf32, #tpu.memory_space<vmem_shared>> -> memref<80x128xf32, #tpu.memory_space<vmem_shared>>
      %dma_start3A_83 = arith.constant 0 : i32
      %dma_start3A_84 = tpu.memref_slice %arg14[%add3A_16, %dma_start3A_83] : memref<10240x128xf32, #tpu.memory_space<vmem_shared>> -> memref<80x128xf32, #tpu.memory_space<vmem_shared>>
      tpu.enqueue_dma source(%arg9 : memref<80x128xf32, #tpu.memory_space<vmem>>) target(%dma_start3A_84 : memref<80x128xf32, #tpu.memory_space<vmem_shared>>) target_semaphore(%run_scoped3A : memref<!tpu.dma_semaphore, #tpu.memory_space<semaphore_mem>>)
      %dma_wait3A = arith.constant 0 : i32
      %dma_wait3A_85 = tpu.memref_slice %arg14[%add3A_16, %dma_wait3A] : memref<10240x128xf32, #tpu.memory_space<vmem_shared>> -> memref<80x128xf32, #tpu.memory_space<vmem_shared>>
      %dma_wait3A_86 = arith.constant 0 : i32
      %dma_wait3A_87 = tpu.memref_slice %arg14[%add3A_16, %dma_wait3A_86] : memref<10240x128xf32, #tpu.memory_space<vmem_shared>> -> memref<80x128xf32, #tpu.memory_space<vmem_shared>>
      tpu.wait_dma2 semaphore(%run_scoped3A : memref<!tpu.dma_semaphore, #tpu.memory_space<semaphore_mem>>) src(%arg9 : memref<80x128xf32, #tpu.memory_space<vmem>>) dst(%dma_wait3A_87 : memref<80x128xf32, #tpu.memory_space<vmem_shared>>)
      tpu.yield
    }) : () -> ()
    %add3A_17 = arith.constant 480 : i32
    %add3A_18 = arith.addi %multiple_of3A, %add3A_17 : i32
    "tpu.region"() ({
      %run_scoped3A = tpu.sem_alloc : memref<!tpu.dma_semaphore, #tpu.memory_space<semaphore_mem>>
      %dma_start3A_81 = arith.constant 0 : i32
      %dma_start3A_82 = tpu.memref_slice %arg14[%add3A_18, %dma_start3A_81] : memref<10240x128xf32, #tpu.memory_space<vmem_shared>> -> memref<80x128xf32, #tpu.memory_space<vmem_shared>>
      %dma_start3A_83 = arith.constant 0 : i32
      %dma_start3A_84 = tpu.memref_slice %arg14[%add3A_18, %dma_start3A_83] : memref<10240x128xf32, #tpu.memory_space<vmem_shared>> -> memref<80x128xf32, #tpu.memory_space<vmem_shared>>
      tpu.enqueue_dma source(%arg9 : memref<80x128xf32, #tpu.memory_space<vmem>>) target(%dma_start3A_84 : memref<80x128xf32, #tpu.memory_space<vmem_shared>>) target_semaphore(%run_scoped3A : memref<!tpu.dma_semaphore, #tpu.memory_space<semaphore_mem>>)
      %dma_wait3A = arith.constant 0 : i32
      %dma_wait3A_85 = tpu.memref_slice %arg14[%add3A_18, %dma_wait3A] : memref<10240x128xf32, #tpu.memory_space<vmem_shared>> -> memref<80x128xf32, #tpu.memory_space<vmem_shared>>
      %dma_wait3A_86 = arith.constant 0 : i32
      %dma_wait3A_87 = tpu.memref_slice %arg14[%add3A_18, %dma_wait3A_86] : memref<10240x128xf32, #tpu.memory_space<vmem_shared>> -> memref<80x128xf32, #tpu.memory_space<vmem_shared>>
      tpu.wait_dma2 semaphore(%run_scoped3A : memref<!tpu.dma_semaphore, #tpu.memory_space<semaphore_mem>>) src(%arg9 : memref<80x128xf32, #tpu.memory_space<vmem>>) dst(%dma_wait3A_87 : memref<80x128xf32, #tpu.memory_space<vmem_shared>>)
      tpu.yield
    }) : () -> ()
    %add3A_19 = arith.constant 560 : i32
    %add3A_20 = arith.addi %multiple_of3A, %add3A_19 : i32
    "tpu.region"() ({
      %run_scoped3A = tpu.sem_alloc : memref<!tpu.dma_semaphore, #tpu.memory_space<semaphore_mem>>
      %dma_start3A_81 = arith.constant 0 : i32
      %dma_start3A_82 = tpu.memref_slice %arg14[%add3A_20, %dma_start3A_81] : memref<10240x128xf32, #tpu.memory_space<vmem_shared>> -> memref<80x128xf32, #tpu.memory_space<vmem_shared>>
      %dma_start3A_83 = arith.constant 0 : i32
      %dma_start3A_84 = tpu.memref_slice %arg14[%add3A_20, %dma_start3A_83] : memref<10240x128xf32, #tpu.memory_space<vmem_shared>> -> memref<80x128xf32, #tpu.memory_space<vmem_shared>>
      tpu.enqueue_dma source(%arg9 : memref<80x128xf32, #tpu.memory_space<vmem>>) target(%dma_start3A_84 : memref<80x128xf32, #tpu.memory_space<vmem_shared>>) target_semaphore(%run_scoped3A : memref<!tpu.dma_semaphore, #tpu.memory_space<semaphore_mem>>)
      %dma_wait3A = arith.constant 0 : i32
      %dma_wait3A_85 = tpu.memref_slice %arg14[%add3A_20, %dma_wait3A] : memref<10240x128xf32, #tpu.memory_space<vmem_shared>> -> memref<80x128xf32, #tpu.memory_space<vmem_shared>>
      %dma_wait3A_86 = arith.constant 0 : i32
      %dma_wait3A_87 = tpu.memref_slice %arg14[%add3A_20, %dma_wait3A_86] : memref<10240x128xf32, #tpu.memory_space<vmem_shared>> -> memref<80x128xf32, #tpu.memory_space<vmem_shared>>
      tpu.wait_dma2 semaphore(%run_scoped3A : memref<!tpu.dma_semaphore, #tpu.memory_space<semaphore_mem>>) src(%arg9 : memref<80x128xf32, #tpu.memory_space<vmem>>) dst(%dma_wait3A_87 : memref<80x128xf32, #tpu.memory_space<vmem_shared>>)
      tpu.yield
    }) : () -> ()
    %barrier3A = arith.constant 0 : index
    tpu.barrier barrier_id(%barrier3A)
    %mul3A_21 = arith.constant 16 : i32
    %mul3A_22 = arith.muli %arg0, %mul3A_21 : i32
    %add3A_23 = arith.addi %mul3A_22, %arg1 : i32
    %mul3A_24 = arith.constant 10000 : i32
    %mul3A_25 = arith.muli %add3A_23, %mul3A_24 : i32
    %rem3A = arith.constant 0 : i32
    %rem3A_26 = arith.constant 125 : i32
    %rem3A_27 = arith.remsi %rem3A, %rem3A_26 : i32
    %mul3A_28 = arith.constant 80 : i32
    %mul3A_29 = arith.muli %rem3A_27, %mul3A_28 : i32
    %add3A_30 = arith.addi %mul3A_25, %mul3A_29 : i32
    %multiple_of3A_31 = tpu.assume_multiple %add3A_30, 8 : i32
    %dma_start3A = tpu.memref_slice %arg3[%multiple_of3A_31] : memref<320000xi32, #tpu.memory_space<hbm>> -> memref<80xi32, #tpu.memory_space<hbm>>
    %dma_start3A_32 = tpu.memref_slice %arg3[%multiple_of3A_31] : memref<320000xi32, #tpu.memory_space<hbm>> -> memref<80xi32, #tpu.memory_space<hbm>>
    tpu.enqueue_dma source(%dma_start3A_32 : memref<80xi32, #tpu.memory_space<hbm>>) target(%arg5 : memref<80xi32, #tpu.memory_space<vmem>>) target_semaphore(%arg10 : memref<!tpu.dma_semaphore, #tpu.memory_space<semaphore_mem>>)
    %dma_start3A_33 = arith.constant 0 : i32
    %dma_start3A_34 = tpu.memref_slice %arg2[%multiple_of3A_31, %dma_start3A_33] : memref<320000x128xf32, #tpu.memory_space<hbm>> -> memref<80x128xf32, #tpu.memory_space<hbm>>
    %dma_start3A_35 = arith.constant 0 : i32
    %dma_start3A_36 = tpu.memref_slice %arg2[%multiple_of3A_31, %dma_start3A_35] : memref<320000x128xf32, #tpu.memory_space<hbm>> -> memref<80x128xf32, #tpu.memory_space<hbm>>
    tpu.enqueue_dma source(%dma_start3A_36 : memref<80x128xf32, #tpu.memory_space<hbm>>) target(%arg7 : memref<80x128xf32, #tpu.memory_space<vmem>>) target_semaphore(%arg12 : memref<!tpu.dma_semaphore, #tpu.memory_space<semaphore_mem>>)
    %rem3A_37 = arith.constant 1 : i32
    %rem3A_38 = arith.constant 125 : i32
    %rem3A_39 = arith.remsi %rem3A_37, %rem3A_38 : i32
    %mul3A_40 = arith.constant 80 : i32
    %mul3A_41 = arith.muli %rem3A_39, %mul3A_40 : i32
    %add3A_42 = arith.addi %mul3A_25, %mul3A_41 : i32
    %multiple_of3A_43 = tpu.assume_multiple %add3A_42, 8 : i32
    %dma_start3A_44 = tpu.memref_slice %arg3[%multiple_of3A_43] : memref<320000xi32, #tpu.memory_space<hbm>> -> memref<80xi32, #tpu.memory_space<hbm>>
    %dma_start3A_45 = tpu.memref_slice %arg3[%multiple_of3A_43] : memref<320000xi32, #tpu.memory_space<hbm>> -> memref<80xi32, #tpu.memory_space<hbm>>
    tpu.enqueue_dma source(%dma_start3A_45 : memref<80xi32, #tpu.memory_space<hbm>>) target(%arg6 : memref<80xi32, #tpu.memory_space<vmem>>) target_semaphore(%arg11 : memref<!tpu.dma_semaphore, #tpu.memory_space<semaphore_mem>>)
    %dma_start3A_46 = arith.constant 0 : i32
    %dma_start3A_47 = tpu.memref_slice %arg2[%multiple_of3A_43, %dma_start3A_46] : memref<320000x128xf32, #tpu.memory_space<hbm>> -> memref<80x128xf32, #tpu.memory_space<hbm>>
    %dma_start3A_48 = arith.constant 0 : i32
    %dma_start3A_49 = tpu.memref_slice %arg2[%multiple_of3A_43, %dma_start3A_48] : memref<320000x128xf32, #tpu.memory_space<hbm>> -> memref<80x128xf32, #tpu.memory_space<hbm>>
    tpu.enqueue_dma source(%dma_start3A_49 : memref<80x128xf32, #tpu.memory_space<hbm>>) target(%arg8 : memref<80x128xf32, #tpu.memory_space<vmem>>) target_semaphore(%arg13 : memref<!tpu.dma_semaphore, #tpu.memory_space<semaphore_mem>>)
    %scan3A_50 = arith.constant 0 : i32
    %scan3A_51 = arith.constant 0 : i32
    %scan3A_52 = arith.constant 63 : i32
    %scan3A_53 = arith.addi %scan3A_51, %scan3A_52 : i32
    %scan3A_54 = arith.constant 1 : i32
    scf.for %scan3A_81 = %scan3A_51 to %scan3A_53 step %scan3A_54  : i32 {
      %mul3A_82 = arith.constant 2 : i32
      %mul3A_83 = arith.muli %scan3A_81, %mul3A_82 : i32
      %add3A_84 = arith.constant 0 : i32
      %add3A_85 = arith.addi %mul3A_83, %add3A_84 : i32
      %dma_wait3A = arith.constant 0 : i32
      %dma_wait3A_86 = tpu.memref_slice %arg3[%dma_wait3A] : memref<320000xi32, #tpu.memory_space<hbm>> -> memref<80xi32, #tpu.memory_space<hbm>>
      %dma_wait3A_87 = arith.constant 0 : i32
      %dma_wait3A_88 = tpu.memref_slice %arg3[%dma_wait3A_87] : memref<320000xi32, #tpu.memory_space<hbm>> -> memref<80xi32, #tpu.memory_space<hbm>>
      tpu.wait_dma2 semaphore(%arg10 : memref<!tpu.dma_semaphore, #tpu.memory_space<semaphore_mem>>) src(%dma_wait3A_88 : memref<80xi32, #tpu.memory_space<hbm>>) dst(%arg5 : memref<80xi32, #tpu.memory_space<vmem>>)
      %dma_wait3A_89 = arith.constant 0 : i32
      %dma_wait3A_90 = arith.constant 0 : i32
      %dma_wait3A_91 = tpu.memref_slice %arg2[%dma_wait3A_89, %dma_wait3A_90] : memref<320000x128xf32, #tpu.memory_space<hbm>> -> memref<80x128xf32, #tpu.memory_space<hbm>>
      %dma_wait3A_92 = arith.constant 0 : i32
      %dma_wait3A_93 = arith.constant 0 : i32
      %dma_wait3A_94 = tpu.memref_slice %arg2[%dma_wait3A_92, %dma_wait3A_93] : memref<320000x128xf32, #tpu.memory_space<hbm>> -> memref<80x128xf32, #tpu.memory_space<hbm>>
      tpu.wait_dma2 semaphore(%arg12 : memref<!tpu.dma_semaphore, #tpu.memory_space<semaphore_mem>>) src(%dma_wait3A_94 : memref<80x128xf32, #tpu.memory_space<hbm>>) dst(%arg7 : memref<80x128xf32, #tpu.memory_space<vmem>>)
      "tpu.region"() ({
        %run_scoped3A = tpu.sem_alloc : memref<!tpu.dma_semaphore, #tpu.memory_space<semaphore_mem>>
        %dma_start3A_125 = arith.constant 0 : i32
        %dma_start3A_126 = arith.constant 0 : i32
        %dma_start3A_127 = tpu.memref_slice %arg14[%dma_start3A_125, %dma_start3A_126] : memref<10240x128xf32, #tpu.memory_space<vmem_shared>> -> memref<10240x128xf32, #tpu.memory_space<vmem_shared>>
        tpu.enqueue_indirect_dma source(%arg7 : memref<80x128xf32, #tpu.memory_space<vmem>>) target(%dma_start3A_127 : memref<10240x128xf32, #tpu.memory_space<vmem_shared>>) offsets(%arg5 : memref<80xi32, #tpu.memory_space<vmem>>) semaphore(%run_scoped3A : memref<!tpu.dma_semaphore, #tpu.memory_space<semaphore_mem>>) {add = true}
        %dma_wait3A_128 = arith.constant 0 : i32
        %dma_wait3A_129 = arith.constant 0 : i32
        %dma_wait3A_130 = tpu.memref_slice %arg14[%dma_wait3A_128, %dma_wait3A_129] : memref<10240x128xf32, #tpu.memory_space<vmem_shared>> -> memref<10240x128xf32, #tpu.memory_space<vmem_shared>>
        tpu.wait_indirect_dma semaphore(%run_scoped3A : memref<!tpu.dma_semaphore, #tpu.memory_space<semaphore_mem>>) src(%arg7 : memref<80x128xf32, #tpu.memory_space<vmem>>) dst(%dma_wait3A_130 : memref<10240x128xf32, #tpu.memory_space<vmem_shared>>)
        tpu.yield
      }) : () -> ()
      %add3A_95 = arith.constant 2 : i32
      %add3A_96 = arith.addi %add3A_85, %add3A_95 : i32
      %lt3A = arith.constant 126 : i32
      %lt3A_97 = arith.cmpi slt, %add3A_96, %lt3A : i32
      %convert_element_type3A = arith.extui %lt3A_97 : i1 to i32
      %cond3A = arith.constant 0 : i32
      %cond3A_98 = arith.cmpi ne, %convert_element_type3A, %cond3A : i32
      scf.if %cond3A_98 {
        %add3A_125 = arith.constant 2 : i32
        %add3A_126 = arith.addi %add3A_85, %add3A_125 : i32
        %rem3A_127 = arith.constant 125 : i32
        %rem3A_128 = arith.remsi %add3A_126, %rem3A_127 : i32
        %mul3A_129 = arith.constant 80 : i32
        %mul3A_130 = arith.muli %rem3A_128, %mul3A_129 : i32
        %add3A_131 = arith.addi %mul3A_25, %mul3A_130 : i32
        %multiple_of3A_132 = tpu.assume_multiple %add3A_131, 8 : i32
        %dma_start3A_133 = tpu.memref_slice %arg3[%multiple_of3A_132] : memref<320000xi32, #tpu.memory_space<hbm>> -> memref<80xi32, #tpu.memory_space<hbm>>
        %dma_start3A_134 = tpu.memref_slice %arg3[%multiple_of3A_132] : memref<320000xi32, #tpu.memory_space<hbm>> -> memref<80xi32, #tpu.memory_space<hbm>>
        tpu.enqueue_dma source(%dma_start3A_134 : memref<80xi32, #tpu.memory_space<hbm>>) target(%arg5 : memref<80xi32, #tpu.memory_space<vmem>>) target_semaphore(%arg10 : memref<!tpu.dma_semaphore, #tpu.memory_space<semaphore_mem>>)
        %dma_start3A_135 = arith.constant 0 : i32
        %dma_start3A_136 = tpu.memref_slice %arg2[%multiple_of3A_132, %dma_start3A_135] : memref<320000x128xf32, #tpu.memory_space<hbm>> -> memref<80x128xf32, #tpu.memory_space<hbm>>
        %dma_start3A_137 = arith.constant 0 : i32
        %dma_start3A_138 = tpu.memref_slice %arg2[%multiple_of3A_132, %dma_start3A_137] : memref<320000x128xf32, #tpu.memory_space<hbm>> -> memref<80x128xf32, #tpu.memory_space<hbm>>
        tpu.enqueue_dma source(%dma_start3A_138 : memref<80x128xf32, #tpu.memory_space<hbm>>) target(%arg7 : memref<80x128xf32, #tpu.memory_space<vmem>>) target_semaphore(%arg12 : memref<!tpu.dma_semaphore, #tpu.memory_space<semaphore_mem>>)
      } else {
      }
      %mul3A_99 = arith.constant 2 : i32
      %mul3A_100 = arith.muli %scan3A_81, %mul3A_99 : i32
      %add3A_101 = arith.constant 1 : i32
      %add3A_102 = arith.addi %mul3A_100, %add3A_101 : i32
      %dma_wait3A_103 = arith.constant 0 : i32
      %dma_wait3A_104 = tpu.memref_slice %arg3[%dma_wait3A_103] : memref<320000xi32, #tpu.memory_space<hbm>> -> memref<80xi32, #tpu.memory_space<hbm>>
      %dma_wait3A_105 = arith.constant 0 : i32
      %dma_wait3A_106 = tpu.memref_slice %arg3[%dma_wait3A_105] : memref<320000xi32, #tpu.memory_space<hbm>> -> memref<80xi32, #tpu.memory_space<hbm>>
      tpu.wait_dma2 semaphore(%arg11 : memref<!tpu.dma_semaphore, #tpu.memory_space<semaphore_mem>>) src(%dma_wait3A_106 : memref<80xi32, #tpu.memory_space<hbm>>) dst(%arg6 : memref<80xi32, #tpu.memory_space<vmem>>)
      %dma_wait3A_107 = arith.constant 0 : i32
      %dma_wait3A_108 = arith.constant 0 : i32
      %dma_wait3A_109 = tpu.memref_slice %arg2[%dma_wait3A_107, %dma_wait3A_108] : memref<320000x128xf32, #tpu.memory_space<hbm>> -> memref<80x128xf32, #tpu.memory_space<hbm>>
      %dma_wait3A_110 = arith.constant 0 : i32
      %dma_wait3A_111 = arith.constant 0 : i32
      %dma_wait3A_112 = tpu.memref_slice %arg2[%dma_wait3A_110, %dma_wait3A_111] : memref<320000x128xf32, #tpu.memory_space<hbm>> -> memref<80x128xf32, #tpu.memory_space<hbm>>
      tpu.wait_dma2 semaphore(%arg13 : memref<!tpu.dma_semaphore, #tpu.memory_space<semaphore_mem>>) src(%dma_wait3A_112 : memref<80x128xf32, #tpu.memory_space<hbm>>) dst(%arg8 : memref<80x128xf32, #tpu.memory_space<vmem>>)
      %lt3A_113 = arith.constant 125 : i32
      %lt3A_114 = arith.cmpi slt, %add3A_102, %lt3A_113 : i32
      %convert_element_type3A_115 = arith.extui %lt3A_114 : i1 to i32
      %cond3A_116 = arith.constant 0 : i32
      %cond3A_117 = arith.cmpi ne, %convert_element_type3A_115, %cond3A_116 : i32
      scf.if %cond3A_117 {
        "tpu.region"() ({
          %run_scoped3A = tpu.sem_alloc : memref<!tpu.dma_semaphore, #tpu.memory_space<semaphore_mem>>
          %dma_start3A_125 = arith.constant 0 : i32
          %dma_start3A_126 = arith.constant 0 : i32
          %dma_start3A_127 = tpu.memref_slice %arg14[%dma_start3A_125, %dma_start3A_126] : memref<10240x128xf32, #tpu.memory_space<vmem_shared>> -> memref<10240x128xf32, #tpu.memory_space<vmem_shared>>
          tpu.enqueue_indirect_dma source(%arg8 : memref<80x128xf32, #tpu.memory_space<vmem>>) target(%dma_start3A_127 : memref<10240x128xf32, #tpu.memory_space<vmem_shared>>) offsets(%arg6 : memref<80xi32, #tpu.memory_space<vmem>>) semaphore(%run_scoped3A : memref<!tpu.dma_semaphore, #tpu.memory_space<semaphore_mem>>) {add = true}
          %dma_wait3A_128 = arith.constant 0 : i32
          %dma_wait3A_129 = arith.constant 0 : i32
          %dma_wait3A_130 = tpu.memref_slice %arg14[%dma_wait3A_128, %dma_wait3A_129] : memref<10240x128xf32, #tpu.memory_space<vmem_shared>> -> memref<10240x128xf32, #tpu.memory_space<vmem_shared>>
          tpu.wait_indirect_dma semaphore(%run_scoped3A : memref<!tpu.dma_semaphore, #tpu.memory_space<semaphore_mem>>) src(%arg8 : memref<80x128xf32, #tpu.memory_space<vmem>>) dst(%dma_wait3A_130 : memref<10240x128xf32, #tpu.memory_space<vmem_shared>>)
          tpu.yield
        }) : () -> ()
      } else {
      }
      %add3A_118 = arith.constant 2 : i32
      %add3A_119 = arith.addi %add3A_102, %add3A_118 : i32
      %lt3A_120 = arith.constant 126 : i32
      %lt3A_121 = arith.cmpi slt, %add3A_119, %lt3A_120 : i32
      %convert_element_type3A_122 = arith.extui %lt3A_121 : i1 to i32
      %cond3A_123 = arith.constant 0 : i32
      %cond3A_124 = arith.cmpi ne, %convert_element_type3A_122, %cond3A_123 : i32
      scf.if %cond3A_124 {
        %add3A_125 = arith.constant 2 : i32
        %add3A_126 = arith.addi %add3A_102, %add3A_125 : i32
        %rem3A_127 = arith.constant 125 : i32
        %rem3A_128 = arith.remsi %add3A_126, %rem3A_127 : i32
        %mul3A_129 = arith.constant 80 : i32
        %mul3A_130 = arith.muli %rem3A_128, %mul3A_129 : i32
        %add3A_131 = arith.addi %mul3A_25, %mul3A_130 : i32
        %multiple_of3A_132 = tpu.assume_multiple %add3A_131, 8 : i32
        %dma_start3A_133 = tpu.memref_slice %arg3[%multiple_of3A_132] : memref<320000xi32, #tpu.memory_space<hbm>> -> memref<80xi32, #tpu.memory_space<hbm>>
        %dma_start3A_134 = tpu.memref_slice %arg3[%multiple_of3A_132] : memref<320000xi32, #tpu.memory_space<hbm>> -> memref<80xi32, #tpu.memory_space<hbm>>
        tpu.enqueue_dma source(%dma_start3A_134 : memref<80xi32, #tpu.memory_space<hbm>>) target(%arg6 : memref<80xi32, #tpu.memory_space<vmem>>) target_semaphore(%arg11 : memref<!tpu.dma_semaphore, #tpu.memory_space<semaphore_mem>>)
        %dma_start3A_135 = arith.constant 0 : i32
        %dma_start3A_136 = tpu.memref_slice %arg2[%multiple_of3A_132, %dma_start3A_135] : memref<320000x128xf32, #tpu.memory_space<hbm>> -> memref<80x128xf32, #tpu.memory_space<hbm>>
        %dma_start3A_137 = arith.constant 0 : i32
        %dma_start3A_138 = tpu.memref_slice %arg2[%multiple_of3A_132, %dma_start3A_137] : memref<320000x128xf32, #tpu.memory_space<hbm>> -> memref<80x128xf32, #tpu.memory_space<hbm>>
        tpu.enqueue_dma source(%dma_start3A_138 : memref<80x128xf32, #tpu.memory_space<hbm>>) target(%arg8 : memref<80x128xf32, #tpu.memory_space<vmem>>) target_semaphore(%arg13 : memref<!tpu.dma_semaphore, #tpu.memory_space<semaphore_mem>>)
      } else {
      }
    }
    %scan3A_55 = arith.constant 63 : i32
    %barrier3A_56 = arith.constant 0 : index
    tpu.barrier barrier_id(%barrier3A_56)
    %add3A_57 = arith.constant 0 : i32
    %add3A_58 = arith.addi %multiple_of3A, %add3A_57 : i32
    %multiple_of3A_59 = tpu.assume_multiple %add3A_58, 8 : i32
    "tpu.region"() ({
      %run_scoped3A = tpu.sem_alloc : memref<!tpu.dma_semaphore, #tpu.memory_space<semaphore_mem>>
      %dma_start3A_81 = arith.constant 0 : i32
      %dma_start3A_82 = tpu.memref_slice %arg14[%multiple_of3A_59, %dma_start3A_81] : memref<10240x128xf32, #tpu.memory_space<vmem_shared>> -> memref<80x128xf32, #tpu.memory_space<vmem_shared>>
      %dma_start3A_83 = arith.constant 0 : i32
      %dma_start3A_84 = tpu.memref_slice %arg14[%multiple_of3A_59, %dma_start3A_83] : memref<10240x128xf32, #tpu.memory_space<vmem_shared>> -> memref<80x128xf32, #tpu.memory_space<vmem_shared>>
      tpu.enqueue_dma source(%dma_start3A_84 : memref<80x128xf32, #tpu.memory_space<vmem_shared>>) target(%arg9 : memref<80x128xf32, #tpu.memory_space<vmem>>) target_semaphore(%run_scoped3A : memref<!tpu.dma_semaphore, #tpu.memory_space<semaphore_mem>>)
      %dma_wait3A = arith.constant 0 : i32
      %dma_wait3A_85 = tpu.memref_slice %arg14[%multiple_of3A_59, %dma_wait3A] : memref<10240x128xf32, #tpu.memory_space<vmem_shared>> -> memref<80x128xf32, #tpu.memory_space<vmem_shared>>
      %dma_wait3A_86 = arith.constant 0 : i32
      %dma_wait3A_87 = tpu.memref_slice %arg14[%multiple_of3A_59, %dma_wait3A_86] : memref<10240x128xf32, #tpu.memory_space<vmem_shared>> -> memref<80x128xf32, #tpu.memory_space<vmem_shared>>
      tpu.wait_dma2 semaphore(%run_scoped3A : memref<!tpu.dma_semaphore, #tpu.memory_space<semaphore_mem>>) src(%dma_wait3A_87 : memref<80x128xf32, #tpu.memory_space<vmem_shared>>) dst(%arg9 : memref<80x128xf32, #tpu.memory_space<vmem>>)
      tpu.yield
    }) : () -> ()
    "tpu.region"() ({
      %run_scoped3A = tpu.sem_alloc : memref<!tpu.dma_semaphore, #tpu.memory_space<semaphore_mem>>
      %dma_start3A_81 = arith.constant 0 : i32
      %dma_start3A_82 = tpu.memref_slice %arg4[%arg0, %multiple_of3A_59, %dma_start3A_81] : memref<2x10240x128xf32, #tpu.memory_space<hbm>> -> memref<1x80x128xf32, #tpu.memory_space<hbm>>
      %dma_start3A_83 = tpu.memref_squeeze %dma_start3A_82 : memref<1x80x128xf32, #tpu.memory_space<hbm>> -> memref<80x128xf32, #tpu.memory_space<hbm>>
      %dma_start3A_84 = arith.constant 0 : i32
      %dma_start3A_85 = tpu.memref_slice %arg4[%arg0, %multiple_of3A_59, %dma_start3A_84] : memref<2x10240x128xf32, #tpu.memory_space<hbm>> -> memref<1x80x128xf32, #tpu.memory_space<hbm>>
      %dma_start3A_86 = tpu.memref_squeeze %dma_start3A_85 : memref<1x80x128xf32, #tpu.memory_space<hbm>> -> memref<80x128xf32, #tpu.memory_space<hbm>>
      tpu.enqueue_dma source(%arg9 : memref<80x128xf32, #tpu.memory_space<vmem>>) target(%dma_start3A_86 : memref<80x128xf32, #tpu.memory_space<hbm>>) target_semaphore(%run_scoped3A : memref<!tpu.dma_semaphore, #tpu.memory_space<semaphore_mem>>)
      %dma_wait3A = arith.constant 0 : i32
      %dma_wait3A_87 = tpu.memref_slice %arg4[%arg0, %multiple_of3A_59, %dma_wait3A] : memref<2x10240x128xf32, #tpu.memory_space<hbm>> -> memref<1x80x128xf32, #tpu.memory_space<hbm>>
      %dma_wait3A_88 = tpu.memref_squeeze %dma_wait3A_87 : memref<1x80x128xf32, #tpu.memory_space<hbm>> -> memref<80x128xf32, #tpu.memory_space<hbm>>
      %dma_wait3A_89 = arith.constant 0 : i32
      %dma_wait3A_90 = tpu.memref_slice %arg4[%arg0, %multiple_of3A_59, %dma_wait3A_89] : memref<2x10240x128xf32, #tpu.memory_space<hbm>> -> memref<1x80x128xf32, #tpu.memory_space<hbm>>
      %dma_wait3A_91 = tpu.memref_squeeze %dma_wait3A_90 : memref<1x80x128xf32, #tpu.memory_space<hbm>> -> memref<80x128xf32, #tpu.memory_space<hbm>>
      tpu.wait_dma2 semaphore(%run_scoped3A : memref<!tpu.dma_semaphore, #tpu.memory_space<semaphore_mem>>) src(%arg9 : memref<80x128xf32, #tpu.memory_space<vmem>>) dst(%dma_wait3A_91 : memref<80x128xf32, #tpu.memory_space<hbm>>)
      tpu.yield
    }) : () -> ()
    %add3A_60 = arith.constant 80 : i32
    %add3A_61 = arith.addi %multiple_of3A, %add3A_60 : i32
    %multiple_of3A_62 = tpu.assume_multiple %add3A_61, 8 : i32
    "tpu.region"() ({
      %run_scoped3A = tpu.sem_alloc : memref<!tpu.dma_semaphore, #tpu.memory_space<semaphore_mem>>
      %dma_start3A_81 = arith.constant 0 : i32
      %dma_start3A_82 = tpu.memref_slice %arg14[%multiple_of3A_62, %dma_start3A_81] : memref<10240x128xf32, #tpu.memory_space<vmem_shared>> -> memref<80x128xf32, #tpu.memory_space<vmem_shared>>
      %dma_start3A_83 = arith.constant 0 : i32
      %dma_start3A_84 = tpu.memref_slice %arg14[%multiple_of3A_62, %dma_start3A_83] : memref<10240x128xf32, #tpu.memory_space<vmem_shared>> -> memref<80x128xf32, #tpu.memory_space<vmem_shared>>
      tpu.enqueue_dma source(%dma_start3A_84 : memref<80x128xf32, #tpu.memory_space<vmem_shared>>) target(%arg9 : memref<80x128xf32, #tpu.memory_space<vmem>>) target_semaphore(%run_scoped3A : memref<!tpu.dma_semaphore, #tpu.memory_space<semaphore_mem>>)
      %dma_wait3A = arith.constant 0 : i32
      %dma_wait3A_85 = tpu.memref_slice %arg14[%multiple_of3A_62, %dma_wait3A] : memref<10240x128xf32, #tpu.memory_space<vmem_shared>> -> memref<80x128xf32, #tpu.memory_space<vmem_shared>>
      %dma_wait3A_86 = arith.constant 0 : i32
      %dma_wait3A_87 = tpu.memref_slice %arg14[%multiple_of3A_62, %dma_wait3A_86] : memref<10240x128xf32, #tpu.memory_space<vmem_shared>> -> memref<80x128xf32, #tpu.memory_space<vmem_shared>>
      tpu.wait_dma2 semaphore(%run_scoped3A : memref<!tpu.dma_semaphore, #tpu.memory_space<semaphore_mem>>) src(%dma_wait3A_87 : memref<80x128xf32, #tpu.memory_space<vmem_shared>>) dst(%arg9 : memref<80x128xf32, #tpu.memory_space<vmem>>)
      tpu.yield
    }) : () -> ()
    "tpu.region"() ({
      %run_scoped3A = tpu.sem_alloc : memref<!tpu.dma_semaphore, #tpu.memory_space<semaphore_mem>>
      %dma_start3A_81 = arith.constant 0 : i32
      %dma_start3A_82 = tpu.memref_slice %arg4[%arg0, %multiple_of3A_62, %dma_start3A_81] : memref<2x10240x128xf32, #tpu.memory_space<hbm>> -> memref<1x80x128xf32, #tpu.memory_space<hbm>>
      %dma_start3A_83 = tpu.memref_squeeze %dma_start3A_82 : memref<1x80x128xf32, #tpu.memory_space<hbm>> -> memref<80x128xf32, #tpu.memory_space<hbm>>
      %dma_start3A_84 = arith.constant 0 : i32
      %dma_start3A_85 = tpu.memref_slice %arg4[%arg0, %multiple_of3A_62, %dma_start3A_84] : memref<2x10240x128xf32, #tpu.memory_space<hbm>> -> memref<1x80x128xf32, #tpu.memory_space<hbm>>
      %dma_start3A_86 = tpu.memref_squeeze %dma_start3A_85 : memref<1x80x128xf32, #tpu.memory_space<hbm>> -> memref<80x128xf32, #tpu.memory_space<hbm>>
      tpu.enqueue_dma source(%arg9 : memref<80x128xf32, #tpu.memory_space<vmem>>) target(%dma_start3A_86 : memref<80x128xf32, #tpu.memory_space<hbm>>) target_semaphore(%run_scoped3A : memref<!tpu.dma_semaphore, #tpu.memory_space<semaphore_mem>>)
      %dma_wait3A = arith.constant 0 : i32
      %dma_wait3A_87 = tpu.memref_slice %arg4[%arg0, %multiple_of3A_62, %dma_wait3A] : memref<2x10240x128xf32, #tpu.memory_space<hbm>> -> memref<1x80x128xf32, #tpu.memory_space<hbm>>
      %dma_wait3A_88 = tpu.memref_squeeze %dma_wait3A_87 : memref<1x80x128xf32, #tpu.memory_space<hbm>> -> memref<80x128xf32, #tpu.memory_space<hbm>>
      %dma_wait3A_89 = arith.constant 0 : i32
      %dma_wait3A_90 = tpu.memref_slice %arg4[%arg0, %multiple_of3A_62, %dma_wait3A_89] : memref<2x10240x128xf32, #tpu.memory_space<hbm>> -> memref<1x80x128xf32, #tpu.memory_space<hbm>>
      %dma_wait3A_91 = tpu.memref_squeeze %dma_wait3A_90 : memref<1x80x128xf32, #tpu.memory_space<hbm>> -> memref<80x128xf32, #tpu.memory_space<hbm>>
      tpu.wait_dma2 semaphore(%run_scoped3A : memref<!tpu.dma_semaphore, #tpu.memory_space<semaphore_mem>>) src(%arg9 : memref<80x128xf32, #tpu.memory_space<vmem>>) dst(%dma_wait3A_91 : memref<80x128xf32, #tpu.memory_space<hbm>>)
      tpu.yield
    }) : () -> ()
    %add3A_63 = arith.constant 160 : i32
    %add3A_64 = arith.addi %multiple_of3A, %add3A_63 : i32
    %multiple_of3A_65 = tpu.assume_multiple %add3A_64, 8 : i32
    "tpu.region"() ({
      %run_scoped3A = tpu.sem_alloc : memref<!tpu.dma_semaphore, #tpu.memory_space<semaphore_mem>>
      %dma_start3A_81 = arith.constant 0 : i32
      %dma_start3A_82 = tpu.memref_slice %arg14[%multiple_of3A_65, %dma_start3A_81] : memref<10240x128xf32, #tpu.memory_space<vmem_shared>> -> memref<80x128xf32, #tpu.memory_space<vmem_shared>>
      %dma_start3A_83 = arith.constant 0 : i32
      %dma_start3A_84 = tpu.memref_slice %arg14[%multiple_of3A_65, %dma_start3A_83] : memref<10240x128xf32, #tpu.memory_space<vmem_shared>> -> memref<80x128xf32, #tpu.memory_space<vmem_shared>>
      tpu.enqueue_dma source(%dma_start3A_84 : memref<80x128xf32, #tpu.memory_space<vmem_shared>>) target(%arg9 : memref<80x128xf32, #tpu.memory_space<vmem>>) target_semaphore(%run_scoped3A : memref<!tpu.dma_semaphore, #tpu.memory_space<semaphore_mem>>)
      %dma_wait3A = arith.constant 0 : i32
      %dma_wait3A_85 = tpu.memref_slice %arg14[%multiple_of3A_65, %dma_wait3A] : memref<10240x128xf32, #tpu.memory_space<vmem_shared>> -> memref<80x128xf32, #tpu.memory_space<vmem_shared>>
      %dma_wait3A_86 = arith.constant 0 : i32
      %dma_wait3A_87 = tpu.memref_slice %arg14[%multiple_of3A_65, %dma_wait3A_86] : memref<10240x128xf32, #tpu.memory_space<vmem_shared>> -> memref<80x128xf32, #tpu.memory_space<vmem_shared>>
      tpu.wait_dma2 semaphore(%run_scoped3A : memref<!tpu.dma_semaphore, #tpu.memory_space<semaphore_mem>>) src(%dma_wait3A_87 : memref<80x128xf32, #tpu.memory_space<vmem_shared>>) dst(%arg9 : memref<80x128xf32, #tpu.memory_space<vmem>>)
      tpu.yield
    }) : () -> ()
    "tpu.region"() ({
      %run_scoped3A = tpu.sem_alloc : memref<!tpu.dma_semaphore, #tpu.memory_space<semaphore_mem>>
      %dma_start3A_81 = arith.constant 0 : i32
      %dma_start3A_82 = tpu.memref_slice %arg4[%arg0, %multiple_of3A_65, %dma_start3A_81] : memref<2x10240x128xf32, #tpu.memory_space<hbm>> -> memref<1x80x128xf32, #tpu.memory_space<hbm>>
      %dma_start3A_83 = tpu.memref_squeeze %dma_start3A_82 : memref<1x80x128xf32, #tpu.memory_space<hbm>> -> memref<80x128xf32, #tpu.memory_space<hbm>>
      %dma_start3A_84 = arith.constant 0 : i32
      %dma_start3A_85 = tpu.memref_slice %arg4[%arg0, %multiple_of3A_65, %dma_start3A_84] : memref<2x10240x128xf32, #tpu.memory_space<hbm>> -> memref<1x80x128xf32, #tpu.memory_space<hbm>>
      %dma_start3A_86 = tpu.memref_squeeze %dma_start3A_85 : memref<1x80x128xf32, #tpu.memory_space<hbm>> -> memref<80x128xf32, #tpu.memory_space<hbm>>
      tpu.enqueue_dma source(%arg9 : memref<80x128xf32, #tpu.memory_space<vmem>>) target(%dma_start3A_86 : memref<80x128xf32, #tpu.memory_space<hbm>>) target_semaphore(%run_scoped3A : memref<!tpu.dma_semaphore, #tpu.memory_space<semaphore_mem>>)
      %dma_wait3A = arith.constant 0 : i32
      %dma_wait3A_87 = tpu.memref_slice %arg4[%arg0, %multiple_of3A_65, %dma_wait3A] : memref<2x10240x128xf32, #tpu.memory_space<hbm>> -> memref<1x80x128xf32, #tpu.memory_space<hbm>>
      %dma_wait3A_88 = tpu.memref_squeeze %dma_wait3A_87 : memref<1x80x128xf32, #tpu.memory_space<hbm>> -> memref<80x128xf32, #tpu.memory_space<hbm>>
      %dma_wait3A_89 = arith.constant 0 : i32
      %dma_wait3A_90 = tpu.memref_slice %arg4[%arg0, %multiple_of3A_65, %dma_wait3A_89] : memref<2x10240x128xf32, #tpu.memory_space<hbm>> -> memref<1x80x128xf32, #tpu.memory_space<hbm>>
      %dma_wait3A_91 = tpu.memref_squeeze %dma_wait3A_90 : memref<1x80x128xf32, #tpu.memory_space<hbm>> -> memref<80x128xf32, #tpu.memory_space<hbm>>
      tpu.wait_dma2 semaphore(%run_scoped3A : memref<!tpu.dma_semaphore, #tpu.memory_space<semaphore_mem>>) src(%arg9 : memref<80x128xf32, #tpu.memory_space<vmem>>) dst(%dma_wait3A_91 : memref<80x128xf32, #tpu.memory_space<hbm>>)
      tpu.yield
    }) : () -> ()
    %add3A_66 = arith.constant 240 : i32
    %add3A_67 = arith.addi %multiple_of3A, %add3A_66 : i32
    %multiple_of3A_68 = tpu.assume_multiple %add3A_67, 8 : i32
    "tpu.region"() ({
      %run_scoped3A = tpu.sem_alloc : memref<!tpu.dma_semaphore, #tpu.memory_space<semaphore_mem>>
      %dma_start3A_81 = arith.constant 0 : i32
      %dma_start3A_82 = tpu.memref_slice %arg14[%multiple_of3A_68, %dma_start3A_81] : memref<10240x128xf32, #tpu.memory_space<vmem_shared>> -> memref<80x128xf32, #tpu.memory_space<vmem_shared>>
      %dma_start3A_83 = arith.constant 0 : i32
      %dma_start3A_84 = tpu.memref_slice %arg14[%multiple_of3A_68, %dma_start3A_83] : memref<10240x128xf32, #tpu.memory_space<vmem_shared>> -> memref<80x128xf32, #tpu.memory_space<vmem_shared>>
      tpu.enqueue_dma source(%dma_start3A_84 : memref<80x128xf32, #tpu.memory_space<vmem_shared>>) target(%arg9 : memref<80x128xf32, #tpu.memory_space<vmem>>) target_semaphore(%run_scoped3A : memref<!tpu.dma_semaphore, #tpu.memory_space<semaphore_mem>>)
      %dma_wait3A = arith.constant 0 : i32
      %dma_wait3A_85 = tpu.memref_slice %arg14[%multiple_of3A_68, %dma_wait3A] : memref<10240x128xf32, #tpu.memory_space<vmem_shared>> -> memref<80x128xf32, #tpu.memory_space<vmem_shared>>
      %dma_wait3A_86 = arith.constant 0 : i32
      %dma_wait3A_87 = tpu.memref_slice %arg14[%multiple_of3A_68, %dma_wait3A_86] : memref<10240x128xf32, #tpu.memory_space<vmem_shared>> -> memref<80x128xf32, #tpu.memory_space<vmem_shared>>
      tpu.wait_dma2 semaphore(%run_scoped3A : memref<!tpu.dma_semaphore, #tpu.memory_space<semaphore_mem>>) src(%dma_wait3A_87 : memref<80x128xf32, #tpu.memory_space<vmem_shared>>) dst(%arg9 : memref<80x128xf32, #tpu.memory_space<vmem>>)
      tpu.yield
    }) : () -> ()
    "tpu.region"() ({
      %run_scoped3A = tpu.sem_alloc : memref<!tpu.dma_semaphore, #tpu.memory_space<semaphore_mem>>
      %dma_start3A_81 = arith.constant 0 : i32
      %dma_start3A_82 = tpu.memref_slice %arg4[%arg0, %multiple_of3A_68, %dma_start3A_81] : memref<2x10240x128xf32, #tpu.memory_space<hbm>> -> memref<1x80x128xf32, #tpu.memory_space<hbm>>
      %dma_start3A_83 = tpu.memref_squeeze %dma_start3A_82 : memref<1x80x128xf32, #tpu.memory_space<hbm>> -> memref<80x128xf32, #tpu.memory_space<hbm>>
      %dma_start3A_84 = arith.constant 0 : i32
      %dma_start3A_85 = tpu.memref_slice %arg4[%arg0, %multiple_of3A_68, %dma_start3A_84] : memref<2x10240x128xf32, #tpu.memory_space<hbm>> -> memref<1x80x128xf32, #tpu.memory_space<hbm>>
      %dma_start3A_86 = tpu.memref_squeeze %dma_start3A_85 : memref<1x80x128xf32, #tpu.memory_space<hbm>> -> memref<80x128xf32, #tpu.memory_space<hbm>>
      tpu.enqueue_dma source(%arg9 : memref<80x128xf32, #tpu.memory_space<vmem>>) target(%dma_start3A_86 : memref<80x128xf32, #tpu.memory_space<hbm>>) target_semaphore(%run_scoped3A : memref<!tpu.dma_semaphore, #tpu.memory_space<semaphore_mem>>)
      %dma_wait3A = arith.constant 0 : i32
      %dma_wait3A_87 = tpu.memref_slice %arg4[%arg0, %multiple_of3A_68, %dma_wait3A] : memref<2x10240x128xf32, #tpu.memory_space<hbm>> -> memref<1x80x128xf32, #tpu.memory_space<hbm>>
      %dma_wait3A_88 = tpu.memref_squeeze %dma_wait3A_87 : memref<1x80x128xf32, #tpu.memory_space<hbm>> -> memref<80x128xf32, #tpu.memory_space<hbm>>
      %dma_wait3A_89 = arith.constant 0 : i32
      %dma_wait3A_90 = tpu.memref_slice %arg4[%arg0, %multiple_of3A_68, %dma_wait3A_89] : memref<2x10240x128xf32, #tpu.memory_space<hbm>> -> memref<1x80x128xf32, #tpu.memory_space<hbm>>
      %dma_wait3A_91 = tpu.memref_squeeze %dma_wait3A_90 : memref<1x80x128xf32, #tpu.memory_space<hbm>> -> memref<80x128xf32, #tpu.memory_space<hbm>>
      tpu.wait_dma2 semaphore(%run_scoped3A : memref<!tpu.dma_semaphore, #tpu.memory_space<semaphore_mem>>) src(%arg9 : memref<80x128xf32, #tpu.memory_space<vmem>>) dst(%dma_wait3A_91 : memref<80x128xf32, #tpu.memory_space<hbm>>)
      tpu.yield
    }) : () -> ()
    %add3A_69 = arith.constant 320 : i32
    %add3A_70 = arith.addi %multiple_of3A, %add3A_69 : i32
    %multiple_of3A_71 = tpu.assume_multiple %add3A_70, 8 : i32
    "tpu.region"() ({
      %run_scoped3A = tpu.sem_alloc : memref<!tpu.dma_semaphore, #tpu.memory_space<semaphore_mem>>
      %dma_start3A_81 = arith.constant 0 : i32
      %dma_start3A_82 = tpu.memref_slice %arg14[%multiple_of3A_71, %dma_start3A_81] : memref<10240x128xf32, #tpu.memory_space<vmem_shared>> -> memref<80x128xf32, #tpu.memory_space<vmem_shared>>
      %dma_start3A_83 = arith.constant 0 : i32
      %dma_start3A_84 = tpu.memref_slice %arg14[%multiple_of3A_71, %dma_start3A_83] : memref<10240x128xf32, #tpu.memory_space<vmem_shared>> -> memref<80x128xf32, #tpu.memory_space<vmem_shared>>
      tpu.enqueue_dma source(%dma_start3A_84 : memref<80x128xf32, #tpu.memory_space<vmem_shared>>) target(%arg9 : memref<80x128xf32, #tpu.memory_space<vmem>>) target_semaphore(%run_scoped3A : memref<!tpu.dma_semaphore, #tpu.memory_space<semaphore_mem>>)
      %dma_wait3A = arith.constant 0 : i32
      %dma_wait3A_85 = tpu.memref_slice %arg14[%multiple_of3A_71, %dma_wait3A] : memref<10240x128xf32, #tpu.memory_space<vmem_shared>> -> memref<80x128xf32, #tpu.memory_space<vmem_shared>>
      %dma_wait3A_86 = arith.constant 0 : i32
      %dma_wait3A_87 = tpu.memref_slice %arg14[%multiple_of3A_71, %dma_wait3A_86] : memref<10240x128xf32, #tpu.memory_space<vmem_shared>> -> memref<80x128xf32, #tpu.memory_space<vmem_shared>>
      tpu.wait_dma2 semaphore(%run_scoped3A : memref<!tpu.dma_semaphore, #tpu.memory_space<semaphore_mem>>) src(%dma_wait3A_87 : memref<80x128xf32, #tpu.memory_space<vmem_shared>>) dst(%arg9 : memref<80x128xf32, #tpu.memory_space<vmem>>)
      tpu.yield
    }) : () -> ()
    "tpu.region"() ({
      %run_scoped3A = tpu.sem_alloc : memref<!tpu.dma_semaphore, #tpu.memory_space<semaphore_mem>>
      %dma_start3A_81 = arith.constant 0 : i32
      %dma_start3A_82 = tpu.memref_slice %arg4[%arg0, %multiple_of3A_71, %dma_start3A_81] : memref<2x10240x128xf32, #tpu.memory_space<hbm>> -> memref<1x80x128xf32, #tpu.memory_space<hbm>>
      %dma_start3A_83 = tpu.memref_squeeze %dma_start3A_82 : memref<1x80x128xf32, #tpu.memory_space<hbm>> -> memref<80x128xf32, #tpu.memory_space<hbm>>
      %dma_start3A_84 = arith.constant 0 : i32
      %dma_start3A_85 = tpu.memref_slice %arg4[%arg0, %multiple_of3A_71, %dma_start3A_84] : memref<2x10240x128xf32, #tpu.memory_space<hbm>> -> memref<1x80x128xf32, #tpu.memory_space<hbm>>
      %dma_start3A_86 = tpu.memref_squeeze %dma_start3A_85 : memref<1x80x128xf32, #tpu.memory_space<hbm>> -> memref<80x128xf32, #tpu.memory_space<hbm>>
      tpu.enqueue_dma source(%arg9 : memref<80x128xf32, #tpu.memory_space<vmem>>) target(%dma_start3A_86 : memref<80x128xf32, #tpu.memory_space<hbm>>) target_semaphore(%run_scoped3A : memref<!tpu.dma_semaphore, #tpu.memory_space<semaphore_mem>>)
      %dma_wait3A = arith.constant 0 : i32
      %dma_wait3A_87 = tpu.memref_slice %arg4[%arg0, %multiple_of3A_71, %dma_wait3A] : memref<2x10240x128xf32, #tpu.memory_space<hbm>> -> memref<1x80x128xf32, #tpu.memory_space<hbm>>
      %dma_wait3A_88 = tpu.memref_squeeze %dma_wait3A_87 : memref<1x80x128xf32, #tpu.memory_space<hbm>> -> memref<80x128xf32, #tpu.memory_space<hbm>>
      %dma_wait3A_89 = arith.constant 0 : i32
      %dma_wait3A_90 = tpu.memref_slice %arg4[%arg0, %multiple_of3A_71, %dma_wait3A_89] : memref<2x10240x128xf32, #tpu.memory_space<hbm>> -> memref<1x80x128xf32, #tpu.memory_space<hbm>>
      %dma_wait3A_91 = tpu.memref_squeeze %dma_wait3A_90 : memref<1x80x128xf32, #tpu.memory_space<hbm>> -> memref<80x128xf32, #tpu.memory_space<hbm>>
      tpu.wait_dma2 semaphore(%run_scoped3A : memref<!tpu.dma_semaphore, #tpu.memory_space<semaphore_mem>>) src(%arg9 : memref<80x128xf32, #tpu.memory_space<vmem>>) dst(%dma_wait3A_91 : memref<80x128xf32, #tpu.memory_space<hbm>>)
      tpu.yield
    }) : () -> ()
    %add3A_72 = arith.constant 400 : i32
    %add3A_73 = arith.addi %multiple_of3A, %add3A_72 : i32
    %multiple_of3A_74 = tpu.assume_multiple %add3A_73, 8 : i32
    "tpu.region"() ({
      %run_scoped3A = tpu.sem_alloc : memref<!tpu.dma_semaphore, #tpu.memory_space<semaphore_mem>>
      %dma_start3A_81 = arith.constant 0 : i32
      %dma_start3A_82 = tpu.memref_slice %arg14[%multiple_of3A_74, %dma_start3A_81] : memref<10240x128xf32, #tpu.memory_space<vmem_shared>> -> memref<80x128xf32, #tpu.memory_space<vmem_shared>>
      %dma_start3A_83 = arith.constant 0 : i32
      %dma_start3A_84 = tpu.memref_slice %arg14[%multiple_of3A_74, %dma_start3A_83] : memref<10240x128xf32, #tpu.memory_space<vmem_shared>> -> memref<80x128xf32, #tpu.memory_space<vmem_shared>>
      tpu.enqueue_dma source(%dma_start3A_84 : memref<80x128xf32, #tpu.memory_space<vmem_shared>>) target(%arg9 : memref<80x128xf32, #tpu.memory_space<vmem>>) target_semaphore(%run_scoped3A : memref<!tpu.dma_semaphore, #tpu.memory_space<semaphore_mem>>)
      %dma_wait3A = arith.constant 0 : i32
      %dma_wait3A_85 = tpu.memref_slice %arg14[%multiple_of3A_74, %dma_wait3A] : memref<10240x128xf32, #tpu.memory_space<vmem_shared>> -> memref<80x128xf32, #tpu.memory_space<vmem_shared>>
      %dma_wait3A_86 = arith.constant 0 : i32
      %dma_wait3A_87 = tpu.memref_slice %arg14[%multiple_of3A_74, %dma_wait3A_86] : memref<10240x128xf32, #tpu.memory_space<vmem_shared>> -> memref<80x128xf32, #tpu.memory_space<vmem_shared>>
      tpu.wait_dma2 semaphore(%run_scoped3A : memref<!tpu.dma_semaphore, #tpu.memory_space<semaphore_mem>>) src(%dma_wait3A_87 : memref<80x128xf32, #tpu.memory_space<vmem_shared>>) dst(%arg9 : memref<80x128xf32, #tpu.memory_space<vmem>>)
      tpu.yield
    }) : () -> ()
    "tpu.region"() ({
      %run_scoped3A = tpu.sem_alloc : memref<!tpu.dma_semaphore, #tpu.memory_space<semaphore_mem>>
      %dma_start3A_81 = arith.constant 0 : i32
      %dma_start3A_82 = tpu.memref_slice %arg4[%arg0, %multiple_of3A_74, %dma_start3A_81] : memref<2x10240x128xf32, #tpu.memory_space<hbm>> -> memref<1x80x128xf32, #tpu.memory_space<hbm>>
      %dma_start3A_83 = tpu.memref_squeeze %dma_start3A_82 : memref<1x80x128xf32, #tpu.memory_space<hbm>> -> memref<80x128xf32, #tpu.memory_space<hbm>>
      %dma_start3A_84 = arith.constant 0 : i32
      %dma_start3A_85 = tpu.memref_slice %arg4[%arg0, %multiple_of3A_74, %dma_start3A_84] : memref<2x10240x128xf32, #tpu.memory_space<hbm>> -> memref<1x80x128xf32, #tpu.memory_space<hbm>>
      %dma_start3A_86 = tpu.memref_squeeze %dma_start3A_85 : memref<1x80x128xf32, #tpu.memory_space<hbm>> -> memref<80x128xf32, #tpu.memory_space<hbm>>
      tpu.enqueue_dma source(%arg9 : memref<80x128xf32, #tpu.memory_space<vmem>>) target(%dma_start3A_86 : memref<80x128xf32, #tpu.memory_space<hbm>>) target_semaphore(%run_scoped3A : memref<!tpu.dma_semaphore, #tpu.memory_space<semaphore_mem>>)
      %dma_wait3A = arith.constant 0 : i32
      %dma_wait3A_87 = tpu.memref_slice %arg4[%arg0, %multiple_of3A_74, %dma_wait3A] : memref<2x10240x128xf32, #tpu.memory_space<hbm>> -> memref<1x80x128xf32, #tpu.memory_space<hbm>>
      %dma_wait3A_88 = tpu.memref_squeeze %dma_wait3A_87 : memref<1x80x128xf32, #tpu.memory_space<hbm>> -> memref<80x128xf32, #tpu.memory_space<hbm>>
      %dma_wait3A_89 = arith.constant 0 : i32
      %dma_wait3A_90 = tpu.memref_slice %arg4[%arg0, %multiple_of3A_74, %dma_wait3A_89] : memref<2x10240x128xf32, #tpu.memory_space<hbm>> -> memref<1x80x128xf32, #tpu.memory_space<hbm>>
      %dma_wait3A_91 = tpu.memref_squeeze %dma_wait3A_90 : memref<1x80x128xf32, #tpu.memory_space<hbm>> -> memref<80x128xf32, #tpu.memory_space<hbm>>
      tpu.wait_dma2 semaphore(%run_scoped3A : memref<!tpu.dma_semaphore, #tpu.memory_space<semaphore_mem>>) src(%arg9 : memref<80x128xf32, #tpu.memory_space<vmem>>) dst(%dma_wait3A_91 : memref<80x128xf32, #tpu.memory_space<hbm>>)
      tpu.yield
    }) : () -> ()
    %add3A_75 = arith.constant 480 : i32
    %add3A_76 = arith.addi %multiple_of3A, %add3A_75 : i32
    %multiple_of3A_77 = tpu.assume_multiple %add3A_76, 8 : i32
    "tpu.region"() ({
      %run_scoped3A = tpu.sem_alloc : memref<!tpu.dma_semaphore, #tpu.memory_space<semaphore_mem>>
      %dma_start3A_81 = arith.constant 0 : i32
      %dma_start3A_82 = tpu.memref_slice %arg14[%multiple_of3A_77, %dma_start3A_81] : memref<10240x128xf32, #tpu.memory_space<vmem_shared>> -> memref<80x128xf32, #tpu.memory_space<vmem_shared>>
      %dma_start3A_83 = arith.constant 0 : i32
      %dma_start3A_84 = tpu.memref_slice %arg14[%multiple_of3A_77, %dma_start3A_83] : memref<10240x128xf32, #tpu.memory_space<vmem_shared>> -> memref<80x128xf32, #tpu.memory_space<vmem_shared>>
      tpu.enqueue_dma source(%dma_start3A_84 : memref<80x128xf32, #tpu.memory_space<vmem_shared>>) target(%arg9 : memref<80x128xf32, #tpu.memory_space<vmem>>) target_semaphore(%run_scoped3A : memref<!tpu.dma_semaphore, #tpu.memory_space<semaphore_mem>>)
      %dma_wait3A = arith.constant 0 : i32
      %dma_wait3A_85 = tpu.memref_slice %arg14[%multiple_of3A_77, %dma_wait3A] : memref<10240x128xf32, #tpu.memory_space<vmem_shared>> -> memref<80x128xf32, #tpu.memory_space<vmem_shared>>
      %dma_wait3A_86 = arith.constant 0 : i32
      %dma_wait3A_87 = tpu.memref_slice %arg14[%multiple_of3A_77, %dma_wait3A_86] : memref<10240x128xf32, #tpu.memory_space<vmem_shared>> -> memref<80x128xf32, #tpu.memory_space<vmem_shared>>
      tpu.wait_dma2 semaphore(%run_scoped3A : memref<!tpu.dma_semaphore, #tpu.memory_space<semaphore_mem>>) src(%dma_wait3A_87 : memref<80x128xf32, #tpu.memory_space<vmem_shared>>) dst(%arg9 : memref<80x128xf32, #tpu.memory_space<vmem>>)
      tpu.yield
    }) : () -> ()
    "tpu.region"() ({
      %run_scoped3A = tpu.sem_alloc : memref<!tpu.dma_semaphore, #tpu.memory_space<semaphore_mem>>
      %dma_start3A_81 = arith.constant 0 : i32
      %dma_start3A_82 = tpu.memref_slice %arg4[%arg0, %multiple_of3A_77, %dma_start3A_81] : memref<2x10240x128xf32, #tpu.memory_space<hbm>> -> memref<1x80x128xf32, #tpu.memory_space<hbm>>
      %dma_start3A_83 = tpu.memref_squeeze %dma_start3A_82 : memref<1x80x128xf32, #tpu.memory_space<hbm>> -> memref<80x128xf32, #tpu.memory_space<hbm>>
      %dma_start3A_84 = arith.constant 0 : i32
      %dma_start3A_85 = tpu.memref_slice %arg4[%arg0, %multiple_of3A_77, %dma_start3A_84] : memref<2x10240x128xf32, #tpu.memory_space<hbm>> -> memref<1x80x128xf32, #tpu.memory_space<hbm>>
      %dma_start3A_86 = tpu.memref_squeeze %dma_start3A_85 : memref<1x80x128xf32, #tpu.memory_space<hbm>> -> memref<80x128xf32, #tpu.memory_space<hbm>>
      tpu.enqueue_dma source(%arg9 : memref<80x128xf32, #tpu.memory_space<vmem>>) target(%dma_start3A_86 : memref<80x128xf32, #tpu.memory_space<hbm>>) target_semaphore(%run_scoped3A : memref<!tpu.dma_semaphore, #tpu.memory_space<semaphore_mem>>)
      %dma_wait3A = arith.constant 0 : i32
      %dma_wait3A_87 = tpu.memref_slice %arg4[%arg0, %multiple_of3A_77, %dma_wait3A] : memref<2x10240x128xf32, #tpu.memory_space<hbm>> -> memref<1x80x128xf32, #tpu.memory_space<hbm>>
      %dma_wait3A_88 = tpu.memref_squeeze %dma_wait3A_87 : memref<1x80x128xf32, #tpu.memory_space<hbm>> -> memref<80x128xf32, #tpu.memory_space<hbm>>
      %dma_wait3A_89 = arith.constant 0 : i32
      %dma_wait3A_90 = tpu.memref_slice %arg4[%arg0, %multiple_of3A_77, %dma_wait3A_89] : memref<2x10240x128xf32, #tpu.memory_space<hbm>> -> memref<1x80x128xf32, #tpu.memory_space<hbm>>
      %dma_wait3A_91 = tpu.memref_squeeze %dma_wait3A_90 : memref<1x80x128xf32, #tpu.memory_space<hbm>> -> memref<80x128xf32, #tpu.memory_space<hbm>>
      tpu.wait_dma2 semaphore(%run_scoped3A : memref<!tpu.dma_semaphore, #tpu.memory_space<semaphore_mem>>) src(%arg9 : memref<80x128xf32, #tpu.memory_space<vmem>>) dst(%dma_wait3A_91 : memref<80x128xf32, #tpu.memory_space<hbm>>)
      tpu.yield
    }) : () -> ()
    %add3A_78 = arith.constant 560 : i32
    %add3A_79 = arith.addi %multiple_of3A, %add3A_78 : i32
    %multiple_of3A_80 = tpu.assume_multiple %add3A_79, 8 : i32
    "tpu.region"() ({
      %run_scoped3A = tpu.sem_alloc : memref<!tpu.dma_semaphore, #tpu.memory_space<semaphore_mem>>
      %dma_start3A_81 = arith.constant 0 : i32
      %dma_start3A_82 = tpu.memref_slice %arg14[%multiple_of3A_80, %dma_start3A_81] : memref<10240x128xf32, #tpu.memory_space<vmem_shared>> -> memref<80x128xf32, #tpu.memory_space<vmem_shared>>
      %dma_start3A_83 = arith.constant 0 : i32
      %dma_start3A_84 = tpu.memref_slice %arg14[%multiple_of3A_80, %dma_start3A_83] : memref<10240x128xf32, #tpu.memory_space<vmem_shared>> -> memref<80x128xf32, #tpu.memory_space<vmem_shared>>
      tpu.enqueue_dma source(%dma_start3A_84 : memref<80x128xf32, #tpu.memory_space<vmem_shared>>) target(%arg9 : memref<80x128xf32, #tpu.memory_space<vmem>>) target_semaphore(%run_scoped3A : memref<!tpu.dma_semaphore, #tpu.memory_space<semaphore_mem>>)
      %dma_wait3A = arith.constant 0 : i32
      %dma_wait3A_85 = tpu.memref_slice %arg14[%multiple_of3A_80, %dma_wait3A] : memref<10240x128xf32, #tpu.memory_space<vmem_shared>> -> memref<80x128xf32, #tpu.memory_space<vmem_shared>>
      %dma_wait3A_86 = arith.constant 0 : i32
      %dma_wait3A_87 = tpu.memref_slice %arg14[%multiple_of3A_80, %dma_wait3A_86] : memref<10240x128xf32, #tpu.memory_space<vmem_shared>> -> memref<80x128xf32, #tpu.memory_space<vmem_shared>>
      tpu.wait_dma2 semaphore(%run_scoped3A : memref<!tpu.dma_semaphore, #tpu.memory_space<semaphore_mem>>) src(%dma_wait3A_87 : memref<80x128xf32, #tpu.memory_space<vmem_shared>>) dst(%arg9 : memref<80x128xf32, #tpu.memory_space<vmem>>)
      tpu.yield
    }) : () -> ()
    "tpu.region"() ({
      %run_scoped3A = tpu.sem_alloc : memref<!tpu.dma_semaphore, #tpu.memory_space<semaphore_mem>>
      %dma_start3A_81 = arith.constant 0 : i32
      %dma_start3A_82 = tpu.memref_slice %arg4[%arg0, %multiple_of3A_80, %dma_start3A_81] : memref<2x10240x128xf32, #tpu.memory_space<hbm>> -> memref<1x80x128xf32, #tpu.memory_space<hbm>>
      %dma_start3A_83 = tpu.memref_squeeze %dma_start3A_82 : memref<1x80x128xf32, #tpu.memory_space<hbm>> -> memref<80x128xf32, #tpu.memory_space<hbm>>
      %dma_start3A_84 = arith.constant 0 : i32
      %dma_start3A_85 = tpu.memref_slice %arg4[%arg0, %multiple_of3A_80, %dma_start3A_84] : memref<2x10240x128xf32, #tpu.memory_space<hbm>> -> memref<1x80x128xf32, #tpu.memory_space<hbm>>
      %dma_start3A_86 = tpu.memref_squeeze %dma_start3A_85 : memref<1x80x128xf32, #tpu.memory_space<hbm>> -> memref<80x128xf32, #tpu.memory_space<hbm>>
      tpu.enqueue_dma source(%arg9 : memref<80x128xf32, #tpu.memory_space<vmem>>) target(%dma_start3A_86 : memref<80x128xf32, #tpu.memory_space<hbm>>) target_semaphore(%run_scoped3A : memref<!tpu.dma_semaphore, #tpu.memory_space<semaphore_mem>>)
      %dma_wait3A = arith.constant 0 : i32
      %dma_wait3A_87 = tpu.memref_slice %arg4[%arg0, %multiple_of3A_80, %dma_wait3A] : memref<2x10240x128xf32, #tpu.memory_space<hbm>> -> memref<1x80x128xf32, #tpu.memory_space<hbm>>
      %dma_wait3A_88 = tpu.memref_squeeze %dma_wait3A_87 : memref<1x80x128xf32, #tpu.memory_space<hbm>> -> memref<80x128xf32, #tpu.memory_space<hbm>>
      %dma_wait3A_89 = arith.constant 0 : i32
      %dma_wait3A_90 = tpu.memref_slice %arg4[%arg0, %multiple_of3A_80, %dma_wait3A_89] : memref<2x10240x128xf32, #tpu.memory_space<hbm>> -> memref<1x80x128xf32, #tpu.memory_space<hbm>>
      %dma_wait3A_91 = tpu.memref_squeeze %dma_wait3A_90 : memref<1x80x128xf32, #tpu.memory_space<hbm>> -> memref<80x128xf32, #tpu.memory_space<hbm>>
      tpu.wait_dma2 semaphore(%run_scoped3A : memref<!tpu.dma_semaphore, #tpu.memory_space<semaphore_mem>>) src(%arg9 : memref<80x128xf32, #tpu.memory_space<vmem>>) dst(%dma_wait3A_91 : memref<80x128xf32, #tpu.memory_space<hbm>>)
      tpu.yield
    }) : () -> ()
    return
  }
}

#map = affine_map<(d0, d1) -> (0, 0)>
#map1 = affine_map<(d0, d1) -> (0)>
module attributes {stable_mosaic.version = 14 : i64} {
  func.func @body(%arg0: i32, %arg1: i32, %arg2: memref<10000x128xf32, #tpu.memory_space<hbm>>, %arg3: memref<10000x128xf32, #tpu.memory_space<hbm>>, %arg4: memref<320000xi32, #tpu.memory_space<hbm>>, %arg5: memref<320000xi32, #tpu.memory_space<hbm>>, %arg6: memref<320000x128xf32, #tpu.memory_space<hbm>>, %arg7: memref<10000xi32, #tpu.memory_space<vmem>>, %arg8: memref<10000xi32, #tpu.memory_space<vmem>>, %arg9: memref<80x128xf32, #tpu.memory_space<vmem>>, %arg10: memref<80x128xf32, #tpu.memory_space<vmem>>, %arg11: memref<80x128xf32, #tpu.memory_space<vmem>>, %arg12: memref<80x128xf32, #tpu.memory_space<vmem>>, %arg13: memref<80x128xf32, #tpu.memory_space<vmem>>, %arg14: memref<80x128xf32, #tpu.memory_space<vmem>>, %arg15: memref<!tpu.dma_semaphore, #tpu.memory_space<semaphore_mem>>, %arg16: memref<!tpu.dma_semaphore, #tpu.memory_space<semaphore_mem>>, %arg17: memref<!tpu.dma_semaphore, #tpu.memory_space<semaphore_mem>>, %arg18: memref<!tpu.dma_semaphore, #tpu.memory_space<semaphore_mem>>, %arg19: memref<!tpu.dma_semaphore, #tpu.memory_space<semaphore_mem>>, %arg20: memref<!tpu.dma_semaphore, #tpu.memory_space<semaphore_mem>>) attributes {dimension_semantics = [#tpu.dimension_semantics<core_parallel>, #tpu.dimension_semantics<subcore_parallel>], iteration_bounds = array<i64: 2, 16>, scalar_prefetch = 0 : i64, scratch_operands = 14 : i64, tpu.core_type = #tpu.core_type<sc_vector_subcore>, window_params = [{transform_indices = #map}, {transform_indices = #map}, {transform_indices = #map1}, {transform_indices = #map1}, {transform_indices = #map}]} {
    %mul3A = arith.constant 2 : i32
    %mul3A_0 = arith.muli %arg1, %mul3A : i32
    %add3A = arith.addi %mul3A_0, %arg0 : i32
    %mul3A_1 = arith.constant 10000 : i32
    %mul3A_2 = arith.muli %add3A, %mul3A_1 : i32
    "tpu.region"() ({
      %run_scoped3A = tpu.sem_alloc : memref<!tpu.dma_semaphore, #tpu.memory_space<semaphore_mem>>
      %dma_start3A_38 = tpu.memref_slice %arg4[%mul3A_2] : memref<320000xi32, #tpu.memory_space<hbm>> -> memref<10000xi32, #tpu.memory_space<hbm>>
      %dma_start3A_39 = tpu.memref_slice %arg4[%mul3A_2] : memref<320000xi32, #tpu.memory_space<hbm>> -> memref<10000xi32, #tpu.memory_space<hbm>>
      tpu.enqueue_dma source(%dma_start3A_39 : memref<10000xi32, #tpu.memory_space<hbm>>) target(%arg7 : memref<10000xi32, #tpu.memory_space<vmem>>) target_semaphore(%run_scoped3A : memref<!tpu.dma_semaphore, #tpu.memory_space<semaphore_mem>>)
      %dma_wait3A_40 = tpu.memref_slice %arg4[%mul3A_2] : memref<320000xi32, #tpu.memory_space<hbm>> -> memref<10000xi32, #tpu.memory_space<hbm>>
      %dma_wait3A_41 = tpu.memref_slice %arg4[%mul3A_2] : memref<320000xi32, #tpu.memory_space<hbm>> -> memref<10000xi32, #tpu.memory_space<hbm>>
      tpu.wait_dma2 semaphore(%run_scoped3A : memref<!tpu.dma_semaphore, #tpu.memory_space<semaphore_mem>>) src(%dma_wait3A_41 : memref<10000xi32, #tpu.memory_space<hbm>>) dst(%arg7 : memref<10000xi32, #tpu.memory_space<vmem>>)
      tpu.yield
    }) : () -> ()
    "tpu.region"() ({
      %run_scoped3A = tpu.sem_alloc : memref<!tpu.dma_semaphore, #tpu.memory_space<semaphore_mem>>
      %dma_start3A_38 = tpu.memref_slice %arg5[%mul3A_2] : memref<320000xi32, #tpu.memory_space<hbm>> -> memref<10000xi32, #tpu.memory_space<hbm>>
      %dma_start3A_39 = tpu.memref_slice %arg5[%mul3A_2] : memref<320000xi32, #tpu.memory_space<hbm>> -> memref<10000xi32, #tpu.memory_space<hbm>>
      tpu.enqueue_dma source(%dma_start3A_39 : memref<10000xi32, #tpu.memory_space<hbm>>) target(%arg8 : memref<10000xi32, #tpu.memory_space<vmem>>) target_semaphore(%run_scoped3A : memref<!tpu.dma_semaphore, #tpu.memory_space<semaphore_mem>>)
      %dma_wait3A_40 = tpu.memref_slice %arg5[%mul3A_2] : memref<320000xi32, #tpu.memory_space<hbm>> -> memref<10000xi32, #tpu.memory_space<hbm>>
      %dma_wait3A_41 = tpu.memref_slice %arg5[%mul3A_2] : memref<320000xi32, #tpu.memory_space<hbm>> -> memref<10000xi32, #tpu.memory_space<hbm>>
      tpu.wait_dma2 semaphore(%run_scoped3A : memref<!tpu.dma_semaphore, #tpu.memory_space<semaphore_mem>>) src(%dma_wait3A_41 : memref<10000xi32, #tpu.memory_space<hbm>>) dst(%arg8 : memref<10000xi32, #tpu.memory_space<vmem>>)
      tpu.yield
    }) : () -> ()
    %rem3A = arith.constant 0 : i32
    %rem3A_3 = arith.constant 125 : i32
    %rem3A_4 = arith.remsi %rem3A, %rem3A_3 : i32
    %mul3A_5 = arith.constant 80 : i32
    %mul3A_6 = arith.muli %rem3A_4, %mul3A_5 : i32
    %multiple_of3A = tpu.assume_multiple %mul3A_6, 8 : i32
    %dma_start3A = tpu.memref_slice %arg7[%multiple_of3A] : memref<10000xi32, #tpu.memory_space<vmem>> -> memref<80xi32, #tpu.memory_space<vmem>>
    %dma_start3A_7 = arith.constant 0 : i32
    %dma_start3A_8 = arith.constant 0 : i32
    %dma_start3A_9 = tpu.memref_slice %arg2[%dma_start3A_7, %dma_start3A_8] : memref<10000x128xf32, #tpu.memory_space<hbm>> -> memref<10000x128xf32, #tpu.memory_space<hbm>>
    tpu.enqueue_indirect_dma source(%dma_start3A_9 : memref<10000x128xf32, #tpu.memory_space<hbm>>) target(%arg9 : memref<80x128xf32, #tpu.memory_space<vmem>>) offsets(%dma_start3A : memref<80xi32, #tpu.memory_space<vmem>>) semaphore(%arg15 : memref<!tpu.dma_semaphore, #tpu.memory_space<semaphore_mem>>)
    %dma_start3A_10 = tpu.memref_slice %arg8[%multiple_of3A] : memref<10000xi32, #tpu.memory_space<vmem>> -> memref<80xi32, #tpu.memory_space<vmem>>
    %dma_start3A_11 = arith.constant 0 : i32
    %dma_start3A_12 = arith.constant 0 : i32
    %dma_start3A_13 = tpu.memref_slice %arg3[%dma_start3A_11, %dma_start3A_12] : memref<10000x128xf32, #tpu.memory_space<hbm>> -> memref<10000x128xf32, #tpu.memory_space<hbm>>
    tpu.enqueue_indirect_dma source(%dma_start3A_13 : memref<10000x128xf32, #tpu.memory_space<hbm>>) target(%arg10 : memref<80x128xf32, #tpu.memory_space<vmem>>) offsets(%dma_start3A_10 : memref<80xi32, #tpu.memory_space<vmem>>) semaphore(%arg15 : memref<!tpu.dma_semaphore, #tpu.memory_space<semaphore_mem>>)
    %rem3A_14 = arith.constant 1 : i32
    %rem3A_15 = arith.constant 125 : i32
    %rem3A_16 = arith.remsi %rem3A_14, %rem3A_15 : i32
    %mul3A_17 = arith.constant 80 : i32
    %mul3A_18 = arith.muli %rem3A_16, %mul3A_17 : i32
    %multiple_of3A_19 = tpu.assume_multiple %mul3A_18, 8 : i32
    %dma_start3A_20 = tpu.memref_slice %arg7[%multiple_of3A_19] : memref<10000xi32, #tpu.memory_space<vmem>> -> memref<80xi32, #tpu.memory_space<vmem>>
    %dma_start3A_21 = arith.constant 0 : i32
    %dma_start3A_22 = arith.constant 0 : i32
    %dma_start3A_23 = tpu.memref_slice %arg2[%dma_start3A_21, %dma_start3A_22] : memref<10000x128xf32, #tpu.memory_space<hbm>> -> memref<10000x128xf32, #tpu.memory_space<hbm>>
    tpu.enqueue_indirect_dma source(%dma_start3A_23 : memref<10000x128xf32, #tpu.memory_space<hbm>>) target(%arg11 : memref<80x128xf32, #tpu.memory_space<vmem>>) offsets(%dma_start3A_20 : memref<80xi32, #tpu.memory_space<vmem>>) semaphore(%arg16 : memref<!tpu.dma_semaphore, #tpu.memory_space<semaphore_mem>>)
    %dma_start3A_24 = tpu.memref_slice %arg8[%multiple_of3A_19] : memref<10000xi32, #tpu.memory_space<vmem>> -> memref<80xi32, #tpu.memory_space<vmem>>
    %dma_start3A_25 = arith.constant 0 : i32
    %dma_start3A_26 = arith.constant 0 : i32
    %dma_start3A_27 = tpu.memref_slice %arg3[%dma_start3A_25, %dma_start3A_26] : memref<10000x128xf32, #tpu.memory_space<hbm>> -> memref<10000x128xf32, #tpu.memory_space<hbm>>
    tpu.enqueue_indirect_dma source(%dma_start3A_27 : memref<10000x128xf32, #tpu.memory_space<hbm>>) target(%arg12 : memref<80x128xf32, #tpu.memory_space<vmem>>) offsets(%dma_start3A_24 : memref<80xi32, #tpu.memory_space<vmem>>) semaphore(%arg16 : memref<!tpu.dma_semaphore, #tpu.memory_space<semaphore_mem>>)
    %scan3A = arith.constant 0 : i32
    %scan3A_28 = arith.constant 0 : i32
    %scan3A_29 = arith.constant 42 : i32
    %scan3A_30 = arith.addi %scan3A_28, %scan3A_29 : i32
    %scan3A_31 = arith.constant 1 : i32
    scf.for %scan3A_38 = %scan3A_28 to %scan3A_30 step %scan3A_31  : i32 {
      %mul3A_39 = arith.constant 3 : i32
      %mul3A_40 = arith.muli %scan3A_38, %mul3A_39 : i32
      %add3A_41 = arith.constant 0 : i32
      %add3A_42 = arith.addi %mul3A_40, %add3A_41 : i32
      %gt3A = arith.constant 0 : i32
      %gt3A_43 = arith.cmpi sgt, %scan3A_38, %gt3A : i32
      %convert_element_type3A = arith.extui %gt3A_43 : i1 to i32
      %cond3A = arith.constant 0 : i32
      %cond3A_44 = arith.cmpi ne, %convert_element_type3A, %cond3A : i32
      scf.if %cond3A_44 {
        %dma_wait3A_166 = arith.constant 0 : i32
        %dma_wait3A_167 = arith.constant 0 : i32
        %dma_wait3A_168 = tpu.memref_slice %arg6[%dma_wait3A_166, %dma_wait3A_167] : memref<320000x128xf32, #tpu.memory_space<hbm>> -> memref<80x128xf32, #tpu.memory_space<hbm>>
        %dma_wait3A_169 = arith.constant 0 : i32
        %dma_wait3A_170 = arith.constant 0 : i32
        %dma_wait3A_171 = tpu.memref_slice %arg6[%dma_wait3A_169, %dma_wait3A_170] : memref<320000x128xf32, #tpu.memory_space<hbm>> -> memref<80x128xf32, #tpu.memory_space<hbm>>
        tpu.wait_dma2 semaphore(%arg20 : memref<!tpu.dma_semaphore, #tpu.memory_space<semaphore_mem>>) src(%arg13 : memref<80x128xf32, #tpu.memory_space<vmem>>) dst(%dma_wait3A_171 : memref<80x128xf32, #tpu.memory_space<hbm>>)
        %add3A_172 = arith.constant 2 : i32
        %add3A_173 = arith.addi %add3A_42, %add3A_172 : i32
        %rem3A_174 = arith.constant 125 : i32
        %rem3A_175 = arith.remsi %add3A_173, %rem3A_174 : i32
        %mul3A_176 = arith.constant 80 : i32
        %mul3A_177 = arith.muli %rem3A_175, %mul3A_176 : i32
        %multiple_of3A_178 = tpu.assume_multiple %mul3A_177, 8 : i32
        %dma_start3A_179 = tpu.memref_slice %arg7[%multiple_of3A_178] : memref<10000xi32, #tpu.memory_space<vmem>> -> memref<80xi32, #tpu.memory_space<vmem>>
        %dma_start3A_180 = arith.constant 0 : i32
        %dma_start3A_181 = arith.constant 0 : i32
        %dma_start3A_182 = tpu.memref_slice %arg2[%dma_start3A_180, %dma_start3A_181] : memref<10000x128xf32, #tpu.memory_space<hbm>> -> memref<10000x128xf32, #tpu.memory_space<hbm>>
        tpu.enqueue_indirect_dma source(%dma_start3A_182 : memref<10000x128xf32, #tpu.memory_space<hbm>>) target(%arg13 : memref<80x128xf32, #tpu.memory_space<vmem>>) offsets(%dma_start3A_179 : memref<80xi32, #tpu.memory_space<vmem>>) semaphore(%arg17 : memref<!tpu.dma_semaphore, #tpu.memory_space<semaphore_mem>>)
        %dma_start3A_183 = tpu.memref_slice %arg8[%multiple_of3A_178] : memref<10000xi32, #tpu.memory_space<vmem>> -> memref<80xi32, #tpu.memory_space<vmem>>
        %dma_start3A_184 = arith.constant 0 : i32
        %dma_start3A_185 = arith.constant 0 : i32
        %dma_start3A_186 = tpu.memref_slice %arg3[%dma_start3A_184, %dma_start3A_185] : memref<10000x128xf32, #tpu.memory_space<hbm>> -> memref<10000x128xf32, #tpu.memory_space<hbm>>
        tpu.enqueue_indirect_dma source(%dma_start3A_186 : memref<10000x128xf32, #tpu.memory_space<hbm>>) target(%arg14 : memref<80x128xf32, #tpu.memory_space<vmem>>) offsets(%dma_start3A_183 : memref<80xi32, #tpu.memory_space<vmem>>) semaphore(%arg17 : memref<!tpu.dma_semaphore, #tpu.memory_space<semaphore_mem>>)
      } else {
      }
      %eq3A = arith.constant 0 : i32
      %eq3A_45 = arith.cmpi eq, %scan3A_38, %eq3A : i32
      %convert_element_type3A_46 = arith.extui %eq3A_45 : i1 to i32
      %cond3A_47 = arith.constant 0 : i32
      %cond3A_48 = arith.cmpi ne, %convert_element_type3A_46, %cond3A_47 : i32
      scf.if %cond3A_48 {
        %add3A_166 = arith.constant 2 : i32
        %add3A_167 = arith.addi %add3A_42, %add3A_166 : i32
        %rem3A_168 = arith.constant 125 : i32
        %rem3A_169 = arith.remsi %add3A_167, %rem3A_168 : i32
        %mul3A_170 = arith.constant 80 : i32
        %mul3A_171 = arith.muli %rem3A_169, %mul3A_170 : i32
        %multiple_of3A_172 = tpu.assume_multiple %mul3A_171, 8 : i32
        %dma_start3A_173 = tpu.memref_slice %arg7[%multiple_of3A_172] : memref<10000xi32, #tpu.memory_space<vmem>> -> memref<80xi32, #tpu.memory_space<vmem>>
        %dma_start3A_174 = arith.constant 0 : i32
        %dma_start3A_175 = arith.constant 0 : i32
        %dma_start3A_176 = tpu.memref_slice %arg2[%dma_start3A_174, %dma_start3A_175] : memref<10000x128xf32, #tpu.memory_space<hbm>> -> memref<10000x128xf32, #tpu.memory_space<hbm>>
        tpu.enqueue_indirect_dma source(%dma_start3A_176 : memref<10000x128xf32, #tpu.memory_space<hbm>>) target(%arg13 : memref<80x128xf32, #tpu.memory_space<vmem>>) offsets(%dma_start3A_173 : memref<80xi32, #tpu.memory_space<vmem>>) semaphore(%arg17 : memref<!tpu.dma_semaphore, #tpu.memory_space<semaphore_mem>>)
        %dma_start3A_177 = tpu.memref_slice %arg8[%multiple_of3A_172] : memref<10000xi32, #tpu.memory_space<vmem>> -> memref<80xi32, #tpu.memory_space<vmem>>
        %dma_start3A_178 = arith.constant 0 : i32
        %dma_start3A_179 = arith.constant 0 : i32
        %dma_start3A_180 = tpu.memref_slice %arg3[%dma_start3A_178, %dma_start3A_179] : memref<10000x128xf32, #tpu.memory_space<hbm>> -> memref<10000x128xf32, #tpu.memory_space<hbm>>
        tpu.enqueue_indirect_dma source(%dma_start3A_180 : memref<10000x128xf32, #tpu.memory_space<hbm>>) target(%arg14 : memref<80x128xf32, #tpu.memory_space<vmem>>) offsets(%dma_start3A_177 : memref<80xi32, #tpu.memory_space<vmem>>) semaphore(%arg17 : memref<!tpu.dma_semaphore, #tpu.memory_space<semaphore_mem>>)
      } else {
      }
      %dma_wait3A_49 = arith.constant 0 : i32
      %dma_wait3A_50 = arith.constant 0 : i32
      %dma_wait3A_51 = tpu.memref_slice %arg2[%dma_wait3A_49, %dma_wait3A_50] : memref<10000x128xf32, #tpu.memory_space<hbm>> -> memref<80x128xf32, #tpu.memory_space<hbm>>
      %dma_wait3A_52 = arith.constant 0 : i32
      %dma_wait3A_53 = arith.constant 0 : i32
      %dma_wait3A_54 = tpu.memref_slice %arg2[%dma_wait3A_52, %dma_wait3A_53] : memref<10000x128xf32, #tpu.memory_space<hbm>> -> memref<80x128xf32, #tpu.memory_space<hbm>>
      tpu.wait_dma2 semaphore(%arg15 : memref<!tpu.dma_semaphore, #tpu.memory_space<semaphore_mem>>) src(%dma_wait3A_54 : memref<80x128xf32, #tpu.memory_space<hbm>>) dst(%arg9 : memref<80x128xf32, #tpu.memory_space<vmem>>)
      %dma_wait3A_55 = arith.constant 0 : i32
      %dma_wait3A_56 = arith.constant 0 : i32
      %dma_wait3A_57 = tpu.memref_slice %arg3[%dma_wait3A_55, %dma_wait3A_56] : memref<10000x128xf32, #tpu.memory_space<hbm>> -> memref<80x128xf32, #tpu.memory_space<hbm>>
      %dma_wait3A_58 = arith.constant 0 : i32
      %dma_wait3A_59 = arith.constant 0 : i32
      %dma_wait3A_60 = tpu.memref_slice %arg3[%dma_wait3A_58, %dma_wait3A_59] : memref<10000x128xf32, #tpu.memory_space<hbm>> -> memref<80x128xf32, #tpu.memory_space<hbm>>
      tpu.wait_dma2 semaphore(%arg15 : memref<!tpu.dma_semaphore, #tpu.memory_space<semaphore_mem>>) src(%dma_wait3A_60 : memref<80x128xf32, #tpu.memory_space<hbm>>) dst(%arg10 : memref<80x128xf32, #tpu.memory_space<vmem>>)
      %scan3A_61 = arith.constant 0 : i32
      %scan3A_62 = arith.constant 0 : i32
      %scan3A_63 = arith.constant 40 : i32
      %scan3A_64 = arith.addi %scan3A_62, %scan3A_63 : i32
      %scan3A_65 = arith.constant 1 : i32
      scf.for %scan3A_166 = %scan3A_62 to %scan3A_64 step %scan3A_65  : i32 {
        %mul3A_167 = arith.constant 2 : i32
        %mul3A_168 = arith.muli %scan3A_166, %mul3A_167 : i32
        %add3A_169 = arith.constant 0 : i32
        %add3A_170 = arith.addi %mul3A_168, %add3A_169 : i32
        %get3A = arith.index_cast %add3A_170 : i32 to index
        %get3A_171 = arith.constant 0 : index
        %get3A_172 = tpu.vector_load %arg9[%get3A, %get3A_171] {strides = array<i32>} : memref<80x128xf32, #tpu.memory_space<vmem>>, vector<1x16xf32>,
        %get3A_173 = vector.shape_cast %get3A_172 : vector<1x16xf32> to vector<16xf32>
        %get3A_174 = arith.index_cast %add3A_170 : i32 to index
        %get3A_175 = arith.constant 0 : index
        %get3A_176 = tpu.vector_load %arg10[%get3A_174, %get3A_175] {strides = array<i32>} : memref<80x128xf32, #tpu.memory_space<vmem>>, vector<1x16xf32>,
        %get3A_177 = vector.shape_cast %get3A_176 : vector<1x16xf32> to vector<16xf32>
        %add3A_178 = arith.addf %get3A_173, %get3A_177 : vector<16xf32>
        %swap3A = arith.index_cast %add3A_170 : i32 to index
        %swap3A_179 = arith.constant 0 : index
        %swap3A_180 = tpu.vector_load %arg9[%swap3A, %swap3A_179] {strides = array<i32>} : memref<80x128xf32, #tpu.memory_space<vmem>>, vector<1x16xf32>,
        %swap3A_181 = vector.shape_cast %swap3A_180 : vector<1x16xf32> to vector<16xf32>
        %swap3A_182 = vector.shape_cast %add3A_178 : vector<16xf32> to vector<1x16xf32>
        tpu.vector_store %arg9[%swap3A, %swap3A_179], %swap3A_182 {strides = array<i32>} : memref<80x128xf32, #tpu.memory_space<vmem>>, vector<1x16xf32>,
        %get3A_183 = arith.index_cast %add3A_170 : i32 to index
        %get3A_184 = arith.constant 16 : index
        %get3A_185 = tpu.vector_load %arg9[%get3A_183, %get3A_184] {strides = array<i32>} : memref<80x128xf32, #tpu.memory_space<vmem>>, vector<1x16xf32>,
        %get3A_186 = vector.shape_cast %get3A_185 : vector<1x16xf32> to vector<16xf32>
        %get3A_187 = arith.index_cast %add3A_170 : i32 to index
        %get3A_188 = arith.constant 16 : index
        %get3A_189 = tpu.vector_load %arg10[%get3A_187, %get3A_188] {strides = array<i32>} : memref<80x128xf32, #tpu.memory_space<vmem>>, vector<1x16xf32>,
        %get3A_190 = vector.shape_cast %get3A_189 : vector<1x16xf32> to vector<16xf32>
        %add3A_191 = arith.addf %get3A_186, %get3A_190 : vector<16xf32>
        %swap3A_192 = arith.index_cast %add3A_170 : i32 to index
        %swap3A_193 = arith.constant 16 : index
        %swap3A_194 = tpu.vector_load %arg9[%swap3A_192, %swap3A_193] {strides = array<i32>} : memref<80x128xf32, #tpu.memory_space<vmem>>, vector<1x16xf32>,
        %swap3A_195 = vector.shape_cast %swap3A_194 : vector<1x16xf32> to vector<16xf32>
        %swap3A_196 = vector.shape_cast %add3A_191 : vector<16xf32> to vector<1x16xf32>
        tpu.vector_store %arg9[%swap3A_192, %swap3A_193], %swap3A_196 {strides = array<i32>} : memref<80x128xf32, #tpu.memory_space<vmem>>, vector<1x16xf32>,
        %get3A_197 = arith.index_cast %add3A_170 : i32 to index
        %get3A_198 = arith.constant 32 : index
        %get3A_199 = tpu.vector_load %arg9[%get3A_197, %get3A_198] {strides = array<i32>} : memref<80x128xf32, #tpu.memory_space<vmem>>, vector<1x16xf32>,
        %get3A_200 = vector.shape_cast %get3A_199 : vector<1x16xf32> to vector<16xf32>
        %get3A_201 = arith.index_cast %add3A_170 : i32 to index
        %get3A_202 = arith.constant 32 : index
        %get3A_203 = tpu.vector_load %arg10[%get3A_201, %get3A_202] {strides = array<i32>} : memref<80x128xf32, #tpu.memory_space<vmem>>, vector<1x16xf32>,
        %get3A_204 = vector.shape_cast %get3A_203 : vector<1x16xf32> to vector<16xf32>
        %add3A_205 = arith.addf %get3A_200, %get3A_204 : vector<16xf32>
        %swap3A_206 = arith.index_cast %add3A_170 : i32 to index
        %swap3A_207 = arith.constant 32 : index
        %swap3A_208 = tpu.vector_load %arg9[%swap3A_206, %swap3A_207] {strides = array<i32>} : memref<80x128xf32, #tpu.memory_space<vmem>>, vector<1x16xf32>,
        %swap3A_209 = vector.shape_cast %swap3A_208 : vector<1x16xf32> to vector<16xf32>
        %swap3A_210 = vector.shape_cast %add3A_205 : vector<16xf32> to vector<1x16xf32>
        tpu.vector_store %arg9[%swap3A_206, %swap3A_207], %swap3A_210 {strides = array<i32>} : memref<80x128xf32, #tpu.memory_space<vmem>>, vector<1x16xf32>,
        %get3A_211 = arith.index_cast %add3A_170 : i32 to index
        %get3A_212 = arith.constant 48 : index
        %get3A_213 = tpu.vector_load %arg9[%get3A_211, %get3A_212] {strides = array<i32>} : memref<80x128xf32, #tpu.memory_space<vmem>>, vector<1x16xf32>,
        %get3A_214 = vector.shape_cast %get3A_213 : vector<1x16xf32> to vector<16xf32>
        %get3A_215 = arith.index_cast %add3A_170 : i32 to index
        %get3A_216 = arith.constant 48 : index
        %get3A_217 = tpu.vector_load %arg10[%get3A_215, %get3A_216] {strides = array<i32>} : memref<80x128xf32, #tpu.memory_space<vmem>>, vector<1x16xf32>,
        %get3A_218 = vector.shape_cast %get3A_217 : vector<1x16xf32> to vector<16xf32>
        %add3A_219 = arith.addf %get3A_214, %get3A_218 : vector<16xf32>
        %swap3A_220 = arith.index_cast %add3A_170 : i32 to index
        %swap3A_221 = arith.constant 48 : index
        %swap3A_222 = tpu.vector_load %arg9[%swap3A_220, %swap3A_221] {strides = array<i32>} : memref<80x128xf32, #tpu.memory_space<vmem>>, vector<1x16xf32>,
        %swap3A_223 = vector.shape_cast %swap3A_222 : vector<1x16xf32> to vector<16xf32>
        %swap3A_224 = vector.shape_cast %add3A_219 : vector<16xf32> to vector<1x16xf32>
        tpu.vector_store %arg9[%swap3A_220, %swap3A_221], %swap3A_224 {strides = array<i32>} : memref<80x128xf32, #tpu.memory_space<vmem>>, vector<1x16xf32>,
        %get3A_225 = arith.index_cast %add3A_170 : i32 to index
        %get3A_226 = arith.constant 64 : index
        %get3A_227 = tpu.vector_load %arg9[%get3A_225, %get3A_226] {strides = array<i32>} : memref<80x128xf32, #tpu.memory_space<vmem>>, vector<1x16xf32>,
        %get3A_228 = vector.shape_cast %get3A_227 : vector<1x16xf32> to vector<16xf32>
        %get3A_229 = arith.index_cast %add3A_170 : i32 to index
        %get3A_230 = arith.constant 64 : index
        %get3A_231 = tpu.vector_load %arg10[%get3A_229, %get3A_230] {strides = array<i32>} : memref<80x128xf32, #tpu.memory_space<vmem>>, vector<1x16xf32>,
        %get3A_232 = vector.shape_cast %get3A_231 : vector<1x16xf32> to vector<16xf32>
        %add3A_233 = arith.addf %get3A_228, %get3A_232 : vector<16xf32>
        %swap3A_234 = arith.index_cast %add3A_170 : i32 to index
        %swap3A_235 = arith.constant 64 : index
        %swap3A_236 = tpu.vector_load %arg9[%swap3A_234, %swap3A_235] {strides = array<i32>} : memref<80x128xf32, #tpu.memory_space<vmem>>, vector<1x16xf32>,
        %swap3A_237 = vector.shape_cast %swap3A_236 : vector<1x16xf32> to vector<16xf32>
        %swap3A_238 = vector.shape_cast %add3A_233 : vector<16xf32> to vector<1x16xf32>
        tpu.vector_store %arg9[%swap3A_234, %swap3A_235], %swap3A_238 {strides = array<i32>} : memref<80x128xf32, #tpu.memory_space<vmem>>, vector<1x16xf32>,
        %get3A_239 = arith.index_cast %add3A_170 : i32 to index
        %get3A_240 = arith.constant 80 : index
        %get3A_241 = tpu.vector_load %arg9[%get3A_239, %get3A_240] {strides = array<i32>} : memref<80x128xf32, #tpu.memory_space<vmem>>, vector<1x16xf32>,
        %get3A_242 = vector.shape_cast %get3A_241 : vector<1x16xf32> to vector<16xf32>
        %get3A_243 = arith.index_cast %add3A_170 : i32 to index
        %get3A_244 = arith.constant 80 : index
        %get3A_245 = tpu.vector_load %arg10[%get3A_243, %get3A_244] {strides = array<i32>} : memref<80x128xf32, #tpu.memory_space<vmem>>, vector<1x16xf32>,
        %get3A_246 = vector.shape_cast %get3A_245 : vector<1x16xf32> to vector<16xf32>
        %add3A_247 = arith.addf %get3A_242, %get3A_246 : vector<16xf32>
        %swap3A_248 = arith.index_cast %add3A_170 : i32 to index
        %swap3A_249 = arith.constant 80 : index
        %swap3A_250 = tpu.vector_load %arg9[%swap3A_248, %swap3A_249] {strides = array<i32>} : memref<80x128xf32, #tpu.memory_space<vmem>>, vector<1x16xf32>,
        %swap3A_251 = vector.shape_cast %swap3A_250 : vector<1x16xf32> to vector<16xf32>
        %swap3A_252 = vector.shape_cast %add3A_247 : vector<16xf32> to vector<1x16xf32>
        tpu.vector_store %arg9[%swap3A_248, %swap3A_249], %swap3A_252 {strides = array<i32>} : memref<80x128xf32, #tpu.memory_space<vmem>>, vector<1x16xf32>,
        %get3A_253 = arith.index_cast %add3A_170 : i32 to index
        %get3A_254 = arith.constant 96 : index
        %get3A_255 = tpu.vector_load %arg9[%get3A_253, %get3A_254] {strides = array<i32>} : memref<80x128xf32, #tpu.memory_space<vmem>>, vector<1x16xf32>,
        %get3A_256 = vector.shape_cast %get3A_255 : vector<1x16xf32> to vector<16xf32>
        %get3A_257 = arith.index_cast %add3A_170 : i32 to index
        %get3A_258 = arith.constant 96 : index
        %get3A_259 = tpu.vector_load %arg10[%get3A_257, %get3A_258] {strides = array<i32>} : memref<80x128xf32, #tpu.memory_space<vmem>>, vector<1x16xf32>,
        %get3A_260 = vector.shape_cast %get3A_259 : vector<1x16xf32> to vector<16xf32>
        %add3A_261 = arith.addf %get3A_256, %get3A_260 : vector<16xf32>
        %swap3A_262 = arith.index_cast %add3A_170 : i32 to index
        %swap3A_263 = arith.constant 96 : index
        %swap3A_264 = tpu.vector_load %arg9[%swap3A_262, %swap3A_263] {strides = array<i32>} : memref<80x128xf32, #tpu.memory_space<vmem>>, vector<1x16xf32>,
        %swap3A_265 = vector.shape_cast %swap3A_264 : vector<1x16xf32> to vector<16xf32>
        %swap3A_266 = vector.shape_cast %add3A_261 : vector<16xf32> to vector<1x16xf32>
        tpu.vector_store %arg9[%swap3A_262, %swap3A_263], %swap3A_266 {strides = array<i32>} : memref<80x128xf32, #tpu.memory_space<vmem>>, vector<1x16xf32>,
        %get3A_267 = arith.index_cast %add3A_170 : i32 to index
        %get3A_268 = arith.constant 112 : index
        %get3A_269 = tpu.vector_load %arg9[%get3A_267, %get3A_268] {strides = array<i32>} : memref<80x128xf32, #tpu.memory_space<vmem>>, vector<1x16xf32>,
        %get3A_270 = vector.shape_cast %get3A_269 : vector<1x16xf32> to vector<16xf32>
        %get3A_271 = arith.index_cast %add3A_170 : i32 to index
        %get3A_272 = arith.constant 112 : index
        %get3A_273 = tpu.vector_load %arg10[%get3A_271, %get3A_272] {strides = array<i32>} : memref<80x128xf32, #tpu.memory_space<vmem>>, vector<1x16xf32>,
        %get3A_274 = vector.shape_cast %get3A_273 : vector<1x16xf32> to vector<16xf32>
        %add3A_275 = arith.addf %get3A_270, %get3A_274 : vector<16xf32>
        %swap3A_276 = arith.index_cast %add3A_170 : i32 to index
        %swap3A_277 = arith.constant 112 : index
        %swap3A_278 = tpu.vector_load %arg9[%swap3A_276, %swap3A_277] {strides = array<i32>} : memref<80x128xf32, #tpu.memory_space<vmem>>, vector<1x16xf32>,
        %swap3A_279 = vector.shape_cast %swap3A_278 : vector<1x16xf32> to vector<16xf32>
        %swap3A_280 = vector.shape_cast %add3A_275 : vector<16xf32> to vector<1x16xf32>
        tpu.vector_store %arg9[%swap3A_276, %swap3A_277], %swap3A_280 {strides = array<i32>} : memref<80x128xf32, #tpu.memory_space<vmem>>, vector<1x16xf32>,
        %mul3A_281 = arith.constant 2 : i32
        %mul3A_282 = arith.muli %scan3A_166, %mul3A_281 : i32
        %add3A_283 = arith.constant 1 : i32
        %add3A_284 = arith.addi %mul3A_282, %add3A_283 : i32
        %get3A_285 = arith.index_cast %add3A_284 : i32 to index
        %get3A_286 = arith.constant 0 : index
        %get3A_287 = tpu.vector_load %arg9[%get3A_285, %get3A_286] {strides = array<i32>} : memref<80x128xf32, #tpu.memory_space<vmem>>, vector<1x16xf32>,
        %get3A_288 = vector.shape_cast %get3A_287 : vector<1x16xf32> to vector<16xf32>
        %get3A_289 = arith.index_cast %add3A_284 : i32 to index
        %get3A_290 = arith.constant 0 : index
        %get3A_291 = tpu.vector_load %arg10[%get3A_289, %get3A_290] {strides = array<i32>} : memref<80x128xf32, #tpu.memory_space<vmem>>, vector<1x16xf32>,
        %get3A_292 = vector.shape_cast %get3A_291 : vector<1x16xf32> to vector<16xf32>
        %add3A_293 = arith.addf %get3A_288, %get3A_292 : vector<16xf32>
        %swap3A_294 = arith.index_cast %add3A_284 : i32 to index
        %swap3A_295 = arith.constant 0 : index
        %swap3A_296 = tpu.vector_load %arg9[%swap3A_294, %swap3A_295] {strides = array<i32>} : memref<80x128xf32, #tpu.memory_space<vmem>>, vector<1x16xf32>,
        %swap3A_297 = vector.shape_cast %swap3A_296 : vector<1x16xf32> to vector<16xf32>
        %swap3A_298 = vector.shape_cast %add3A_293 : vector<16xf32> to vector<1x16xf32>
        tpu.vector_store %arg9[%swap3A_294, %swap3A_295], %swap3A_298 {strides = array<i32>} : memref<80x128xf32, #tpu.memory_space<vmem>>, vector<1x16xf32>,
        %get3A_299 = arith.index_cast %add3A_284 : i32 to index
        %get3A_300 = arith.constant 16 : index
        %get3A_301 = tpu.vector_load %arg9[%get3A_299, %get3A_300] {strides = array<i32>} : memref<80x128xf32, #tpu.memory_space<vmem>>, vector<1x16xf32>,
        %get3A_302 = vector.shape_cast %get3A_301 : vector<1x16xf32> to vector<16xf32>
        %get3A_303 = arith.index_cast %add3A_284 : i32 to index
        %get3A_304 = arith.constant 16 : index
        %get3A_305 = tpu.vector_load %arg10[%get3A_303, %get3A_304] {strides = array<i32>} : memref<80x128xf32, #tpu.memory_space<vmem>>, vector<1x16xf32>,
        %get3A_306 = vector.shape_cast %get3A_305 : vector<1x16xf32> to vector<16xf32>
        %add3A_307 = arith.addf %get3A_302, %get3A_306 : vector<16xf32>
        %swap3A_308 = arith.index_cast %add3A_284 : i32 to index
        %swap3A_309 = arith.constant 16 : index
        %swap3A_310 = tpu.vector_load %arg9[%swap3A_308, %swap3A_309] {strides = array<i32>} : memref<80x128xf32, #tpu.memory_space<vmem>>, vector<1x16xf32>,
        %swap3A_311 = vector.shape_cast %swap3A_310 : vector<1x16xf32> to vector<16xf32>
        %swap3A_312 = vector.shape_cast %add3A_307 : vector<16xf32> to vector<1x16xf32>
        tpu.vector_store %arg9[%swap3A_308, %swap3A_309], %swap3A_312 {strides = array<i32>} : memref<80x128xf32, #tpu.memory_space<vmem>>, vector<1x16xf32>,
        %get3A_313 = arith.index_cast %add3A_284 : i32 to index
        %get3A_314 = arith.constant 32 : index
        %get3A_315 = tpu.vector_load %arg9[%get3A_313, %get3A_314] {strides = array<i32>} : memref<80x128xf32, #tpu.memory_space<vmem>>, vector<1x16xf32>,
        %get3A_316 = vector.shape_cast %get3A_315 : vector<1x16xf32> to vector<16xf32>
        %get3A_317 = arith.index_cast %add3A_284 : i32 to index
        %get3A_318 = arith.constant 32 : index
        %get3A_319 = tpu.vector_load %arg10[%get3A_317, %get3A_318] {strides = array<i32>} : memref<80x128xf32, #tpu.memory_space<vmem>>, vector<1x16xf32>,
        %get3A_320 = vector.shape_cast %get3A_319 : vector<1x16xf32> to vector<16xf32>
        %add3A_321 = arith.addf %get3A_316, %get3A_320 : vector<16xf32>
        %swap3A_322 = arith.index_cast %add3A_284 : i32 to index
        %swap3A_323 = arith.constant 32 : index
        %swap3A_324 = tpu.vector_load %arg9[%swap3A_322, %swap3A_323] {strides = array<i32>} : memref<80x128xf32, #tpu.memory_space<vmem>>, vector<1x16xf32>,
        %swap3A_325 = vector.shape_cast %swap3A_324 : vector<1x16xf32> to vector<16xf32>
        %swap3A_326 = vector.shape_cast %add3A_321 : vector<16xf32> to vector<1x16xf32>
        tpu.vector_store %arg9[%swap3A_322, %swap3A_323], %swap3A_326 {strides = array<i32>} : memref<80x128xf32, #tpu.memory_space<vmem>>, vector<1x16xf32>,
        %get3A_327 = arith.index_cast %add3A_284 : i32 to index
        %get3A_328 = arith.constant 48 : index
        %get3A_329 = tpu.vector_load %arg9[%get3A_327, %get3A_328] {strides = array<i32>} : memref<80x128xf32, #tpu.memory_space<vmem>>, vector<1x16xf32>,
        %get3A_330 = vector.shape_cast %get3A_329 : vector<1x16xf32> to vector<16xf32>
        %get3A_331 = arith.index_cast %add3A_284 : i32 to index
        %get3A_332 = arith.constant 48 : index
        %get3A_333 = tpu.vector_load %arg10[%get3A_331, %get3A_332] {strides = array<i32>} : memref<80x128xf32, #tpu.memory_space<vmem>>, vector<1x16xf32>,
        %get3A_334 = vector.shape_cast %get3A_333 : vector<1x16xf32> to vector<16xf32>
        %add3A_335 = arith.addf %get3A_330, %get3A_334 : vector<16xf32>
        %swap3A_336 = arith.index_cast %add3A_284 : i32 to index
        %swap3A_337 = arith.constant 48 : index
        %swap3A_338 = tpu.vector_load %arg9[%swap3A_336, %swap3A_337] {strides = array<i32>} : memref<80x128xf32, #tpu.memory_space<vmem>>, vector<1x16xf32>,
        %swap3A_339 = vector.shape_cast %swap3A_338 : vector<1x16xf32> to vector<16xf32>
        %swap3A_340 = vector.shape_cast %add3A_335 : vector<16xf32> to vector<1x16xf32>
        tpu.vector_store %arg9[%swap3A_336, %swap3A_337], %swap3A_340 {strides = array<i32>} : memref<80x128xf32, #tpu.memory_space<vmem>>, vector<1x16xf32>,
        %get3A_341 = arith.index_cast %add3A_284 : i32 to index
        %get3A_342 = arith.constant 64 : index
        %get3A_343 = tpu.vector_load %arg9[%get3A_341, %get3A_342] {strides = array<i32>} : memref<80x128xf32, #tpu.memory_space<vmem>>, vector<1x16xf32>,
        %get3A_344 = vector.shape_cast %get3A_343 : vector<1x16xf32> to vector<16xf32>
        %get3A_345 = arith.index_cast %add3A_284 : i32 to index
        %get3A_346 = arith.constant 64 : index
        %get3A_347 = tpu.vector_load %arg10[%get3A_345, %get3A_346] {strides = array<i32>} : memref<80x128xf32, #tpu.memory_space<vmem>>, vector<1x16xf32>,
        %get3A_348 = vector.shape_cast %get3A_347 : vector<1x16xf32> to vector<16xf32>
        %add3A_349 = arith.addf %get3A_344, %get3A_348 : vector<16xf32>
        %swap3A_350 = arith.index_cast %add3A_284 : i32 to index
        %swap3A_351 = arith.constant 64 : index
        %swap3A_352 = tpu.vector_load %arg9[%swap3A_350, %swap3A_351] {strides = array<i32>} : memref<80x128xf32, #tpu.memory_space<vmem>>, vector<1x16xf32>,
        %swap3A_353 = vector.shape_cast %swap3A_352 : vector<1x16xf32> to vector<16xf32>
        %swap3A_354 = vector.shape_cast %add3A_349 : vector<16xf32> to vector<1x16xf32>
        tpu.vector_store %arg9[%swap3A_350, %swap3A_351], %swap3A_354 {strides = array<i32>} : memref<80x128xf32, #tpu.memory_space<vmem>>, vector<1x16xf32>,
        %get3A_355 = arith.index_cast %add3A_284 : i32 to index
        %get3A_356 = arith.constant 80 : index
        %get3A_357 = tpu.vector_load %arg9[%get3A_355, %get3A_356] {strides = array<i32>} : memref<80x128xf32, #tpu.memory_space<vmem>>, vector<1x16xf32>,
        %get3A_358 = vector.shape_cast %get3A_357 : vector<1x16xf32> to vector<16xf32>
        %get3A_359 = arith.index_cast %add3A_284 : i32 to index
        %get3A_360 = arith.constant 80 : index
        %get3A_361 = tpu.vector_load %arg10[%get3A_359, %get3A_360] {strides = array<i32>} : memref<80x128xf32, #tpu.memory_space<vmem>>, vector<1x16xf32>,
        %get3A_362 = vector.shape_cast %get3A_361 : vector<1x16xf32> to vector<16xf32>
        %add3A_363 = arith.addf %get3A_358, %get3A_362 : vector<16xf32>
        %swap3A_364 = arith.index_cast %add3A_284 : i32 to index
        %swap3A_365 = arith.constant 80 : index
        %swap3A_366 = tpu.vector_load %arg9[%swap3A_364, %swap3A_365] {strides = array<i32>} : memref<80x128xf32, #tpu.memory_space<vmem>>, vector<1x16xf32>,
        %swap3A_367 = vector.shape_cast %swap3A_366 : vector<1x16xf32> to vector<16xf32>
        %swap3A_368 = vector.shape_cast %add3A_363 : vector<16xf32> to vector<1x16xf32>
        tpu.vector_store %arg9[%swap3A_364, %swap3A_365], %swap3A_368 {strides = array<i32>} : memref<80x128xf32, #tpu.memory_space<vmem>>, vector<1x16xf32>,
        %get3A_369 = arith.index_cast %add3A_284 : i32 to index
        %get3A_370 = arith.constant 96 : index
        %get3A_371 = tpu.vector_load %arg9[%get3A_369, %get3A_370] {strides = array<i32>} : memref<80x128xf32, #tpu.memory_space<vmem>>, vector<1x16xf32>,
        %get3A_372 = vector.shape_cast %get3A_371 : vector<1x16xf32> to vector<16xf32>
        %get3A_373 = arith.index_cast %add3A_284 : i32 to index
        %get3A_374 = arith.constant 96 : index
        %get3A_375 = tpu.vector_load %arg10[%get3A_373, %get3A_374] {strides = array<i32>} : memref<80x128xf32, #tpu.memory_space<vmem>>, vector<1x16xf32>,
        %get3A_376 = vector.shape_cast %get3A_375 : vector<1x16xf32> to vector<16xf32>
        %add3A_377 = arith.addf %get3A_372, %get3A_376 : vector<16xf32>
        %swap3A_378 = arith.index_cast %add3A_284 : i32 to index
        %swap3A_379 = arith.constant 96 : index
        %swap3A_380 = tpu.vector_load %arg9[%swap3A_378, %swap3A_379] {strides = array<i32>} : memref<80x128xf32, #tpu.memory_space<vmem>>, vector<1x16xf32>,
        %swap3A_381 = vector.shape_cast %swap3A_380 : vector<1x16xf32> to vector<16xf32>
        %swap3A_382 = vector.shape_cast %add3A_377 : vector<16xf32> to vector<1x16xf32>
        tpu.vector_store %arg9[%swap3A_378, %swap3A_379], %swap3A_382 {strides = array<i32>} : memref<80x128xf32, #tpu.memory_space<vmem>>, vector<1x16xf32>,
        %get3A_383 = arith.index_cast %add3A_284 : i32 to index
        %get3A_384 = arith.constant 112 : index
        %get3A_385 = tpu.vector_load %arg9[%get3A_383, %get3A_384] {strides = array<i32>} : memref<80x128xf32, #tpu.memory_space<vmem>>, vector<1x16xf32>,
        %get3A_386 = vector.shape_cast %get3A_385 : vector<1x16xf32> to vector<16xf32>
        %get3A_387 = arith.index_cast %add3A_284 : i32 to index
        %get3A_388 = arith.constant 112 : index
        %get3A_389 = tpu.vector_load %arg10[%get3A_387, %get3A_388] {strides = array<i32>} : memref<80x128xf32, #tpu.memory_space<vmem>>, vector<1x16xf32>,
        %get3A_390 = vector.shape_cast %get3A_389 : vector<1x16xf32> to vector<16xf32>
        %add3A_391 = arith.addf %get3A_386, %get3A_390 : vector<16xf32>
        %swap3A_392 = arith.index_cast %add3A_284 : i32 to index
        %swap3A_393 = arith.constant 112 : index
        %swap3A_394 = tpu.vector_load %arg9[%swap3A_392, %swap3A_393] {strides = array<i32>} : memref<80x128xf32, #tpu.memory_space<vmem>>, vector<1x16xf32>,
        %swap3A_395 = vector.shape_cast %swap3A_394 : vector<1x16xf32> to vector<16xf32>
        %swap3A_396 = vector.shape_cast %add3A_391 : vector<16xf32> to vector<1x16xf32>
        tpu.vector_store %arg9[%swap3A_392, %swap3A_393], %swap3A_396 {strides = array<i32>} : memref<80x128xf32, #tpu.memory_space<vmem>>, vector<1x16xf32>,
      }
      %scan3A_66 = arith.constant 40 : i32
      %rem3A_67 = arith.constant 125 : i32
      %rem3A_68 = arith.remsi %add3A_42, %rem3A_67 : i32
      %mul3A_69 = arith.constant 80 : i32
      %mul3A_70 = arith.muli %rem3A_68, %mul3A_69 : i32
      %add3A_71 = arith.addi %mul3A_2, %mul3A_70 : i32
      %multiple_of3A_72 = tpu.assume_multiple %add3A_71, 8 : i32
      %dma_start3A_73 = arith.constant 0 : i32
      %dma_start3A_74 = tpu.memref_slice %arg6[%multiple_of3A_72, %dma_start3A_73] : memref<320000x128xf32, #tpu.memory_space<hbm>> -> memref<80x128xf32, #tpu.memory_space<hbm>>
      %dma_start3A_75 = arith.constant 0 : i32
      %dma_start3A_76 = tpu.memref_slice %arg6[%multiple_of3A_72, %dma_start3A_75] : memref<320000x128xf32, #tpu.memory_space<hbm>> -> memref<80x128xf32, #tpu.memory_space<hbm>>
      tpu.enqueue_dma source(%arg9 : memref<80x128xf32, #tpu.memory_space<vmem>>) target(%dma_start3A_76 : memref<80x128xf32, #tpu.memory_space<hbm>>) target_semaphore(%arg18 : memref<!tpu.dma_semaphore, #tpu.memory_space<semaphore_mem>>)
      %mul3A_77 = arith.constant 3 : i32
      %mul3A_78 = arith.muli %scan3A_38, %mul3A_77 : i32
      %add3A_79 = arith.constant 1 : i32
      %add3A_80 = arith.addi %mul3A_78, %add3A_79 : i32
      %dma_wait3A_81 = arith.constant 0 : i32
      %dma_wait3A_82 = arith.constant 0 : i32
      %dma_wait3A_83 = tpu.memref_slice %arg6[%dma_wait3A_81, %dma_wait3A_82] : memref<320000x128xf32, #tpu.memory_space<hbm>> -> memref<80x128xf32, #tpu.memory_space<hbm>>
      %dma_wait3A_84 = arith.constant 0 : i32
      %dma_wait3A_85 = arith.constant 0 : i32
      %dma_wait3A_86 = tpu.memref_slice %arg6[%dma_wait3A_84, %dma_wait3A_85] : memref<320000x128xf32, #tpu.memory_space<hbm>> -> memref<80x128xf32, #tpu.memory_space<hbm>>
      tpu.wait_dma2 semaphore(%arg18 : memref<!tpu.dma_semaphore, #tpu.memory_space<semaphore_mem>>) src(%arg9 : memref<80x128xf32, #tpu.memory_space<vmem>>) dst(%dma_wait3A_86 : memref<80x128xf32, #tpu.memory_space<hbm>>)
      %add3A_87 = arith.constant 2 : i32
      %add3A_88 = arith.addi %add3A_80, %add3A_87 : i32
      %lt3A = arith.constant 126 : i32
      %lt3A_89 = arith.cmpi slt, %add3A_88, %lt3A : i32
      %convert_element_type3A_90 = arith.extui %lt3A_89 : i1 to i32
      %cond3A_91 = arith.constant 0 : i32
      %cond3A_92 = arith.cmpi ne, %convert_element_type3A_90, %cond3A_91 : i32
      scf.if %cond3A_92 {
        %add3A_166 = arith.constant 2 : i32
        %add3A_167 = arith.addi %add3A_80, %add3A_166 : i32
        %rem3A_168 = arith.constant 125 : i32
        %rem3A_169 = arith.remsi %add3A_167, %rem3A_168 : i32
        %mul3A_170 = arith.constant 80 : i32
        %mul3A_171 = arith.muli %rem3A_169, %mul3A_170 : i32
        %multiple_of3A_172 = tpu.assume_multiple %mul3A_171, 8 : i32
        %dma_start3A_173 = tpu.memref_slice %arg7[%multiple_of3A_172] : memref<10000xi32, #tpu.memory_space<vmem>> -> memref<80xi32, #tpu.memory_space<vmem>>
        %dma_start3A_174 = arith.constant 0 : i32
        %dma_start3A_175 = arith.constant 0 : i32
        %dma_start3A_176 = tpu.memref_slice %arg2[%dma_start3A_174, %dma_start3A_175] : memref<10000x128xf32, #tpu.memory_space<hbm>> -> memref<10000x128xf32, #tpu.memory_space<hbm>>
        tpu.enqueue_indirect_dma source(%dma_start3A_176 : memref<10000x128xf32, #tpu.memory_space<hbm>>) target(%arg9 : memref<80x128xf32, #tpu.memory_space<vmem>>) offsets(%dma_start3A_173 : memref<80xi32, #tpu.memory_space<vmem>>) semaphore(%arg15 : memref<!tpu.dma_semaphore, #tpu.memory_space<semaphore_mem>>)
        %dma_start3A_177 = tpu.memref_slice %arg8[%multiple_of3A_172] : memref<10000xi32, #tpu.memory_space<vmem>> -> memref<80xi32, #tpu.memory_space<vmem>>
        %dma_start3A_178 = arith.constant 0 : i32
        %dma_start3A_179 = arith.constant 0 : i32
        %dma_start3A_180 = tpu.memref_slice %arg3[%dma_start3A_178, %dma_start3A_179] : memref<10000x128xf32, #tpu.memory_space<hbm>> -> memref<10000x128xf32, #tpu.memory_space<hbm>>
        tpu.enqueue_indirect_dma source(%dma_start3A_180 : memref<10000x128xf32, #tpu.memory_space<hbm>>) target(%arg10 : memref<80x128xf32, #tpu.memory_space<vmem>>) offsets(%dma_start3A_177 : memref<80xi32, #tpu.memory_space<vmem>>) semaphore(%arg15 : memref<!tpu.dma_semaphore, #tpu.memory_space<semaphore_mem>>)
      } else {
      }
      %dma_wait3A_93 = arith.constant 0 : i32
      %dma_wait3A_94 = arith.constant 0 : i32
      %dma_wait3A_95 = tpu.memref_slice %arg2[%dma_wait3A_93, %dma_wait3A_94] : memref<10000x128xf32, #tpu.memory_space<hbm>> -> memref<80x128xf32, #tpu.memory_space<hbm>>
      %dma_wait3A_96 = arith.constant 0 : i32
      %dma_wait3A_97 = arith.constant 0 : i32
      %dma_wait3A_98 = tpu.memref_slice %arg2[%dma_wait3A_96, %dma_wait3A_97] : memref<10000x128xf32, #tpu.memory_space<hbm>> -> memref<80x128xf32, #tpu.memory_space<hbm>>
      tpu.wait_dma2 semaphore(%arg16 : memref<!tpu.dma_semaphore, #tpu.memory_space<semaphore_mem>>) src(%dma_wait3A_98 : memref<80x128xf32, #tpu.memory_space<hbm>>) dst(%arg11 : memref<80x128xf32, #tpu.memory_space<vmem>>)
      %dma_wait3A_99 = arith.constant 0 : i32
      %dma_wait3A_100 = arith.constant 0 : i32
      %dma_wait3A_101 = tpu.memref_slice %arg3[%dma_wait3A_99, %dma_wait3A_100] : memref<10000x128xf32, #tpu.memory_space<hbm>> -> memref<80x128xf32, #tpu.memory_space<hbm>>
      %dma_wait3A_102 = arith.constant 0 : i32
      %dma_wait3A_103 = arith.constant 0 : i32
      %dma_wait3A_104 = tpu.memref_slice %arg3[%dma_wait3A_102, %dma_wait3A_103] : memref<10000x128xf32, #tpu.memory_space<hbm>> -> memref<80x128xf32, #tpu.memory_space<hbm>>
      tpu.wait_dma2 semaphore(%arg16 : memref<!tpu.dma_semaphore, #tpu.memory_space<semaphore_mem>>) src(%dma_wait3A_104 : memref<80x128xf32, #tpu.memory_space<hbm>>) dst(%arg12 : memref<80x128xf32, #tpu.memory_space<vmem>>)
      %scan3A_105 = arith.constant 0 : i32
      %scan3A_106 = arith.constant 0 : i32
      %scan3A_107 = arith.constant 40 : i32
      %scan3A_108 = arith.addi %scan3A_106, %scan3A_107 : i32
      %scan3A_109 = arith.constant 1 : i32
      scf.for %scan3A_166 = %scan3A_106 to %scan3A_108 step %scan3A_109  : i32 {
        %mul3A_167 = arith.constant 2 : i32
        %mul3A_168 = arith.muli %scan3A_166, %mul3A_167 : i32
        %add3A_169 = arith.constant 0 : i32
        %add3A_170 = arith.addi %mul3A_168, %add3A_169 : i32
        %get3A = arith.index_cast %add3A_170 : i32 to index
        %get3A_171 = arith.constant 0 : index
        %get3A_172 = tpu.vector_load %arg11[%get3A, %get3A_171] {strides = array<i32>} : memref<80x128xf32, #tpu.memory_space<vmem>>, vector<1x16xf32>,
        %get3A_173 = vector.shape_cast %get3A_172 : vector<1x16xf32> to vector<16xf32>
        %get3A_174 = arith.index_cast %add3A_170 : i32 to index
        %get3A_175 = arith.constant 0 : index
        %get3A_176 = tpu.vector_load %arg12[%get3A_174, %get3A_175] {strides = array<i32>} : memref<80x128xf32, #tpu.memory_space<vmem>>, vector<1x16xf32>,
        %get3A_177 = vector.shape_cast %get3A_176 : vector<1x16xf32> to vector<16xf32>
        %add3A_178 = arith.addf %get3A_173, %get3A_177 : vector<16xf32>
        %swap3A = arith.index_cast %add3A_170 : i32 to index
        %swap3A_179 = arith.constant 0 : index
        %swap3A_180 = tpu.vector_load %arg11[%swap3A, %swap3A_179] {strides = array<i32>} : memref<80x128xf32, #tpu.memory_space<vmem>>, vector<1x16xf32>,
        %swap3A_181 = vector.shape_cast %swap3A_180 : vector<1x16xf32> to vector<16xf32>
        %swap3A_182 = vector.shape_cast %add3A_178 : vector<16xf32> to vector<1x16xf32>
        tpu.vector_store %arg11[%swap3A, %swap3A_179], %swap3A_182 {strides = array<i32>} : memref<80x128xf32, #tpu.memory_space<vmem>>, vector<1x16xf32>,
        %get3A_183 = arith.index_cast %add3A_170 : i32 to index
        %get3A_184 = arith.constant 16 : index
        %get3A_185 = tpu.vector_load %arg11[%get3A_183, %get3A_184] {strides = array<i32>} : memref<80x128xf32, #tpu.memory_space<vmem>>, vector<1x16xf32>,
        %get3A_186 = vector.shape_cast %get3A_185 : vector<1x16xf32> to vector<16xf32>
        %get3A_187 = arith.index_cast %add3A_170 : i32 to index
        %get3A_188 = arith.constant 16 : index
        %get3A_189 = tpu.vector_load %arg12[%get3A_187, %get3A_188] {strides = array<i32>} : memref<80x128xf32, #tpu.memory_space<vmem>>, vector<1x16xf32>,
        %get3A_190 = vector.shape_cast %get3A_189 : vector<1x16xf32> to vector<16xf32>
        %add3A_191 = arith.addf %get3A_186, %get3A_190 : vector<16xf32>
        %swap3A_192 = arith.index_cast %add3A_170 : i32 to index
        %swap3A_193 = arith.constant 16 : index
        %swap3A_194 = tpu.vector_load %arg11[%swap3A_192, %swap3A_193] {strides = array<i32>} : memref<80x128xf32, #tpu.memory_space<vmem>>, vector<1x16xf32>,
        %swap3A_195 = vector.shape_cast %swap3A_194 : vector<1x16xf32> to vector<16xf32>
        %swap3A_196 = vector.shape_cast %add3A_191 : vector<16xf32> to vector<1x16xf32>
        tpu.vector_store %arg11[%swap3A_192, %swap3A_193], %swap3A_196 {strides = array<i32>} : memref<80x128xf32, #tpu.memory_space<vmem>>, vector<1x16xf32>,
        %get3A_197 = arith.index_cast %add3A_170 : i32 to index
        %get3A_198 = arith.constant 32 : index
        %get3A_199 = tpu.vector_load %arg11[%get3A_197, %get3A_198] {strides = array<i32>} : memref<80x128xf32, #tpu.memory_space<vmem>>, vector<1x16xf32>,
        %get3A_200 = vector.shape_cast %get3A_199 : vector<1x16xf32> to vector<16xf32>
        %get3A_201 = arith.index_cast %add3A_170 : i32 to index
        %get3A_202 = arith.constant 32 : index
        %get3A_203 = tpu.vector_load %arg12[%get3A_201, %get3A_202] {strides = array<i32>} : memref<80x128xf32, #tpu.memory_space<vmem>>, vector<1x16xf32>,
        %get3A_204 = vector.shape_cast %get3A_203 : vector<1x16xf32> to vector<16xf32>
        %add3A_205 = arith.addf %get3A_200, %get3A_204 : vector<16xf32>
        %swap3A_206 = arith.index_cast %add3A_170 : i32 to index
        %swap3A_207 = arith.constant 32 : index
        %swap3A_208 = tpu.vector_load %arg11[%swap3A_206, %swap3A_207] {strides = array<i32>} : memref<80x128xf32, #tpu.memory_space<vmem>>, vector<1x16xf32>,
        %swap3A_209 = vector.shape_cast %swap3A_208 : vector<1x16xf32> to vector<16xf32>
        %swap3A_210 = vector.shape_cast %add3A_205 : vector<16xf32> to vector<1x16xf32>
        tpu.vector_store %arg11[%swap3A_206, %swap3A_207], %swap3A_210 {strides = array<i32>} : memref<80x128xf32, #tpu.memory_space<vmem>>, vector<1x16xf32>,
        %get3A_211 = arith.index_cast %add3A_170 : i32 to index
        %get3A_212 = arith.constant 48 : index
        %get3A_213 = tpu.vector_load %arg11[%get3A_211, %get3A_212] {strides = array<i32>} : memref<80x128xf32, #tpu.memory_space<vmem>>, vector<1x16xf32>,
        %get3A_214 = vector.shape_cast %get3A_213 : vector<1x16xf32> to vector<16xf32>
        %get3A_215 = arith.index_cast %add3A_170 : i32 to index
        %get3A_216 = arith.constant 48 : index
        %get3A_217 = tpu.vector_load %arg12[%get3A_215, %get3A_216] {strides = array<i32>} : memref<80x128xf32, #tpu.memory_space<vmem>>, vector<1x16xf32>,
        %get3A_218 = vector.shape_cast %get3A_217 : vector<1x16xf32> to vector<16xf32>
        %add3A_219 = arith.addf %get3A_214, %get3A_218 : vector<16xf32>
        %swap3A_220 = arith.index_cast %add3A_170 : i32 to index
        %swap3A_221 = arith.constant 48 : index
        %swap3A_222 = tpu.vector_load %arg11[%swap3A_220, %swap3A_221] {strides = array<i32>} : memref<80x128xf32, #tpu.memory_space<vmem>>, vector<1x16xf32>,
        %swap3A_223 = vector.shape_cast %swap3A_222 : vector<1x16xf32> to vector<16xf32>
        %swap3A_224 = vector.shape_cast %add3A_219 : vector<16xf32> to vector<1x16xf32>
        tpu.vector_store %arg11[%swap3A_220, %swap3A_221], %swap3A_224 {strides = array<i32>} : memref<80x128xf32, #tpu.memory_space<vmem>>, vector<1x16xf32>,
        %get3A_225 = arith.index_cast %add3A_170 : i32 to index
        %get3A_226 = arith.constant 64 : index
        %get3A_227 = tpu.vector_load %arg11[%get3A_225, %get3A_226] {strides = array<i32>} : memref<80x128xf32, #tpu.memory_space<vmem>>, vector<1x16xf32>,
        %get3A_228 = vector.shape_cast %get3A_227 : vector<1x16xf32> to vector<16xf32>
        %get3A_229 = arith.index_cast %add3A_170 : i32 to index
        %get3A_230 = arith.constant 64 : index
        %get3A_231 = tpu.vector_load %arg12[%get3A_229, %get3A_230] {strides = array<i32>} : memref<80x128xf32, #tpu.memory_space<vmem>>, vector<1x16xf32>,
        %get3A_232 = vector.shape_cast %get3A_231 : vector<1x16xf32> to vector<16xf32>
        %add3A_233 = arith.addf %get3A_228, %get3A_232 : vector<16xf32>
        %swap3A_234 = arith.index_cast %add3A_170 : i32 to index
        %swap3A_235 = arith.constant 64 : index
        %swap3A_236 = tpu.vector_load %arg11[%swap3A_234, %swap3A_235] {strides = array<i32>} : memref<80x128xf32, #tpu.memory_space<vmem>>, vector<1x16xf32>,
        %swap3A_237 = vector.shape_cast %swap3A_236 : vector<1x16xf32> to vector<16xf32>
        %swap3A_238 = vector.shape_cast %add3A_233 : vector<16xf32> to vector<1x16xf32>
        tpu.vector_store %arg11[%swap3A_234, %swap3A_235], %swap3A_238 {strides = array<i32>} : memref<80x128xf32, #tpu.memory_space<vmem>>, vector<1x16xf32>,
        %get3A_239 = arith.index_cast %add3A_170 : i32 to index
        %get3A_240 = arith.constant 80 : index
        %get3A_241 = tpu.vector_load %arg11[%get3A_239, %get3A_240] {strides = array<i32>} : memref<80x128xf32, #tpu.memory_space<vmem>>, vector<1x16xf32>,
        %get3A_242 = vector.shape_cast %get3A_241 : vector<1x16xf32> to vector<16xf32>
        %get3A_243 = arith.index_cast %add3A_170 : i32 to index
        %get3A_244 = arith.constant 80 : index
        %get3A_245 = tpu.vector_load %arg12[%get3A_243, %get3A_244] {strides = array<i32>} : memref<80x128xf32, #tpu.memory_space<vmem>>, vector<1x16xf32>,
        %get3A_246 = vector.shape_cast %get3A_245 : vector<1x16xf32> to vector<16xf32>
        %add3A_247 = arith.addf %get3A_242, %get3A_246 : vector<16xf32>
        %swap3A_248 = arith.index_cast %add3A_170 : i32 to index
        %swap3A_249 = arith.constant 80 : index
        %swap3A_250 = tpu.vector_load %arg11[%swap3A_248, %swap3A_249] {strides = array<i32>} : memref<80x128xf32, #tpu.memory_space<vmem>>, vector<1x16xf32>,
        %swap3A_251 = vector.shape_cast %swap3A_250 : vector<1x16xf32> to vector<16xf32>
        %swap3A_252 = vector.shape_cast %add3A_247 : vector<16xf32> to vector<1x16xf32>
        tpu.vector_store %arg11[%swap3A_248, %swap3A_249], %swap3A_252 {strides = array<i32>} : memref<80x128xf32, #tpu.memory_space<vmem>>, vector<1x16xf32>,
        %get3A_253 = arith.index_cast %add3A_170 : i32 to index
        %get3A_254 = arith.constant 96 : index
        %get3A_255 = tpu.vector_load %arg11[%get3A_253, %get3A_254] {strides = array<i32>} : memref<80x128xf32, #tpu.memory_space<vmem>>, vector<1x16xf32>,
        %get3A_256 = vector.shape_cast %get3A_255 : vector<1x16xf32> to vector<16xf32>
        %get3A_257 = arith.index_cast %add3A_170 : i32 to index
        %get3A_258 = arith.constant 96 : index
        %get3A_259 = tpu.vector_load %arg12[%get3A_257, %get3A_258] {strides = array<i32>} : memref<80x128xf32, #tpu.memory_space<vmem>>, vector<1x16xf32>,
        %get3A_260 = vector.shape_cast %get3A_259 : vector<1x16xf32> to vector<16xf32>
        %add3A_261 = arith.addf %get3A_256, %get3A_260 : vector<16xf32>
        %swap3A_262 = arith.index_cast %add3A_170 : i32 to index
        %swap3A_263 = arith.constant 96 : index
        %swap3A_264 = tpu.vector_load %arg11[%swap3A_262, %swap3A_263] {strides = array<i32>} : memref<80x128xf32, #tpu.memory_space<vmem>>, vector<1x16xf32>,
        %swap3A_265 = vector.shape_cast %swap3A_264 : vector<1x16xf32> to vector<16xf32>
        %swap3A_266 = vector.shape_cast %add3A_261 : vector<16xf32> to vector<1x16xf32>
        tpu.vector_store %arg11[%swap3A_262, %swap3A_263], %swap3A_266 {strides = array<i32>} : memref<80x128xf32, #tpu.memory_space<vmem>>, vector<1x16xf32>,
        %get3A_267 = arith.index_cast %add3A_170 : i32 to index
        %get3A_268 = arith.constant 112 : index
        %get3A_269 = tpu.vector_load %arg11[%get3A_267, %get3A_268] {strides = array<i32>} : memref<80x128xf32, #tpu.memory_space<vmem>>, vector<1x16xf32>,
        %get3A_270 = vector.shape_cast %get3A_269 : vector<1x16xf32> to vector<16xf32>
        %get3A_271 = arith.index_cast %add3A_170 : i32 to index
        %get3A_272 = arith.constant 112 : index
        %get3A_273 = tpu.vector_load %arg12[%get3A_271, %get3A_272] {strides = array<i32>} : memref<80x128xf32, #tpu.memory_space<vmem>>, vector<1x16xf32>,
        %get3A_274 = vector.shape_cast %get3A_273 : vector<1x16xf32> to vector<16xf32>
        %add3A_275 = arith.addf %get3A_270, %get3A_274 : vector<16xf32>
        %swap3A_276 = arith.index_cast %add3A_170 : i32 to index
        %swap3A_277 = arith.constant 112 : index
        %swap3A_278 = tpu.vector_load %arg11[%swap3A_276, %swap3A_277] {strides = array<i32>} : memref<80x128xf32, #tpu.memory_space<vmem>>, vector<1x16xf32>,
        %swap3A_279 = vector.shape_cast %swap3A_278 : vector<1x16xf32> to vector<16xf32>
        %swap3A_280 = vector.shape_cast %add3A_275 : vector<16xf32> to vector<1x16xf32>
        tpu.vector_store %arg11[%swap3A_276, %swap3A_277], %swap3A_280 {strides = array<i32>} : memref<80x128xf32, #tpu.memory_space<vmem>>, vector<1x16xf32>,
        %mul3A_281 = arith.constant 2 : i32
        %mul3A_282 = arith.muli %scan3A_166, %mul3A_281 : i32
        %add3A_283 = arith.constant 1 : i32
        %add3A_284 = arith.addi %mul3A_282, %add3A_283 : i32
        %get3A_285 = arith.index_cast %add3A_284 : i32 to index
        %get3A_286 = arith.constant 0 : index
        %get3A_287 = tpu.vector_load %arg11[%get3A_285, %get3A_286] {strides = array<i32>} : memref<80x128xf32, #tpu.memory_space<vmem>>, vector<1x16xf32>,
        %get3A_288 = vector.shape_cast %get3A_287 : vector<1x16xf32> to vector<16xf32>
        %get3A_289 = arith.index_cast %add3A_284 : i32 to index
        %get3A_290 = arith.constant 0 : index
        %get3A_291 = tpu.vector_load %arg12[%get3A_289, %get3A_290] {strides = array<i32>} : memref<80x128xf32, #tpu.memory_space<vmem>>, vector<1x16xf32>,
        %get3A_292 = vector.shape_cast %get3A_291 : vector<1x16xf32> to vector<16xf32>
        %add3A_293 = arith.addf %get3A_288, %get3A_292 : vector<16xf32>
        %swap3A_294 = arith.index_cast %add3A_284 : i32 to index
        %swap3A_295 = arith.constant 0 : index
        %swap3A_296 = tpu.vector_load %arg11[%swap3A_294, %swap3A_295] {strides = array<i32>} : memref<80x128xf32, #tpu.memory_space<vmem>>, vector<1x16xf32>,
        %swap3A_297 = vector.shape_cast %swap3A_296 : vector<1x16xf32> to vector<16xf32>
        %swap3A_298 = vector.shape_cast %add3A_293 : vector<16xf32> to vector<1x16xf32>
        tpu.vector_store %arg11[%swap3A_294, %swap3A_295], %swap3A_298 {strides = array<i32>} : memref<80x128xf32, #tpu.memory_space<vmem>>, vector<1x16xf32>,
        %get3A_299 = arith.index_cast %add3A_284 : i32 to index
        %get3A_300 = arith.constant 16 : index
        %get3A_301 = tpu.vector_load %arg11[%get3A_299, %get3A_300] {strides = array<i32>} : memref<80x128xf32, #tpu.memory_space<vmem>>, vector<1x16xf32>,
        %get3A_302 = vector.shape_cast %get3A_301 : vector<1x16xf32> to vector<16xf32>
        %get3A_303 = arith.index_cast %add3A_284 : i32 to index
        %get3A_304 = arith.constant 16 : index
        %get3A_305 = tpu.vector_load %arg12[%get3A_303, %get3A_304] {strides = array<i32>} : memref<80x128xf32, #tpu.memory_space<vmem>>, vector<1x16xf32>,
        %get3A_306 = vector.shape_cast %get3A_305 : vector<1x16xf32> to vector<16xf32>
        %add3A_307 = arith.addf %get3A_302, %get3A_306 : vector<16xf32>
        %swap3A_308 = arith.index_cast %add3A_284 : i32 to index
        %swap3A_309 = arith.constant 16 : index
        %swap3A_310 = tpu.vector_load %arg11[%swap3A_308, %swap3A_309] {strides = array<i32>} : memref<80x128xf32, #tpu.memory_space<vmem>>, vector<1x16xf32>,
        %swap3A_311 = vector.shape_cast %swap3A_310 : vector<1x16xf32> to vector<16xf32>
        %swap3A_312 = vector.shape_cast %add3A_307 : vector<16xf32> to vector<1x16xf32>
        tpu.vector_store %arg11[%swap3A_308, %swap3A_309], %swap3A_312 {strides = array<i32>} : memref<80x128xf32, #tpu.memory_space<vmem>>, vector<1x16xf32>,
        %get3A_313 = arith.index_cast %add3A_284 : i32 to index
        %get3A_314 = arith.constant 32 : index
        %get3A_315 = tpu.vector_load %arg11[%get3A_313, %get3A_314] {strides = array<i32>} : memref<80x128xf32, #tpu.memory_space<vmem>>, vector<1x16xf32>,
        %get3A_316 = vector.shape_cast %get3A_315 : vector<1x16xf32> to vector<16xf32>
        %get3A_317 = arith.index_cast %add3A_284 : i32 to index
        %get3A_318 = arith.constant 32 : index
        %get3A_319 = tpu.vector_load %arg12[%get3A_317, %get3A_318] {strides = array<i32>} : memref<80x128xf32, #tpu.memory_space<vmem>>, vector<1x16xf32>,
        %get3A_320 = vector.shape_cast %get3A_319 : vector<1x16xf32> to vector<16xf32>
        %add3A_321 = arith.addf %get3A_316, %get3A_320 : vector<16xf32>
        %swap3A_322 = arith.index_cast %add3A_284 : i32 to index
        %swap3A_323 = arith.constant 32 : index
        %swap3A_324 = tpu.vector_load %arg11[%swap3A_322, %swap3A_323] {strides = array<i32>} : memref<80x128xf32, #tpu.memory_space<vmem>>, vector<1x16xf32>,
        %swap3A_325 = vector.shape_cast %swap3A_324 : vector<1x16xf32> to vector<16xf32>
        %swap3A_326 = vector.shape_cast %add3A_321 : vector<16xf32> to vector<1x16xf32>
        tpu.vector_store %arg11[%swap3A_322, %swap3A_323], %swap3A_326 {strides = array<i32>} : memref<80x128xf32, #tpu.memory_space<vmem>>, vector<1x16xf32>,
        %get3A_327 = arith.index_cast %add3A_284 : i32 to index
        %get3A_328 = arith.constant 48 : index
        %get3A_329 = tpu.vector_load %arg11[%get3A_327, %get3A_328] {strides = array<i32>} : memref<80x128xf32, #tpu.memory_space<vmem>>, vector<1x16xf32>,
        %get3A_330 = vector.shape_cast %get3A_329 : vector<1x16xf32> to vector<16xf32>
        %get3A_331 = arith.index_cast %add3A_284 : i32 to index
        %get3A_332 = arith.constant 48 : index
        %get3A_333 = tpu.vector_load %arg12[%get3A_331, %get3A_332] {strides = array<i32>} : memref<80x128xf32, #tpu.memory_space<vmem>>, vector<1x16xf32>,
        %get3A_334 = vector.shape_cast %get3A_333 : vector<1x16xf32> to vector<16xf32>
        %add3A_335 = arith.addf %get3A_330, %get3A_334 : vector<16xf32>
        %swap3A_336 = arith.index_cast %add3A_284 : i32 to index
        %swap3A_337 = arith.constant 48 : index
        %swap3A_338 = tpu.vector_load %arg11[%swap3A_336, %swap3A_337] {strides = array<i32>} : memref<80x128xf32, #tpu.memory_space<vmem>>, vector<1x16xf32>,
        %swap3A_339 = vector.shape_cast %swap3A_338 : vector<1x16xf32> to vector<16xf32>
        %swap3A_340 = vector.shape_cast %add3A_335 : vector<16xf32> to vector<1x16xf32>
        tpu.vector_store %arg11[%swap3A_336, %swap3A_337], %swap3A_340 {strides = array<i32>} : memref<80x128xf32, #tpu.memory_space<vmem>>, vector<1x16xf32>,
        %get3A_341 = arith.index_cast %add3A_284 : i32 to index
        %get3A_342 = arith.constant 64 : index
        %get3A_343 = tpu.vector_load %arg11[%get3A_341, %get3A_342] {strides = array<i32>} : memref<80x128xf32, #tpu.memory_space<vmem>>, vector<1x16xf32>,
        %get3A_344 = vector.shape_cast %get3A_343 : vector<1x16xf32> to vector<16xf32>
        %get3A_345 = arith.index_cast %add3A_284 : i32 to index
        %get3A_346 = arith.constant 64 : index
        %get3A_347 = tpu.vector_load %arg12[%get3A_345, %get3A_346] {strides = array<i32>} : memref<80x128xf32, #tpu.memory_space<vmem>>, vector<1x16xf32>,
        %get3A_348 = vector.shape_cast %get3A_347 : vector<1x16xf32> to vector<16xf32>
        %add3A_349 = arith.addf %get3A_344, %get3A_348 : vector<16xf32>
        %swap3A_350 = arith.index_cast %add3A_284 : i32 to index
        %swap3A_351 = arith.constant 64 : index
        %swap3A_352 = tpu.vector_load %arg11[%swap3A_350, %swap3A_351] {strides = array<i32>} : memref<80x128xf32, #tpu.memory_space<vmem>>, vector<1x16xf32>,
        %swap3A_353 = vector.shape_cast %swap3A_352 : vector<1x16xf32> to vector<16xf32>
        %swap3A_354 = vector.shape_cast %add3A_349 : vector<16xf32> to vector<1x16xf32>
        tpu.vector_store %arg11[%swap3A_350, %swap3A_351], %swap3A_354 {strides = array<i32>} : memref<80x128xf32, #tpu.memory_space<vmem>>, vector<1x16xf32>,
        %get3A_355 = arith.index_cast %add3A_284 : i32 to index
        %get3A_356 = arith.constant 80 : index
        %get3A_357 = tpu.vector_load %arg11[%get3A_355, %get3A_356] {strides = array<i32>} : memref<80x128xf32, #tpu.memory_space<vmem>>, vector<1x16xf32>,
        %get3A_358 = vector.shape_cast %get3A_357 : vector<1x16xf32> to vector<16xf32>
        %get3A_359 = arith.index_cast %add3A_284 : i32 to index
        %get3A_360 = arith.constant 80 : index
        %get3A_361 = tpu.vector_load %arg12[%get3A_359, %get3A_360] {strides = array<i32>} : memref<80x128xf32, #tpu.memory_space<vmem>>, vector<1x16xf32>,
        %get3A_362 = vector.shape_cast %get3A_361 : vector<1x16xf32> to vector<16xf32>
        %add3A_363 = arith.addf %get3A_358, %get3A_362 : vector<16xf32>
        %swap3A_364 = arith.index_cast %add3A_284 : i32 to index
        %swap3A_365 = arith.constant 80 : index
        %swap3A_366 = tpu.vector_load %arg11[%swap3A_364, %swap3A_365] {strides = array<i32>} : memref<80x128xf32, #tpu.memory_space<vmem>>, vector<1x16xf32>,
        %swap3A_367 = vector.shape_cast %swap3A_366 : vector<1x16xf32> to vector<16xf32>
        %swap3A_368 = vector.shape_cast %add3A_363 : vector<16xf32> to vector<1x16xf32>
        tpu.vector_store %arg11[%swap3A_364, %swap3A_365], %swap3A_368 {strides = array<i32>} : memref<80x128xf32, #tpu.memory_space<vmem>>, vector<1x16xf32>,
        %get3A_369 = arith.index_cast %add3A_284 : i32 to index
        %get3A_370 = arith.constant 96 : index
        %get3A_371 = tpu.vector_load %arg11[%get3A_369, %get3A_370] {strides = array<i32>} : memref<80x128xf32, #tpu.memory_space<vmem>>, vector<1x16xf32>,
        %get3A_372 = vector.shape_cast %get3A_371 : vector<1x16xf32> to vector<16xf32>
        %get3A_373 = arith.index_cast %add3A_284 : i32 to index
        %get3A_374 = arith.constant 96 : index
        %get3A_375 = tpu.vector_load %arg12[%get3A_373, %get3A_374] {strides = array<i32>} : memref<80x128xf32, #tpu.memory_space<vmem>>, vector<1x16xf32>,
        %get3A_376 = vector.shape_cast %get3A_375 : vector<1x16xf32> to vector<16xf32>
        %add3A_377 = arith.addf %get3A_372, %get3A_376 : vector<16xf32>
        %swap3A_378 = arith.index_cast %add3A_284 : i32 to index
        %swap3A_379 = arith.constant 96 : index
        %swap3A_380 = tpu.vector_load %arg11[%swap3A_378, %swap3A_379] {strides = array<i32>} : memref<80x128xf32, #tpu.memory_space<vmem>>, vector<1x16xf32>,
        %swap3A_381 = vector.shape_cast %swap3A_380 : vector<1x16xf32> to vector<16xf32>
        %swap3A_382 = vector.shape_cast %add3A_377 : vector<16xf32> to vector<1x16xf32>
        tpu.vector_store %arg11[%swap3A_378, %swap3A_379], %swap3A_382 {strides = array<i32>} : memref<80x128xf32, #tpu.memory_space<vmem>>, vector<1x16xf32>,
        %get3A_383 = arith.index_cast %add3A_284 : i32 to index
        %get3A_384 = arith.constant 112 : index
        %get3A_385 = tpu.vector_load %arg11[%get3A_383, %get3A_384] {strides = array<i32>} : memref<80x128xf32, #tpu.memory_space<vmem>>, vector<1x16xf32>,
        %get3A_386 = vector.shape_cast %get3A_385 : vector<1x16xf32> to vector<16xf32>
        %get3A_387 = arith.index_cast %add3A_284 : i32 to index
        %get3A_388 = arith.constant 112 : index
        %get3A_389 = tpu.vector_load %arg12[%get3A_387, %get3A_388] {strides = array<i32>} : memref<80x128xf32, #tpu.memory_space<vmem>>, vector<1x16xf32>,
        %get3A_390 = vector.shape_cast %get3A_389 : vector<1x16xf32> to vector<16xf32>
        %add3A_391 = arith.addf %get3A_386, %get3A_390 : vector<16xf32>
        %swap3A_392 = arith.index_cast %add3A_284 : i32 to index
        %swap3A_393 = arith.constant 112 : index
        %swap3A_394 = tpu.vector_load %arg11[%swap3A_392, %swap3A_393] {strides = array<i32>} : memref<80x128xf32, #tpu.memory_space<vmem>>, vector<1x16xf32>,
        %swap3A_395 = vector.shape_cast %swap3A_394 : vector<1x16xf32> to vector<16xf32>
        %swap3A_396 = vector.shape_cast %add3A_391 : vector<16xf32> to vector<1x16xf32>
        tpu.vector_store %arg11[%swap3A_392, %swap3A_393], %swap3A_396 {strides = array<i32>} : memref<80x128xf32, #tpu.memory_space<vmem>>, vector<1x16xf32>,
      }
      %scan3A_110 = arith.constant 40 : i32
      %rem3A_111 = arith.constant 125 : i32
      %rem3A_112 = arith.remsi %add3A_80, %rem3A_111 : i32
      %mul3A_113 = arith.constant 80 : i32
      %mul3A_114 = arith.muli %rem3A_112, %mul3A_113 : i32
      %add3A_115 = arith.addi %mul3A_2, %mul3A_114 : i32
      %multiple_of3A_116 = tpu.assume_multiple %add3A_115, 8 : i32
      %dma_start3A_117 = arith.constant 0 : i32
      %dma_start3A_118 = tpu.memref_slice %arg6[%multiple_of3A_116, %dma_start3A_117] : memref<320000x128xf32, #tpu.memory_space<hbm>> -> memref<80x128xf32, #tpu.memory_space<hbm>>
      %dma_start3A_119 = arith.constant 0 : i32
      %dma_start3A_120 = tpu.memref_slice %arg6[%multiple_of3A_116, %dma_start3A_119] : memref<320000x128xf32, #tpu.memory_space<hbm>> -> memref<80x128xf32, #tpu.memory_space<hbm>>
      tpu.enqueue_dma source(%arg11 : memref<80x128xf32, #tpu.memory_space<vmem>>) target(%dma_start3A_120 : memref<80x128xf32, #tpu.memory_space<hbm>>) target_semaphore(%arg19 : memref<!tpu.dma_semaphore, #tpu.memory_space<semaphore_mem>>)
      %mul3A_121 = arith.constant 3 : i32
      %mul3A_122 = arith.muli %scan3A_38, %mul3A_121 : i32
      %add3A_123 = arith.constant 2 : i32
      %add3A_124 = arith.addi %mul3A_122, %add3A_123 : i32
      %dma_wait3A_125 = arith.constant 0 : i32
      %dma_wait3A_126 = arith.constant 0 : i32
      %dma_wait3A_127 = tpu.memref_slice %arg6[%dma_wait3A_125, %dma_wait3A_126] : memref<320000x128xf32, #tpu.memory_space<hbm>> -> memref<80x128xf32, #tpu.memory_space<hbm>>
      %dma_wait3A_128 = arith.constant 0 : i32
      %dma_wait3A_129 = arith.constant 0 : i32
      %dma_wait3A_130 = tpu.memref_slice %arg6[%dma_wait3A_128, %dma_wait3A_129] : memref<320000x128xf32, #tpu.memory_space<hbm>> -> memref<80x128xf32, #tpu.memory_space<hbm>>
      tpu.wait_dma2 semaphore(%arg19 : memref<!tpu.dma_semaphore, #tpu.memory_space<semaphore_mem>>) src(%arg11 : memref<80x128xf32, #tpu.memory_space<vmem>>) dst(%dma_wait3A_130 : memref<80x128xf32, #tpu.memory_space<hbm>>)
      %add3A_131 = arith.constant 2 : i32
      %add3A_132 = arith.addi %add3A_124, %add3A_131 : i32
      %lt3A_133 = arith.constant 126 : i32
      %lt3A_134 = arith.cmpi slt, %add3A_132, %lt3A_133 : i32
      %convert_element_type3A_135 = arith.extui %lt3A_134 : i1 to i32
      %cond3A_136 = arith.constant 0 : i32
      %cond3A_137 = arith.cmpi ne, %convert_element_type3A_135, %cond3A_136 : i32
      scf.if %cond3A_137 {
        %add3A_166 = arith.constant 2 : i32
        %add3A_167 = arith.addi %add3A_124, %add3A_166 : i32
        %rem3A_168 = arith.constant 125 : i32
        %rem3A_169 = arith.remsi %add3A_167, %rem3A_168 : i32
        %mul3A_170 = arith.constant 80 : i32
        %mul3A_171 = arith.muli %rem3A_169, %mul3A_170 : i32
        %multiple_of3A_172 = tpu.assume_multiple %mul3A_171, 8 : i32
        %dma_start3A_173 = tpu.memref_slice %arg7[%multiple_of3A_172] : memref<10000xi32, #tpu.memory_space<vmem>> -> memref<80xi32, #tpu.memory_space<vmem>>
        %dma_start3A_174 = arith.constant 0 : i32
        %dma_start3A_175 = arith.constant 0 : i32
        %dma_start3A_176 = tpu.memref_slice %arg2[%dma_start3A_174, %dma_start3A_175] : memref<10000x128xf32, #tpu.memory_space<hbm>> -> memref<10000x128xf32, #tpu.memory_space<hbm>>
        tpu.enqueue_indirect_dma source(%dma_start3A_176 : memref<10000x128xf32, #tpu.memory_space<hbm>>) target(%arg11 : memref<80x128xf32, #tpu.memory_space<vmem>>) offsets(%dma_start3A_173 : memref<80xi32, #tpu.memory_space<vmem>>) semaphore(%arg16 : memref<!tpu.dma_semaphore, #tpu.memory_space<semaphore_mem>>)
        %dma_start3A_177 = tpu.memref_slice %arg8[%multiple_of3A_172] : memref<10000xi32, #tpu.memory_space<vmem>> -> memref<80xi32, #tpu.memory_space<vmem>>
        %dma_start3A_178 = arith.constant 0 : i32
        %dma_start3A_179 = arith.constant 0 : i32
        %dma_start3A_180 = tpu.memref_slice %arg3[%dma_start3A_178, %dma_start3A_179] : memref<10000x128xf32, #tpu.memory_space<hbm>> -> memref<10000x128xf32, #tpu.memory_space<hbm>>
        tpu.enqueue_indirect_dma source(%dma_start3A_180 : memref<10000x128xf32, #tpu.memory_space<hbm>>) target(%arg12 : memref<80x128xf32, #tpu.memory_space<vmem>>) offsets(%dma_start3A_177 : memref<80xi32, #tpu.memory_space<vmem>>) semaphore(%arg16 : memref<!tpu.dma_semaphore, #tpu.memory_space<semaphore_mem>>)
      } else {
      }
      %dma_wait3A_138 = arith.constant 0 : i32
      %dma_wait3A_139 = arith.constant 0 : i32
      %dma_wait3A_140 = tpu.memref_slice %arg2[%dma_wait3A_138, %dma_wait3A_139] : memref<10000x128xf32, #tpu.memory_space<hbm>> -> memref<80x128xf32, #tpu.memory_space<hbm>>
      %dma_wait3A_141 = arith.constant 0 : i32
      %dma_wait3A_142 = arith.constant 0 : i32
      %dma_wait3A_143 = tpu.memref_slice %arg2[%dma_wait3A_141, %dma_wait3A_142] : memref<10000x128xf32, #tpu.memory_space<hbm>> -> memref<80x128xf32, #tpu.memory_space<hbm>>
      tpu.wait_dma2 semaphore(%arg17 : memref<!tpu.dma_semaphore, #tpu.memory_space<semaphore_mem>>) src(%dma_wait3A_143 : memref<80x128xf32, #tpu.memory_space<hbm>>) dst(%arg13 : memref<80x128xf32, #tpu.memory_space<vmem>>)
      %dma_wait3A_144 = arith.constant 0 : i32
      %dma_wait3A_145 = arith.constant 0 : i32
      %dma_wait3A_146 = tpu.memref_slice %arg3[%dma_wait3A_144, %dma_wait3A_145] : memref<10000x128xf32, #tpu.memory_space<hbm>> -> memref<80x128xf32, #tpu.memory_space<hbm>>
      %dma_wait3A_147 = arith.constant 0 : i32
      %dma_wait3A_148 = arith.constant 0 : i32
      %dma_wait3A_149 = tpu.memref_slice %arg3[%dma_wait3A_147, %dma_wait3A_148] : memref<10000x128xf32, #tpu.memory_space<hbm>> -> memref<80x128xf32, #tpu.memory_space<hbm>>
      tpu.wait_dma2 semaphore(%arg17 : memref<!tpu.dma_semaphore, #tpu.memory_space<semaphore_mem>>) src(%dma_wait3A_149 : memref<80x128xf32, #tpu.memory_space<hbm>>) dst(%arg14 : memref<80x128xf32, #tpu.memory_space<vmem>>)
      %scan3A_150 = arith.constant 0 : i32
      %scan3A_151 = arith.constant 0 : i32
      %scan3A_152 = arith.constant 40 : i32
      %scan3A_153 = arith.addi %scan3A_151, %scan3A_152 : i32
      %scan3A_154 = arith.constant 1 : i32
      scf.for %scan3A_166 = %scan3A_151 to %scan3A_153 step %scan3A_154  : i32 {
        %mul3A_167 = arith.constant 2 : i32
        %mul3A_168 = arith.muli %scan3A_166, %mul3A_167 : i32
        %add3A_169 = arith.constant 0 : i32
        %add3A_170 = arith.addi %mul3A_168, %add3A_169 : i32
        %get3A = arith.index_cast %add3A_170 : i32 to index
        %get3A_171 = arith.constant 0 : index
        %get3A_172 = tpu.vector_load %arg13[%get3A, %get3A_171] {strides = array<i32>} : memref<80x128xf32, #tpu.memory_space<vmem>>, vector<1x16xf32>,
        %get3A_173 = vector.shape_cast %get3A_172 : vector<1x16xf32> to vector<16xf32>
        %get3A_174 = arith.index_cast %add3A_170 : i32 to index
        %get3A_175 = arith.constant 0 : index
        %get3A_176 = tpu.vector_load %arg14[%get3A_174, %get3A_175] {strides = array<i32>} : memref<80x128xf32, #tpu.memory_space<vmem>>, vector<1x16xf32>,
        %get3A_177 = vector.shape_cast %get3A_176 : vector<1x16xf32> to vector<16xf32>
        %add3A_178 = arith.addf %get3A_173, %get3A_177 : vector<16xf32>
        %swap3A = arith.index_cast %add3A_170 : i32 to index
        %swap3A_179 = arith.constant 0 : index
        %swap3A_180 = tpu.vector_load %arg13[%swap3A, %swap3A_179] {strides = array<i32>} : memref<80x128xf32, #tpu.memory_space<vmem>>, vector<1x16xf32>,
        %swap3A_181 = vector.shape_cast %swap3A_180 : vector<1x16xf32> to vector<16xf32>
        %swap3A_182 = vector.shape_cast %add3A_178 : vector<16xf32> to vector<1x16xf32>
        tpu.vector_store %arg13[%swap3A, %swap3A_179], %swap3A_182 {strides = array<i32>} : memref<80x128xf32, #tpu.memory_space<vmem>>, vector<1x16xf32>,
        %get3A_183 = arith.index_cast %add3A_170 : i32 to index
        %get3A_184 = arith.constant 16 : index
        %get3A_185 = tpu.vector_load %arg13[%get3A_183, %get3A_184] {strides = array<i32>} : memref<80x128xf32, #tpu.memory_space<vmem>>, vector<1x16xf32>,
        %get3A_186 = vector.shape_cast %get3A_185 : vector<1x16xf32> to vector<16xf32>
        %get3A_187 = arith.index_cast %add3A_170 : i32 to index
        %get3A_188 = arith.constant 16 : index
        %get3A_189 = tpu.vector_load %arg14[%get3A_187, %get3A_188] {strides = array<i32>} : memref<80x128xf32, #tpu.memory_space<vmem>>, vector<1x16xf32>,
        %get3A_190 = vector.shape_cast %get3A_189 : vector<1x16xf32> to vector<16xf32>
        %add3A_191 = arith.addf %get3A_186, %get3A_190 : vector<16xf32>
        %swap3A_192 = arith.index_cast %add3A_170 : i32 to index
        %swap3A_193 = arith.constant 16 : index
        %swap3A_194 = tpu.vector_load %arg13[%swap3A_192, %swap3A_193] {strides = array<i32>} : memref<80x128xf32, #tpu.memory_space<vmem>>, vector<1x16xf32>,
        %swap3A_195 = vector.shape_cast %swap3A_194 : vector<1x16xf32> to vector<16xf32>
        %swap3A_196 = vector.shape_cast %add3A_191 : vector<16xf32> to vector<1x16xf32>
        tpu.vector_store %arg13[%swap3A_192, %swap3A_193], %swap3A_196 {strides = array<i32>} : memref<80x128xf32, #tpu.memory_space<vmem>>, vector<1x16xf32>,
        %get3A_197 = arith.index_cast %add3A_170 : i32 to index
        %get3A_198 = arith.constant 32 : index
        %get3A_199 = tpu.vector_load %arg13[%get3A_197, %get3A_198] {strides = array<i32>} : memref<80x128xf32, #tpu.memory_space<vmem>>, vector<1x16xf32>,
        %get3A_200 = vector.shape_cast %get3A_199 : vector<1x16xf32> to vector<16xf32>
        %get3A_201 = arith.index_cast %add3A_170 : i32 to index
        %get3A_202 = arith.constant 32 : index
        %get3A_203 = tpu.vector_load %arg14[%get3A_201, %get3A_202] {strides = array<i32>} : memref<80x128xf32, #tpu.memory_space<vmem>>, vector<1x16xf32>,
        %get3A_204 = vector.shape_cast %get3A_203 : vector<1x16xf32> to vector<16xf32>
        %add3A_205 = arith.addf %get3A_200, %get3A_204 : vector<16xf32>
        %swap3A_206 = arith.index_cast %add3A_170 : i32 to index
        %swap3A_207 = arith.constant 32 : index
        %swap3A_208 = tpu.vector_load %arg13[%swap3A_206, %swap3A_207] {strides = array<i32>} : memref<80x128xf32, #tpu.memory_space<vmem>>, vector<1x16xf32>,
        %swap3A_209 = vector.shape_cast %swap3A_208 : vector<1x16xf32> to vector<16xf32>
        %swap3A_210 = vector.shape_cast %add3A_205 : vector<16xf32> to vector<1x16xf32>
        tpu.vector_store %arg13[%swap3A_206, %swap3A_207], %swap3A_210 {strides = array<i32>} : memref<80x128xf32, #tpu.memory_space<vmem>>, vector<1x16xf32>,
        %get3A_211 = arith.index_cast %add3A_170 : i32 to index
        %get3A_212 = arith.constant 48 : index
        %get3A_213 = tpu.vector_load %arg13[%get3A_211, %get3A_212] {strides = array<i32>} : memref<80x128xf32, #tpu.memory_space<vmem>>, vector<1x16xf32>,
        %get3A_214 = vector.shape_cast %get3A_213 : vector<1x16xf32> to vector<16xf32>
        %get3A_215 = arith.index_cast %add3A_170 : i32 to index
        %get3A_216 = arith.constant 48 : index
        %get3A_217 = tpu.vector_load %arg14[%get3A_215, %get3A_216] {strides = array<i32>} : memref<80x128xf32, #tpu.memory_space<vmem>>, vector<1x16xf32>,
        %get3A_218 = vector.shape_cast %get3A_217 : vector<1x16xf32> to vector<16xf32>
        %add3A_219 = arith.addf %get3A_214, %get3A_218 : vector<16xf32>
        %swap3A_220 = arith.index_cast %add3A_170 : i32 to index
        %swap3A_221 = arith.constant 48 : index
        %swap3A_222 = tpu.vector_load %arg13[%swap3A_220, %swap3A_221] {strides = array<i32>} : memref<80x128xf32, #tpu.memory_space<vmem>>, vector<1x16xf32>,
        %swap3A_223 = vector.shape_cast %swap3A_222 : vector<1x16xf32> to vector<16xf32>
        %swap3A_224 = vector.shape_cast %add3A_219 : vector<16xf32> to vector<1x16xf32>
        tpu.vector_store %arg13[%swap3A_220, %swap3A_221], %swap3A_224 {strides = array<i32>} : memref<80x128xf32, #tpu.memory_space<vmem>>, vector<1x16xf32>,
        %get3A_225 = arith.index_cast %add3A_170 : i32 to index
        %get3A_226 = arith.constant 64 : index
        %get3A_227 = tpu.vector_load %arg13[%get3A_225, %get3A_226] {strides = array<i32>} : memref<80x128xf32, #tpu.memory_space<vmem>>, vector<1x16xf32>,
        %get3A_228 = vector.shape_cast %get3A_227 : vector<1x16xf32> to vector<16xf32>
        %get3A_229 = arith.index_cast %add3A_170 : i32 to index
        %get3A_230 = arith.constant 64 : index
        %get3A_231 = tpu.vector_load %arg14[%get3A_229, %get3A_230] {strides = array<i32>} : memref<80x128xf32, #tpu.memory_space<vmem>>, vector<1x16xf32>,
        %get3A_232 = vector.shape_cast %get3A_231 : vector<1x16xf32> to vector<16xf32>
        %add3A_233 = arith.addf %get3A_228, %get3A_232 : vector<16xf32>
        %swap3A_234 = arith.index_cast %add3A_170 : i32 to index
        %swap3A_235 = arith.constant 64 : index
        %swap3A_236 = tpu.vector_load %arg13[%swap3A_234, %swap3A_235] {strides = array<i32>} : memref<80x128xf32, #tpu.memory_space<vmem>>, vector<1x16xf32>,
        %swap3A_237 = vector.shape_cast %swap3A_236 : vector<1x16xf32> to vector<16xf32>
        %swap3A_238 = vector.shape_cast %add3A_233 : vector<16xf32> to vector<1x16xf32>
        tpu.vector_store %arg13[%swap3A_234, %swap3A_235], %swap3A_238 {strides = array<i32>} : memref<80x128xf32, #tpu.memory_space<vmem>>, vector<1x16xf32>,
        %get3A_239 = arith.index_cast %add3A_170 : i32 to index
        %get3A_240 = arith.constant 80 : index
        %get3A_241 = tpu.vector_load %arg13[%get3A_239, %get3A_240] {strides = array<i32>} : memref<80x128xf32, #tpu.memory_space<vmem>>, vector<1x16xf32>,
        %get3A_242 = vector.shape_cast %get3A_241 : vector<1x16xf32> to vector<16xf32>
        %get3A_243 = arith.index_cast %add3A_170 : i32 to index
        %get3A_244 = arith.constant 80 : index
        %get3A_245 = tpu.vector_load %arg14[%get3A_243, %get3A_244] {strides = array<i32>} : memref<80x128xf32, #tpu.memory_space<vmem>>, vector<1x16xf32>,
        %get3A_246 = vector.shape_cast %get3A_245 : vector<1x16xf32> to vector<16xf32>
        %add3A_247 = arith.addf %get3A_242, %get3A_246 : vector<16xf32>
        %swap3A_248 = arith.index_cast %add3A_170 : i32 to index
        %swap3A_249 = arith.constant 80 : index
        %swap3A_250 = tpu.vector_load %arg13[%swap3A_248, %swap3A_249] {strides = array<i32>} : memref<80x128xf32, #tpu.memory_space<vmem>>, vector<1x16xf32>,
        %swap3A_251 = vector.shape_cast %swap3A_250 : vector<1x16xf32> to vector<16xf32>
        %swap3A_252 = vector.shape_cast %add3A_247 : vector<16xf32> to vector<1x16xf32>
        tpu.vector_store %arg13[%swap3A_248, %swap3A_249], %swap3A_252 {strides = array<i32>} : memref<80x128xf32, #tpu.memory_space<vmem>>, vector<1x16xf32>,
        %get3A_253 = arith.index_cast %add3A_170 : i32 to index
        %get3A_254 = arith.constant 96 : index
        %get3A_255 = tpu.vector_load %arg13[%get3A_253, %get3A_254] {strides = array<i32>} : memref<80x128xf32, #tpu.memory_space<vmem>>, vector<1x16xf32>,
        %get3A_256 = vector.shape_cast %get3A_255 : vector<1x16xf32> to vector<16xf32>
        %get3A_257 = arith.index_cast %add3A_170 : i32 to index
        %get3A_258 = arith.constant 96 : index
        %get3A_259 = tpu.vector_load %arg14[%get3A_257, %get3A_258] {strides = array<i32>} : memref<80x128xf32, #tpu.memory_space<vmem>>, vector<1x16xf32>,
        %get3A_260 = vector.shape_cast %get3A_259 : vector<1x16xf32> to vector<16xf32>
        %add3A_261 = arith.addf %get3A_256, %get3A_260 : vector<16xf32>
        %swap3A_262 = arith.index_cast %add3A_170 : i32 to index
        %swap3A_263 = arith.constant 96 : index
        %swap3A_264 = tpu.vector_load %arg13[%swap3A_262, %swap3A_263] {strides = array<i32>} : memref<80x128xf32, #tpu.memory_space<vmem>>, vector<1x16xf32>,
        %swap3A_265 = vector.shape_cast %swap3A_264 : vector<1x16xf32> to vector<16xf32>
        %swap3A_266 = vector.shape_cast %add3A_261 : vector<16xf32> to vector<1x16xf32>
        tpu.vector_store %arg13[%swap3A_262, %swap3A_263], %swap3A_266 {strides = array<i32>} : memref<80x128xf32, #tpu.memory_space<vmem>>, vector<1x16xf32>,
        %get3A_267 = arith.index_cast %add3A_170 : i32 to index
        %get3A_268 = arith.constant 112 : index
        %get3A_269 = tpu.vector_load %arg13[%get3A_267, %get3A_268] {strides = array<i32>} : memref<80x128xf32, #tpu.memory_space<vmem>>, vector<1x16xf32>,
        %get3A_270 = vector.shape_cast %get3A_269 : vector<1x16xf32> to vector<16xf32>
        %get3A_271 = arith.index_cast %add3A_170 : i32 to index
        %get3A_272 = arith.constant 112 : index
        %get3A_273 = tpu.vector_load %arg14[%get3A_271, %get3A_272] {strides = array<i32>} : memref<80x128xf32, #tpu.memory_space<vmem>>, vector<1x16xf32>,
        %get3A_274 = vector.shape_cast %get3A_273 : vector<1x16xf32> to vector<16xf32>
        %add3A_275 = arith.addf %get3A_270, %get3A_274 : vector<16xf32>
        %swap3A_276 = arith.index_cast %add3A_170 : i32 to index
        %swap3A_277 = arith.constant 112 : index
        %swap3A_278 = tpu.vector_load %arg13[%swap3A_276, %swap3A_277] {strides = array<i32>} : memref<80x128xf32, #tpu.memory_space<vmem>>, vector<1x16xf32>,
        %swap3A_279 = vector.shape_cast %swap3A_278 : vector<1x16xf32> to vector<16xf32>
        %swap3A_280 = vector.shape_cast %add3A_275 : vector<16xf32> to vector<1x16xf32>
        tpu.vector_store %arg13[%swap3A_276, %swap3A_277], %swap3A_280 {strides = array<i32>} : memref<80x128xf32, #tpu.memory_space<vmem>>, vector<1x16xf32>,
        %mul3A_281 = arith.constant 2 : i32
        %mul3A_282 = arith.muli %scan3A_166, %mul3A_281 : i32
        %add3A_283 = arith.constant 1 : i32
        %add3A_284 = arith.addi %mul3A_282, %add3A_283 : i32
        %get3A_285 = arith.index_cast %add3A_284 : i32 to index
        %get3A_286 = arith.constant 0 : index
        %get3A_287 = tpu.vector_load %arg13[%get3A_285, %get3A_286] {strides = array<i32>} : memref<80x128xf32, #tpu.memory_space<vmem>>, vector<1x16xf32>,
        %get3A_288 = vector.shape_cast %get3A_287 : vector<1x16xf32> to vector<16xf32>
        %get3A_289 = arith.index_cast %add3A_284 : i32 to index
        %get3A_290 = arith.constant 0 : index
        %get3A_291 = tpu.vector_load %arg14[%get3A_289, %get3A_290] {strides = array<i32>} : memref<80x128xf32, #tpu.memory_space<vmem>>, vector<1x16xf32>,
        %get3A_292 = vector.shape_cast %get3A_291 : vector<1x16xf32> to vector<16xf32>
        %add3A_293 = arith.addf %get3A_288, %get3A_292 : vector<16xf32>
        %swap3A_294 = arith.index_cast %add3A_284 : i32 to index
        %swap3A_295 = arith.constant 0 : index
        %swap3A_296 = tpu.vector_load %arg13[%swap3A_294, %swap3A_295] {strides = array<i32>} : memref<80x128xf32, #tpu.memory_space<vmem>>, vector<1x16xf32>,
        %swap3A_297 = vector.shape_cast %swap3A_296 : vector<1x16xf32> to vector<16xf32>
        %swap3A_298 = vector.shape_cast %add3A_293 : vector<16xf32> to vector<1x16xf32>
        tpu.vector_store %arg13[%swap3A_294, %swap3A_295], %swap3A_298 {strides = array<i32>} : memref<80x128xf32, #tpu.memory_space<vmem>>, vector<1x16xf32>,
        %get3A_299 = arith.index_cast %add3A_284 : i32 to index
        %get3A_300 = arith.constant 16 : index
        %get3A_301 = tpu.vector_load %arg13[%get3A_299, %get3A_300] {strides = array<i32>} : memref<80x128xf32, #tpu.memory_space<vmem>>, vector<1x16xf32>,
        %get3A_302 = vector.shape_cast %get3A_301 : vector<1x16xf32> to vector<16xf32>
        %get3A_303 = arith.index_cast %add3A_284 : i32 to index
        %get3A_304 = arith.constant 16 : index
        %get3A_305 = tpu.vector_load %arg14[%get3A_303, %get3A_304] {strides = array<i32>} : memref<80x128xf32, #tpu.memory_space<vmem>>, vector<1x16xf32>,
        %get3A_306 = vector.shape_cast %get3A_305 : vector<1x16xf32> to vector<16xf32>
        %add3A_307 = arith.addf %get3A_302, %get3A_306 : vector<16xf32>
        %swap3A_308 = arith.index_cast %add3A_284 : i32 to index
        %swap3A_309 = arith.constant 16 : index
        %swap3A_310 = tpu.vector_load %arg13[%swap3A_308, %swap3A_309] {strides = array<i32>} : memref<80x128xf32, #tpu.memory_space<vmem>>, vector<1x16xf32>,
        %swap3A_311 = vector.shape_cast %swap3A_310 : vector<1x16xf32> to vector<16xf32>
        %swap3A_312 = vector.shape_cast %add3A_307 : vector<16xf32> to vector<1x16xf32>
        tpu.vector_store %arg13[%swap3A_308, %swap3A_309], %swap3A_312 {strides = array<i32>} : memref<80x128xf32, #tpu.memory_space<vmem>>, vector<1x16xf32>,
        %get3A_313 = arith.index_cast %add3A_284 : i32 to index
        %get3A_314 = arith.constant 32 : index
        %get3A_315 = tpu.vector_load %arg13[%get3A_313, %get3A_314] {strides = array<i32>} : memref<80x128xf32, #tpu.memory_space<vmem>>, vector<1x16xf32>,
        %get3A_316 = vector.shape_cast %get3A_315 : vector<1x16xf32> to vector<16xf32>
        %get3A_317 = arith.index_cast %add3A_284 : i32 to index
        %get3A_318 = arith.constant 32 : index
        %get3A_319 = tpu.vector_load %arg14[%get3A_317, %get3A_318] {strides = array<i32>} : memref<80x128xf32, #tpu.memory_space<vmem>>, vector<1x16xf32>,
        %get3A_320 = vector.shape_cast %get3A_319 : vector<1x16xf32> to vector<16xf32>
        %add3A_321 = arith.addf %get3A_316, %get3A_320 : vector<16xf32>
        %swap3A_322 = arith.index_cast %add3A_284 : i32 to index
        %swap3A_323 = arith.constant 32 : index
        %swap3A_324 = tpu.vector_load %arg13[%swap3A_322, %swap3A_323] {strides = array<i32>} : memref<80x128xf32, #tpu.memory_space<vmem>>, vector<1x16xf32>,
        %swap3A_325 = vector.shape_cast %swap3A_324 : vector<1x16xf32> to vector<16xf32>
        %swap3A_326 = vector.shape_cast %add3A_321 : vector<16xf32> to vector<1x16xf32>
        tpu.vector_store %arg13[%swap3A_322, %swap3A_323], %swap3A_326 {strides = array<i32>} : memref<80x128xf32, #tpu.memory_space<vmem>>, vector<1x16xf32>,
        %get3A_327 = arith.index_cast %add3A_284 : i32 to index
        %get3A_328 = arith.constant 48 : index
        %get3A_329 = tpu.vector_load %arg13[%get3A_327, %get3A_328] {strides = array<i32>} : memref<80x128xf32, #tpu.memory_space<vmem>>, vector<1x16xf32>,
        %get3A_330 = vector.shape_cast %get3A_329 : vector<1x16xf32> to vector<16xf32>
        %get3A_331 = arith.index_cast %add3A_284 : i32 to index
        %get3A_332 = arith.constant 48 : index
        %get3A_333 = tpu.vector_load %arg14[%get3A_331, %get3A_332] {strides = array<i32>} : memref<80x128xf32, #tpu.memory_space<vmem>>, vector<1x16xf32>,
        %get3A_334 = vector.shape_cast %get3A_333 : vector<1x16xf32> to vector<16xf32>
        %add3A_335 = arith.addf %get3A_330, %get3A_334 : vector<16xf32>
        %swap3A_336 = arith.index_cast %add3A_284 : i32 to index
        %swap3A_337 = arith.constant 48 : index
        %swap3A_338 = tpu.vector_load %arg13[%swap3A_336, %swap3A_337] {strides = array<i32>} : memref<80x128xf32, #tpu.memory_space<vmem>>, vector<1x16xf32>,
        %swap3A_339 = vector.shape_cast %swap3A_338 : vector<1x16xf32> to vector<16xf32>
        %swap3A_340 = vector.shape_cast %add3A_335 : vector<16xf32> to vector<1x16xf32>
        tpu.vector_store %arg13[%swap3A_336, %swap3A_337], %swap3A_340 {strides = array<i32>} : memref<80x128xf32, #tpu.memory_space<vmem>>, vector<1x16xf32>,
        %get3A_341 = arith.index_cast %add3A_284 : i32 to index
        %get3A_342 = arith.constant 64 : index
        %get3A_343 = tpu.vector_load %arg13[%get3A_341, %get3A_342] {strides = array<i32>} : memref<80x128xf32, #tpu.memory_space<vmem>>, vector<1x16xf32>,
        %get3A_344 = vector.shape_cast %get3A_343 : vector<1x16xf32> to vector<16xf32>
        %get3A_345 = arith.index_cast %add3A_284 : i32 to index
        %get3A_346 = arith.constant 64 : index
        %get3A_347 = tpu.vector_load %arg14[%get3A_345, %get3A_346] {strides = array<i32>} : memref<80x128xf32, #tpu.memory_space<vmem>>, vector<1x16xf32>,
        %get3A_348 = vector.shape_cast %get3A_347 : vector<1x16xf32> to vector<16xf32>
        %add3A_349 = arith.addf %get3A_344, %get3A_348 : vector<16xf32>
        %swap3A_350 = arith.index_cast %add3A_284 : i32 to index
        %swap3A_351 = arith.constant 64 : index
        %swap3A_352 = tpu.vector_load %arg13[%swap3A_350, %swap3A_351] {strides = array<i32>} : memref<80x128xf32, #tpu.memory_space<vmem>>, vector<1x16xf32>,
        %swap3A_353 = vector.shape_cast %swap3A_352 : vector<1x16xf32> to vector<16xf32>
        %swap3A_354 = vector.shape_cast %add3A_349 : vector<16xf32> to vector<1x16xf32>
        tpu.vector_store %arg13[%swap3A_350, %swap3A_351], %swap3A_354 {strides = array<i32>} : memref<80x128xf32, #tpu.memory_space<vmem>>, vector<1x16xf32>,
        %get3A_355 = arith.index_cast %add3A_284 : i32 to index
        %get3A_356 = arith.constant 80 : index
        %get3A_357 = tpu.vector_load %arg13[%get3A_355, %get3A_356] {strides = array<i32>} : memref<80x128xf32, #tpu.memory_space<vmem>>, vector<1x16xf32>,
        %get3A_358 = vector.shape_cast %get3A_357 : vector<1x16xf32> to vector<16xf32>
        %get3A_359 = arith.index_cast %add3A_284 : i32 to index
        %get3A_360 = arith.constant 80 : index
        %get3A_361 = tpu.vector_load %arg14[%get3A_359, %get3A_360] {strides = array<i32>} : memref<80x128xf32, #tpu.memory_space<vmem>>, vector<1x16xf32>,
        %get3A_362 = vector.shape_cast %get3A_361 : vector<1x16xf32> to vector<16xf32>
        %add3A_363 = arith.addf %get3A_358, %get3A_362 : vector<16xf32>
        %swap3A_364 = arith.index_cast %add3A_284 : i32 to index
        %swap3A_365 = arith.constant 80 : index
        %swap3A_366 = tpu.vector_load %arg13[%swap3A_364, %swap3A_365] {strides = array<i32>} : memref<80x128xf32, #tpu.memory_space<vmem>>, vector<1x16xf32>,
        %swap3A_367 = vector.shape_cast %swap3A_366 : vector<1x16xf32> to vector<16xf32>
        %swap3A_368 = vector.shape_cast %add3A_363 : vector<16xf32> to vector<1x16xf32>
        tpu.vector_store %arg13[%swap3A_364, %swap3A_365], %swap3A_368 {strides = array<i32>} : memref<80x128xf32, #tpu.memory_space<vmem>>, vector<1x16xf32>,
        %get3A_369 = arith.index_cast %add3A_284 : i32 to index
        %get3A_370 = arith.constant 96 : index
        %get3A_371 = tpu.vector_load %arg13[%get3A_369, %get3A_370] {strides = array<i32>} : memref<80x128xf32, #tpu.memory_space<vmem>>, vector<1x16xf32>,
        %get3A_372 = vector.shape_cast %get3A_371 : vector<1x16xf32> to vector<16xf32>
        %get3A_373 = arith.index_cast %add3A_284 : i32 to index
        %get3A_374 = arith.constant 96 : index
        %get3A_375 = tpu.vector_load %arg14[%get3A_373, %get3A_374] {strides = array<i32>} : memref<80x128xf32, #tpu.memory_space<vmem>>, vector<1x16xf32>,
        %get3A_376 = vector.shape_cast %get3A_375 : vector<1x16xf32> to vector<16xf32>
        %add3A_377 = arith.addf %get3A_372, %get3A_376 : vector<16xf32>
        %swap3A_378 = arith.index_cast %add3A_284 : i32 to index
        %swap3A_379 = arith.constant 96 : index
        %swap3A_380 = tpu.vector_load %arg13[%swap3A_378, %swap3A_379] {strides = array<i32>} : memref<80x128xf32, #tpu.memory_space<vmem>>, vector<1x16xf32>,
        %swap3A_381 = vector.shape_cast %swap3A_380 : vector<1x16xf32> to vector<16xf32>
        %swap3A_382 = vector.shape_cast %add3A_377 : vector<16xf32> to vector<1x16xf32>
        tpu.vector_store %arg13[%swap3A_378, %swap3A_379], %swap3A_382 {strides = array<i32>} : memref<80x128xf32, #tpu.memory_space<vmem>>, vector<1x16xf32>,
        %get3A_383 = arith.index_cast %add3A_284 : i32 to index
        %get3A_384 = arith.constant 112 : index
        %get3A_385 = tpu.vector_load %arg13[%get3A_383, %get3A_384] {strides = array<i32>} : memref<80x128xf32, #tpu.memory_space<vmem>>, vector<1x16xf32>,
        %get3A_386 = vector.shape_cast %get3A_385 : vector<1x16xf32> to vector<16xf32>
        %get3A_387 = arith.index_cast %add3A_284 : i32 to index
        %get3A_388 = arith.constant 112 : index
        %get3A_389 = tpu.vector_load %arg14[%get3A_387, %get3A_388] {strides = array<i32>} : memref<80x128xf32, #tpu.memory_space<vmem>>, vector<1x16xf32>,
        %get3A_390 = vector.shape_cast %get3A_389 : vector<1x16xf32> to vector<16xf32>
        %add3A_391 = arith.addf %get3A_386, %get3A_390 : vector<16xf32>
        %swap3A_392 = arith.index_cast %add3A_284 : i32 to index
        %swap3A_393 = arith.constant 112 : index
        %swap3A_394 = tpu.vector_load %arg13[%swap3A_392, %swap3A_393] {strides = array<i32>} : memref<80x128xf32, #tpu.memory_space<vmem>>, vector<1x16xf32>,
        %swap3A_395 = vector.shape_cast %swap3A_394 : vector<1x16xf32> to vector<16xf32>
        %swap3A_396 = vector.shape_cast %add3A_391 : vector<16xf32> to vector<1x16xf32>
        tpu.vector_store %arg13[%swap3A_392, %swap3A_393], %swap3A_396 {strides = array<i32>} : memref<80x128xf32, #tpu.memory_space<vmem>>, vector<1x16xf32>,
      }
      %scan3A_155 = arith.constant 40 : i32
      %rem3A_156 = arith.constant 125 : i32
      %rem3A_157 = arith.remsi %add3A_124, %rem3A_156 : i32
      %mul3A_158 = arith.constant 80 : i32
      %mul3A_159 = arith.muli %rem3A_157, %mul3A_158 : i32
      %add3A_160 = arith.addi %mul3A_2, %mul3A_159 : i32
      %multiple_of3A_161 = tpu.assume_multiple %add3A_160, 8 : i32
      %dma_start3A_162 = arith.constant 0 : i32
      %dma_start3A_163 = tpu.memref_slice %arg6[%multiple_of3A_161, %dma_start3A_162] : memref<320000x128xf32, #tpu.memory_space<hbm>> -> memref<80x128xf32, #tpu.memory_space<hbm>>
      %dma_start3A_164 = arith.constant 0 : i32
      %dma_start3A_165 = tpu.memref_slice %arg6[%multiple_of3A_161, %dma_start3A_164] : memref<320000x128xf32, #tpu.memory_space<hbm>> -> memref<80x128xf32, #tpu.memory_space<hbm>>
      tpu.enqueue_dma source(%arg13 : memref<80x128xf32, #tpu.memory_space<vmem>>) target(%dma_start3A_165 : memref<80x128xf32, #tpu.memory_space<hbm>>) target_semaphore(%arg20 : memref<!tpu.dma_semaphore, #tpu.memory_space<semaphore_mem>>)
    }
    %scan3A_32 = arith.constant 42 : i32
    %dma_wait3A = arith.constant 0 : i32
    %dma_wait3A_33 = arith.constant 0 : i32
    %dma_wait3A_34 = tpu.memref_slice %arg6[%dma_wait3A, %dma_wait3A_33] : memref<320000x128xf32, #tpu.memory_space<hbm>> -> memref<80x128xf32, #tpu.memory_space<hbm>>
    %dma_wait3A_35 = arith.constant 0 : i32
    %dma_wait3A_36 = arith.constant 0 : i32
    %dma_wait3A_37 = tpu.memref_slice %arg6[%dma_wait3A_35, %dma_wait3A_36] : memref<320000x128xf32, #tpu.memory_space<hbm>> -> memref<80x128xf32, #tpu.memory_space<hbm>>
    tpu.wait_dma2 semaphore(%arg20 : memref<!tpu.dma_semaphore, #tpu.memory_space<semaphore_mem>>) src(%arg13 : memref<80x128xf32, #tpu.memory_space<vmem>>) dst(%dma_wait3A_37 : memref<80x128xf32, #tpu.memory_space<hbm>>)
    return
  }
}

module attributes {stable_mosaic.version = 14 : i64} {
  func.func @_enc_node_kern(%arg0: i32, %arg1: memref<2000x49xbf16, #tpu.memory_space<vmem>>, %arg2: memref<49x128xbf16, #tpu.memory_space<vmem>>, %arg3: memref<1x128xf32, #tpu.memory_space<vmem>>, %arg4: memref<128x128xbf16, #tpu.memory_space<vmem>>, %arg5: memref<1x128xf32, #tpu.memory_space<vmem>>, %arg6: memref<128x128xbf16, #tpu.memory_space<vmem>>, %arg7: memref<128x128xbf16, #tpu.memory_space<vmem>>, %arg8: memref<2000x128xf32, #tpu.memory_space<vmem>>, %arg9: memref<2000x128xf32, #tpu.memory_space<vmem>>, %arg10: memref<2000x128xf32, #tpu.memory_space<vmem>>) attributes {dimension_semantics = [#tpu.dimension_semantics<arbitrary>], iteration_bounds = array<i64: 5>, scalar_prefetch = 0 : i64, scratch_operands = 0 : i64, tpu.core_type = #tpu.core_type<tc>, window_params = [{transform_indices = @transform_0, window_bounds = array<i64: 2000, 49>}, {pipeline_mode = #tpu.pipeline_mode<synchronous>, transform_indices = @transform_1, window_bounds = array<i64: 49, 128>}, {pipeline_mode = #tpu.pipeline_mode<synchronous>, transform_indices = @transform_2, window_bounds = array<i64: 1, 128>}, {pipeline_mode = #tpu.pipeline_mode<synchronous>, transform_indices = @transform_3, window_bounds = array<i64: 128, 128>}, {pipeline_mode = #tpu.pipeline_mode<synchronous>, transform_indices = @transform_4, window_bounds = array<i64: 1, 128>}, {pipeline_mode = #tpu.pipeline_mode<synchronous>, transform_indices = @transform_5, window_bounds = array<i64: 128, 128>}, {pipeline_mode = #tpu.pipeline_mode<synchronous>, transform_indices = @transform_6, window_bounds = array<i64: 128, 128>}, {transform_indices = @transform_7, window_bounds = array<i64: 2000, 128>}, {transform_indices = @transform_8, window_bounds = array<i64: 2000, 128>}, {transform_indices = @transform_9, window_bounds = array<i64: 2000, 128>}]} {
    %get3A = arith.constant 0 : index
    %get3A_0 = arith.constant 0 : index
    %get3A_1 = vector.load %arg1[%get3A, %get3A_0] : memref<2000x49xbf16, #tpu.memory_space<vmem>>, vector<2000x49xbf16>
    %get3A_2 = arith.constant 0 : index
    %get3A_3 = arith.constant 0 : index
    %get3A_4 = vector.load %arg2[%get3A_2, %get3A_3] : memref<49x128xbf16, #tpu.memory_space<vmem>>, vector<49x128xbf16>
    %dot_general3A = arith.constant dense<0.000000e+00> : vector<2000x128xf32>
    %dot_general3A_5 = tpu.matmul %get3A_1, %get3A_4, %dot_general3A {dimension_numbers = #tpu.dot_dimension_numbers<[1], [0], [0], [1], [0, 0, 1, 1], [], []>, transpose_lhs_hint = false} : vector<2000x49xbf16>, vector<49x128xbf16>, vector<2000x128xf32> -> vector<2000x128xf32>
    %get3A_6 = arith.constant 0 : index
    %get3A_7 = arith.constant 0 : index
    %get3A_8 = vector.load %arg3[%get3A_6, %get3A_7] : memref<1x128xf32, #tpu.memory_space<vmem>>, vector<1x128xf32>
    %add3A = vector.broadcast %get3A_8 : vector<1x128xf32> to vector<2000x128xf32>
    %add3A_9 = arith.addf %dot_general3A_5, %add3A : vector<2000x128xf32>
    %max3A = arith.constant 0.000000e+00 : f32
    %max3A_10 = vector.broadcast %max3A : f32 to vector<2000x128xf32>
    %max3A_11 = arith.maximumf %add3A_9, %max3A_10 : vector<2000x128xf32>
    %convert_element_type3A = arith.truncf %max3A_11 : vector<2000x128xf32> to vector<2000x128xbf16>
    %get3A_12 = arith.constant 0 : index
    %get3A_13 = arith.constant 0 : index
    %get3A_14 = vector.load %arg4[%get3A_12, %get3A_13] : memref<128x128xbf16, #tpu.memory_space<vmem>>, vector<128x128xbf16>
    %dot_general3A_15 = arith.constant dense<0.000000e+00> : vector<2000x128xf32>
    %dot_general3A_16 = tpu.matmul %convert_element_type3A, %get3A_14, %dot_general3A_15 {dimension_numbers = #tpu.dot_dimension_numbers<[1], [0], [0], [1], [0, 0, 1, 1], [], []>, transpose_lhs_hint = false} : vector<2000x128xbf16>, vector<128x128xbf16>, vector<2000x128xf32> -> vector<2000x128xf32>
    %get3A_17 = arith.constant 0 : index
    %get3A_18 = arith.constant 0 : index
    %get3A_19 = vector.load %arg5[%get3A_17, %get3A_18] : memref<1x128xf32, #tpu.memory_space<vmem>>, vector<1x128xf32>
    %add3A_20 = vector.broadcast %get3A_19 : vector<1x128xf32> to vector<2000x128xf32>
    %add3A_21 = arith.addf %dot_general3A_16, %add3A_20 : vector<2000x128xf32>
    %swap3A = arith.constant 0 : index
    %swap3A_22 = arith.constant 0 : index
    %swap3A_23 = vector.load %arg8[%swap3A, %swap3A_22] : memref<2000x128xf32, #tpu.memory_space<vmem>>, vector<2000x128xf32>
    tpu.vector_store %arg8[%swap3A, %swap3A_22], %add3A_21 {strides = array<i32>} : memref<2000x128xf32, #tpu.memory_space<vmem>>, vector<2000x128xf32>,
    %convert_element_type3A_24 = arith.truncf %add3A_21 : vector<2000x128xf32> to vector<2000x128xbf16>
    %get3A_25 = arith.constant 0 : index
    %get3A_26 = arith.constant 0 : index
    %get3A_27 = vector.load %arg6[%get3A_25, %get3A_26] : memref<128x128xbf16, #tpu.memory_space<vmem>>, vector<128x128xbf16>
    %dot_general3A_28 = arith.constant dense<0.000000e+00> : vector<2000x128xf32>
    %dot_general3A_29 = tpu.matmul %convert_element_type3A_24, %get3A_27, %dot_general3A_28 {dimension_numbers = #tpu.dot_dimension_numbers<[1], [0], [0], [1], [0, 0, 1, 1], [], []>, transpose_lhs_hint = false} : vector<2000x128xbf16>, vector<128x128xbf16>, vector<2000x128xf32> -> vector<2000x128xf32>
    %swap3A_30 = arith.constant 0 : index
    %swap3A_31 = arith.constant 0 : index
    %swap3A_32 = vector.load %arg9[%swap3A_30, %swap3A_31] : memref<2000x128xf32, #tpu.memory_space<vmem>>, vector<2000x128xf32>
    tpu.vector_store %arg9[%swap3A_30, %swap3A_31], %dot_general3A_29 {strides = array<i32>} : memref<2000x128xf32, #tpu.memory_space<vmem>>, vector<2000x128xf32>,
    %get3A_33 = arith.constant 0 : index
    %get3A_34 = arith.constant 0 : index
    %get3A_35 = vector.load %arg7[%get3A_33, %get3A_34] : memref<128x128xbf16, #tpu.memory_space<vmem>>, vector<128x128xbf16>
    %dot_general3A_36 = arith.constant dense<0.000000e+00> : vector<2000x128xf32>
    %dot_general3A_37 = tpu.matmul %convert_element_type3A_24, %get3A_35, %dot_general3A_36 {dimension_numbers = #tpu.dot_dimension_numbers<[1], [0], [0], [1], [0, 0, 1, 1], [], []>, transpose_lhs_hint = false} : vector<2000x128xbf16>, vector<128x128xbf16>, vector<2000x128xf32> -> vector<2000x128xf32>
    %swap3A_38 = arith.constant 0 : index
    %swap3A_39 = arith.constant 0 : index
    %swap3A_40 = vector.load %arg10[%swap3A_38, %swap3A_39] : memref<2000x128xf32, #tpu.memory_space<vmem>>, vector<2000x128xf32>
    tpu.vector_store %arg10[%swap3A_38, %swap3A_39], %dot_general3A_37 {strides = array<i32>} : memref<2000x128xf32, #tpu.memory_space<vmem>>, vector<2000x128xf32>,
    return
  }
  func.func @transform_0(%arg0: i32) -> (i32, i32) {
    %c0_i32 = arith.constant 0 : i32
    %c0_i32_0 = arith.constant 0 : i32
    return %arg0, %c0_i32 : i32, i32
  }
  func.func @transform_1(%arg0: i32) -> (i32, i32) {
    %c0_i32 = arith.constant 0 : i32
    %c0_i32_0 = arith.constant 0 : i32
    %c0_i32_1 = arith.constant 0 : i32
    return %c0_i32, %c0_i32_0 : i32, i32
  }
  func.func @transform_2(%arg0: i32) -> (i32, i32) {
    %c0_i32 = arith.constant 0 : i32
    %c0_i32_0 = arith.constant 0 : i32
    %c0_i32_1 = arith.constant 0 : i32
    return %c0_i32, %c0_i32_0 : i32, i32
  }
  func.func @transform_3(%arg0: i32) -> (i32, i32) {
    %c0_i32 = arith.constant 0 : i32
    %c0_i32_0 = arith.constant 0 : i32
    %c0_i32_1 = arith.constant 0 : i32
    return %c0_i32, %c0_i32_0 : i32, i32
  }
  func.func @transform_4(%arg0: i32) -> (i32, i32) {
    %c0_i32 = arith.constant 0 : i32
    %c0_i32_0 = arith.constant 0 : i32
    %c0_i32_1 = arith.constant 0 : i32
    return %c0_i32, %c0_i32_0 : i32, i32
  }
  func.func @transform_5(%arg0: i32) -> (i32, i32) {
    %c0_i32 = arith.constant 0 : i32
    %c0_i32_0 = arith.constant 0 : i32
    %c0_i32_1 = arith.constant 0 : i32
    return %c0_i32, %c0_i32_0 : i32, i32
  }
  func.func @transform_6(%arg0: i32) -> (i32, i32) {
    %c0_i32 = arith.constant 0 : i32
    %c0_i32_0 = arith.constant 0 : i32
    %c0_i32_1 = arith.constant 0 : i32
    return %c0_i32, %c0_i32_0 : i32, i32
  }
  func.func @transform_7(%arg0: i32) -> (i32, i32) {
    %c0_i32 = arith.constant 0 : i32
    %c0_i32_0 = arith.constant 0 : i32
    return %arg0, %c0_i32 : i32, i32
  }
  func.func @transform_8(%arg0: i32) -> (i32, i32) {
    %c0_i32 = arith.constant 0 : i32
    %c0_i32_0 = arith.constant 0 : i32
    return %arg0, %c0_i32 : i32, i32
  }
  func.func @transform_9(%arg0: i32) -> (i32, i32) {
    %c0_i32 = arith.constant 0 : i32
    %c0_i32_0 = arith.constant 0 : i32
    return %arg0, %c0_i32 : i32, i32
  }
}

module attributes {stable_mosaic.version = 14 : i64} {
  func.func @_mlp2_kern(%arg0: i32, %arg1: memref<8000x16xbf16, #tpu.memory_space<vmem>>, %arg2: memref<16x128xbf16, #tpu.memory_space<vmem>>, %arg3: memref<1x128xf32, #tpu.memory_space<vmem>>, %arg4: memref<128x128xbf16, #tpu.memory_space<vmem>>, %arg5: memref<1x128xf32, #tpu.memory_space<vmem>>, %arg6: memref<8000x128xbf16, #tpu.memory_space<vmem>>) attributes {dimension_semantics = [#tpu.dimension_semantics<arbitrary>], iteration_bounds = array<i64: 40>, scalar_prefetch = 0 : i64, scratch_operands = 0 : i64, tpu.core_type = #tpu.core_type<tc>, window_params = [{transform_indices = @transform_0, window_bounds = array<i64: 8000, 16>}, {pipeline_mode = #tpu.pipeline_mode<synchronous>, transform_indices = @transform_1, window_bounds = array<i64: 16, 128>}, {pipeline_mode = #tpu.pipeline_mode<synchronous>, transform_indices = @transform_2, window_bounds = array<i64: 1, 128>}, {pipeline_mode = #tpu.pipeline_mode<synchronous>, transform_indices = @transform_3, window_bounds = array<i64: 128, 128>}, {pipeline_mode = #tpu.pipeline_mode<synchronous>, transform_indices = @transform_4, window_bounds = array<i64: 1, 128>}, {transform_indices = @transform_5, window_bounds = array<i64: 8000, 128>}]} {
    %get3A = arith.constant 0 : index
    %get3A_0 = arith.constant 0 : index
    %get3A_1 = vector.load %arg1[%get3A, %get3A_0] : memref<8000x16xbf16, #tpu.memory_space<vmem>>, vector<8000x16xbf16>
    %get3A_2 = arith.constant 0 : index
    %get3A_3 = arith.constant 0 : index
    %get3A_4 = vector.load %arg2[%get3A_2, %get3A_3] : memref<16x128xbf16, #tpu.memory_space<vmem>>, vector<16x128xbf16>
    %dot_general3A = arith.constant dense<0.000000e+00> : vector<8000x128xf32>
    %dot_general3A_5 = tpu.matmul %get3A_1, %get3A_4, %dot_general3A {dimension_numbers = #tpu.dot_dimension_numbers<[1], [0], [0], [1], [0, 0, 1, 1], [], []>, transpose_lhs_hint = false} : vector<8000x16xbf16>, vector<16x128xbf16>, vector<8000x128xf32> -> vector<8000x128xf32>
    %get3A_6 = arith.constant 0 : index
    %get3A_7 = arith.constant 0 : index
    %get3A_8 = vector.load %arg3[%get3A_6, %get3A_7] : memref<1x128xf32, #tpu.memory_space<vmem>>, vector<1x128xf32>
    %add3A = vector.broadcast %get3A_8 : vector<1x128xf32> to vector<8000x128xf32>
    %add3A_9 = arith.addf %dot_general3A_5, %add3A : vector<8000x128xf32>
    %max3A = arith.constant 0.000000e+00 : f32
    %max3A_10 = vector.broadcast %max3A : f32 to vector<8000x128xf32>
    %max3A_11 = arith.maximumf %add3A_9, %max3A_10 : vector<8000x128xf32>
    %convert_element_type3A = arith.truncf %max3A_11 : vector<8000x128xf32> to vector<8000x128xbf16>
    %get3A_12 = arith.constant 0 : index
    %get3A_13 = arith.constant 0 : index
    %get3A_14 = vector.load %arg4[%get3A_12, %get3A_13] : memref<128x128xbf16, #tpu.memory_space<vmem>>, vector<128x128xbf16>
    %dot_general3A_15 = arith.constant dense<0.000000e+00> : vector<8000x128xf32>
    %dot_general3A_16 = tpu.matmul %convert_element_type3A, %get3A_14, %dot_general3A_15 {dimension_numbers = #tpu.dot_dimension_numbers<[1], [0], [0], [1], [0, 0, 1, 1], [], []>, transpose_lhs_hint = false} : vector<8000x128xbf16>, vector<128x128xbf16>, vector<8000x128xf32> -> vector<8000x128xf32>
    %get3A_17 = arith.constant 0 : index
    %get3A_18 = arith.constant 0 : index
    %get3A_19 = vector.load %arg5[%get3A_17, %get3A_18] : memref<1x128xf32, #tpu.memory_space<vmem>>, vector<1x128xf32>
    %add3A_20 = vector.broadcast %get3A_19 : vector<1x128xf32> to vector<8000x128xf32>
    %add3A_21 = arith.addf %dot_general3A_16, %add3A_20 : vector<8000x128xf32>
    %convert_element_type3A_22 = arith.truncf %add3A_21 : vector<8000x128xf32> to vector<8000x128xbf16>
    %swap3A = arith.constant 0 : index
    %swap3A_23 = arith.constant 0 : index
    %swap3A_24 = vector.load %arg6[%swap3A, %swap3A_23] : memref<8000x128xbf16, #tpu.memory_space<vmem>>, vector<8000x128xbf16>
    tpu.vector_store %arg6[%swap3A, %swap3A_23], %convert_element_type3A_22 {strides = array<i32>} : memref<8000x128xbf16, #tpu.memory_space<vmem>>, vector<8000x128xbf16>,
    return
  }
  func.func @transform_0(%arg0: i32) -> (i32, i32) {
    %c0_i32 = arith.constant 0 : i32
    %c0_i32_0 = arith.constant 0 : i32
    return %arg0, %c0_i32 : i32, i32
  }
  func.func @transform_1(%arg0: i32) -> (i32, i32) {
    %c0_i32 = arith.constant 0 : i32
    %c0_i32_0 = arith.constant 0 : i32
    %c0_i32_1 = arith.constant 0 : i32
    return %c0_i32, %c0_i32_0 : i32, i32
  }
  func.func @transform_2(%arg0: i32) -> (i32, i32) {
    %c0_i32 = arith.constant 0 : i32
    %c0_i32_0 = arith.constant 0 : i32
    %c0_i32_1 = arith.constant 0 : i32
    return %c0_i32, %c0_i32_0 : i32, i32
  }
  func.func @transform_3(%arg0: i32) -> (i32, i32) {
    %c0_i32 = arith.constant 0 : i32
    %c0_i32_0 = arith.constant 0 : i32
    %c0_i32_1 = arith.constant 0 : i32
    return %c0_i32, %c0_i32_0 : i32, i32
  }
  func.func @transform_4(%arg0: i32) -> (i32, i32) {
    %c0_i32 = arith.constant 0 : i32
    %c0_i32_0 = arith.constant 0 : i32
    %c0_i32_1 = arith.constant 0 : i32
    return %c0_i32, %c0_i32_0 : i32, i32
  }
  func.func @transform_5(%arg0: i32) -> (i32, i32) {
    %c0_i32 = arith.constant 0 : i32
    %c0_i32_0 = arith.constant 0 : i32
    return %arg0, %c0_i32 : i32, i32
  }
}

module attributes {stable_mosaic.version = 14 : i64} {
  func.func @_edge_upd_kern(%arg0: i32, %arg1: memref<8000x128xf32, #tpu.memory_space<vmem>>, %arg2: memref<8000x128xbf16, #tpu.memory_space<vmem>>, %arg3: memref<128x128xbf16, #tpu.memory_space<vmem>>, %arg4: memref<1x128xf32, #tpu.memory_space<vmem>>, %arg5: memref<128x128xbf16, #tpu.memory_space<vmem>>, %arg6: memref<1x128xf32, #tpu.memory_space<vmem>>, %arg7: memref<8000x128xf32, #tpu.memory_space<vmem>>) attributes {dimension_semantics = [#tpu.dimension_semantics<arbitrary>], iteration_bounds = array<i64: 40>, scalar_prefetch = 0 : i64, scratch_operands = 0 : i64, tpu.core_type = #tpu.core_type<tc>, window_params = [{transform_indices = @transform_0, window_bounds = array<i64: 8000, 128>}, {transform_indices = @transform_1, window_bounds = array<i64: 8000, 128>}, {pipeline_mode = #tpu.pipeline_mode<synchronous>, transform_indices = @transform_2, window_bounds = array<i64: 128, 128>}, {pipeline_mode = #tpu.pipeline_mode<synchronous>, transform_indices = @transform_3, window_bounds = array<i64: 1, 128>}, {pipeline_mode = #tpu.pipeline_mode<synchronous>, transform_indices = @transform_4, window_bounds = array<i64: 128, 128>}, {pipeline_mode = #tpu.pipeline_mode<synchronous>, transform_indices = @transform_5, window_bounds = array<i64: 1, 128>}, {transform_indices = @transform_6, window_bounds = array<i64: 8000, 128>}]} {
    %get3A = arith.constant 0 : index
    %get3A_0 = arith.constant 0 : index
    %get3A_1 = vector.load %arg2[%get3A, %get3A_0] : memref<8000x128xbf16, #tpu.memory_space<vmem>>, vector<8000x128xbf16>
    %get3A_2 = arith.constant 0 : index
    %get3A_3 = arith.constant 0 : index
    %get3A_4 = vector.load %arg1[%get3A_2, %get3A_3] : memref<8000x128xf32, #tpu.memory_space<vmem>>, vector<8000x128xf32>
    %get3A_5 = arith.constant 0 : index
    %get3A_6 = arith.constant 0 : index
    %get3A_7 = vector.load %arg4[%get3A_5, %get3A_6] : memref<1x128xf32, #tpu.memory_space<vmem>>, vector<1x128xf32>
    %add3A = vector.broadcast %get3A_7 : vector<1x128xf32> to vector<8000x128xf32>
    %add3A_8 = arith.addf %get3A_4, %add3A : vector<8000x128xf32>
    %get3A_9 = arith.constant 0 : index
    %get3A_10 = arith.constant 0 : index
    %get3A_11 = vector.load %arg3[%get3A_9, %get3A_10] : memref<128x128xbf16, #tpu.memory_space<vmem>>, vector<128x128xbf16>
    %dot_general3A = arith.constant dense<0.000000e+00> : vector<8000x128xf32>
    %dot_general3A_12 = tpu.matmul %get3A_1, %get3A_11, %dot_general3A {dimension_numbers = #tpu.dot_dimension_numbers<[1], [0], [0], [1], [0, 0, 1, 1], [], []>, transpose_lhs_hint = false} : vector<8000x128xbf16>, vector<128x128xbf16>, vector<8000x128xf32> -> vector<8000x128xf32>
    %add3A_13 = arith.addf %add3A_8, %dot_general3A_12 : vector<8000x128xf32>
    %max3A = arith.constant 0.000000e+00 : f32
    %max3A_14 = vector.broadcast %max3A : f32 to vector<8000x128xf32>
    %max3A_15 = arith.maximumf %add3A_13, %max3A_14 : vector<8000x128xf32>
    %convert_element_type3A = arith.truncf %max3A_15 : vector<8000x128xf32> to vector<8000x128xbf16>
    %convert_element_type3A_16 = arith.extf %get3A_1 : vector<8000x128xbf16> to vector<8000x128xf32>
    %get3A_17 = arith.constant 0 : index
    %get3A_18 = arith.constant 0 : index
    %get3A_19 = vector.load %arg5[%get3A_17, %get3A_18] : memref<128x128xbf16, #tpu.memory_space<vmem>>, vector<128x128xbf16>
    %dot_general3A_20 = arith.constant dense<0.000000e+00> : vector<8000x128xf32>
    %dot_general3A_21 = tpu.matmul %convert_element_type3A, %get3A_19, %dot_general3A_20 {dimension_numbers = #tpu.dot_dimension_numbers<[1], [0], [0], [1], [0, 0, 1, 1], [], []>, transpose_lhs_hint = false} : vector<8000x128xbf16>, vector<128x128xbf16>, vector<8000x128xf32> -> vector<8000x128xf32>
    %add3A_22 = arith.addf %convert_element_type3A_16, %dot_general3A_21 : vector<8000x128xf32>
    %get3A_23 = arith.constant 0 : index
    %get3A_24 = arith.constant 0 : index
    %get3A_25 = vector.load %arg6[%get3A_23, %get3A_24] : memref<1x128xf32, #tpu.memory_space<vmem>>, vector<1x128xf32>
    %add3A_26 = vector.broadcast %get3A_25 : vector<1x128xf32> to vector<8000x128xf32>
    %add3A_27 = arith.addf %add3A_22, %add3A_26 : vector<8000x128xf32>
    %swap3A = arith.constant 0 : index
    %swap3A_28 = arith.constant 0 : index
    %swap3A_29 = vector.load %arg7[%swap3A, %swap3A_28] : memref<8000x128xf32, #tpu.memory_space<vmem>>, vector<8000x128xf32>
    tpu.vector_store %arg7[%swap3A, %swap3A_28], %add3A_27 {strides = array<i32>} : memref<8000x128xf32, #tpu.memory_space<vmem>>, vector<8000x128xf32>,
    return
  }
  func.func @transform_0(%arg0: i32) -> (i32, i32) {
    %c0_i32 = arith.constant 0 : i32
    %c0_i32_0 = arith.constant 0 : i32
    return %arg0, %c0_i32 : i32, i32
  }
  func.func @transform_1(%arg0: i32) -> (i32, i32) {
    %c0_i32 = arith.constant 0 : i32
    %c0_i32_0 = arith.constant 0 : i32
    return %arg0, %c0_i32 : i32, i32
  }
  func.func @transform_2(%arg0: i32) -> (i32, i32) {
    %c0_i32 = arith.constant 0 : i32
    %c0_i32_0 = arith.constant 0 : i32
    %c0_i32_1 = arith.constant 0 : i32
    return %c0_i32, %c0_i32_0 : i32, i32
  }
  func.func @transform_3(%arg0: i32) -> (i32, i32) {
    %c0_i32 = arith.constant 0 : i32
    %c0_i32_0 = arith.constant 0 : i32
    %c0_i32_1 = arith.constant 0 : i32
    return %c0_i32, %c0_i32_0 : i32, i32
  }
  func.func @transform_4(%arg0: i32) -> (i32, i32) {
    %c0_i32 = arith.constant 0 : i32
    %c0_i32_0 = arith.constant 0 : i32
    %c0_i32_1 = arith.constant 0 : i32
    return %c0_i32, %c0_i32_0 : i32, i32
  }
  func.func @transform_5(%arg0: i32) -> (i32, i32) {
    %c0_i32 = arith.constant 0 : i32
    %c0_i32_0 = arith.constant 0 : i32
    %c0_i32_1 = arith.constant 0 : i32
    return %c0_i32, %c0_i32_0 : i32, i32
  }
  func.func @transform_6(%arg0: i32) -> (i32, i32) {
    %c0_i32 = arith.constant 0 : i32
    %c0_i32_0 = arith.constant 0 : i32
    return %arg0, %c0_i32 : i32, i32
  }
}

module attributes {stable_mosaic.version = 14 : i64} {
  func.func @_node_upd_mid_kern(%arg0: i32, %arg1: memref<2000x128xf32, #tpu.memory_space<vmem>>, %arg2: memref<2000x128xf32, #tpu.memory_space<vmem>>, %arg3: memref<2000x128xf32, #tpu.memory_space<vmem>>, %arg4: memref<128x128xbf16, #tpu.memory_space<vmem>>, %arg5: memref<128x128xbf16, #tpu.memory_space<vmem>>, %arg6: memref<1x128xf32, #tpu.memory_space<vmem>>, %arg7: memref<128x128xbf16, #tpu.memory_space<vmem>>, %arg8: memref<1x128xf32, #tpu.memory_space<vmem>>, %arg9: memref<128x128xbf16, #tpu.memory_space<vmem>>, %arg10: memref<128x128xbf16, #tpu.memory_space<vmem>>, %arg11: memref<2000x128xf32, #tpu.memory_space<vmem>>, %arg12: memref<2000x128xf32, #tpu.memory_space<vmem>>, %arg13: memref<2000x128xf32, #tpu.memory_space<vmem>>) attributes {dimension_semantics = [#tpu.dimension_semantics<arbitrary>], iteration_bounds = array<i64: 5>, scalar_prefetch = 0 : i64, scratch_operands = 0 : i64, tpu.core_type = #tpu.core_type<tc>, window_params = [{transform_indices = @transform_0, window_bounds = array<i64: 2000, 128>}, {transform_indices = @transform_1, window_bounds = array<i64: 2000, 128>}, {transform_indices = @transform_2, window_bounds = array<i64: 2000, 128>}, {pipeline_mode = #tpu.pipeline_mode<synchronous>, transform_indices = @transform_3, window_bounds = array<i64: 128, 128>}, {pipeline_mode = #tpu.pipeline_mode<synchronous>, transform_indices = @transform_4, window_bounds = array<i64: 128, 128>}, {pipeline_mode = #tpu.pipeline_mode<synchronous>, transform_indices = @transform_5, window_bounds = array<i64: 1, 128>}, {pipeline_mode = #tpu.pipeline_mode<synchronous>, transform_indices = @transform_6, window_bounds = array<i64: 128, 128>}, {pipeline_mode = #tpu.pipeline_mode<synchronous>, transform_indices = @transform_7, window_bounds = array<i64: 1, 128>}, {pipeline_mode = #tpu.pipeline_mode<synchronous>, transform_indices = @transform_8, window_bounds = array<i64: 128, 128>}, {pipeline_mode = #tpu.pipeline_mode<synchronous>, transform_indices = @transform_9, window_bounds = array<i64: 128, 128>}, {transform_indices = @transform_10, window_bounds = array<i64: 2000, 128>}, {transform_indices = @transform_11, window_bounds = array<i64: 2000, 128>}, {transform_indices = @transform_12, window_bounds = array<i64: 2000, 128>}]} {
    %get3A = arith.constant 0 : index
    %get3A_0 = arith.constant 0 : index
    %get3A_1 = vector.load %arg1[%get3A, %get3A_0] : memref<2000x128xf32, #tpu.memory_space<vmem>>, vector<2000x128xf32>
    %get3A_2 = arith.constant 0 : index
    %get3A_3 = arith.constant 0 : index
    %get3A_4 = vector.load %arg2[%get3A_2, %get3A_3] : memref<2000x128xf32, #tpu.memory_space<vmem>>, vector<2000x128xf32>
    %get3A_5 = arith.constant 0 : index
    %get3A_6 = arith.constant 0 : index
    %get3A_7 = vector.load %arg3[%get3A_5, %get3A_6] : memref<2000x128xf32, #tpu.memory_space<vmem>>, vector<2000x128xf32>
    %add3A = arith.addf %get3A_4, %get3A_7 : vector<2000x128xf32>
    %convert_element_type3A = arith.truncf %add3A : vector<2000x128xf32> to vector<2000x128xbf16>
    %convert_element_type3A_8 = arith.truncf %get3A_1 : vector<2000x128xf32> to vector<2000x128xbf16>
    %get3A_9 = arith.constant 0 : index
    %get3A_10 = arith.constant 0 : index
    %get3A_11 = vector.load %arg4[%get3A_9, %get3A_10] : memref<128x128xbf16, #tpu.memory_space<vmem>>, vector<128x128xbf16>
    %dot_general3A = arith.constant dense<0.000000e+00> : vector<2000x128xf32>
    %dot_general3A_12 = tpu.matmul %convert_element_type3A_8, %get3A_11, %dot_general3A {dimension_numbers = #tpu.dot_dimension_numbers<[1], [0], [0], [1], [0, 0, 1, 1], [], []>, transpose_lhs_hint = false} : vector<2000x128xbf16>, vector<128x128xbf16>, vector<2000x128xf32> -> vector<2000x128xf32>
    %get3A_13 = arith.constant 0 : index
    %get3A_14 = arith.constant 0 : index
    %get3A_15 = vector.load %arg5[%get3A_13, %get3A_14] : memref<128x128xbf16, #tpu.memory_space<vmem>>, vector<128x128xbf16>
    %dot_general3A_16 = arith.constant dense<0.000000e+00> : vector<2000x128xf32>
    %dot_general3A_17 = tpu.matmul %convert_element_type3A, %get3A_15, %dot_general3A_16 {dimension_numbers = #tpu.dot_dimension_numbers<[1], [0], [0], [1], [0, 0, 1, 1], [], []>, transpose_lhs_hint = false} : vector<2000x128xbf16>, vector<128x128xbf16>, vector<2000x128xf32> -> vector<2000x128xf32>
    %add3A_18 = arith.addf %dot_general3A_12, %dot_general3A_17 : vector<2000x128xf32>
    %get3A_19 = arith.constant 0 : index
    %get3A_20 = arith.constant 0 : index
    %get3A_21 = vector.load %arg6[%get3A_19, %get3A_20] : memref<1x128xf32, #tpu.memory_space<vmem>>, vector<1x128xf32>
    %add3A_22 = vector.broadcast %get3A_21 : vector<1x128xf32> to vector<2000x128xf32>
    %add3A_23 = arith.addf %add3A_18, %add3A_22 : vector<2000x128xf32>
    %max3A = arith.constant 0.000000e+00 : f32
    %max3A_24 = vector.broadcast %max3A : f32 to vector<2000x128xf32>
    %max3A_25 = arith.maximumf %add3A_23, %max3A_24 : vector<2000x128xf32>
    %convert_element_type3A_26 = arith.truncf %max3A_25 : vector<2000x128xf32> to vector<2000x128xbf16>
    %get3A_27 = arith.constant 0 : index
    %get3A_28 = arith.constant 0 : index
    %get3A_29 = vector.load %arg7[%get3A_27, %get3A_28] : memref<128x128xbf16, #tpu.memory_space<vmem>>, vector<128x128xbf16>
    %dot_general3A_30 = arith.constant dense<0.000000e+00> : vector<2000x128xf32>
    %dot_general3A_31 = tpu.matmul %convert_element_type3A_26, %get3A_29, %dot_general3A_30 {dimension_numbers = #tpu.dot_dimension_numbers<[1], [0], [0], [1], [0, 0, 1, 1], [], []>, transpose_lhs_hint = false} : vector<2000x128xbf16>, vector<128x128xbf16>, vector<2000x128xf32> -> vector<2000x128xf32>
    %add3A_32 = arith.addf %get3A_1, %dot_general3A_31 : vector<2000x128xf32>
    %get3A_33 = arith.constant 0 : index
    %get3A_34 = arith.constant 0 : index
    %get3A_35 = vector.load %arg8[%get3A_33, %get3A_34] : memref<1x128xf32, #tpu.memory_space<vmem>>, vector<1x128xf32>
    %add3A_36 = vector.broadcast %get3A_35 : vector<1x128xf32> to vector<2000x128xf32>
    %add3A_37 = arith.addf %add3A_32, %add3A_36 : vector<2000x128xf32>
    %swap3A = arith.constant 0 : index
    %swap3A_38 = arith.constant 0 : index
    %swap3A_39 = vector.load %arg11[%swap3A, %swap3A_38] : memref<2000x128xf32, #tpu.memory_space<vmem>>, vector<2000x128xf32>
    tpu.vector_store %arg11[%swap3A, %swap3A_38], %add3A_37 {strides = array<i32>} : memref<2000x128xf32, #tpu.memory_space<vmem>>, vector<2000x128xf32>,
    %convert_element_type3A_40 = arith.truncf %add3A_37 : vector<2000x128xf32> to vector<2000x128xbf16>
    %get3A_41 = arith.constant 0 : index
    %get3A_42 = arith.constant 0 : index
    %get3A_43 = vector.load %arg9[%get3A_41, %get3A_42] : memref<128x128xbf16, #tpu.memory_space<vmem>>, vector<128x128xbf16>
    %dot_general3A_44 = arith.constant dense<0.000000e+00> : vector<2000x128xf32>
    %dot_general3A_45 = tpu.matmul %convert_element_type3A_40, %get3A_43, %dot_general3A_44 {dimension_numbers = #tpu.dot_dimension_numbers<[1], [0], [0], [1], [0, 0, 1, 1], [], []>, transpose_lhs_hint = false} : vector<2000x128xbf16>, vector<128x128xbf16>, vector<2000x128xf32> -> vector<2000x128xf32>
    %swap3A_46 = arith.constant 0 : index
    %swap3A_47 = arith.constant 0 : index
    %swap3A_48 = vector.load %arg12[%swap3A_46, %swap3A_47] : memref<2000x128xf32, #tpu.memory_space<vmem>>, vector<2000x128xf32>
    tpu.vector_store %arg12[%swap3A_46, %swap3A_47], %dot_general3A_45 {strides = array<i32>} : memref<2000x128xf32, #tpu.memory_space<vmem>>, vector<2000x128xf32>,
    %get3A_49 = arith.constant 0 : index
    %get3A_50 = arith.constant 0 : index
    %get3A_51 = vector.load %arg10[%get3A_49, %get3A_50] : memref<128x128xbf16, #tpu.memory_space<vmem>>, vector<128x128xbf16>
    %dot_general3A_52 = arith.constant dense<0.000000e+00> : vector<2000x128xf32>
    %dot_general3A_53 = tpu.matmul %convert_element_type3A_40, %get3A_51, %dot_general3A_52 {dimension_numbers = #tpu.dot_dimension_numbers<[1], [0], [0], [1], [0, 0, 1, 1], [], []>, transpose_lhs_hint = false} : vector<2000x128xbf16>, vector<128x128xbf16>, vector<2000x128xf32> -> vector<2000x128xf32>
    %swap3A_54 = arith.constant 0 : index
    %swap3A_55 = arith.constant 0 : index
    %swap3A_56 = vector.load %arg13[%swap3A_54, %swap3A_55] : memref<2000x128xf32, #tpu.memory_space<vmem>>, vector<2000x128xf32>
    tpu.vector_store %arg13[%swap3A_54, %swap3A_55], %dot_general3A_53 {strides = array<i32>} : memref<2000x128xf32, #tpu.memory_space<vmem>>, vector<2000x128xf32>,
    return
  }
  func.func @transform_0(%arg0: i32) -> (i32, i32) {
    %c0_i32 = arith.constant 0 : i32
    %c0_i32_0 = arith.constant 0 : i32
    return %arg0, %c0_i32 : i32, i32
  }
  func.func @transform_1(%arg0: i32) -> (i32, i32) {
    %c0_i32 = arith.constant 0 : i32
    %c0_i32_0 = arith.constant 0 : i32
    return %arg0, %c0_i32 : i32, i32
  }
  func.func @transform_2(%arg0: i32) -> (i32, i32) {
    %c0_i32 = arith.constant 0 : i32
    %c0_i32_0 = arith.constant 0 : i32
    return %arg0, %c0_i32 : i32, i32
  }
  func.func @transform_3(%arg0: i32) -> (i32, i32) {
    %c0_i32 = arith.constant 0 : i32
    %c0_i32_0 = arith.constant 0 : i32
    %c0_i32_1 = arith.constant 0 : i32
    return %c0_i32, %c0_i32_0 : i32, i32
  }
  func.func @transform_4(%arg0: i32) -> (i32, i32) {
    %c0_i32 = arith.constant 0 : i32
    %c0_i32_0 = arith.constant 0 : i32
    %c0_i32_1 = arith.constant 0 : i32
    return %c0_i32, %c0_i32_0 : i32, i32
  }
  func.func @transform_5(%arg0: i32) -> (i32, i32) {
    %c0_i32 = arith.constant 0 : i32
    %c0_i32_0 = arith.constant 0 : i32
    %c0_i32_1 = arith.constant 0 : i32
    return %c0_i32, %c0_i32_0 : i32, i32
  }
  func.func @transform_6(%arg0: i32) -> (i32, i32) {
    %c0_i32 = arith.constant 0 : i32
    %c0_i32_0 = arith.constant 0 : i32
    %c0_i32_1 = arith.constant 0 : i32
    return %c0_i32, %c0_i32_0 : i32, i32
  }
  func.func @transform_7(%arg0: i32) -> (i32, i32) {
    %c0_i32 = arith.constant 0 : i32
    %c0_i32_0 = arith.constant 0 : i32
    %c0_i32_1 = arith.constant 0 : i32
    return %c0_i32, %c0_i32_0 : i32, i32
  }
  func.func @transform_8(%arg0: i32) -> (i32, i32) {
    %c0_i32 = arith.constant 0 : i32
    %c0_i32_0 = arith.constant 0 : i32
    %c0_i32_1 = arith.constant 0 : i32
    return %c0_i32, %c0_i32_0 : i32, i32
  }
  func.func @transform_9(%arg0: i32) -> (i32, i32) {
    %c0_i32 = arith.constant 0 : i32
    %c0_i32_0 = arith.constant 0 : i32
    %c0_i32_1 = arith.constant 0 : i32
    return %c0_i32, %c0_i32_0 : i32, i32
  }
  func.func @transform_10(%arg0: i32) -> (i32, i32) {
    %c0_i32 = arith.constant 0 : i32
    %c0_i32_0 = arith.constant 0 : i32
    return %arg0, %c0_i32 : i32, i32
  }
  func.func @transform_11(%arg0: i32) -> (i32, i32) {
    %c0_i32 = arith.constant 0 : i32
    %c0_i32_0 = arith.constant 0 : i32
    return %arg0, %c0_i32 : i32, i32
  }
  func.func @transform_12(%arg0: i32) -> (i32, i32) {
    %c0_i32 = arith.constant 0 : i32
    %c0_i32_0 = arith.constant 0 : i32
    return %arg0, %c0_i32 : i32, i32
  }
}

module attributes {stable_mosaic.version = 14 : i64} {
  func.func @_edge_upd_kern(%arg0: i32, %arg1: memref<8000x128xf32, #tpu.memory_space<vmem>>, %arg2: memref<8000x128xf32, #tpu.memory_space<vmem>>, %arg3: memref<128x128xbf16, #tpu.memory_space<vmem>>, %arg4: memref<1x128xf32, #tpu.memory_space<vmem>>, %arg5: memref<128x128xbf16, #tpu.memory_space<vmem>>, %arg6: memref<1x128xf32, #tpu.memory_space<vmem>>, %arg7: memref<8000x128xf32, #tpu.memory_space<vmem>>) attributes {dimension_semantics = [#tpu.dimension_semantics<arbitrary>], iteration_bounds = array<i64: 40>, scalar_prefetch = 0 : i64, scratch_operands = 0 : i64, tpu.core_type = #tpu.core_type<tc>, window_params = [{transform_indices = @transform_0, window_bounds = array<i64: 8000, 128>}, {transform_indices = @transform_1, window_bounds = array<i64: 8000, 128>}, {pipeline_mode = #tpu.pipeline_mode<synchronous>, transform_indices = @transform_2, window_bounds = array<i64: 128, 128>}, {pipeline_mode = #tpu.pipeline_mode<synchronous>, transform_indices = @transform_3, window_bounds = array<i64: 1, 128>}, {pipeline_mode = #tpu.pipeline_mode<synchronous>, transform_indices = @transform_4, window_bounds = array<i64: 128, 128>}, {pipeline_mode = #tpu.pipeline_mode<synchronous>, transform_indices = @transform_5, window_bounds = array<i64: 1, 128>}, {transform_indices = @transform_6, window_bounds = array<i64: 8000, 128>}]} {
    %get3A = arith.constant 0 : index
    %get3A_0 = arith.constant 0 : index
    %get3A_1 = vector.load %arg2[%get3A, %get3A_0] : memref<8000x128xf32, #tpu.memory_space<vmem>>, vector<8000x128xf32>
    %convert_element_type3A = arith.truncf %get3A_1 : vector<8000x128xf32> to vector<8000x128xbf16>
    %get3A_2 = arith.constant 0 : index
    %get3A_3 = arith.constant 0 : index
    %get3A_4 = vector.load %arg1[%get3A_2, %get3A_3] : memref<8000x128xf32, #tpu.memory_space<vmem>>, vector<8000x128xf32>
    %get3A_5 = arith.constant 0 : index
    %get3A_6 = arith.constant 0 : index
    %get3A_7 = vector.load %arg4[%get3A_5, %get3A_6] : memref<1x128xf32, #tpu.memory_space<vmem>>, vector<1x128xf32>
    %add3A = vector.broadcast %get3A_7 : vector<1x128xf32> to vector<8000x128xf32>
    %add3A_8 = arith.addf %get3A_4, %add3A : vector<8000x128xf32>
    %get3A_9 = arith.constant 0 : index
    %get3A_10 = arith.constant 0 : index
    %get3A_11 = vector.load %arg3[%get3A_9, %get3A_10] : memref<128x128xbf16, #tpu.memory_space<vmem>>, vector<128x128xbf16>
    %dot_general3A = arith.constant dense<0.000000e+00> : vector<8000x128xf32>
    %dot_general3A_12 = tpu.matmul %convert_element_type3A, %get3A_11, %dot_general3A {dimension_numbers = #tpu.dot_dimension_numbers<[1], [0], [0], [1], [0, 0, 1, 1], [], []>, transpose_lhs_hint = false} : vector<8000x128xbf16>, vector<128x128xbf16>, vector<8000x128xf32> -> vector<8000x128xf32>
    %add3A_13 = arith.addf %add3A_8, %dot_general3A_12 : vector<8000x128xf32>
    %max3A = arith.constant 0.000000e+00 : f32
    %max3A_14 = vector.broadcast %max3A : f32 to vector<8000x128xf32>
    %max3A_15 = arith.maximumf %add3A_13, %max3A_14 : vector<8000x128xf32>
    %convert_element_type3A_16 = arith.truncf %max3A_15 : vector<8000x128xf32> to vector<8000x128xbf16>
    %get3A_17 = arith.constant 0 : index
    %get3A_18 = arith.constant 0 : index
    %get3A_19 = vector.load %arg5[%get3A_17, %get3A_18] : memref<128x128xbf16, #tpu.memory_space<vmem>>, vector<128x128xbf16>
    %dot_general3A_20 = arith.constant dense<0.000000e+00> : vector<8000x128xf32>
    %dot_general3A_21 = tpu.matmul %convert_element_type3A_16, %get3A_19, %dot_general3A_20 {dimension_numbers = #tpu.dot_dimension_numbers<[1], [0], [0], [1], [0, 0, 1, 1], [], []>, transpose_lhs_hint = false} : vector<8000x128xbf16>, vector<128x128xbf16>, vector<8000x128xf32> -> vector<8000x128xf32>
    %add3A_22 = arith.addf %get3A_1, %dot_general3A_21 : vector<8000x128xf32>
    %get3A_23 = arith.constant 0 : index
    %get3A_24 = arith.constant 0 : index
    %get3A_25 = vector.load %arg6[%get3A_23, %get3A_24] : memref<1x128xf32, #tpu.memory_space<vmem>>, vector<1x128xf32>
    %add3A_26 = vector.broadcast %get3A_25 : vector<1x128xf32> to vector<8000x128xf32>
    %add3A_27 = arith.addf %add3A_22, %add3A_26 : vector<8000x128xf32>
    %swap3A = arith.constant 0 : index
    %swap3A_28 = arith.constant 0 : index
    %swap3A_29 = vector.load %arg7[%swap3A, %swap3A_28] : memref<8000x128xf32, #tpu.memory_space<vmem>>, vector<8000x128xf32>
    tpu.vector_store %arg7[%swap3A, %swap3A_28], %add3A_27 {strides = array<i32>} : memref<8000x128xf32, #tpu.memory_space<vmem>>, vector<8000x128xf32>,
    return
  }
  func.func @transform_0(%arg0: i32) -> (i32, i32) {
    %c0_i32 = arith.constant 0 : i32
    %c0_i32_0 = arith.constant 0 : i32
    return %arg0, %c0_i32 : i32, i32
  }
  func.func @transform_1(%arg0: i32) -> (i32, i32) {
    %c0_i32 = arith.constant 0 : i32
    %c0_i32_0 = arith.constant 0 : i32
    return %arg0, %c0_i32 : i32, i32
  }
  func.func @transform_2(%arg0: i32) -> (i32, i32) {
    %c0_i32 = arith.constant 0 : i32
    %c0_i32_0 = arith.constant 0 : i32
    %c0_i32_1 = arith.constant 0 : i32
    return %c0_i32, %c0_i32_0 : i32, i32
  }
  func.func @transform_3(%arg0: i32) -> (i32, i32) {
    %c0_i32 = arith.constant 0 : i32
    %c0_i32_0 = arith.constant 0 : i32
    %c0_i32_1 = arith.constant 0 : i32
    return %c0_i32, %c0_i32_0 : i32, i32
  }
  func.func @transform_4(%arg0: i32) -> (i32, i32) {
    %c0_i32 = arith.constant 0 : i32
    %c0_i32_0 = arith.constant 0 : i32
    %c0_i32_1 = arith.constant 0 : i32
    return %c0_i32, %c0_i32_0 : i32, i32
  }
  func.func @transform_5(%arg0: i32) -> (i32, i32) {
    %c0_i32 = arith.constant 0 : i32
    %c0_i32_0 = arith.constant 0 : i32
    %c0_i32_1 = arith.constant 0 : i32
    return %c0_i32, %c0_i32_0 : i32, i32
  }
  func.func @transform_6(%arg0: i32) -> (i32, i32) {
    %c0_i32 = arith.constant 0 : i32
    %c0_i32_0 = arith.constant 0 : i32
    return %arg0, %c0_i32 : i32, i32
  }
}

module attributes {stable_mosaic.version = 14 : i64} {
  func.func @_node_upd_dec_kern(%arg0: i32, %arg1: memref<2000x128xf32, #tpu.memory_space<vmem>>, %arg2: memref<2000x128xf32, #tpu.memory_space<vmem>>, %arg3: memref<2000x128xf32, #tpu.memory_space<vmem>>, %arg4: memref<128x128xbf16, #tpu.memory_space<vmem>>, %arg5: memref<128x128xbf16, #tpu.memory_space<vmem>>, %arg6: memref<1x128xf32, #tpu.memory_space<vmem>>, %arg7: memref<128x128xbf16, #tpu.memory_space<vmem>>, %arg8: memref<1x128xf32, #tpu.memory_space<vmem>>, %arg9: memref<128x128xbf16, #tpu.memory_space<vmem>>, %arg10: memref<1x128xf32, #tpu.memory_space<vmem>>, %arg11: memref<128x3xbf16, #tpu.memory_space<vmem>>, %arg12: memref<1x3xf32, #tpu.memory_space<vmem>>, %arg13: memref<2000x3xf32, #tpu.memory_space<vmem>>, %arg14: memref<2000x1xf32, #tpu.memory_space<vmem>>, %arg15: memref<2000x3xf32, #tpu.memory_space<vmem>>) attributes {dimension_semantics = [#tpu.dimension_semantics<arbitrary>], iteration_bounds = array<i64: 5>, scalar_prefetch = 0 : i64, scratch_operands = 0 : i64, tpu.core_type = #tpu.core_type<tc>, window_params = [{transform_indices = @transform_0, window_bounds = array<i64: 2000, 128>}, {transform_indices = @transform_1, window_bounds = array<i64: 2000, 128>}, {transform_indices = @transform_2, window_bounds = array<i64: 2000, 128>}, {pipeline_mode = #tpu.pipeline_mode<synchronous>, transform_indices = @transform_3, window_bounds = array<i64: 128, 128>}, {pipeline_mode = #tpu.pipeline_mode<synchronous>, transform_indices = @transform_4, window_bounds = array<i64: 128, 128>}, {pipeline_mode = #tpu.pipeline_mode<synchronous>, transform_indices = @transform_5, window_bounds = array<i64: 1, 128>}, {pipeline_mode = #tpu.pipeline_mode<synchronous>, transform_indices = @transform_6, window_bounds = array<i64: 128, 128>}, {pipeline_mode = #tpu.pipeline_mode<synchronous>, transform_indices = @transform_7, window_bounds = array<i64: 1, 128>}, {pipeline_mode = #tpu.pipeline_mode<synchronous>, transform_indices = @transform_8, window_bounds = array<i64: 128, 128>}, {pipeline_mode = #tpu.pipeline_mode<synchronous>, transform_indices = @transform_9, window_bounds = array<i64: 1, 128>}, {pipeline_mode = #tpu.pipeline_mode<synchronous>, transform_indices = @transform_10, window_bounds = array<i64: 128, 3>}, {pipeline_mode = #tpu.pipeline_mode<synchronous>, transform_indices = @transform_11, window_bounds = array<i64: 1, 3>}, {transform_indices = @transform_12, window_bounds = array<i64: 2000, 3>}, {transform_indices = @transform_13, window_bounds = array<i64: 2000, 1>}, {transform_indices = @transform_14, window_bounds = array<i64: 2000, 3>}]} {
    %get3A = arith.constant 0 : index
    %get3A_0 = arith.constant 0 : index
    %get3A_1 = vector.load %arg1[%get3A, %get3A_0] : memref<2000x128xf32, #tpu.memory_space<vmem>>, vector<2000x128xf32>
    %get3A_2 = arith.constant 0 : index
    %get3A_3 = arith.constant 0 : index
    %get3A_4 = vector.load %arg2[%get3A_2, %get3A_3] : memref<2000x128xf32, #tpu.memory_space<vmem>>, vector<2000x128xf32>
    %get3A_5 = arith.constant 0 : index
    %get3A_6 = arith.constant 0 : index
    %get3A_7 = vector.load %arg3[%get3A_5, %get3A_6] : memref<2000x128xf32, #tpu.memory_space<vmem>>, vector<2000x128xf32>
    %add3A = arith.addf %get3A_4, %get3A_7 : vector<2000x128xf32>
    %convert_element_type3A = arith.truncf %add3A : vector<2000x128xf32> to vector<2000x128xbf16>
    %convert_element_type3A_8 = arith.truncf %get3A_1 : vector<2000x128xf32> to vector<2000x128xbf16>
    %get3A_9 = arith.constant 0 : index
    %get3A_10 = arith.constant 0 : index
    %get3A_11 = vector.load %arg4[%get3A_9, %get3A_10] : memref<128x128xbf16, #tpu.memory_space<vmem>>, vector<128x128xbf16>
    %dot_general3A = arith.constant dense<0.000000e+00> : vector<2000x128xf32>
    %dot_general3A_12 = tpu.matmul %convert_element_type3A_8, %get3A_11, %dot_general3A {dimension_numbers = #tpu.dot_dimension_numbers<[1], [0], [0], [1], [0, 0, 1, 1], [], []>, transpose_lhs_hint = false} : vector<2000x128xbf16>, vector<128x128xbf16>, vector<2000x128xf32> -> vector<2000x128xf32>
    %get3A_13 = arith.constant 0 : index
    %get3A_14 = arith.constant 0 : index
    %get3A_15 = vector.load %arg5[%get3A_13, %get3A_14] : memref<128x128xbf16, #tpu.memory_space<vmem>>, vector<128x128xbf16>
    %dot_general3A_16 = arith.constant dense<0.000000e+00> : vector<2000x128xf32>
    %dot_general3A_17 = tpu.matmul %convert_element_type3A, %get3A_15, %dot_general3A_16 {dimension_numbers = #tpu.dot_dimension_numbers<[1], [0], [0], [1], [0, 0, 1, 1], [], []>, transpose_lhs_hint = false} : vector<2000x128xbf16>, vector<128x128xbf16>, vector<2000x128xf32> -> vector<2000x128xf32>
    %add3A_18 = arith.addf %dot_general3A_12, %dot_general3A_17 : vector<2000x128xf32>
    %get3A_19 = arith.constant 0 : index
    %get3A_20 = arith.constant 0 : index
    %get3A_21 = vector.load %arg6[%get3A_19, %get3A_20] : memref<1x128xf32, #tpu.memory_space<vmem>>, vector<1x128xf32>
    %add3A_22 = vector.broadcast %get3A_21 : vector<1x128xf32> to vector<2000x128xf32>
    %add3A_23 = arith.addf %add3A_18, %add3A_22 : vector<2000x128xf32>
    %max3A = arith.constant 0.000000e+00 : f32
    %max3A_24 = vector.broadcast %max3A : f32 to vector<2000x128xf32>
    %max3A_25 = arith.maximumf %add3A_23, %max3A_24 : vector<2000x128xf32>
    %convert_element_type3A_26 = arith.truncf %max3A_25 : vector<2000x128xf32> to vector<2000x128xbf16>
    %get3A_27 = arith.constant 0 : index
    %get3A_28 = arith.constant 0 : index
    %get3A_29 = vector.load %arg7[%get3A_27, %get3A_28] : memref<128x128xbf16, #tpu.memory_space<vmem>>, vector<128x128xbf16>
    %dot_general3A_30 = arith.constant dense<0.000000e+00> : vector<2000x128xf32>
    %dot_general3A_31 = tpu.matmul %convert_element_type3A_26, %get3A_29, %dot_general3A_30 {dimension_numbers = #tpu.dot_dimension_numbers<[1], [0], [0], [1], [0, 0, 1, 1], [], []>, transpose_lhs_hint = false} : vector<2000x128xbf16>, vector<128x128xbf16>, vector<2000x128xf32> -> vector<2000x128xf32>
    %add3A_32 = arith.addf %get3A_1, %dot_general3A_31 : vector<2000x128xf32>
    %get3A_33 = arith.constant 0 : index
    %get3A_34 = arith.constant 0 : index
    %get3A_35 = vector.load %arg8[%get3A_33, %get3A_34] : memref<1x128xf32, #tpu.memory_space<vmem>>, vector<1x128xf32>
    %add3A_36 = vector.broadcast %get3A_35 : vector<1x128xf32> to vector<2000x128xf32>
    %add3A_37 = arith.addf %add3A_32, %add3A_36 : vector<2000x128xf32>
    %convert_element_type3A_38 = arith.truncf %add3A_37 : vector<2000x128xf32> to vector<2000x128xbf16>
    %get3A_39 = arith.constant 0 : index
    %get3A_40 = arith.constant 0 : index
    %get3A_41 = vector.load %arg9[%get3A_39, %get3A_40] : memref<128x128xbf16, #tpu.memory_space<vmem>>, vector<128x128xbf16>
    %dot_general3A_42 = arith.constant dense<0.000000e+00> : vector<2000x128xf32>
    %dot_general3A_43 = tpu.matmul %convert_element_type3A_38, %get3A_41, %dot_general3A_42 {dimension_numbers = #tpu.dot_dimension_numbers<[1], [0], [0], [1], [0, 0, 1, 1], [], []>, transpose_lhs_hint = false} : vector<2000x128xbf16>, vector<128x128xbf16>, vector<2000x128xf32> -> vector<2000x128xf32>
    %get3A_44 = arith.constant 0 : index
    %get3A_45 = arith.constant 0 : index
    %get3A_46 = vector.load %arg10[%get3A_44, %get3A_45] : memref<1x128xf32, #tpu.memory_space<vmem>>, vector<1x128xf32>
    %add3A_47 = vector.broadcast %get3A_46 : vector<1x128xf32> to vector<2000x128xf32>
    %add3A_48 = arith.addf %dot_general3A_43, %add3A_47 : vector<2000x128xf32>
    %max3A_49 = arith.constant 0.000000e+00 : f32
    %max3A_50 = vector.broadcast %max3A_49 : f32 to vector<2000x128xf32>
    %max3A_51 = arith.maximumf %add3A_48, %max3A_50 : vector<2000x128xf32>
    %convert_element_type3A_52 = arith.truncf %max3A_51 : vector<2000x128xf32> to vector<2000x128xbf16>
    %get3A_53 = arith.constant 0 : index
    %get3A_54 = arith.constant 0 : index
    %get3A_55 = vector.load %arg11[%get3A_53, %get3A_54] : memref<128x3xbf16, #tpu.memory_space<vmem>>, vector<128x3xbf16>
    %dot_general3A_56 = arith.constant dense<0.000000e+00> : vector<2000x3xf32>
    %dot_general3A_57 = tpu.matmul %convert_element_type3A_52, %get3A_55, %dot_general3A_56 {dimension_numbers = #tpu.dot_dimension_numbers<[1], [0], [0], [1], [0, 0, 1, 1], [], []>, transpose_lhs_hint = false} : vector<2000x128xbf16>, vector<128x3xbf16>, vector<2000x3xf32> -> vector<2000x3xf32>
    %get3A_58 = arith.constant 0 : index
    %get3A_59 = arith.constant 0 : index
    %get3A_60 = vector.load %arg12[%get3A_58, %get3A_59] : memref<1x3xf32, #tpu.memory_space<vmem>>, vector<1x3xf32>
    %add3A_61 = vector.broadcast %get3A_60 : vector<1x3xf32> to vector<2000x3xf32>
    %add3A_62 = arith.addf %dot_general3A_57, %add3A_61 : vector<2000x3xf32>
    %get3A_63 = arith.constant 0 : index
    %get3A_64 = arith.constant 0 : index
    %get3A_65 = vector.load %arg13[%get3A_63, %get3A_64] : memref<2000x3xf32, #tpu.memory_space<vmem>>, vector<2000x3xf32>
    %get3A_66 = arith.constant 0 : index
    %get3A_67 = arith.constant 0 : index
    %get3A_68 = vector.load %arg14[%get3A_66, %get3A_67] : memref<2000x1xf32, #tpu.memory_space<vmem>>, vector<2000x1xf32>
    %mul3A = vector.broadcast %get3A_68 : vector<2000x1xf32> to vector<2000x3xf32>
    %mul3A_69 = arith.mulf %add3A_62, %mul3A : vector<2000x3xf32>
    %add3A_70 = arith.addf %get3A_65, %mul3A_69 : vector<2000x3xf32>
    %swap3A = arith.constant 0 : index
    %swap3A_71 = arith.constant 0 : index
    %swap3A_72 = vector.load %arg15[%swap3A, %swap3A_71] : memref<2000x3xf32, #tpu.memory_space<vmem>>, vector<2000x3xf32>
    tpu.vector_store %arg15[%swap3A, %swap3A_71], %add3A_70 {strides = array<i32>} : memref<2000x3xf32, #tpu.memory_space<vmem>>, vector<2000x3xf32>,
    return
  }
  func.func @transform_0(%arg0: i32) -> (i32, i32) {
    %c0_i32 = arith.constant 0 : i32
    %c0_i32_0 = arith.constant 0 : i32
    return %arg0, %c0_i32 : i32, i32
  }
  func.func @transform_1(%arg0: i32) -> (i32, i32) {
    %c0_i32 = arith.constant 0 : i32
    %c0_i32_0 = arith.constant 0 : i32
    return %arg0, %c0_i32 : i32, i32
  }
  func.func @transform_2(%arg0: i32) -> (i32, i32) {
    %c0_i32 = arith.constant 0 : i32
    %c0_i32_0 = arith.constant 0 : i32
    return %arg0, %c0_i32 : i32, i32
  }
  func.func @transform_3(%arg0: i32) -> (i32, i32) {
    %c0_i32 = arith.constant 0 : i32
    %c0_i32_0 = arith.constant 0 : i32
    %c0_i32_1 = arith.constant 0 : i32
    return %c0_i32, %c0_i32_0 : i32, i32
  }
  func.func @transform_4(%arg0: i32) -> (i32, i32) {
    %c0_i32 = arith.constant 0 : i32
    %c0_i32_0 = arith.constant 0 : i32
    %c0_i32_1 = arith.constant 0 : i32
    return %c0_i32, %c0_i32_0 : i32, i32
  }
  func.func @transform_5(%arg0: i32) -> (i32, i32) {
    %c0_i32 = arith.constant 0 : i32
    %c0_i32_0 = arith.constant 0 : i32
    %c0_i32_1 = arith.constant 0 : i32
    return %c0_i32, %c0_i32_0 : i32, i32
  }
  func.func @transform_6(%arg0: i32) -> (i32, i32) {
    %c0_i32 = arith.constant 0 : i32
    %c0_i32_0 = arith.constant 0 : i32
    %c0_i32_1 = arith.constant 0 : i32
    return %c0_i32, %c0_i32_0 : i32, i32
  }
  func.func @transform_7(%arg0: i32) -> (i32, i32) {
    %c0_i32 = arith.constant 0 : i32
    %c0_i32_0 = arith.constant 0 : i32
    %c0_i32_1 = arith.constant 0 : i32
    return %c0_i32, %c0_i32_0 : i32, i32
  }
  func.func @transform_8(%arg0: i32) -> (i32, i32) {
    %c0_i32 = arith.constant 0 : i32
    %c0_i32_0 = arith.constant 0 : i32
    %c0_i32_1 = arith.constant 0 : i32
    return %c0_i32, %c0_i32_0 : i32, i32
  }
  func.func @transform_9(%arg0: i32) -> (i32, i32) {
    %c0_i32 = arith.constant 0 : i32
    %c0_i32_0 = arith.constant 0 : i32
    %c0_i32_1 = arith.constant 0 : i32
    return %c0_i32, %c0_i32_0 : i32, i32
  }
  func.func @transform_10(%arg0: i32) -> (i32, i32) {
    %c0_i32 = arith.constant 0 : i32
    %c0_i32_0 = arith.constant 0 : i32
    %c0_i32_1 = arith.constant 0 : i32
    return %c0_i32, %c0_i32_0 : i32, i32
  }
  func.func @transform_11(%arg0: i32) -> (i32, i32) {
    %c0_i32 = arith.constant 0 : i32
    %c0_i32_0 = arith.constant 0 : i32
    %c0_i32_1 = arith.constant 0 : i32
    return %c0_i32, %c0_i32_0 : i32, i32
  }
  func.func @transform_12(%arg0: i32) -> (i32, i32) {
    %c0_i32 = arith.constant 0 : i32
    %c0_i32_0 = arith.constant 0 : i32
    return %arg0, %c0_i32 : i32, i32
  }
  func.func @transform_13(%arg0: i32) -> (i32, i32) {
    %c0_i32 = arith.constant 0 : i32
    %c0_i32_0 = arith.constant 0 : i32
    return %arg0, %c0_i32 : i32, i32
  }
  func.func @transform_14(%arg0: i32) -> (i32, i32) {
    %c0_i32 = arith.constant 0 : i32
    %c0_i32_0 = arith.constant 0 : i32
    return %arg0, %c0_i32 : i32, i32
  }
}

</mosaic_0001>

<sc_bundles>
// kernel: kernel.12.cloned.1.call-start
scs
__scs_entry_jumppad:
0x0: {  	(pc) =	sbr.rel $0x88, $3  }
0x1: {  	(tag) =	ssettag $0x0;
	lr =	simm.s32 $0x1  }
0x2: {  	[smem:$0x3F7F] =	sst lr;
	_ =	strace $0xD0000000  }
0x3: {  	_ = 	snop  }
0x4: {  	_ = 	snop  }
0x5: {  	_ = 	snop  }
0x6: {  	_ = 	snop  }
0x7: {  	_ = 	snop  }
__scs_overlays_trampoline_lowered:
0x8: {  	[smem:$0x3F8E] =	sst s0  }
0x9: {  	[smem:$0x3F8F] =	sst s1  }
0xa: {  	[smem:$0x3F90] =	sst s2  }
0xb: {  	[smem:$0x3F91] =	sst s3  }
0xc: {  	[smem:$0x3F92] =	sst s4  }
0xd: {  	[smem:$0x3F93] =	sst s5  }
0xe: {  	[smem:$0x3F94] =	sst s6  }
0xf: {  	[smem:$0x3F95] =	sst s7  }
0x10: {  	[smem:$0x3F96] =	sst s8  }
0x11: {  	[smem:$0x3F97] =	sst s9;
	s0 =	simm.s32 @!p0 $0x0  }
0x12: {  	s1 =	sld [smem:$0x3F7D];
	s0 =	simm.s32 @p0 $0x1  }
0x13: {  	[smem:$0x3F98] =	sst s0;
	s0 =	simm.s32 @!p1 $0x0  }
0x14: {  	s2 =	sld [smem:$0x3F7C];
	s0 =	simm.s32 @p1 $0x1  }
0x15: {  	[smem:$0x3F99] =	sst s0;
	s0 =	simm.s32 @!p2 $0x0  }
0x16: {  	s3 =	sld [smem:$0x3FDB];
	s0 =	simm.s32 @p2 $0x1  }
0x17: {  	s4 =	simm.s32 $0x1BF5;
	[smem:$0x3F9B] =	sst s0  }
0x18: {  	s0 =	sld [smem:$0x3F7E];
	_ =	swait.ge [sflag:s4], $0x0  }
0x19: {  	s7 =	sld [smem:$0x3F7F]  }
0x1a: {  	s8 =	sadd.s32 $0xFFFFE003, lr  }
0x1b: {  	s9 =	sadd.s32 $0xFFFFFEF7, lr;
	s5 =	simm.s32 $0xFFFFFFFF;
	p2 =	slt.u32 s8, $0xFFFFF086  }
0x1c: {  	p1 =	slt.u32 s9, $0xF7A;
	s5 =	simm.s32 @!p2 $0x0  }
0x1d: {  	s5 =	simm.s32 @p1 $0x1;
	p0 =	seq.s32 s7, s2  }
0x1e: {  	s7 =	smul.u32 @!p0 $0xF7A, s2;
	p2 =	seq.s32 @!p0 s5, $0x0  }
0x1f: {  	s9 =	smul.u32 $0xF7A, s1;
	s8 =	simm.s32 @!p0 $0x1BF5;
	p2 =	por !p2, p0  }
0x20: {  	[sflag:s8] =	ssyncset.s32 @!p0 $0xFFFFF086;
	s6 =	sadd.s32 @!p0 s3, s7;
	s7 =	simm.s32 @!p0 $0x108  }
0x21: {  	s3 =	sadd.s32 s3, s9;
	s6 =	sadd.s32 @!p0 $0x88, s6;
	s7 =	simm.s32 @p2 $0x1082  }
0x22: {  	[simem:s7], [sflag:s8] =	dma.local @!p0 [hbm:s6], $0xF7A  }
0x23: {  	s9 =	sor.u32 $0xD0000000, s2;
	s6 =	simm.s32 $0x108;
	_ =	swait.ge @!p0 [sflag:s8], $0x0  }
0x24: {  	s3 =	sadd.s32 $0x88, s3;
	s6 =	simm.s32 @!p1 $0x1082;
	[sflag:s4] =	ssyncset.s32 $0xFFFFF086  }
0x25: {  	[simem:s6], [sflag:s4] =	dma.local [hbm:s3], $0xF7A  }
0x26: {  	[smem:$0x3F7F] =	sst s1;
	(tag) =	ssettag s2;
	_ =	strace s9  }
0x27: {  	s1 =	sld [smem:$0x3F8F]  }
0x28: {  	s2 =	sld [smem:$0x3F90]  }
0x29: {  	s4 =	sld [smem:$0x3F92]  }
0x2a: {  	p0 =	seq.s32 s5, $0x0;
	s5 =	sld [smem:$0x3F93]  }
0x2b: {  	s6 =	sld [smem:$0x3F94]  }
0x2c: {  	s7 =	sld [smem:$0x3F95]  }
0x2d: {  	s3 =	simm.s32 $0x108;
	s8 =	sld [smem:$0x3F96]  }
0x2e: {  	s3 =	simm.s32 @!p0 $0x1082;
	s9 =	sld [smem:$0x3F97]  }
0x2f: {  	lr =	sadd.s32 s0, s3;
	s0 =	sld [smem:$0x3F8E]  }
0x30: {  	s3 =	sld [smem:$0x3F91]  }
0x31: {  	[smem:$0x3F9A] =	sst s10  }
0x32: {  	s10 =	sld [smem:$0x3F98];
	_ =	sdelay $0x3  }
0x33: {  	p0 =	seq.s32 s10, $0x1;
	s10 =	sld [smem:$0x3F9A];
	_ =	sdelay $0x3  }
0x34: {  	[smem:$0x3F9A] =	sst s10  }
0x35: {  	s10 =	sld [smem:$0x3F99];
	_ =	sdelay $0x3  }
0x36: {  	p1 =	seq.s32 s10, $0x1;
	s10 =	sld [smem:$0x3F9A];
	_ =	sdelay $0x3  }
0x37: {  	[smem:$0x3F9A] =	sst s10  }
0x38: {  	s10 =	sld [smem:$0x3F9B]  }
0x39: {  	_ = 	snop;
	(pc) =	sbr.ind lr, $3  }
0x3a: {  	_ = 	snop  }
0x3b: {  	_ = 	snop  }
0x3c: {  	p2 =	seq.s32 s10, $0x1;
	s10 =	sld [smem:$0x3F9A]  }
0x3d: {  	_ =	shalt  }
0x3e: {  	_ =	shalt  }
0x3f: {  	_ =	shalt  }
0x40: {  	_ =	shalt  }
0x41: {  	_ =	shalt  }
0x42: {  	_ =	shalt  }
0x43: {  	_ =	shalt  }
0x44: {  	_ =	shalt  }
0x45: {  	_ =	shalt  }
0x46: {  	_ =	shalt  }
0x47: {  	_ =	shalt  }
0x48: {  	_ =	shalt  }
0x49: {  	_ =	shalt  }
0x4a: {  	_ =	shalt  }
0x4b: {  	_ =	shalt  }
0x4c: {  	_ =	shalt  }
0x4d: {  	_ =	shalt  }
0x4e: {  	_ =	shalt  }
0x4f: {  	_ =	shalt  }
0x50: {  	_ =	shalt  }
0x51: {  	_ =	shalt  }
0x52: {  	_ =	shalt  }
0x53: {  	_ =	shalt  }
0x54: {  	_ =	shalt  }
0x55: {  	_ =	shalt  }
0x56: {  	_ =	shalt  }
0x57: {  	_ =	shalt  }
0x58: {  	_ =	shalt  }
0x59: {  	_ =	shalt  }
0x5a: {  	_ =	shalt  }
0x5b: {  	_ =	shalt  }
0x5c: {  	_ =	shalt  }
0x5d: {  	_ =	shalt  }
0x5e: {  	_ =	shalt  }
0x5f: {  	_ =	shalt  }
0x60: {  	_ =	shalt  }
0x61: {  	_ =	shalt  }
0x62: {  	_ =	shalt  }
0x63: {  	_ =	shalt  }
0x64: {  	_ =	shalt  }
0x65: {  	_ =	shalt  }
0x66: {  	_ =	shalt  }
0x67: {  	_ =	shalt  }
0x68: {  	_ =	shalt  }
0x69: {  	_ =	shalt  }
0x6a: {  	_ =	shalt  }
0x6b: {  	_ =	shalt  }
0x6c: {  	_ =	shalt  }
0x6d: {  	_ =	shalt  }
0x6e: {  	_ =	shalt  }
0x6f: {  	_ =	shalt  }
0x70: {  	_ =	shalt  }
0x71: {  	_ =	shalt  }
0x72: {  	_ =	shalt  }
0x73: {  	_ =	shalt  }
0x74: {  	_ =	shalt  }
0x75: {  	_ =	shalt  }
0x76: {  	_ =	shalt  }
0x77: {  	_ =	shalt  }
0x78: {  	_ =	shalt  }
0x79: {  	_ =	shalt  }
0x7a: {  	_ =	shalt  }
0x7b: {  	_ =	shalt  }
0x7c: {  	_ =	shalt  }
0x7d: {  	_ =	shalt  }
0x7e: {  	_ =	shalt  }
0x7f: {  	_ =	shalt  }
0x80: {  	_ =	shalt  }
0x81: {  	_ =	shalt  }
0x82: {  	_ =	shalt  }
0x83: {  	_ =	shalt  }
0x84: {  	_ =	shalt  }
0x85: {  	_ =	shalt  }
0x86: {  	_ =	shalt  }
0x87: {  	_ =	shalt  }
.Lfunc_end0:
.L_simem_size_0:
called_computation_lowered:
.L_overlay_start_0:
0x88: {  	s2 =	sld [smem:$0x3FD9]  }
0x89: {  	s3 =	sld [smem:$0x3FFE];
	_ =	sdelay $0x1  }
0x8a: {  	s1 =	srdreg.scid  }
0x8b: {  	s0 =	sand.u32 $0x1, s1  }
0x8c: {  	s16 =	sshll.u32 s0, $0xA;
	s2 =	sadd.s32 s3, s2  }
0x8d: {  	s2 =	sadd.s32 s2, s16  }
0x8e: {  	[smem:$0x3FA6] =	sst s2  }
0x8f: {  	_ = 	snop  }
0x90: {  	(tm) =	ssettm $0x1  }
0x91: {  	s17 =	sld [smem:$0x3FFB];
	_ =	sdelay $0x3  }
0x92: {  	_ =	strace s17  }
0x93: {  	s2 =	sld [smem:$0x3FFC];
	_ =	sdelay $0x3  }
0x94: {  	_ =	strace s2  }
0x95: {  	s2 =	sld [smem:$0x3FFD];
	_ =	sdelay $0x3  }
0x96: {  	_ =	strace s2  }
0x97: {  	_ =	strace $0x8FFFFFFF  }
0x98: {  	s18 =	sld [smem:$0x3FDB];
	_ =	sdelay $0x1  }
0x99: {  	s19 =	simm.s32 $_scs_section_size  }
0x9a: {  	s4 =	simm.s32 $_size__tile_overlayer_lowered;
	s5 =	simm.s32 $_tile_overlayer_lowered  }
0x9b: {  	s22 =	simm.s32 $0x1BFF;
	s21 =	sshll.u32 s5, $0x1;
	s2 =	sadd.s32 s19, s18  }
0x9c: {  	s6 =	simm.s32 $0x0;
	s20 =	sshll.u32 s4, $0x1;
	s4 =	sadd.s32 s21, s2  }
0x9d: {  	[timem:s6], [sflag:s22] =	dma.local [hbm:s4], s20  }
0x9e: {  	_ =	swait.ge [sflag:s22], s20  }
0x9f: {  	s3 =	ssub.s32 $0x0, s20;
	[sflag:s22] =	ssyncset.done $0x0  }
0xa0: {  	[sflag:s22] =	ssyncadd.s32 s3;
	_ =	sdelay $0x1  }
0xa1: {  	s23 =	simm.s32 $0x1B8B  }
0xa2: {  	_ =	swait.ge [sflag:s23], $0x1  }
0xa3: {  	[sflag:s23] =	ssyncset.done $0x0  }
0xa4: {  	s25 =	simm.s32 $0x1B8E;
	s24 =	sld [smem:$0x3FFE];
	[sflag:s23] =	ssyncadd.s32 $0xFFFFFFFF  }
0xa5: {  	s26 =	simm.s32 $execute0_lowered;
	[smem:$0x3FD2] =	sst s25  }
0xa6: {  	s4 =	sshll.u32 s26, $0x1;
	_ =	strace $0x80000046;
	[dreg:$0x1] =	wrdreg $0xFFFFFFFF  }
0xa7: {  	s28 =	simm.s32 $_size_execute0_lowered;
	s2 =	sadd.s32 s2, s4;
	[dreg:$0x0] =	wrdreg $0x0  }
0xa8: {  	s4 =	sshll.u32 s28, $0x1;
	[dreg:$0x2] =	wrdreg s2  }
0xa9: {  	[dreg:$0x3] =	wrdreg s4  }
0xaa: {  	[dreg:$0x4] =	wrdreg $0xC0  }
0xab: {  	_ =	task [dreg:s6], $0x5FFFF  }
0xac: {  	[dreg:$0x1] =	wrdreg $0xFFFFFFFF  }
0xad: {  	[dreg:$0x0] =	wrdreg $0x60  }
0xae: {  	[dreg:$0x2] =	wrdreg s24  }
0xaf: {  	[dreg:$0x3] =	wrdreg $0x9  }
0xb0: {  	_ =	task.clear_ibuf [dreg:s6], $0x4FFFF;
	_ =	strace $0x90000046  }
0xb1: {  	s29 =	simm.s32 $0x9;
	_ =	strace $0x80000048  }
0xb2: {  	_ =	swait.ge [sflag:s29], $0x1  }
0xb3: {  	[sflag:s29] =	ssyncadd.s32 $0xFFFFFFFF  }
0xb4: {  	_ =	strace $0x90000048  }
0xb5: {  	_ =	sfence  }
0xb6: {  	s30 =	sld [smem:$0x0];
	_ =	sdelay $0x2  }
0xb7: {  	s31 =	sshll.u32 s1, $0xD;
	s1 =	sshrl.u32 s1, $0x2  }
0xb8: {  	s3 =	sand.u32 $0x4000, s31;
	s1 =	sadd.s32 s1, s30  }
0xb9: {  	s0 =	sor.u32 s3, s0;
	s1 =	sshll.u32 s1, $0x11  }
0xba: {  	s0 =	sor.u32 s1, s0  }
0xbb: {  	s0 =	sadd.s32 $0x8F2B, s0  }
0xbc: {  	[sflag:s0] =	ssyncadd.remote.s32 $0x1  }
0xbd: {  	_ =	sfence.sel $0xFFFF  }
0xbe: {  	[dreg:$0x0] =	wrdreg $0xFFFFFFFF;
	(pc) =	sbr.abs _section_cstart, $3  }
0xbf: {  	[dreg:$0x1] =	wrdreg $0xFFFFFFFF  }
0xc0: {  	_ =	task.clear_ibuf [dreg:s6], $0x2FFFF;
	_ =	strace $0x9FFFFFFF  }
0xc1: {  	(tm) =	ssettm $0x7FFFFFFF  }
tec
execute0_lowered:
.L_overlay_start_1:
0x0: {  	(tag) =	ssettag $0x1  }
0x1: {  	s0 =	srdreg.scid  }
0x2: {  	s2 =	stileid.u32;
	s1 =	rddreg [dreg:$0x0];
	s11 =	simm.s32 $0x7  }
0x3: {  	s12 =	simm.s32 $0x2780;
	s13 =	simm.s32 $0x50;
	s14 =	simm.s32 $0x4F00  }
0x4: {  	s16 =	simm.s32 $0x9F00;
	s18 =	simm.s32 $0xC700;
	s19 =	simm.s32 $0x11700  }
0x5: {  	s20 =	simm.s32 $0x1;
	s21 =	simm.s32 $0x4;
	s22 =	simm.s32 $0x2  }
0x6: {  	s23 =	simm.s32 $0x5;
	s24 =	simm.s32 $0x3;
	s25 =	simm.s32 $0xEF00  }
0x7: {  	s26 =	simm.s32 $0x6;
	s0 =	sand.u32 $0x1, s0;
	s3 =	sshll.u32 s2, $0x1  }
0x8: {  	s28 =	simm.s32 $0x0;
	s2 =	simm.s32 $0x0;
	s3 =	sor.u32 s0, s3  }
0x9: {  	s4 =	sadd.s32 $0x1B000, s1;
	s0 =	ssub.s32 $0x2, s0;
	s3 =	smul.u32 $0x2710, s3  }
0xa: {  	s5 =	sadd.s32 $0x42200, s1;
	[smem:$0x7FF] =	sst s2;
	s7 =	sshrl.u32 s0, $0x1  }
0xb: {  	_ =	strace $0x80000047;
	s0 =	ssub.s32 s0, s7;
	s6 =	sshrl.u32 s3, $0x3  }
0xc: {  	s9 =	smax.u32 s0, $0x1;
	s10 =	sadd.s32 $0x50, s3;
	s8 =	sadd.s32 s6, s1  }
0xd: {  	s6 =	sadd.s32 $0x90600, s1;
	s7 =	sadd.s32 $0x7400, s8;
	s8 =	sadd.s32 $0x11200, s8  }
.LBB2_1:
0xe: {  	[tilespmem:s2], [sflag:$0x7] =	stream.linear.gather [hbm4b:s7+s2], $0x2710, $0x38;
	[tilespmem:$0x13F00] =	vst v63  }
0xf: {  	_ =	swait.ge [sflag:s11], $0x2710  }
0x10: {  	[sflag:s11] =	ssyncset.done $0x0  }
0x11: {  	[sflag:s11] =	ssyncadd.s32 $0xFFFFD8F0  }
0x12: {  	[tilespmem:s12], [sflag:$0x7] =	stream.linear.gather [hbm4b:s8+s2], $0x2710, $0x38;
	[tilespmem:$0x13F00] =	vst v63  }
0x13: {  	_ =	swait.ge [sflag:s11], $0x2710  }
0x14: {  	[sflag:s11] =	ssyncset.done $0x0  }
0x15: {  	[sflag:s11] =	ssyncadd.s32 $0xFFFFD8F0  }
0x16: {  	[tilespmem:s14], [sflag:$0x1] =	stream.indirect.gather [hbm4b:s4+s13], $0x80, s2, s13, $0xb8;
	[tilespmem:$0x13F00] =	vst v63  }
0x17: {  	s0 =	simm.s32 $0x7700  }
0x18: {  	[tilespmem:s0], [sflag:$0x1] =	stream.indirect.gather [hbm4b:s5+s13], $0x80, s12, s13, $0xb8;
	[tilespmem:$0x13F00] =	vst v63  }
0x19: {  	_ = 	snop  }
0x1a: {  	[tilespmem:s16], [sflag:$0x2] =	stream.indirect.gather [hbm4b:s4+s13], $0x80, s13, s13, $0xb8;
	[tilespmem:$0x13F00] =	vst v63  }
0x1b: {  	s31 =	simm.s32 $0x27D0;
	s29 =	simm.s32 $0x0  }
0x1c: {  	[tilespmem:s18], [sflag:$0x2] =	stream.indirect.gather [hbm4b:s5+s13], $0x80, s31, s13, $0xb8;
	[tilespmem:$0x13F00] =	vst v63  }
.LBB2_2:
0x1d: {  	p0 =	seq.s32 s29, $0x0  }
0x1e: {  	s0 =	simm.s32 @p0 $0x50;
	s1 =	simm.s32 @p0 $0xA0;
	s30 =	simm.s32 @p0 $0xEF00  }
0x1f: {  	[tilespmem:s30], [sflag:$0x3] =	stream.indirect.gather @p0 [hbm4b:s4+s0], $0x80, s1, s0, $0xb8;
	[tilespmem:$0x13F00] =	vst v63  }
0x20: {  	s0 =	simm.s32 @!p0 $0x6  }
0x21: {  	s1 =	smul.u32 @!p0 $0xF0, s29;
	_ =	swait.ge @!p0 [sflag:s0], $0x2800  }
0x22: {  	p1 =	seq.s32 @!p0 s29, $0x29;
	[sflag:s0] =	ssyncset.done @!p0 $0x0  }
0x23: {  	p1 =	por !p1, p0;
	[sflag:s0] =	ssyncadd.s32 @!p0 $0xFFFFD800;
	s0 =	sadd.s32 @!p0 $0xA0, s1  }
0x24: {  	s30 =	simm.s32 @!p0 $0xEF00;
	s1 =	simm.s32 @!p0 $0x50;
	s0 =	simm.s32 @!p1 $0x0  }
0x25: {  	[tilespmem:s30], [sflag:$0x3] =	stream.indirect.gather @!p0 [hbm4b:s4+s1], $0x80, s0, s1, $0xb8;
	[tilespmem:$0x13F00] =	vst v63  }
0x26: {  	s0 =	sadd.s32 @!p0 $0x2780, s0  }
0x27: {  	s0 =	simm.s32 @p0 $0x2820  }
0x28: {  	[tilespmem:s19], [sflag:$0x3] =	stream.indirect.gather [hbm4b:s5+s13], $0x80, s0, s13, $0xb8;
	[tilespmem:$0x13F00] =	vst v63  }
0x29: {  	_ =	swait.ge [sflag:s20], $0x2800  }
0x2a: {  	[sflag:s20] =	ssyncset.done $0x0  }
0x2b: {  	[sflag:s20] =	ssyncadd.s32 $0xFFFFD800  }
0x2c: {  	_ =	swait.ge [sflag:s20], $0x2800  }
0x2d: {  	[sflag:s20] =	ssyncset.done $0x0  }
0x2e: {  	s1 =	simm.s32 $0xF0;
	[sflag:s20] =	ssyncadd.s32 $0xFFFFD800  }
0x2f: {  	v6 =	vld [tilespmem:s1+$0x7610]  }
0x30: {  	v7 =	vld [tilespmem:s1+$0x7620]  }
0x31: {  	v8 =	vld [tilespmem:s1+$0x7630]  }
0x32: {  	v9 =	vld [tilespmem:s1+$0x7640]  }
0x33: {  	v10 =	vld [tilespmem:s1+$0x7650]  }
0x34: {  	v11 =	vld [tilespmem:s1+$0x7660]  }
0x35: {  	v12 =	vld [tilespmem:s1+$0x7670]  }
0x36: {  	v13 =	vld [tilespmem:s1+$0x7680]  }
0x37: {  	v14 =	vld [tilespmem:s1+$0x7690]  }
0x38: {  	v15 =	vld [tilespmem:s1+$0x76A0]  }
0x39: {  	v5 =	vld [tilespmem:s1+$0x76B0]  }
0x3a: {  	v4 =	vld [tilespmem:s1+$0x76C0]  }
0x3b: {  	v3 =	vld [tilespmem:s1+$0x76D0]  }
0x3c: {  	v2 =	vld [tilespmem:s1+$0x76E0]  }
0x3d: {  	v1 =	vld [tilespmem:s1+$0x76F0]  }
0x3e: {  	v0 =	vld [tilespmem:s1+$0x7700]  }
0x3f: {  	v16 =	vld [tilespmem:s1+$0x4E10]  }
0x40: {  	v17 =	vld [tilespmem:s1+$0x4E20]  }
0x41: {  	v18 =	vld [tilespmem:s1+$0x4E30]  }
0x42: {  	v19 =	vld [tilespmem:s1+$0x4E40]  }
0x43: {  	v20 =	vld [tilespmem:s1+$0x4E50]  }
0x44: {  	v60 =	vld [tilespmem:s1+$0x4E60];
	v6 =	vadd.f32 v6, v16  }
0x45: {  	v21 =	vld [tilespmem:s1+$0x4E70];
	v7 =	vadd.f32 v7, v17  }
0x46: {  	v61 =	vld [tilespmem:s1+$0x4E80];
	[tilespmem:s1+$0x4E10] =	vst v6;
	v6 =	vadd.f32 v8, v18  }
0x47: {  	v62 =	vld [tilespmem:s1+$0x4E90];
	[tilespmem:s1+$0x4E20] =	vst v7;
	v7 =	vadd.f32 v9, v19  }
0x48: {  	v63 =	vld [tilespmem:s1+$0x4EA0];
	[tilespmem:s1+$0x4E30] =	vst v6;
	v6 =	vadd.f32 v10, v20  }
0x49: {  	v8 =	vadd.f32 v11, v60;
	[tilespmem:s1+$0x4E40] =	vst v7;
	v7 =	vld [tilespmem:s1+$0x4EB0]  }
0x4a: {  	v9 =	vadd.f32 v12, v21;
	[tilespmem:s1+$0x4E50] =	vst v6;
	v6 =	vld [tilespmem:s1+$0x4EC0]  }
0x4b: {  	[tilespmem:s1+$0x4E60] =	vst v8;
	v8 =	vld [tilespmem:s1+$0x4ED0];
	v10 =	vadd.f32 v13, v61  }
0x4c: {  	v12 =	vadd.f32 v14, v62;
	[tilespmem:s1+$0x4E70] =	vst v9;
	v9 =	vld [tilespmem:s1+$0x4EE0]  }
0x4d: {  	s31 =	simm.s32 $0x7C0;
	s30 =	smul.u32 $0x3, s29;
	v11 =	vadd.f32 v15, v63;
	[tilespmem:s1+$0x4E80] =	vst v10;
	v10 =	vld [tilespmem:s1+$0x4EF0]  }
.LBB2_3:
0x4e: {  	s0 =	sshra.s32 s31, $0x2;
	p0 =	sne.s32 s31, $0x9FC0;
	[tilespmem:s1+$0x4E90] =	vst v12;
	v5 =	vadd.f32 v5, v7;
	v7 =	vld [tilespmem:s1+$0x4F00]  }
0x4f: {  	v12 =	vld [tilespmem:s0+$0x7610];
	[tilespmem:s1+$0x4EA0] =	vst v11;
	v4 =	vadd.f32 v4, v6  }
0x50: {  	v6 =	vld [tilespmem:s0+$0x7620];
	[tilespmem:s1+$0x4EB0] =	vst v5;
	v3 =	vadd.f32 v3, v8  }
0x51: {  	v8 =	vld [tilespmem:s0+$0x7630];
	[tilespmem:s1+$0x4EC0] =	vst v4;
	v2 =	vadd.f32 v2, v9  }
0x52: {  	v9 =	vld [tilespmem:s0+$0x7640];
	[tilespmem:s1+$0x4ED0] =	vst v3;
	v1 =	vadd.f32 v1, v10  }
0x53: {  	v10 =	vld [tilespmem:s0+$0x7650];
	[tilespmem:s1+$0x4EE0] =	vst v2;
	v0 =	vadd.f32 v0, v7  }
0x54: {  	v7 =	vld [tilespmem:s0+$0x7660];
	[tilespmem:s1+$0x4EF0] =	vst v1  }
0x55: {  	v11 =	vld [tilespmem:s0+$0x7670];
	[tilespmem:s1+$0x4F00] =	vst v0;
	s1 =	smov.u32 s0  }
0x56: {  	v13 =	vld [tilespmem:s1+$0x7680]  }
0x57: {  	v14 =	vld [tilespmem:s1+$0x7690]  }
0x58: {  	v15 =	vld [tilespmem:s1+$0x76A0]  }
0x59: {  	v5 =	vld [tilespmem:s1+$0x76B0]  }
0x5a: {  	v4 =	vld [tilespmem:s1+$0x76C0]  }
0x5b: {  	v3 =	vld [tilespmem:s1+$0x76D0]  }
0x5c: {  	v2 =	vld [tilespmem:s1+$0x76E0]  }
0x5d: {  	v1 =	vld [tilespmem:s1+$0x76F0]  }
0x5e: {  	v0 =	vld [tilespmem:s1+$0x7700]  }
0x5f: {  	v16 =	vld [tilespmem:s1+$0x4E10]  }
0x60: {  	v17 =	vld [tilespmem:s1+$0x4E20]  }
0x61: {  	v18 =	vld [tilespmem:s1+$0x4E30]  }
0x62: {  	v19 =	vld [tilespmem:s1+$0x4E40]  }
0x63: {  	v20 =	vld [tilespmem:s1+$0x4E50]  }
0x64: {  	v12 =	vadd.f32 v12, v16;
	v16 =	vld [tilespmem:s1+$0x4E60]  }
0x65: {  	v6 =	vadd.f32 v6, v17;
	v17 =	vld [tilespmem:s1+$0x4E70]  }
0x66: {  	[tilespmem:s1+$0x4E10] =	vst v12;
	v8 =	vadd.f32 v8, v18;
	v12 =	vld [tilespmem:s1+$0x4E80]  }
0x67: {  	[tilespmem:s1+$0x4E20] =	vst v6;
	v6 =	vadd.f32 v9, v19;
	v9 =	vld [tilespmem:s1+$0x4E90]  }
0x68: {  	[tilespmem:s1+$0x4E30] =	vst v8;
	v8 =	vadd.f32 v10, v20;
	v10 =	vld [tilespmem:s1+$0x4EA0]  }
.Ltmp0:
0x69: {  	[tilespmem:s1+$0x4E40] =	vst v6;
	v16 =	vadd.f32 v7, v16;
	v7 =	vld [tilespmem:s1+$0x4EB0];
	(pc) =	sbr.rel @p0 .LBB2_3-.Ltmp0, $4  }
0x6a: {  	[tilespmem:s1+$0x4E50] =	vst v8;
	v11 =	vadd.f32 v11, v17;
	v6 =	vld [tilespmem:s1+$0x4EC0]  }
0x6b: {  	[tilespmem:s1+$0x4E60] =	vst v16;
	v13 =	vadd.f32 v13, v12;
	v8 =	vld [tilespmem:s1+$0x4ED0]  }
0x6c: {  	[tilespmem:s1+$0x4E70] =	vst v11;
	v12 =	vadd.f32 v14, v9;
	v9 =	vld [tilespmem:s1+$0x4EE0]  }
0x6d: {  	s31 =	sadd.s32 $0x400, s31;
	[tilespmem:s1+$0x4E80] =	vst v13;
	v11 =	vadd.f32 v15, v10;
	v10 =	vld [tilespmem:s1+$0x4EF0]  }
0x6e: {  	[tilespmem:s1+$0x4E90] =	vst v12;
	v5 =	vadd.f32 v5, v7;
	v7 =	vld [tilespmem:s1+$0x4F00]  }
0x6f: {  	[tilespmem:s1+$0x4EA0] =	vst v11;
	v4 =	vadd.f32 v4, v6  }
0x70: {  	p0 =	seq.s32 s29, $0x29;
	[tilespmem:s1+$0x4EB0] =	vst v5;
	v3 =	vadd.f32 v3, v8  }
0x71: {  	s31 =	smul.u32 $0xF0, s29;
	s0 =	sadd.s32 @!p0 $0x3, s30;
	[tilespmem:s1+$0x4EC0] =	vst v4;
	v2 =	vadd.f32 v2, v9  }
0x72: {  	s15 =	smulhi.u32 @!p0 $0x10624DD3, s0;
	[tilespmem:s1+$0x4ED0] =	vst v3;
	v1 =	vadd.f32 v1, v10  }
0x73: {  	s17 =	sadd.s32 s3, s31;
	[tilespmem:s1+$0x4EE0] =	vst v2;
	v0 =	vadd.f32 v0, v7  }
0x74: {  	s17 =	sshll.u32 s17, $0x4;
	s15 =	sshrl.u32 @!p0 s15, $0x3;
	[tilespmem:s1+$0x4EF0] =	vst v1  }
0x75: {  	s17 =	sadd.s32 s6, s17;
	s15 =	smul.u32 @!p0 $0x7D, s15;
	[tilespmem:s1+$0x4F00] =	vst v0  }
0x76: {  	[hbm4b:s17+s2] =	stream.linear.scatter [tilespmem:s14], [sflag:$0x4], $0x2800, $0x38;
	[tilespmem:$0x13F00] =	vst v63  }
0x77: {  	s0 =	ssub.s32 @!p0 s0, s15;
	_ =	swait.ge [sflag:s21], $0x2800  }
0x78: {  	s0 =	smul.u32 @!p0 $0x50, s0;
	[sflag:s21] =	ssyncset.done $0x0  }
0x79: {  	s1 =	simm.s32 @!p0 $0x50;
	s15 =	simm.s32 @!p0 $0x4F00;
	[sflag:s21] =	ssyncadd.s32 $0xFFFFD800  }
0x7a: {  	[tilespmem:s15], [sflag:$0x1] =	stream.indirect.gather @!p0 [hbm4b:s4+s1], $0x80, s0, s1, $0xb8;
	[tilespmem:$0x13F00] =	vst v63  }
0x7b: {  	s0 =	sadd.s32 @!p0 $0x2780, s0;
	s15 =	simm.s32 @!p0 $0x7700  }
0x7c: {  	[tilespmem:s15], [sflag:$0x1] =	stream.indirect.gather @!p0 [hbm4b:s5+s1], $0x80, s0, s1, $0xb8;
	[tilespmem:$0x13F00] =	vst v63  }
0x7d: {  	_ =	swait.ge [sflag:s22], $0x2800  }
0x7e: {  	[sflag:s22] =	ssyncset.done $0x0  }
0x7f: {  	[sflag:s22] =	ssyncadd.s32 $0xFFFFD800  }
0x80: {  	_ =	swait.ge [sflag:s22], $0x2800  }
0x81: {  	[sflag:s22] =	ssyncset.done $0x0  }
0x82: {  	s1 =	simm.s32 $0xF0;
	[sflag:s22] =	ssyncadd.s32 $0xFFFFD800  }
0x83: {  	v6 =	vld [tilespmem:s1+$0xC610]  }
0x84: {  	v7 =	vld [tilespmem:s1+$0xC620]  }
0x85: {  	v8 =	vld [tilespmem:s1+$0xC630]  }
0x86: {  	v9 =	vld [tilespmem:s1+$0xC640]  }
0x87: {  	v10 =	vld [tilespmem:s1+$0xC650]  }
0x88: {  	v11 =	vld [tilespmem:s1+$0xC660]  }
0x89: {  	v12 =	vld [tilespmem:s1+$0xC670]  }
0x8a: {  	v13 =	vld [tilespmem:s1+$0xC680]  }
0x8b: {  	v14 =	vld [tilespmem:s1+$0xC690]  }
0x8c: {  	v15 =	vld [tilespmem:s1+$0xC6A0]  }
0x8d: {  	v5 =	vld [tilespmem:s1+$0xC6B0]  }
0x8e: {  	v4 =	vld [tilespmem:s1+$0xC6C0]  }
0x8f: {  	v3 =	vld [tilespmem:s1+$0xC6D0]  }
0x90: {  	v2 =	vld [tilespmem:s1+$0xC6E0]  }
0x91: {  	v1 =	vld [tilespmem:s1+$0xC6F0]  }
0x92: {  	v0 =	vld [tilespmem:s1+$0xC700]  }
0x93: {  	v16 =	vld [tilespmem:s1+$0x9E10]  }
0x94: {  	v17 =	vld [tilespmem:s1+$0x9E20]  }
0x95: {  	v18 =	vld [tilespmem:s1+$0x9E30]  }
0x96: {  	v19 =	vld [tilespmem:s1+$0x9E40]  }
0x97: {  	v20 =	vld [tilespmem:s1+$0x9E50]  }
0x98: {  	v60 =	vld [tilespmem:s1+$0x9E60];
	v6 =	vadd.f32 v6, v16  }
0x99: {  	v21 =	vld [tilespmem:s1+$0x9E70];
	v7 =	vadd.f32 v7, v17  }
0x9a: {  	v61 =	vld [tilespmem:s1+$0x9E80];
	[tilespmem:s1+$0x9E10] =	vst v6;
	v6 =	vadd.f32 v8, v18  }
0x9b: {  	v62 =	vld [tilespmem:s1+$0x9E90];
	[tilespmem:s1+$0x9E20] =	vst v7;
	v7 =	vadd.f32 v9, v19  }
0x9c: {  	v63 =	vld [tilespmem:s1+$0x9EA0];
	[tilespmem:s1+$0x9E30] =	vst v6;
	v6 =	vadd.f32 v10, v20  }
0x9d: {  	v8 =	vadd.f32 v11, v60;
	[tilespmem:s1+$0x9E40] =	vst v7;
	v7 =	vld [tilespmem:s1+$0x9EB0]  }
0x9e: {  	v9 =	vadd.f32 v12, v21;
	[tilespmem:s1+$0x9E50] =	vst v6;
	v6 =	vld [tilespmem:s1+$0x9EC0]  }
0x9f: {  	[tilespmem:s1+$0x9E60] =	vst v8;
	v8 =	vld [tilespmem:s1+$0x9ED0];
	v10 =	vadd.f32 v13, v61  }
0xa0: {  	v12 =	vadd.f32 v14, v62;
	[tilespmem:s1+$0x9E70] =	vst v9;
	v9 =	vld [tilespmem:s1+$0x9EE0]  }
0xa1: {  	s0 =	simm.s32 $0x7C0;
	v11 =	vadd.f32 v15, v63;
	[tilespmem:s1+$0x9E80] =	vst v10;
	v10 =	vld [tilespmem:s1+$0x9EF0]  }
.LBB2_5:
0xa2: {  	s15 =	sshra.s32 s0, $0x2;
	p1 =	sne.s32 s0, $0x9FC0;
	[tilespmem:s1+$0x9E90] =	vst v12;
	v5 =	vadd.f32 v5, v7;
	v7 =	vld [tilespmem:s1+$0x9F00]  }
0xa3: {  	v12 =	vld [tilespmem:s15+$0xC610];
	[tilespmem:s1+$0x9EA0] =	vst v11;
	v4 =	vadd.f32 v4, v6  }
0xa4: {  	v6 =	vld [tilespmem:s15+$0xC620];
	[tilespmem:s1+$0x9EB0] =	vst v5;
	v3 =	vadd.f32 v3, v8  }
0xa5: {  	v8 =	vld [tilespmem:s15+$0xC630];
	[tilespmem:s1+$0x9EC0] =	vst v4;
	v2 =	vadd.f32 v2, v9  }
0xa6: {  	v9 =	vld [tilespmem:s15+$0xC640];
	[tilespmem:s1+$0x9ED0] =	vst v3;
	v1 =	vadd.f32 v1, v10  }
0xa7: {  	v10 =	vld [tilespmem:s15+$0xC650];
	[tilespmem:s1+$0x9EE0] =	vst v2;
	v0 =	vadd.f32 v0, v7  }
0xa8: {  	v7 =	vld [tilespmem:s15+$0xC660];
	[tilespmem:s1+$0x9EF0] =	vst v1  }
0xa9: {  	v11 =	vld [tilespmem:s15+$0xC670];
	[tilespmem:s1+$0x9F00] =	vst v0;
	s1 =	smov.u32 s15  }
0xaa: {  	v13 =	vld [tilespmem:s1+$0xC680]  }
0xab: {  	v14 =	vld [tilespmem:s1+$0xC690]  }
0xac: {  	v15 =	vld [tilespmem:s1+$0xC6A0]  }
0xad: {  	v5 =	vld [tilespmem:s1+$0xC6B0]  }
0xae: {  	v4 =	vld [tilespmem:s1+$0xC6C0]  }
0xaf: {  	v3 =	vld [tilespmem:s1+$0xC6D0]  }
0xb0: {  	v2 =	vld [tilespmem:s1+$0xC6E0]  }
0xb1: {  	v1 =	vld [tilespmem:s1+$0xC6F0]  }
0xb2: {  	v0 =	vld [tilespmem:s1+$0xC700]  }
0xb3: {  	v16 =	vld [tilespmem:s1+$0x9E10]  }
0xb4: {  	v17 =	vld [tilespmem:s1+$0x9E20]  }
0xb5: {  	v18 =	vld [tilespmem:s1+$0x9E30]  }
0xb6: {  	v19 =	vld [tilespmem:s1+$0x9E40]  }
0xb7: {  	v20 =	vld [tilespmem:s1+$0x9E50]  }
0xb8: {  	v12 =	vadd.f32 v12, v16;
	v16 =	vld [tilespmem:s1+$0x9E60]  }
0xb9: {  	v6 =	vadd.f32 v6, v17;
	v17 =	vld [tilespmem:s1+$0x9E70]  }
0xba: {  	[tilespmem:s1+$0x9E10] =	vst v12;
	v8 =	vadd.f32 v8, v18;
	v12 =	vld [tilespmem:s1+$0x9E80]  }
0xbb: {  	[tilespmem:s1+$0x9E20] =	vst v6;
	v6 =	vadd.f32 v9, v19;
	v9 =	vld [tilespmem:s1+$0x9E90]  }
0xbc: {  	[tilespmem:s1+$0x9E30] =	vst v8;
	v8 =	vadd.f32 v10, v20;
	v10 =	vld [tilespmem:s1+$0x9EA0]  }
.Ltmp1:
0xbd: {  	[tilespmem:s1+$0x9E40] =	vst v6;
	v16 =	vadd.f32 v7, v16;
	v7 =	vld [tilespmem:s1+$0x9EB0];
	(pc) =	sbr.rel @p1 .LBB2_5-.Ltmp1, $4  }
0xbe: {  	[tilespmem:s1+$0x9E50] =	vst v8;
	v11 =	vadd.f32 v11, v17;
	v6 =	vld [tilespmem:s1+$0x9EC0]  }
0xbf: {  	[tilespmem:s1+$0x9E60] =	vst v16;
	v13 =	vadd.f32 v13, v12;
	v8 =	vld [tilespmem:s1+$0x9ED0]  }
0xc0: {  	[tilespmem:s1+$0x9E70] =	vst v11;
	v12 =	vadd.f32 v14, v9;
	v9 =	vld [tilespmem:s1+$0x9EE0]  }
0xc1: {  	s0 =	sadd.s32 $0x400, s0;
	[tilespmem:s1+$0x9E80] =	vst v13;
	v11 =	vadd.f32 v15, v10;
	v10 =	vld [tilespmem:s1+$0x9EF0]  }
0xc2: {  	[tilespmem:s1+$0x9E90] =	vst v12;
	v5 =	vadd.f32 v5, v7;
	v7 =	vld [tilespmem:s1+$0x9F00]  }
0xc3: {  	[tilespmem:s1+$0x9EA0] =	vst v11;
	v4 =	vadd.f32 v4, v6  }
0xc4: {  	[tilespmem:s1+$0x9EB0] =	vst v5;
	v3 =	vadd.f32 v3, v8  }
0xc5: {  	s0 =	sadd.s32 @!p0 $0x4, s30;
	[tilespmem:s1+$0x9EC0] =	vst v4;
	v2 =	vadd.f32 v2, v9  }
0xc6: {  	s15 =	smulhi.u32 @!p0 $0x10624DD3, s0;
	[tilespmem:s1+$0x9ED0] =	vst v3;
	v1 =	vadd.f32 v1, v10  }
0xc7: {  	s17 =	sadd.s32 s10, s31;
	[tilespmem:s1+$0x9EE0] =	vst v2;
	v0 =	vadd.f32 v0, v7  }
0xc8: {  	s17 =	sshll.u32 s17, $0x4;
	s15 =	sshrl.u32 @!p0 s15, $0x3;
	[tilespmem:s1+$0x9EF0] =	vst v1  }
0xc9: {  	s31 =	sadd.s32 s6, s17;
	s15 =	smul.u32 @!p0 $0x7D, s15;
	[tilespmem:s1+$0x9F00] =	vst v0  }
0xca: {  	[hbm4b:s31+s2] =	stream.linear.scatter [tilespmem:s16], [sflag:$0x5], $0x2800, $0x38;
	[tilespmem:$0x13F00] =	vst v63  }
0xcb: {  	s0 =	ssub.s32 @!p0 s0, s15;
	_ =	swait.ge [sflag:s23], $0x2800  }
0xcc: {  	s0 =	smul.u32 @!p0 $0x50, s0;
	[sflag:s23] =	ssyncset.done $0x0  }
0xcd: {  	s15 =	simm.s32 @!p0 $0x9F00;
	s1 =	simm.s32 @!p0 $0x50;
	[sflag:s23] =	ssyncadd.s32 $0xFFFFD800  }
0xce: {  	[tilespmem:s15], [sflag:$0x2] =	stream.indirect.gather @!p0 [hbm4b:s4+s1], $0x80, s0, s1, $0xb8;
	[tilespmem:$0x13F00] =	vst v63  }
0xcf: {  	s0 =	sadd.s32 @!p0 $0x2780, s0;
	s15 =	simm.s32 @!p0 $0xC700  }
0xd0: {  	[tilespmem:s15], [sflag:$0x2] =	stream.indirect.gather @!p0 [hbm4b:s5+s1], $0x80, s0, s1, $0xb8;
	[tilespmem:$0x13F00] =	vst v63  }
0xd1: {  	_ =	swait.ge [sflag:s24], $0x2800  }
0xd2: {  	[sflag:s24] =	ssyncset.done $0x0  }
0xd3: {  	[sflag:s24] =	ssyncadd.s32 $0xFFFFD800  }
0xd4: {  	_ =	swait.ge [sflag:s24], $0x2800  }
0xd5: {  	[sflag:s24] =	ssyncset.done $0x0  }
0xd6: {  	s1 =	simm.s32 $0xF0;
	[sflag:s24] =	ssyncadd.s32 $0xFFFFD800  }
0xd7: {  	v6 =	vld [tilespmem:s1+$0x11610]  }
0xd8: {  	v7 =	vld [tilespmem:s1+$0x11620]  }
0xd9: {  	v8 =	vld [tilespmem:s1+$0x11630]  }
0xda: {  	v9 =	vld [tilespmem:s1+$0x11640]  }
0xdb: {  	v10 =	vld [tilespmem:s1+$0x11650]  }
0xdc: {  	v11 =	vld [tilespmem:s1+$0x11660]  }
0xdd: {  	v12 =	vld [tilespmem:s1+$0x11670]  }
0xde: {  	v13 =	vld [tilespmem:s1+$0x11680]  }
0xdf: {  	v14 =	vld [tilespmem:s1+$0x11690]  }
0xe0: {  	v15 =	vld [tilespmem:s1+$0x116A0]  }
0xe1: {  	v5 =	vld [tilespmem:s1+$0x116B0]  }
0xe2: {  	v4 =	vld [tilespmem:s1+$0x116C0]  }
0xe3: {  	v3 =	vld [tilespmem:s1+$0x116D0]  }
0xe4: {  	v2 =	vld [tilespmem:s1+$0x116E0]  }
0xe5: {  	v1 =	vld [tilespmem:s1+$0x116F0]  }
0xe6: {  	v0 =	vld [tilespmem:s1+$0x11700]  }
0xe7: {  	v16 =	vld [tilespmem:s1+$0xEE10]  }
0xe8: {  	v17 =	vld [tilespmem:s1+$0xEE20]  }
0xe9: {  	v18 =	vld [tilespmem:s1+$0xEE30]  }
0xea: {  	v19 =	vld [tilespmem:s1+$0xEE40]  }
0xeb: {  	v20 =	vld [tilespmem:s1+$0xEE50]  }
0xec: {  	v60 =	vld [tilespmem:s1+$0xEE60];
	v6 =	vadd.f32 v6, v16  }
0xed: {  	v21 =	vld [tilespmem:s1+$0xEE70];
	v7 =	vadd.f32 v7, v17  }
0xee: {  	v61 =	vld [tilespmem:s1+$0xEE80];
	[tilespmem:s1+$0xEE10] =	vst v6;
	v6 =	vadd.f32 v8, v18  }
0xef: {  	v62 =	vld [tilespmem:s1+$0xEE90];
	[tilespmem:s1+$0xEE20] =	vst v7;
	v7 =	vadd.f32 v9, v19  }
0xf0: {  	v63 =	vld [tilespmem:s1+$0xEEA0];
	[tilespmem:s1+$0xEE30] =	vst v6;
	v6 =	vadd.f32 v10, v20  }
0xf1: {  	v8 =	vld [tilespmem:s1+$0xEEB0];
	[tilespmem:s1+$0xEE40] =	vst v7;
	v7 =	vadd.f32 v11, v60  }
0xf2: {  	v10 =	vadd.f32 v12, v21;
	[tilespmem:s1+$0xEE50] =	vst v6;
	v6 =	vld [tilespmem:s1+$0xEEC0]  }
0xf3: {  	v9 =	vld [tilespmem:s1+$0xEED0];
	v11 =	vadd.f32 v13, v61;
	[tilespmem:s1+$0xEE60] =	vst v7  }
0xf4: {  	v12 =	vadd.f32 v14, v62;
	[tilespmem:s1+$0xEE70] =	vst v10;
	v7 =	vld [tilespmem:s1+$0xEEE0]  }
0xf5: {  	s30 =	sadd.s32 $0x2, s30;
	s0 =	simm.s32 $0x7C0;
	[tilespmem:s1+$0xEE80] =	vst v11;
	v11 =	vadd.f32 v15, v63;
	v10 =	vld [tilespmem:s1+$0xEEF0]  }
.LBB2_7:
0xf6: {  	s15 =	sshra.s32 s0, $0x2;
	p0 =	sne.s32 s0, $0x9FC0;
	[tilespmem:s1+$0xEE90] =	vst v12;
	v5 =	vadd.f32 v5, v8;
	v8 =	vld [tilespmem:s1+$0xEF00]  }
0xf7: {  	v12 =	vld [tilespmem:s15+$0x11610];
	[tilespmem:s1+$0xEEA0] =	vst v11;
	v4 =	vadd.f32 v4, v6  }
0xf8: {  	v6 =	vld [tilespmem:s15+$0x11620];
	[tilespmem:s1+$0xEEB0] =	vst v5;
	v3 =	vadd.f32 v3, v9  }
0xf9: {  	v9 =	vld [tilespmem:s15+$0x11630];
	[tilespmem:s1+$0xEEC0] =	vst v4;
	v2 =	vadd.f32 v2, v7  }
0xfa: {  	v7 =	vld [tilespmem:s15+$0x11640];
	[tilespmem:s1+$0xEED0] =	vst v3;
	v1 =	vadd.f32 v1, v10  }
0xfb: {  	v10 =	vld [tilespmem:s15+$0x11650];
	[tilespmem:s1+$0xEEE0] =	vst v2;
	v0 =	vadd.f32 v0, v8  }
0xfc: {  	v8 =	vld [tilespmem:s15+$0x11660];
	[tilespmem:s1+$0xEEF0] =	vst v1  }
0xfd: {  	v11 =	vld [tilespmem:s15+$0x11670];
	[tilespmem:s1+$0xEF00] =	vst v0;
	s1 =	smov.u32 s15  }
0xfe: {  	v13 =	vld [tilespmem:s1+$0x11680]  }
0xff: {  	v14 =	vld [tilespmem:s1+$0x11690]  }
0x100: {  	v15 =	vld [tilespmem:s1+$0x116A0]  }
0x101: {  	v5 =	vld [tilespmem:s1+$0x116B0]  }
0x102: {  	v4 =	vld [tilespmem:s1+$0x116C0]  }
0x103: {  	v3 =	vld [tilespmem:s1+$0x116D0]  }
0x104: {  	v2 =	vld [tilespmem:s1+$0x116E0]  }
0x105: {  	v1 =	vld [tilespmem:s1+$0x116F0]  }
0x106: {  	v0 =	vld [tilespmem:s1+$0x11700]  }
0x107: {  	v16 =	vld [tilespmem:s1+$0xEE10]  }
0x108: {  	v17 =	vld [tilespmem:s1+$0xEE20]  }
0x109: {  	v18 =	vld [tilespmem:s1+$0xEE30]  }
0x10a: {  	v19 =	vld [tilespmem:s1+$0xEE40]  }
0x10b: {  	v20 =	vld [tilespmem:s1+$0xEE50]  }
0x10c: {  	v12 =	vadd.f32 v12, v16;
	v16 =	vld [tilespmem:s1+$0xEE60]  }
0x10d: {  	v6 =	vadd.f32 v6, v17;
	v17 =	vld [tilespmem:s1+$0xEE70]  }
0x10e: {  	[tilespmem:s1+$0xEE10] =	vst v12;
	v9 =	vadd.f32 v9, v18;
	v12 =	vld [tilespmem:s1+$0xEE80]  }
0x10f: {  	[tilespmem:s1+$0xEE20] =	vst v6;
	v6 =	vadd.f32 v7, v19;
	v7 =	vld [tilespmem:s1+$0xEE90]  }
0x110: {  	[tilespmem:s1+$0xEE30] =	vst v9;
	v9 =	vadd.f32 v10, v20;
	v10 =	vld [tilespmem:s1+$0xEEA0]  }
.Ltmp2:
0x111: {  	[tilespmem:s1+$0xEE40] =	vst v6;
	v16 =	vadd.f32 v8, v16;
	v8 =	vld [tilespmem:s1+$0xEEB0];
	(pc) =	sbr.rel @p0 .LBB2_7-.Ltmp2, $4  }
0x112: {  	[tilespmem:s1+$0xEE50] =	vst v9;
	v11 =	vadd.f32 v11, v17;
	v6 =	vld [tilespmem:s1+$0xEEC0]  }
0x113: {  	[tilespmem:s1+$0xEE60] =	vst v16;
	v13 =	vadd.f32 v13, v12;
	v9 =	vld [tilespmem:s1+$0xEED0]  }
0x114: {  	[tilespmem:s1+$0xEE70] =	vst v11;
	v12 =	vadd.f32 v14, v7;
	v7 =	vld [tilespmem:s1+$0xEEE0]  }
0x115: {  	s0 =	sadd.s32 $0x400, s0;
	[tilespmem:s1+$0xEE80] =	vst v13;
	v11 =	vadd.f32 v15, v10;
	v10 =	vld [tilespmem:s1+$0xEEF0]  }
0x116: {  	[tilespmem:s1+$0xEE90] =	vst v12;
	v5 =	vadd.f32 v5, v8;
	v63 =	vld [tilespmem:s1+$0xEF00]  }
0x117: {  	s0 =	smul.u32 $0x50, s30;
	[tilespmem:s1+$0xEEA0] =	vst v11;
	v4 =	vadd.f32 v4, v6  }
0x118: {  	p0 =	seq.s32 s30, $0x7D;
	s29 =	sadd.s32 $0x1, s29;
	[tilespmem:s1+$0xEEB0] =	vst v5;
	v3 =	vadd.f32 v3, v9  }
0x119: {  	s0 =	simm.s32 @p0 $0x0;
	p0 =	sne.s32 s29, $0x2A;
	[tilespmem:s1+$0xEEC0] =	vst v4;
	v2 =	vadd.f32 v2, v7  }
.Ltmp3:
0x11a: {  	[tilespmem:s1+$0xEED0] =	vst v3;
	v1 =	vadd.f32 v1, v10;
	(pc) =	sbr.rel @p0 .LBB2_2-.Ltmp3, $4  }
0x11b: {  	s0 =	sadd.s32 s3, s0;
	[tilespmem:s1+$0xEEE0] =	vst v2;
	v0 =	vadd.f32 v0, v63  }
0x11c: {  	s0 =	sshll.u32 s0, $0x4;
	[tilespmem:s1+$0xEEF0] =	vst v1  }
0x11d: {  	s0 =	sadd.s32 s6, s0;
	[tilespmem:s1+$0xEF00] =	vst v0  }
0x11e: {  	[hbm4b:s0+s2] =	stream.linear.scatter [tilespmem:s25], [sflag:$0x6], $0x2800, $0x38;
	[tilespmem:$0x13F00] =	vst v63  }
0x11f: {  	s28 =	sadd.s32 $0x1, s28  }
0x120: {  	p0 =	sne.s32 s28, s9  }
.Ltmp4:
0x121: {  	_ = 	snop;
	(pc) =	sbr.rel @p0 .LBB2_1-.Ltmp4, $4  }
0x122: {  	_ = 	snop  }
0x123: {  	_ =	swait.ge [sflag:s26], $0x2800  }
0x124: {  	[sflag:s26] =	ssyncset.done $0x0  }
0x125: {  	[sflag:s26] =	ssyncadd.s32 $0xFFFFD800  }
0x126: {  	_ =	sfence.sel $0x180000  }
0x127: {  	[bflag:$0x0] =	sbarrier.arrive $0xFFFF  }
0x128: {  	_ =	strace $0x90000047  }
0x129: {  	s0 =	stileid.u32;
	[bflag:$0x2] =	sbarrier.arrive $0xFFFF  }
0x12a: {  	p0 =	sne.s32 s0, $0x0;
	s0 =	rddreg [dreg:$0x1]  }
0x12b: {  	s0 =	sadd.s32 @!p0 $0x100000, s0  }
0x12c: {  	[sflag:s0] =	ssyncadd.tile.s32 @!p0 $0x1;
	_ =	shalt  }
.Lfunc_end2:
_tile_overlayer_lowered:
.L_overlay_start_2:
0x12d: {  	(tag) =	ssettag $0x2  }
0x12e: {  	s0 =	rddreg [dreg:$0x0];
	s2 =	stileid.u32  }
0x12f: {  	s1 =	rddreg [dreg:$0x1];
	p0 =	sne.s32 s2, $0x0  }
0x130: {  	s3 =	rddreg [dreg:$0x2];
	[bflag:$0x3] =	sbarrier.arrive $0xFFFF;
	s2 =	simm.s32 @!p0 $0x1C07  }
0x131: {  	[timem:s3], [sflag:s2] =	dma.local @!p0 [hbm:s0], s1  }
0x132: {  	s0 =	simm.s32 @!p0 $0x7  }
0x133: {  	_ =	swait.ge @!p0 [sflag:s0], s1  }
0x134: {  	s1 =	ssub.s32 @!p0 $0x0, s1;
	[sflag:s0] =	ssyncset.done @!p0 $0x0  }
0x135: {  	[sflag:s0] =	ssyncadd.s32 @!p0 s1  }
0x136: {  	[bflag:$0x3] =	sbarrier.arrive $0xFFFF  }
0x137: {  	_ =	shalt  }

// kernel: kernel.15.cloned.1.call-start
scs
__scs_entry_jumppad:
0x0: {  	(pc) =	sbr.rel $0x88, $3  }
0x1: {  	(tag) =	ssettag $0x0;
	lr =	simm.s32 $0x1  }
0x2: {  	[smem:$0x3F7F] =	sst lr;
	_ =	strace $0xD0000000  }
0x3: {  	_ = 	snop  }
0x4: {  	_ = 	snop  }
0x5: {  	_ = 	snop  }
0x6: {  	_ = 	snop  }
0x7: {  	_ = 	snop  }
__scs_overlays_trampoline_lowered:
0x8: {  	[smem:$0x3F8E] =	sst s0  }
0x9: {  	[smem:$0x3F8F] =	sst s1  }
0xa: {  	[smem:$0x3F90] =	sst s2  }
0xb: {  	[smem:$0x3F91] =	sst s3  }
0xc: {  	[smem:$0x3F92] =	sst s4  }
0xd: {  	[smem:$0x3F93] =	sst s5  }
0xe: {  	[smem:$0x3F94] =	sst s6  }
0xf: {  	[smem:$0x3F95] =	sst s7  }
0x10: {  	[smem:$0x3F96] =	sst s8  }
0x11: {  	[smem:$0x3F97] =	sst s9;
	s0 =	simm.s32 @!p0 $0x0  }
0x12: {  	s1 =	sld [smem:$0x3F7D];
	s0 =	simm.s32 @p0 $0x1  }
0x13: {  	[smem:$0x3F98] =	sst s0;
	s0 =	simm.s32 @!p1 $0x0  }
0x14: {  	s2 =	sld [smem:$0x3F7C];
	s0 =	simm.s32 @p1 $0x1  }
0x15: {  	[smem:$0x3F99] =	sst s0;
	s0 =	simm.s32 @!p2 $0x0  }
0x16: {  	s3 =	sld [smem:$0x3FDB];
	s0 =	simm.s32 @p2 $0x1  }
0x17: {  	s4 =	simm.s32 $0x1BF5;
	[smem:$0x3F9B] =	sst s0  }
0x18: {  	s0 =	sld [smem:$0x3F7E];
	_ =	swait.ge [sflag:s4], $0x0  }
0x19: {  	s7 =	sld [smem:$0x3F7F]  }
0x1a: {  	s8 =	sadd.s32 $0xFFFFE003, lr  }
0x1b: {  	s9 =	sadd.s32 $0xFFFFFEF7, lr;
	s5 =	simm.s32 $0xFFFFFFFF;
	p2 =	slt.u32 s8, $0xFFFFF086  }
0x1c: {  	p1 =	slt.u32 s9, $0xF7A;
	s5 =	simm.s32 @!p2 $0x0  }
0x1d: {  	s5 =	simm.s32 @p1 $0x1;
	p0 =	seq.s32 s7, s2  }
0x1e: {  	s7 =	smul.u32 @!p0 $0xF7A, s2;
	p2 =	seq.s32 @!p0 s5, $0x0  }
0x1f: {  	s9 =	smul.u32 $0xF7A, s1;
	s8 =	simm.s32 @!p0 $0x1BF5;
	p2 =	por !p2, p0  }
0x20: {  	[sflag:s8] =	ssyncset.s32 @!p0 $0xFFFFF086;
	s6 =	sadd.s32 @!p0 s3, s7;
	s7 =	simm.s32 @!p0 $0x108  }
0x21: {  	s3 =	sadd.s32 s3, s9;
	s6 =	sadd.s32 @!p0 $0x88, s6;
	s7 =	simm.s32 @p2 $0x1082  }
0x22: {  	[simem:s7], [sflag:s8] =	dma.local @!p0 [hbm:s6], $0xF7A  }
0x23: {  	s9 =	sor.u32 $0xD0000000, s2;
	s6 =	simm.s32 $0x108;
	_ =	swait.ge @!p0 [sflag:s8], $0x0  }
0x24: {  	s3 =	sadd.s32 $0x88, s3;
	s6 =	simm.s32 @!p1 $0x1082;
	[sflag:s4] =	ssyncset.s32 $0xFFFFF086  }
0x25: {  	[simem:s6], [sflag:s4] =	dma.local [hbm:s3], $0xF7A  }
0x26: {  	[smem:$0x3F7F] =	sst s1;
	(tag) =	ssettag s2;
	_ =	strace s9  }
0x27: {  	s1 =	sld [smem:$0x3F8F]  }
0x28: {  	s2 =	sld [smem:$0x3F90]  }
0x29: {  	s4 =	sld [smem:$0x3F92]  }
0x2a: {  	p0 =	seq.s32 s5, $0x0;
	s5 =	sld [smem:$0x3F93]  }
0x2b: {  	s6 =	sld [smem:$0x3F94]  }
0x2c: {  	s7 =	sld [smem:$0x3F95]  }
0x2d: {  	s3 =	simm.s32 $0x108;
	s8 =	sld [smem:$0x3F96]  }
0x2e: {  	s3 =	simm.s32 @!p0 $0x1082;
	s9 =	sld [smem:$0x3F97]  }
0x2f: {  	lr =	sadd.s32 s0, s3;
	s0 =	sld [smem:$0x3F8E]  }
0x30: {  	s3 =	sld [smem:$0x3F91]  }
0x31: {  	[smem:$0x3F9A] =	sst s10  }
0x32: {  	s10 =	sld [smem:$0x3F98];
	_ =	sdelay $0x3  }
0x33: {  	p0 =	seq.s32 s10, $0x1;
	s10 =	sld [smem:$0x3F9A];
	_ =	sdelay $0x3  }
0x34: {  	[smem:$0x3F9A] =	sst s10  }
0x35: {  	s10 =	sld [smem:$0x3F99];
	_ =	sdelay $0x3  }
0x36: {  	p1 =	seq.s32 s10, $0x1;
	s10 =	sld [smem:$0x3F9A];
	_ =	sdelay $0x3  }
0x37: {  	[smem:$0x3F9A] =	sst s10  }
0x38: {  	s10 =	sld [smem:$0x3F9B]  }
0x39: {  	_ = 	snop;
	(pc) =	sbr.ind lr, $3  }
0x3a: {  	_ = 	snop  }
0x3b: {  	_ = 	snop  }
0x3c: {  	p2 =	seq.s32 s10, $0x1;
	s10 =	sld [smem:$0x3F9A]  }
0x3d: {  	_ =	shalt  }
0x3e: {  	_ =	shalt  }
0x3f: {  	_ =	shalt  }
0x40: {  	_ =	shalt  }
0x41: {  	_ =	shalt  }
0x42: {  	_ =	shalt  }
0x43: {  	_ =	shalt  }
0x44: {  	_ =	shalt  }
0x45: {  	_ =	shalt  }
0x46: {  	_ =	shalt  }
0x47: {  	_ =	shalt  }
0x48: {  	_ =	shalt  }
0x49: {  	_ =	shalt  }
0x4a: {  	_ =	shalt  }
0x4b: {  	_ =	shalt  }
0x4c: {  	_ =	shalt  }
0x4d: {  	_ =	shalt  }
0x4e: {  	_ =	shalt  }
0x4f: {  	_ =	shalt  }
0x50: {  	_ =	shalt  }
0x51: {  	_ =	shalt  }
0x52: {  	_ =	shalt  }
0x53: {  	_ =	shalt  }
0x54: {  	_ =	shalt  }
0x55: {  	_ =	shalt  }
0x56: {  	_ =	shalt  }
0x57: {  	_ =	shalt  }
0x58: {  	_ =	shalt  }
0x59: {  	_ =	shalt  }
0x5a: {  	_ =	shalt  }
0x5b: {  	_ =	shalt  }
0x5c: {  	_ =	shalt  }
0x5d: {  	_ =	shalt  }
0x5e: {  	_ =	shalt  }
0x5f: {  	_ =	shalt  }
0x60: {  	_ =	shalt  }
0x61: {  	_ =	shalt  }
0x62: {  	_ =	shalt  }
0x63: {  	_ =	shalt  }
0x64: {  	_ =	shalt  }
0x65: {  	_ =	shalt  }
0x66: {  	_ =	shalt  }
0x67: {  	_ =	shalt  }
0x68: {  	_ =	shalt  }
0x69: {  	_ =	shalt  }
0x6a: {  	_ =	shalt  }
0x6b: {  	_ =	shalt  }
0x6c: {  	_ =	shalt  }
0x6d: {  	_ =	shalt  }
0x6e: {  	_ =	shalt  }
0x6f: {  	_ =	shalt  }
0x70: {  	_ =	shalt  }
0x71: {  	_ =	shalt  }
0x72: {  	_ =	shalt  }
0x73: {  	_ =	shalt  }
0x74: {  	_ =	shalt  }
0x75: {  	_ =	shalt  }
0x76: {  	_ =	shalt  }
0x77: {  	_ =	shalt  }
0x78: {  	_ =	shalt  }
0x79: {  	_ =	shalt  }
0x7a: {  	_ =	shalt  }
0x7b: {  	_ =	shalt  }
0x7c: {  	_ =	shalt  }
0x7d: {  	_ =	shalt  }
0x7e: {  	_ =	shalt  }
0x7f: {  	_ =	shalt  }
0x80: {  	_ =	shalt  }
0x81: {  	_ =	shalt  }
0x82: {  	_ =	shalt  }
0x83: {  	_ =	shalt  }
0x84: {  	_ =	shalt  }
0x85: {  	_ =	shalt  }
0x86: {  	_ =	shalt  }
0x87: {  	_ =	shalt  }
.Lfunc_end0:
.L_simem_size_0:
called_computation.1_lowered:
.L_overlay_start_0:
0x88: {  	s2 =	sld [smem:$0x3FD9]  }
0x89: {  	s3 =	sld [smem:$0x3FFE];
	_ =	sdelay $0x1  }
0x8a: {  	s1 =	srdreg.scid  }
0x8b: {  	s0 =	sand.u32 $0x1, s1  }
0x8c: {  	s16 =	sshll.u32 s0, $0xA;
	s2 =	sadd.s32 s3, s2  }
0x8d: {  	s2 =	sadd.s32 s2, s16  }
0x8e: {  	[smem:$0x3FA6] =	sst s2  }
0x8f: {  	_ = 	snop  }
0x90: {  	(tm) =	ssettm $0x1  }
0x91: {  	s17 =	sld [smem:$0x3FFB];
	_ =	sdelay $0x3  }
0x92: {  	_ =	strace s17  }
0x93: {  	s2 =	sld [smem:$0x3FFC];
	_ =	sdelay $0x3  }
0x94: {  	_ =	strace s2  }
0x95: {  	s2 =	sld [smem:$0x3FFD];
	_ =	sdelay $0x3  }
0x96: {  	_ =	strace s2  }
0x97: {  	_ =	strace $0x8FFFFFFF  }
0x98: {  	s18 =	sld [smem:$0x3FDB];
	_ =	sdelay $0x1  }
0x99: {  	s19 =	simm.s32 $_scs_section_size  }
0x9a: {  	s4 =	simm.s32 $_size__tile_overlayer_lowered;
	s5 =	simm.s32 $_tile_overlayer_lowered  }
0x9b: {  	s22 =	simm.s32 $0x1BFF;
	s21 =	sshll.u32 s5, $0x1;
	s2 =	sadd.s32 s19, s18  }
0x9c: {  	s6 =	simm.s32 $0x0;
	s20 =	sshll.u32 s4, $0x1;
	s4 =	sadd.s32 s21, s2  }
0x9d: {  	[timem:s6], [sflag:s22] =	dma.local [hbm:s4], s20  }
0x9e: {  	_ =	swait.ge [sflag:s22], s20  }
0x9f: {  	s3 =	ssub.s32 $0x0, s20;
	[sflag:s22] =	ssyncset.done $0x0  }
0xa0: {  	[sflag:s22] =	ssyncadd.s32 s3;
	_ =	sdelay $0x1  }
0xa1: {  	s23 =	simm.s32 $0x1B8B  }
0xa2: {  	_ =	swait.ge [sflag:s23], $0x1  }
0xa3: {  	[sflag:s23] =	ssyncset.done $0x0  }
0xa4: {  	s25 =	simm.s32 $0x1B8E;
	s24 =	sld [smem:$0x3FFE];
	[sflag:s23] =	ssyncadd.s32 $0xFFFFFFFF  }
0xa5: {  	s26 =	simm.s32 $execute0_lowered;
	[smem:$0x3FD2] =	sst s25  }
0xa6: {  	s4 =	sshll.u32 s26, $0x1;
	_ =	strace $0x80000049;
	[dreg:$0x1] =	wrdreg $0xFFFFFFFF  }
0xa7: {  	s28 =	simm.s32 $_size_execute0_lowered;
	s2 =	sadd.s32 s2, s4;
	[dreg:$0x0] =	wrdreg $0x0  }
0xa8: {  	s4 =	sshll.u32 s28, $0x1;
	[dreg:$0x2] =	wrdreg s2  }
0xa9: {  	[dreg:$0x3] =	wrdreg s4  }
0xaa: {  	[dreg:$0x4] =	wrdreg $0xC0  }
0xab: {  	_ =	task [dreg:s6], $0x5FFFF  }
0xac: {  	[dreg:$0x1] =	wrdreg $0xFFFFFFFF  }
0xad: {  	[dreg:$0x0] =	wrdreg $0x60  }
0xae: {  	[dreg:$0x2] =	wrdreg s24  }
0xaf: {  	[dreg:$0x3] =	wrdreg $0x79000  }
0xb0: {  	[dreg:$0x4] =	wrdreg $0x9  }
0xb1: {  	_ =	task.clear_ibuf [dreg:s6], $0x5FFFF;
	_ =	strace $0x90000049  }
0xb2: {  	s29 =	simm.s32 $0x9;
	_ =	strace $0x8000004B  }
0xb3: {  	_ =	swait.ge [sflag:s29], $0x1  }
0xb4: {  	[sflag:s29] =	ssyncadd.s32 $0xFFFFFFFF  }
0xb5: {  	_ =	strace $0x9000004B  }
0xb6: {  	_ =	sfence  }
0xb7: {  	s30 =	sld [smem:$0x0];
	_ =	sdelay $0x2  }
0xb8: {  	s31 =	sshll.u32 s1, $0xD;
	s1 =	sshrl.u32 s1, $0x2  }
0xb9: {  	s3 =	sand.u32 $0x4000, s31;
	s1 =	sadd.s32 s1, s30  }
0xba: {  	s0 =	sor.u32 s3, s0;
	s1 =	sshll.u32 s1, $0x11  }
0xbb: {  	s0 =	sor.u32 s1, s0  }
0xbc: {  	s0 =	sadd.s32 $0x8F2B, s0  }
0xbd: {  	[sflag:s0] =	ssyncadd.remote.s32 $0x1  }
0xbe: {  	_ =	sfence.sel $0xFFFF  }
0xbf: {  	[dreg:$0x0] =	wrdreg $0xFFFFFFFF;
	(pc) =	sbr.abs _section_cstart, $3  }
0xc0: {  	[dreg:$0x1] =	wrdreg $0xFFFFFFFF  }
0xc1: {  	_ =	task.clear_ibuf [dreg:s6], $0x2FFFF;
	_ =	strace $0x9FFFFFFF  }
0xc2: {  	(tm) =	ssettm $0x7FFFFFFF  }
0xc3: {  	_ =	shalt  }
tec
execute0_lowered:
.L_overlay_start_1:
0x0: {  	(tag) =	ssettag $0x1  }
0x1: {  	s3 =	rddreg [dreg:$0x0];
	s1 =	simm.s32 $0x0  }
0x2: {  	s0 =	srdreg.scid;
	s16 =	stileid.u32;
	s31 =	simm.s32 $0x5100  }
0x3: {  	[smem:$0x7FF] =	sst s1;
	s2 =	sadd.s32 $0xA54600, s3;
	s4 =	sand.u32 $0x1, s0  }
0x4: {  	s5 =	smul.u32 $0x14000, s16;
	s7 =	sadd.s32 $0x90600, s3;
	s0 =	ssub.s32 $0x2, s4  }
0x5: {  	s6 =	sshll.u32 s4, $0x4;
	s12 =	smul.u32 $0x140000, s4;
	s8 =	sshrl.u32 s0, $0x1  }
0x6: {  	s6 =	sor.u32 s16, s6;
	s10 =	sadd.s32 $0x5000, s5;
	s11 =	sadd.s32 $0x7800, s5  }
0x7: {  	s13 =	sadd.s32 $0xA000, s5;
	s21 =	sadd.s32 $0xC800, s5;
	s22 =	sadd.s32 $0xF000, s5  }
0x8: {  	s23 =	sadd.s32 $0x11800, s5;
	s0 =	ssub.s32 s0, s8;
	s9 =	smul.u32 $0x2710, s6  }
0x9: {  	s8 =	sor.u32 $0x2800, s5;
	s6 =	smul.u32 $0x27100, s6;
	s5 =	sadd.s32 s5, s12  }
0xa: {  	s17 =	sadd.s32 s12, s10;
	s19 =	sadd.s32 s12, s11;
	s5 =	sshrl.u32 s5, $0x3  }
0xb: {  	s14 =	sadd.s32 s12, s8;
	s18 =	sshrl.u32 s17, $0x3;
	s20 =	sshrl.u32 s19, $0x3  }
0xc: {  	s19 =	sadd.s32 s12, s23;
	s0 =	smax.u32 s0, $0x1;
	s25 =	sadd.s32 $0x50, s9  }
0xd: {  	s26 =	sadd.s32 s2, s6;
	s5 =	sadd.s32 s7, s5;
	s15 =	sshrl.u32 s14, $0x3  }
0xe: {  	s14 =	sadd.s32 s12, s21;
	s24 =	sshll.u32 s25, $0x4;
	[dreg:$0x4] =	wrdreg s5  }
0xf: {  	s5 =	sadd.s32 s7, s15;
	s15 =	smul.u32 $0x271000, s4;
	s14 =	sshrl.u32 s14, $0x3  }
0x10: {  	s4 =	smul.u32 $0x27100, s4;
	s6 =	sadd.s32 s2, s24;
	[dreg:$0x5] =	wrdreg s5  }
0x11: {  	s5 =	sadd.s32 s7, s18;
	s24 =	sadd.s32 s12, s13;
	[dreg:$0x3] =	wrdreg s6  }
0x12: {  	s18 =	smul.u32 $0x50000, s16;
	[dreg:$0x6] =	wrdreg s5;
	s6 =	sshrl.u32 s24, $0x3  }
0x13: {  	s5 =	sadd.s32 s7, s20;
	s2 =	sadd.s32 s15, s2;
	s20 =	smul.u32 $0x27100, s16  }
0x14: {  	s15 =	sadd.s32 s12, s22;
	s12 =	rddreg [dreg:$0x1];
	s24 =	smul.u32 $0x2710, s16  }
0x15: {  	[dreg:$0x7] =	wrdreg s5;
	s6 =	sadd.s32 s7, s6;
	s5 =	sadd.s32 s7, s14  }
0x16: {  	s17 =	sshrl.u32 s15, $0x3;
	s15 =	sadd.s32 $0x11200, s3;
	s28 =	sadd.s32 s10, s12  }
0x17: {  	s10 =	sadd.s32 s13, s12;
	s21 =	sadd.s32 s21, s12;
	[dreg:$0x8] =	wrdreg s6  }
0x18: {  	s22 =	sadd.s32 s22, s12;
	s23 =	sadd.s32 s23, s12;
	[dreg:$0x9] =	wrdreg s5  }
0x19: {  	s5 =	sadd.s32 s7, s17;
	s14 =	sadd.s32 s20, s2;
	s2 =	sadd.s32 s24, s4  }
0x1a: {  	s17 =	sadd.s32 s8, s12;
	s8 =	sadd.s32 s11, s12;
	s11 =	sshrl.u32 s9, $0x3  }
0x1b: {  	s6 =	simm.s32 $0x3;
	s9 =	simm.s32 $0x4;
	[dreg:$0xa] =	wrdreg s5  }
0x1c: {  	s5 =	sshrl.u32 s19, $0x3;
	s24 =	sadd.s32 s15, s11;
	s13 =	sadd.s32 $0x140, s2  }
0x1d: {  	s19 =	sadd.s32 $0xF0, s2;
	s30 =	sadd.s32 $0xA0, s2;
	s11 =	simm.s32 $0x5  }
0x1e: {  	s5 =	sadd.s32 s7, s5;
	s7 =	sshrl.u32 s18, $0x2;
	s18 =	sshrl.u32 s25, $0x3  }
0x1f: {  	s3 =	sshrl.u32 s13, $0x3;
	s20 =	sshrl.u32 s19, $0x3;
	[dreg:$0xb] =	wrdreg s5  }
0x20: {  	s16 =	sadd.s32 s7, s12;
	_ =	strace $0x8000004A;
	[dreg:$0xc] =	wrdreg s8  }
0x21: {  	s4 =	sadd.s32 s15, s18;
	s3 =	sadd.s32 s3, s15;
	[dreg:$0xd] =	wrdreg s10  }
0x22: {  	s29 =	sadd.s32 s20, s15;
	s5 =	simm.s32 $0x1;
	[dreg:$0xe] =	wrdreg s4  }
0x23: {  	s7 =	simm.s32 $0x50;
	[dreg:$0xf] =	wrdreg s0;
	s25 =	ssub.s32 $0x14, s3  }
0x24: {  	s0 =	simm.s32 $0x100;
	s3 =	simm.s32 $0x80;
	s4 =	simm.s32 $0x2900  }
0x25: {  	v0 =	vimm.f32 $0.0e+00;
	s8 =	simm.s32 $0x2;
	s10 =	simm.s32 $0x0;
	[dreg:$0x10] =	wrdreg s25  }
.LBB2_1:
0x26: {  	s13 =	simm.s32 $0x70;
	s25 =	simm.s32 $0x3C0  }
.LBB2_2:
0x27: {  	p0 =	sne.s32 s25, $0x9FC0;
	[tilespmem:s13+$0x5100] =	vst v0  }
0x28: {  	[tilespmem:s13+$0x5090] =	vst v0  }
0x29: {  	[tilespmem:s13+$0x50A0] =	vst v0  }
.Ltmp0:
0x2a: {  	[tilespmem:s13+$0x50B0] =	vst v0;
	(pc) =	sbr.rel @p0 .LBB2_2-.Ltmp0, $4  }
0x2b: {  	[tilespmem:s13+$0x50C0] =	vst v0  }
0x2c: {  	[tilespmem:s13+$0x50D0] =	vst v0  }
0x2d: {  	[tilespmem:s13+$0x50E0] =	vst v0  }
0x2e: {  	[tilespmem:s13+$0x50F0] =	vst v0;
	s13 =	sshra.s32 s25, $0x2;
	s25 =	sadd.s32 $0x200, s25  }
0x2f: {  	[tilespmem:s13+$0x5100] =	vst v0  }
0x30: {  	[tilespmem:s13+$0x5090] =	vst v0  }
0x31: {  	[tilespmem:s13+$0x50A0] =	vst v0  }
0x32: {  	[tilespmem:s13+$0x50B0] =	vst v0  }
0x33: {  	[tilespmem:s13+$0x50C0] =	vst v0  }
0x34: {  	[tilespmem:s13+$0x50D0] =	vst v0  }
0x35: {  	[tilespmem:s13+$0x50E0] =	vst v0  }
0x36: {  	[tilespmem:s13+$0x50F0] =	vst v0  }
0x37: {  	[spmem:s16] =	stream.linear.scatter [tilespmem:s31], [sflag:$0x5], $0x2800, $0x38;
	[tilespmem:$0x1B900] =	vst v63  }
0x38: {  	_ =	swait.ge [sflag:s11], $0x2800  }
0x39: {  	[sflag:s11] =	ssyncset.done $0x0  }
0x3a: {  	[sflag:s11] =	ssyncadd.s32 $0xFFFFD800  }
0x3b: {  	[spmem:s17] =	stream.linear.scatter [tilespmem:s31], [sflag:$0x5], $0x2800, $0x38;
	[tilespmem:$0x1B900] =	vst v63  }
0x3c: {  	_ =	swait.ge [sflag:s11], $0x2800  }
0x3d: {  	[sflag:s11] =	ssyncset.done $0x0  }
0x3e: {  	[sflag:s11] =	ssyncadd.s32 $0xFFFFD800  }
0x3f: {  	[spmem:s28] =	stream.linear.scatter [tilespmem:s31], [sflag:$0x5], $0x2800, $0x38;
	[tilespmem:$0x1B900] =	vst v63  }
0x40: {  	_ =	swait.ge [sflag:s11], $0x2800  }
0x41: {  	[sflag:s11] =	ssyncset.done $0x0  }
0x42: {  	s2 =	rddreg [dreg:$0xc];
	[sflag:s11] =	ssyncadd.s32 $0xFFFFD800  }
0x43: {  	[spmem:s2] =	stream.linear.scatter [tilespmem:s31], [sflag:$0x5], $0x2800, $0x38;
	[tilespmem:$0x1B900] =	vst v63  }
0x44: {  	_ =	swait.ge [sflag:s11], $0x2800  }
0x45: {  	[sflag:s11] =	ssyncset.done $0x0  }
0x46: {  	s13 =	rddreg [dreg:$0xd];
	[sflag:s11] =	ssyncadd.s32 $0xFFFFD800  }
0x47: {  	[spmem:s13] =	stream.linear.scatter [tilespmem:s31], [sflag:$0x5], $0x2800, $0x38;
	[tilespmem:$0x1B900] =	vst v63  }
0x48: {  	_ =	swait.ge [sflag:s11], $0x2800  }
0x49: {  	[sflag:s11] =	ssyncset.done $0x0  }
0x4a: {  	[sflag:s11] =	ssyncadd.s32 $0xFFFFD800  }
0x4b: {  	[spmem:s21] =	stream.linear.scatter [tilespmem:s31], [sflag:$0x5], $0x2800, $0x38;
	[tilespmem:$0x1B900] =	vst v63  }
0x4c: {  	_ =	swait.ge [sflag:s11], $0x2800  }
0x4d: {  	[sflag:s11] =	ssyncset.done $0x0  }
0x4e: {  	[sflag:s11] =	ssyncadd.s32 $0xFFFFD800  }
0x4f: {  	[spmem:s22] =	stream.linear.scatter [tilespmem:s31], [sflag:$0x5], $0x2800, $0x38;
	[tilespmem:$0x1B900] =	vst v63  }
0x50: {  	_ =	swait.ge [sflag:s11], $0x2800  }
0x51: {  	[sflag:s11] =	ssyncset.done $0x0  }
0x52: {  	[sflag:s11] =	ssyncadd.s32 $0xFFFFD800  }
0x53: {  	[spmem:s23] =	stream.linear.scatter [tilespmem:s31], [sflag:$0x5], $0x2800, $0x38;
	[tilespmem:$0x1B900] =	vst v63  }
0x54: {  	_ =	swait.ge [sflag:s11], $0x2800  }
0x55: {  	[sflag:s11] =	ssyncset.done $0x0  }
0x56: {  	[sflag:s11] =	ssyncadd.s32 $0xFFFFD800  }
0x57: {  	s18 =	smov.u32 s16;
	s16 =	simm.s32 $0x0;
	[bflag:$0x0] =	sbarrier.arrive $0xFFFF  }
0x58: {  	[tilespmem:s16], [sflag:$0x1] =	stream.linear.gather [hbm4b:s24+s16], $0x50, $0x38;
	[tilespmem:$0x1B900] =	vst v63  }
0x59: {  	_ = 	snop  }
0x5a: {  	[tilespmem:s0], [sflag:$0x3] =	stream.linear.gather [hbm4b:s26+s16], $0x2800, $0x38;
	[tilespmem:$0x1B900] =	vst v63  }
0x5b: {  	s25 =	rddreg [dreg:$0xe]  }
0x5c: {  	[tilespmem:s3], [sflag:$0x2] =	stream.linear.gather [hbm4b:s25+s16], $0x50, $0x38;
	[tilespmem:$0x1B900] =	vst v63  }
0x5d: {  	s19 =	smov.u32 s17;
	s17 =	smov.u32 s26;
	s26 =	rddreg [dreg:$0x3]  }
0x5e: {  	[tilespmem:s4], [sflag:$0x4] =	stream.linear.gather [hbm4b:s26+s16], $0x2800, $0x38;
	[tilespmem:$0x1B900] =	vst v63  }
0x5f: {  	_ =	swait.ge [sflag:s5], $0x50  }
0x60: {  	[sflag:s5] =	ssyncset.done $0x0  }
0x61: {  	[sflag:s5] =	ssyncadd.s32 $0xFFFFFFB0  }
0x62: {  	_ =	swait.ge [sflag:s6], $0x2800  }
0x63: {  	[sflag:s6] =	ssyncset.done $0x0  }
0x64: {  	[sflag:s6] =	ssyncadd.s32 $0xFFFFD800  }
0x65: {  	[spmem:s12] =	stream.indirect.scatter.add.f32 [tilespmem:s0], [sflag:$0x5], $0x80, s1, s7, $0xb8;
	[tilespmem:$0x1B900] =	vst v63  }
0x66: {  	_ =	swait.ge [sflag:s11], $0x2800  }
0x67: {  	s13 =	sshrl.u32 s30, $0x3;
	[sflag:s11] =	ssyncset.done $0x0  }
0x68: {  	s2 =	sadd.s32 s15, s13;
	s25 =	sadd.s32 $0x0, s14;
	[sflag:s11] =	ssyncadd.s32 $0xFFFFD800  }
0x69: {  	[tilespmem:s1], [sflag:$0x1] =	stream.linear.gather [hbm4b:s2+s1], $0x50, $0x38;
	[tilespmem:$0x1B900] =	vst v63  }
0x6a: {  	s16 =	sadd.s32 $0xA00, s25  }
0x6b: {  	[tilespmem:s0], [sflag:$0x3] =	stream.linear.gather [hbm4b:s16+s1], $0x2800, $0x38;
	[tilespmem:$0x1B900] =	vst v63  }
0x6c: {  	_ =	swait.ge [sflag:s8], $0x50  }
0x6d: {  	[sflag:s8] =	ssyncset.done $0x0  }
0x6e: {  	[sflag:s8] =	ssyncadd.s32 $0xFFFFFFB0  }
0x6f: {  	_ =	swait.ge [sflag:s9], $0x2800  }
0x70: {  	[sflag:s9] =	ssyncset.done $0x0  }
0x71: {  	s20 =	smov.u32 s28;
	[sflag:s9] =	ssyncadd.s32 $0xFFFFD800  }
0x72: {  	[spmem:s12] =	stream.indirect.scatter.add.f32 [tilespmem:s4], [sflag:$0x5], $0x80, s3, s7, $0xb8;
	[tilespmem:$0x1B900] =	vst v63  }
0x73: {  	s28 =	sadd.s32 $0x14, s29;
	s13 =	simm.s32 $0xA00;
	_ =	swait.ge [sflag:s11], $0x2800  }
0x74: {  	s2 =	sadd.s32 $0xF00, s25;
	[sflag:s11] =	ssyncset.done $0x0;
	s25 =	rddreg [dreg:$0x10]  }
0x75: {  	s26 =	sadd.s32 $0xA0, s30;
	[sflag:s11] =	ssyncadd.s32 $0xFFFFD800;
	s25 =	sadd.s32 $0xFFFFFFEC, s25  }
0x76: {  	[tilespmem:s3], [sflag:$0x2] =	stream.linear.gather [hbm4b:s29+s1], $0x50, $0x38;
	[tilespmem:$0x1B900] =	vst v63  }
.LBB2_4:
0x77: {  	[tilespmem:s4], [sflag:$0x4] =	stream.linear.gather [hbm4b:s2+s1], $0x2800, $0x38;
	[tilespmem:$0x1B900] =	vst v63  }
0x78: {  	s2 =	smov.u32 s13;
	s13 =	sadd.s32 $0xA00, s13;
	_ =	swait.ge [sflag:s5], $0x50  }
0x79: {  	p0 =	sne.s32 s13, $0x26200;
	[sflag:s5] =	ssyncset.done $0x0  }
0x7a: {  	[sflag:s5] =	ssyncadd.s32 $0xFFFFFFB0  }
0x7b: {  	_ =	swait.ge [sflag:s6], $0x2800  }
0x7c: {  	[sflag:s6] =	ssyncset.done $0x0  }
0x7d: {  	[sflag:s6] =	ssyncadd.s32 $0xFFFFD800  }
0x7e: {  	[spmem:s12] =	stream.indirect.scatter.add.f32 [tilespmem:s0], [sflag:$0x5], $0x80, s1, s7, $0xb8;
	[tilespmem:$0x1B900] =	vst v63  }
0x7f: {  	_ =	swait.ge [sflag:s11], $0x2800  }
0x80: {  	s16 =	sshrl.u32 s26, $0x3;
	[sflag:s11] =	ssyncset.done $0x0  }
0x81: {  	s16 =	sadd.s32 s15, s16;
	s2 =	sadd.s32 s2, s14;
	[sflag:s11] =	ssyncadd.s32 $0xFFFFD800  }
0x82: {  	[tilespmem:s1], [sflag:$0x1] =	stream.linear.gather [hbm4b:s16+s1], $0x50, $0x38;
	[tilespmem:$0x1B900] =	vst v63  }
0x83: {  	s16 =	sadd.s32 $0xA00, s2  }
0x84: {  	[tilespmem:s0], [sflag:$0x3] =	stream.linear.gather [hbm4b:s16+s1], $0x2800, $0x38;
	[tilespmem:$0x1B900] =	vst v63  }
0x85: {  	_ =	swait.ge [sflag:s8], $0x50  }
0x86: {  	[sflag:s8] =	ssyncset.done $0x0  }
0x87: {  	[sflag:s8] =	ssyncadd.s32 $0xFFFFFFB0  }
0x88: {  	_ =	swait.ge [sflag:s9], $0x2800  }
0x89: {  	[sflag:s9] =	ssyncset.done $0x0  }
0x8a: {  	[sflag:s9] =	ssyncadd.s32 $0xFFFFD800  }
0x8b: {  	[spmem:s12] =	stream.indirect.scatter.add.f32 [tilespmem:s4], [sflag:$0x5], $0x80, s3, s7, $0xb8;
	[tilespmem:$0x1B900] =	vst v63  }
.Ltmp1:
0x8c: {  	_ =	swait.ge [sflag:s11], $0x2800;
	(pc) =	sbr.rel @p0 .LBB2_4-.Ltmp1, $4  }
0x8d: {  	[sflag:s11] =	ssyncset.done $0x0  }
0x8e: {  	s26 =	sadd.s32 $0xA0, s26;
	[sflag:s11] =	ssyncadd.s32 $0xFFFFD800  }
0x8f: {  	[tilespmem:s3], [sflag:$0x2] =	stream.linear.gather [hbm4b:s28+s1], $0x50, $0x38;
	[tilespmem:$0x1B900] =	vst v63  }
0x90: {  	s25 =	sadd.s32 $0xFFFFFFEC, s25;
	s2 =	sadd.s32 $0xF00, s2;
	s28 =	sadd.s32 $0x14, s28  }
0x91: {  	[tilespmem:s4], [sflag:$0x4] =	stream.linear.gather [hbm4b:s2+s1], $0x2800, $0x38;
	[tilespmem:$0x1B900] =	vst v63  }
0x92: {  	_ =	swait.ge [sflag:s5], $0x50  }
0x93: {  	[sflag:s5] =	ssyncset.done $0x0  }
0x94: {  	[sflag:s5] =	ssyncadd.s32 $0xFFFFFFB0  }
0x95: {  	_ =	swait.ge [sflag:s6], $0x2800  }
0x96: {  	[sflag:s6] =	ssyncset.done $0x0  }
0x97: {  	[sflag:s6] =	ssyncadd.s32 $0xFFFFD800  }
0x98: {  	[spmem:s12] =	stream.indirect.scatter.add.f32 [tilespmem:s0], [sflag:$0x5], $0x80, s1, s7, $0xb8;
	[tilespmem:$0x1B900] =	vst v63  }
0x99: {  	_ =	swait.ge [sflag:s11], $0x2800  }
0x9a: {  	[sflag:s11] =	ssyncset.done $0x0  }
0x9b: {  	s26 =	ssub.s32 $0x0, s25;
	s16 =	sadd.s32 s13, s14;
	[sflag:s11] =	ssyncadd.s32 $0xFFFFD800  }
0x9c: {  	[tilespmem:s1], [sflag:$0x1] =	stream.linear.gather [hbm4b:s26+s1], $0x50, $0x38;
	[tilespmem:$0x1B900] =	vst v63  }
0x9d: {  	s2 =	sadd.s32 $0xA00, s16  }
0x9e: {  	[tilespmem:s0], [sflag:$0x3] =	stream.linear.gather [hbm4b:s2+s1], $0x2800, $0x38;
	[tilespmem:$0x1B900] =	vst v63  }
0x9f: {  	_ =	swait.ge [sflag:s8], $0x50  }
0xa0: {  	[sflag:s8] =	ssyncset.done $0x0  }
0xa1: {  	[sflag:s8] =	ssyncadd.s32 $0xFFFFFFB0  }
0xa2: {  	_ =	swait.ge [sflag:s9], $0x2800  }
0xa3: {  	[sflag:s9] =	ssyncset.done $0x0  }
0xa4: {  	[sflag:s9] =	ssyncadd.s32 $0xFFFFD800  }
0xa5: {  	[spmem:s12] =	stream.indirect.scatter.add.f32 [tilespmem:s4], [sflag:$0x5], $0x80, s3, s7, $0xb8;
	[tilespmem:$0x1B900] =	vst v63  }
0xa6: {  	_ =	swait.ge [sflag:s11], $0x2800  }
0xa7: {  	[sflag:s11] =	ssyncset.done $0x0  }
0xa8: {  	[sflag:s11] =	ssyncadd.s32 $0xFFFFD800  }
0xa9: {  	[tilespmem:s3], [sflag:$0x2] =	stream.linear.gather [hbm4b:s24+s1], $0x50, $0x38;
	[tilespmem:$0x1B900] =	vst v63  }
0xaa: {  	_ = 	snop  }
0xab: {  	[tilespmem:s4], [sflag:$0x4] =	stream.linear.gather [hbm4b:s17+s1], $0x2800, $0x38;
	[tilespmem:$0x1B900] =	vst v63  }
0xac: {  	_ =	swait.ge [sflag:s5], $0x50  }
0xad: {  	[sflag:s5] =	ssyncset.done $0x0  }
0xae: {  	[sflag:s5] =	ssyncadd.s32 $0xFFFFFFB0  }
0xaf: {  	_ =	swait.ge [sflag:s6], $0x2800  }
0xb0: {  	[sflag:s6] =	ssyncset.done $0x0  }
0xb1: {  	[sflag:s6] =	ssyncadd.s32 $0xFFFFD800  }
0xb2: {  	[spmem:s12] =	stream.indirect.scatter.add.f32 [tilespmem:s0], [sflag:$0x5], $0x80, s1, s7, $0xb8;
	[tilespmem:$0x1B900] =	vst v63  }
0xb3: {  	_ =	swait.ge [sflag:s11], $0x2800  }
0xb4: {  	[sflag:s11] =	ssyncset.done $0x0  }
0xb5: {  	[sflag:s11] =	ssyncadd.s32 $0xFFFFD800  }
0xb6: {  	_ =	swait.ge [sflag:s8], $0x50  }
0xb7: {  	[sflag:s8] =	ssyncset.done $0x0  }
0xb8: {  	[sflag:s8] =	ssyncadd.s32 $0xFFFFFFB0  }
0xb9: {  	_ =	swait.ge [sflag:s9], $0x2800  }
0xba: {  	[sflag:s9] =	ssyncset.done $0x0  }
0xbb: {  	[sflag:s9] =	ssyncadd.s32 $0xFFFFD800  }
0xbc: {  	[bflag:$0x0] =	sbarrier.arrive $0xFFFF  }
0xbd: {  	[tilespmem:s31], [sflag:$0x5] =	stream.linear.gather [spmem:s18], $0x2800, $0x38;
	[tilespmem:$0x1B900] =	vst v63  }
0xbe: {  	_ =	swait.ge [sflag:s11], $0x2800  }
0xbf: {  	[sflag:s11] =	ssyncset.done $0x0  }
0xc0: {  	s25 =	rddreg [dreg:$0x4];
	[sflag:s11] =	ssyncadd.s32 $0xFFFFD800  }
0xc1: {  	[hbm4b:s25+s1] =	stream.linear.scatter [tilespmem:s31], [sflag:$0x5], $0x2800, $0x38;
	[tilespmem:$0x1B900] =	vst v63  }
0xc2: {  	_ =	swait.ge [sflag:s11], $0x2800  }
0xc3: {  	[sflag:s11] =	ssyncset.done $0x0  }
0xc4: {  	[sflag:s11] =	ssyncadd.s32 $0xFFFFD800  }
0xc5: {  	[tilespmem:s31], [sflag:$0x5] =	stream.linear.gather [spmem:s19], $0x2800, $0x38;
	[tilespmem:$0x1B900] =	vst v63  }
0xc6: {  	_ =	swait.ge [sflag:s11], $0x2800  }
0xc7: {  	[sflag:s11] =	ssyncset.done $0x0  }
0xc8: {  	s13 =	rddreg [dreg:$0x5];
	[sflag:s11] =	ssyncadd.s32 $0xFFFFD800  }
0xc9: {  	[hbm4b:s13+s1] =	stream.linear.scatter [tilespmem:s31], [sflag:$0x5], $0x2800, $0x38;
	[tilespmem:$0x1B900] =	vst v63  }
0xca: {  	_ =	swait.ge [sflag:s11], $0x2800  }
0xcb: {  	[sflag:s11] =	ssyncset.done $0x0  }
0xcc: {  	[sflag:s11] =	ssyncadd.s32 $0xFFFFD800  }
0xcd: {  	[tilespmem:s31], [sflag:$0x5] =	stream.linear.gather [spmem:s20], $0x2800, $0x38;
	[tilespmem:$0x1B900] =	vst v63  }
0xce: {  	_ =	swait.ge [sflag:s11], $0x2800  }
0xcf: {  	[sflag:s11] =	ssyncset.done $0x0  }
0xd0: {  	s16 =	smov.u32 s18;
	s18 =	rddreg [dreg:$0x6];
	[sflag:s11] =	ssyncadd.s32 $0xFFFFD800  }
0xd1: {  	[hbm4b:s18+s1] =	stream.linear.scatter [tilespmem:s31], [sflag:$0x5], $0x2800, $0x38;
	[tilespmem:$0x1B900] =	vst v63  }
0xd2: {  	_ =	swait.ge [sflag:s11], $0x2800  }
0xd3: {  	s26 =	smov.u32 s17;
	[sflag:s11] =	ssyncset.done $0x0  }
0xd4: {  	s17 =	smov.u32 s19;
	s19 =	rddreg [dreg:$0xc];
	[sflag:s11] =	ssyncadd.s32 $0xFFFFD800  }
0xd5: {  	[tilespmem:s31], [sflag:$0x5] =	stream.linear.gather [spmem:s19], $0x2800, $0x38;
	[tilespmem:$0x1B900] =	vst v63  }
0xd6: {  	_ =	swait.ge [sflag:s11], $0x2800  }
0xd7: {  	[sflag:s11] =	ssyncset.done $0x0  }
0xd8: {  	s28 =	smov.u32 s20;
	s20 =	rddreg [dreg:$0x7];
	[sflag:s11] =	ssyncadd.s32 $0xFFFFD800  }
0xd9: {  	[hbm4b:s20+s1] =	stream.linear.scatter [tilespmem:s31], [sflag:$0x5], $0x2800, $0x38;
	[tilespmem:$0x1B900] =	vst v63  }
0xda: {  	_ =	swait.ge [sflag:s11], $0x2800  }
0xdb: {  	[sflag:s11] =	ssyncset.done $0x0  }
0xdc: {  	s25 =	rddreg [dreg:$0xd];
	[sflag:s11] =	ssyncadd.s32 $0xFFFFD800  }
0xdd: {  	[tilespmem:s31], [sflag:$0x5] =	stream.linear.gather [spmem:s25], $0x2800, $0x38;
	[tilespmem:$0x1B900] =	vst v63  }
0xde: {  	_ =	swait.ge [sflag:s11], $0x2800  }
0xdf: {  	[sflag:s11] =	ssyncset.done $0x0  }
0xe0: {  	s13 =	rddreg [dreg:$0x8];
	[sflag:s11] =	ssyncadd.s32 $0xFFFFD800  }
0xe1: {  	[hbm4b:s13+s1] =	stream.linear.scatter [tilespmem:s31], [sflag:$0x5], $0x2800, $0x38;
	[tilespmem:$0x1B900] =	vst v63  }
0xe2: {  	_ =	swait.ge [sflag:s11], $0x2800  }
0xe3: {  	[sflag:s11] =	ssyncset.done $0x0  }
0xe4: {  	[sflag:s11] =	ssyncadd.s32 $0xFFFFD800  }
0xe5: {  	[tilespmem:s31], [sflag:$0x5] =	stream.linear.gather [spmem:s21], $0x2800, $0x38;
	[tilespmem:$0x1B900] =	vst v63  }
0xe6: {  	_ =	swait.ge [sflag:s11], $0x2800  }
0xe7: {  	[sflag:s11] =	ssyncset.done $0x0  }
0xe8: {  	s18 =	rddreg [dreg:$0x9];
	[sflag:s11] =	ssyncadd.s32 $0xFFFFD800  }
0xe9: {  	[hbm4b:s18+s1] =	stream.linear.scatter [tilespmem:s31], [sflag:$0x5], $0x2800, $0x38;
	[tilespmem:$0x1B900] =	vst v63  }
0xea: {  	_ =	swait.ge [sflag:s11], $0x2800  }
0xeb: {  	[sflag:s11] =	ssyncset.done $0x0  }
0xec: {  	[sflag:s11] =	ssyncadd.s32 $0xFFFFD800  }
0xed: {  	[tilespmem:s31], [sflag:$0x5] =	stream.linear.gather [spmem:s22], $0x2800, $0x38;
	[tilespmem:$0x1B900] =	vst v63  }
0xee: {  	_ =	swait.ge [sflag:s11], $0x2800  }
0xef: {  	[sflag:s11] =	ssyncset.done $0x0  }
0xf0: {  	s19 =	rddreg [dreg:$0xa];
	[sflag:s11] =	ssyncadd.s32 $0xFFFFD800  }
0xf1: {  	[hbm4b:s19+s1] =	stream.linear.scatter [tilespmem:s31], [sflag:$0x5], $0x2800, $0x38;
	[tilespmem:$0x1B900] =	vst v63  }
0xf2: {  	_ =	swait.ge [sflag:s11], $0x2800  }
0xf3: {  	[sflag:s11] =	ssyncset.done $0x0  }
0xf4: {  	[sflag:s11] =	ssyncadd.s32 $0xFFFFD800  }
0xf5: {  	[tilespmem:s31], [sflag:$0x5] =	stream.linear.gather [spmem:s23], $0x2800, $0x38;
	[tilespmem:$0x1B900] =	vst v63  }
0xf6: {  	_ =	swait.ge [sflag:s11], $0x2800  }
0xf7: {  	[sflag:s11] =	ssyncset.done $0x0  }
0xf8: {  	s20 =	rddreg [dreg:$0xb];
	[sflag:s11] =	ssyncadd.s32 $0xFFFFD800  }
0xf9: {  	[hbm4b:s20+s1] =	stream.linear.scatter [tilespmem:s31], [sflag:$0x5], $0x2800, $0x38;
	[tilespmem:$0x1B900] =	vst v63  }
0xfa: {  	_ =	swait.ge [sflag:s11], $0x2800  }
0xfb: {  	s10 =	sadd.s32 $0x1, s10;
	s25 =	rddreg [dreg:$0xf]  }
0xfc: {  	p0 =	sne.s32 s10, s25  }
.Ltmp2:
0xfd: {  	_ = 	snop;
	(pc) =	sbr.rel @p0 .LBB2_1-.Ltmp2, $3  }
0xfe: {  	_ =	sdelay $0x1  }
0xff: {  	[sflag:s11] =	ssyncset.done $0x0  }
0x100: {  	[sflag:s11] =	ssyncadd.s32 $0xFFFFD800  }
0x101: {  	_ =	sfence.sel $0x180000  }
0x102: {  	[bflag:$0x0] =	sbarrier.arrive $0xFFFF  }
0x103: {  	_ =	strace $0x9000004A  }
0x104: {  	s0 =	stileid.u32;
	[bflag:$0x2] =	sbarrier.arrive $0xFFFF  }
0x105: {  	p0 =	sne.s32 s0, $0x0;
	s0 =	rddreg [dreg:$0x2]  }
0x106: {  	s0 =	sadd.s32 @!p0 $0x100000, s0  }
0x107: {  	[sflag:s0] =	ssyncadd.tile.s32 @!p0 $0x1;
	_ =	shalt  }
.Lfunc_end2:
_tile_overlayer_lowered:
.L_overlay_start_2:
0x108: {  	(tag) =	ssettag $0x2  }
0x109: {  	s0 =	rddreg [dreg:$0x0];
	s2 =	stileid.u32  }
0x10a: {  	s1 =	rddreg [dreg:$0x1];
	p0 =	sne.s32 s2, $0x0  }
0x10b: {  	s3 =	rddreg [dreg:$0x2];
	[bflag:$0x3] =	sbarrier.arrive $0xFFFF;
	s2 =	simm.s32 @!p0 $0x1C05  }
0x10c: {  	[timem:s3], [sflag:s2] =	dma.local @!p0 [hbm:s0], s1  }
0x10d: {  	s0 =	simm.s32 @!p0 $0x5  }
0x10e: {  	_ =	swait.ge @!p0 [sflag:s0], s1  }
0x10f: {  	s1 =	ssub.s32 @!p0 $0x0, s1;
	[sflag:s0] =	ssyncset.done @!p0 $0x0  }
0x110: {  	[sflag:s0] =	ssyncadd.s32 @!p0 s1  }
0x111: {  	[bflag:$0x3] =	sbarrier.arrive $0xFFFF  }
0x112: {  	_ =	shalt  }

// kernel: kernel.18.cloned.1.call-start
scs
__scs_entry_jumppad:
0x0: {  	(pc) =	sbr.rel $0x88, $3  }
0x1: {  	(tag) =	ssettag $0x0;
	lr =	simm.s32 $0x1  }
0x2: {  	[smem:$0x3F7F] =	sst lr;
	_ =	strace $0xD0000000  }
0x3: {  	_ = 	snop  }
0x4: {  	_ = 	snop  }
0x5: {  	_ = 	snop  }
0x6: {  	_ = 	snop  }
0x7: {  	_ = 	snop  }
__scs_overlays_trampoline_lowered:
0x8: {  	[smem:$0x3F8E] =	sst s0  }
0x9: {  	[smem:$0x3F8F] =	sst s1  }
0xa: {  	[smem:$0x3F90] =	sst s2  }
0xb: {  	[smem:$0x3F91] =	sst s3  }
0xc: {  	[smem:$0x3F92] =	sst s4  }
0xd: {  	[smem:$0x3F93] =	sst s5  }
0xe: {  	[smem:$0x3F94] =	sst s6  }
0xf: {  	[smem:$0x3F95] =	sst s7  }
0x10: {  	[smem:$0x3F96] =	sst s8  }
0x11: {  	[smem:$0x3F97] =	sst s9;
	s0 =	simm.s32 @!p0 $0x0  }
0x12: {  	s1 =	sld [smem:$0x3F7D];
	s0 =	simm.s32 @p0 $0x1  }
0x13: {  	[smem:$0x3F98] =	sst s0;
	s0 =	simm.s32 @!p1 $0x0  }
0x14: {  	s2 =	sld [smem:$0x3F7C];
	s0 =	simm.s32 @p1 $0x1  }
0x15: {  	[smem:$0x3F99] =	sst s0;
	s0 =	simm.s32 @!p2 $0x0  }
0x16: {  	s3 =	sld [smem:$0x3FDB];
	s0 =	simm.s32 @p2 $0x1  }
0x17: {  	s4 =	simm.s32 $0x1BF5;
	[smem:$0x3F9B] =	sst s0  }
0x18: {  	s0 =	sld [smem:$0x3F7E];
	_ =	swait.ge [sflag:s4], $0x0  }
0x19: {  	s7 =	sld [smem:$0x3F7F]  }
0x1a: {  	s8 =	sadd.s32 $0xFFFFE003, lr  }
0x1b: {  	s9 =	sadd.s32 $0xFFFFFEF7, lr;
	s5 =	simm.s32 $0xFFFFFFFF;
	p2 =	slt.u32 s8, $0xFFFFF086  }
0x1c: {  	p1 =	slt.u32 s9, $0xF7A;
	s5 =	simm.s32 @!p2 $0x0  }
0x1d: {  	s5 =	simm.s32 @p1 $0x1;
	p0 =	seq.s32 s7, s2  }
0x1e: {  	s7 =	smul.u32 @!p0 $0xF7A, s2;
	p2 =	seq.s32 @!p0 s5, $0x0  }
0x1f: {  	s9 =	smul.u32 $0xF7A, s1;
	s8 =	simm.s32 @!p0 $0x1BF5;
	p2 =	por !p2, p0  }
0x20: {  	[sflag:s8] =	ssyncset.s32 @!p0 $0xFFFFF086;
	s6 =	sadd.s32 @!p0 s3, s7;
	s7 =	simm.s32 @!p0 $0x108  }
0x21: {  	s3 =	sadd.s32 s3, s9;
	s6 =	sadd.s32 @!p0 $0x88, s6;
	s7 =	simm.s32 @p2 $0x1082  }
0x22: {  	[simem:s7], [sflag:s8] =	dma.local @!p0 [hbm:s6], $0xF7A  }
0x23: {  	s9 =	sor.u32 $0xD0000000, s2;
	s6 =	simm.s32 $0x108;
	_ =	swait.ge @!p0 [sflag:s8], $0x0  }
0x24: {  	s3 =	sadd.s32 $0x88, s3;
	s6 =	simm.s32 @!p1 $0x1082;
	[sflag:s4] =	ssyncset.s32 $0xFFFFF086  }
0x25: {  	[simem:s6], [sflag:s4] =	dma.local [hbm:s3], $0xF7A  }
0x26: {  	[smem:$0x3F7F] =	sst s1;
	(tag) =	ssettag s2;
	_ =	strace s9  }
0x27: {  	s1 =	sld [smem:$0x3F8F]  }
0x28: {  	s2 =	sld [smem:$0x3F90]  }
0x29: {  	s4 =	sld [smem:$0x3F92]  }
0x2a: {  	p0 =	seq.s32 s5, $0x0;
	s5 =	sld [smem:$0x3F93]  }
0x2b: {  	s6 =	sld [smem:$0x3F94]  }
0x2c: {  	s7 =	sld [smem:$0x3F95]  }
0x2d: {  	s3 =	simm.s32 $0x108;
	s8 =	sld [smem:$0x3F96]  }
0x2e: {  	s3 =	simm.s32 @!p0 $0x1082;
	s9 =	sld [smem:$0x3F97]  }
0x2f: {  	lr =	sadd.s32 s0, s3;
	s0 =	sld [smem:$0x3F8E]  }
0x30: {  	s3 =	sld [smem:$0x3F91]  }
0x31: {  	[smem:$0x3F9A] =	sst s10  }
0x32: {  	s10 =	sld [smem:$0x3F98];
	_ =	sdelay $0x3  }
0x33: {  	p0 =	seq.s32 s10, $0x1;
	s10 =	sld [smem:$0x3F9A];
	_ =	sdelay $0x3  }
0x34: {  	[smem:$0x3F9A] =	sst s10  }
0x35: {  	s10 =	sld [smem:$0x3F99];
	_ =	sdelay $0x3  }
0x36: {  	p1 =	seq.s32 s10, $0x1;
	s10 =	sld [smem:$0x3F9A];
	_ =	sdelay $0x3  }
0x37: {  	[smem:$0x3F9A] =	sst s10  }
0x38: {  	s10 =	sld [smem:$0x3F9B]  }
0x39: {  	_ = 	snop;
	(pc) =	sbr.ind lr, $3  }
0x3a: {  	_ = 	snop  }
0x3b: {  	_ = 	snop  }
0x3c: {  	p2 =	seq.s32 s10, $0x1;
	s10 =	sld [smem:$0x3F9A]  }
0x3d: {  	_ =	shalt  }
0x3e: {  	_ =	shalt  }
0x3f: {  	_ =	shalt  }
0x40: {  	_ =	shalt  }
0x41: {  	_ =	shalt  }
0x42: {  	_ =	shalt  }
0x43: {  	_ =	shalt  }
0x44: {  	_ =	shalt  }
0x45: {  	_ =	shalt  }
0x46: {  	_ =	shalt  }
0x47: {  	_ =	shalt  }
0x48: {  	_ =	shalt  }
0x49: {  	_ =	shalt  }
0x4a: {  	_ =	shalt  }
0x4b: {  	_ =	shalt  }
0x4c: {  	_ =	shalt  }
0x4d: {  	_ =	shalt  }
0x4e: {  	_ =	shalt  }
0x4f: {  	_ =	shalt  }
0x50: {  	_ =	shalt  }
0x51: {  	_ =	shalt  }
0x52: {  	_ =	shalt  }
0x53: {  	_ =	shalt  }
0x54: {  	_ =	shalt  }
0x55: {  	_ =	shalt  }
0x56: {  	_ =	shalt  }
0x57: {  	_ =	shalt  }
0x58: {  	_ =	shalt  }
0x59: {  	_ =	shalt  }
0x5a: {  	_ =	shalt  }
0x5b: {  	_ =	shalt  }
0x5c: {  	_ =	shalt  }
0x5d: {  	_ =	shalt  }
0x5e: {  	_ =	shalt  }
0x5f: {  	_ =	shalt  }
0x60: {  	_ =	shalt  }
0x61: {  	_ =	shalt  }
0x62: {  	_ =	shalt  }
0x63: {  	_ =	shalt  }
0x64: {  	_ =	shalt  }
0x65: {  	_ =	shalt  }
0x66: {  	_ =	shalt  }
0x67: {  	_ =	shalt  }
0x68: {  	_ =	shalt  }
0x69: {  	_ =	shalt  }
0x6a: {  	_ =	shalt  }
0x6b: {  	_ =	shalt  }
0x6c: {  	_ =	shalt  }
0x6d: {  	_ =	shalt  }
0x6e: {  	_ =	shalt  }
0x6f: {  	_ =	shalt  }
0x70: {  	_ =	shalt  }
0x71: {  	_ =	shalt  }
0x72: {  	_ =	shalt  }
0x73: {  	_ =	shalt  }
0x74: {  	_ =	shalt  }
0x75: {  	_ =	shalt  }
0x76: {  	_ =	shalt  }
0x77: {  	_ =	shalt  }
0x78: {  	_ =	shalt  }
0x79: {  	_ =	shalt  }
0x7a: {  	_ =	shalt  }
0x7b: {  	_ =	shalt  }
0x7c: {  	_ =	shalt  }
0x7d: {  	_ =	shalt  }
0x7e: {  	_ =	shalt  }
0x7f: {  	_ =	shalt  }
0x80: {  	_ =	shalt  }
0x81: {  	_ =	shalt  }
0x82: {  	_ =	shalt  }
0x83: {  	_ =	shalt  }
0x84: {  	_ =	shalt  }
0x85: {  	_ =	shalt  }
0x86: {  	_ =	shalt  }
0x87: {  	_ =	shalt  }
.Lfunc_end0:
.L_simem_size_0:
called_computation.2_lowered:
.L_overlay_start_0:
0x88: {  	s2 =	sld [smem:$0x3FD9]  }
0x89: {  	s3 =	sld [smem:$0x3FFE];
	_ =	sdelay $0x1  }
0x8a: {  	s1 =	srdreg.scid  }
0x8b: {  	s0 =	sand.u32 $0x1, s1  }
0x8c: {  	s16 =	sshll.u32 s0, $0xA;
	s2 =	sadd.s32 s3, s2  }
0x8d: {  	s2 =	sadd.s32 s2, s16  }
0x8e: {  	[smem:$0x3FA6] =	sst s2  }
0x8f: {  	_ = 	snop  }
0x90: {  	(tm) =	ssettm $0x1  }
0x91: {  	s17 =	sld [smem:$0x3FFB];
	_ =	sdelay $0x3  }
0x92: {  	_ =	strace s17  }
0x93: {  	s2 =	sld [smem:$0x3FFC];
	_ =	sdelay $0x3  }
0x94: {  	_ =	strace s2  }
0x95: {  	s2 =	sld [smem:$0x3FFD];
	_ =	sdelay $0x3  }
0x96: {  	_ =	strace s2  }
0x97: {  	_ =	strace $0x8FFFFFFF  }
0x98: {  	s18 =	sld [smem:$0x3FDB];
	_ =	sdelay $0x1  }
0x99: {  	s19 =	simm.s32 $_scs_section_size  }
0x9a: {  	s4 =	simm.s32 $_size__tile_overlayer_lowered;
	s5 =	simm.s32 $_tile_overlayer_lowered  }
0x9b: {  	s22 =	simm.s32 $0x1BFF;
	s21 =	sshll.u32 s5, $0x1;
	s2 =	sadd.s32 s19, s18  }
0x9c: {  	s6 =	simm.s32 $0x0;
	s20 =	sshll.u32 s4, $0x1;
	s4 =	sadd.s32 s21, s2  }
0x9d: {  	[timem:s6], [sflag:s22] =	dma.local [hbm:s4], s20  }
0x9e: {  	_ =	swait.ge [sflag:s22], s20  }
0x9f: {  	s3 =	ssub.s32 $0x0, s20;
	[sflag:s22] =	ssyncset.done $0x0  }
0xa0: {  	[sflag:s22] =	ssyncadd.s32 s3;
	_ =	sdelay $0x1  }
0xa1: {  	s23 =	simm.s32 $0x1B8B  }
0xa2: {  	_ =	swait.ge [sflag:s23], $0x1  }
0xa3: {  	[sflag:s23] =	ssyncset.done $0x0  }
0xa4: {  	s25 =	simm.s32 $0x1B8E;
	s24 =	sld [smem:$0x3FFE];
	[sflag:s23] =	ssyncadd.s32 $0xFFFFFFFF  }
0xa5: {  	s26 =	simm.s32 $execute0_lowered;
	[smem:$0x3FD2] =	sst s25  }
0xa6: {  	s4 =	sshll.u32 s26, $0x1;
	_ =	strace $0x8000004C;
	[dreg:$0x1] =	wrdreg $0xFFFFFFFF  }
0xa7: {  	s28 =	simm.s32 $_size_execute0_lowered;
	s2 =	sadd.s32 s2, s4;
	[dreg:$0x0] =	wrdreg $0x0  }
0xa8: {  	s4 =	sshll.u32 s28, $0x1;
	[dreg:$0x2] =	wrdreg s2  }
0xa9: {  	[dreg:$0x3] =	wrdreg s4  }
0xaa: {  	[dreg:$0x4] =	wrdreg $0xC0  }
0xab: {  	_ =	task [dreg:s6], $0x5FFFF  }
0xac: {  	[dreg:$0x1] =	wrdreg $0xFFFFFFFF  }
0xad: {  	[dreg:$0x0] =	wrdreg $0x60  }
0xae: {  	[dreg:$0x2] =	wrdreg s24  }
0xaf: {  	[dreg:$0x3] =	wrdreg $0x9  }
0xb0: {  	_ =	task.clear_ibuf [dreg:s6], $0x4FFFF;
	_ =	strace $0x9000004C  }
0xb1: {  	s29 =	simm.s32 $0x9;
	_ =	strace $0x8000004E  }
0xb2: {  	_ =	swait.ge [sflag:s29], $0x1  }
0xb3: {  	[sflag:s29] =	ssyncadd.s32 $0xFFFFFFFF  }
0xb4: {  	_ =	strace $0x9000004E  }
0xb5: {  	_ =	sfence  }
0xb6: {  	s30 =	sld [smem:$0x0];
	_ =	sdelay $0x2  }
0xb7: {  	s31 =	sshll.u32 s1, $0xD;
	s1 =	sshrl.u32 s1, $0x2  }
0xb8: {  	s3 =	sand.u32 $0x4000, s31;
	s1 =	sadd.s32 s1, s30  }
0xb9: {  	s0 =	sor.u32 s3, s0;
	s1 =	sshll.u32 s1, $0x11  }
0xba: {  	s0 =	sor.u32 s1, s0  }
0xbb: {  	s0 =	sadd.s32 $0x8F2B, s0  }
0xbc: {  	[sflag:s0] =	ssyncadd.remote.s32 $0x1  }
0xbd: {  	_ =	sfence.sel $0xFFFF  }
0xbe: {  	[dreg:$0x0] =	wrdreg $0xFFFFFFFF;
	(pc) =	sbr.abs _section_cstart, $3  }
0xbf: {  	[dreg:$0x1] =	wrdreg $0xFFFFFFFF  }
0xc0: {  	_ =	task.clear_ibuf [dreg:s6], $0x2FFFF;
	_ =	strace $0x9FFFFFFF  }
0xc1: {  	(tm) =	ssettm $0x7FFFFFFF  }
tec
execute0_lowered:
.L_overlay_start_1:
0x0: {  	(tag) =	ssettag $0x1  }
0x1: {  	s0 =	srdreg.scid  }
0x2: {  	s2 =	stileid.u32;
	s1 =	rddreg [dreg:$0x0];
	s11 =	simm.s32 $0x7  }
0x3: {  	s12 =	simm.s32 $0x2780;
	s13 =	simm.s32 $0x50;
	s14 =	simm.s32 $0x4F00  }
0x4: {  	s16 =	simm.s32 $0x9F00;
	s18 =	simm.s32 $0xC700;
	s19 =	simm.s32 $0x11700  }
0x5: {  	s20 =	simm.s32 $0x1;
	s21 =	simm.s32 $0x4;
	s22 =	simm.s32 $0x2  }
0x6: {  	s23 =	simm.s32 $0x5;
	s24 =	simm.s32 $0x3;
	s25 =	simm.s32 $0xEF00  }
0x7: {  	s26 =	simm.s32 $0x6;
	s0 =	sand.u32 $0x1, s0;
	s3 =	sshll.u32 s2, $0x1  }
0x8: {  	s28 =	simm.s32 $0x0;
	s2 =	simm.s32 $0x0;
	s3 =	sor.u32 s0, s3  }
0x9: {  	s4 =	sadd.s32 $0x1B000, s1;
	s0 =	ssub.s32 $0x2, s0;
	s3 =	smul.u32 $0x2710, s3  }
0xa: {  	s5 =	sadd.s32 $0x42200, s1;
	[smem:$0x7FF] =	sst s2;
	s7 =	sshrl.u32 s0, $0x1  }
0xb: {  	_ =	strace $0x8000004D;
	s0 =	ssub.s32 s0, s7;
	s6 =	sshrl.u32 s3, $0x3  }
0xc: {  	s9 =	smax.u32 s0, $0x1;
	s10 =	sadd.s32 $0x50, s3;
	s8 =	sadd.s32 s6, s1  }
0xd: {  	s6 =	sadd.s32 $0x90600, s1;
	s7 =	sadd.s32 $0x7400, s8;
	s8 =	sadd.s32 $0x11200, s8  }
.LBB2_1:
0xe: {  	[tilespmem:s2], [sflag:$0x7] =	stream.linear.gather [hbm4b:s7+s2], $0x2710, $0x38;
	[tilespmem:$0x13F00] =	vst v63  }
0xf: {  	_ =	swait.ge [sflag:s11], $0x2710  }
0x10: {  	[sflag:s11] =	ssyncset.done $0x0  }
0x11: {  	[sflag:s11] =	ssyncadd.s32 $0xFFFFD8F0  }
0x12: {  	[tilespmem:s12], [sflag:$0x7] =	stream.linear.gather [hbm4b:s8+s2], $0x2710, $0x38;
	[tilespmem:$0x13F00] =	vst v63  }
0x13: {  	_ =	swait.ge [sflag:s11], $0x2710  }
0x14: {  	[sflag:s11] =	ssyncset.done $0x0  }
0x15: {  	[sflag:s11] =	ssyncadd.s32 $0xFFFFD8F0  }
0x16: {  	[tilespmem:s14], [sflag:$0x1] =	stream.indirect.gather [hbm4b:s4+s13], $0x80, s2, s13, $0xb8;
	[tilespmem:$0x13F00] =	vst v63  }
0x17: {  	s0 =	simm.s32 $0x7700  }
0x18: {  	[tilespmem:s0], [sflag:$0x1] =	stream.indirect.gather [hbm4b:s5+s13], $0x80, s12, s13, $0xb8;
	[tilespmem:$0x13F00] =	vst v63  }
0x19: {  	_ = 	snop  }
0x1a: {  	[tilespmem:s16], [sflag:$0x2] =	stream.indirect.gather [hbm4b:s4+s13], $0x80, s13, s13, $0xb8;
	[tilespmem:$0x13F00] =	vst v63  }
0x1b: {  	s31 =	simm.s32 $0x27D0;
	s29 =	simm.s32 $0x0  }
0x1c: {  	[tilespmem:s18], [sflag:$0x2] =	stream.indirect.gather [hbm4b:s5+s13], $0x80, s31, s13, $0xb8;
	[tilespmem:$0x13F00] =	vst v63  }
.LBB2_2:
0x1d: {  	p0 =	seq.s32 s29, $0x0  }
0x1e: {  	s0 =	simm.s32 @p0 $0x50;
	s1 =	simm.s32 @p0 $0xA0;
	s30 =	simm.s32 @p0 $0xEF00  }
0x1f: {  	[tilespmem:s30], [sflag:$0x3] =	stream.indirect.gather @p0 [hbm4b:s4+s0], $0x80, s1, s0, $0xb8;
	[tilespmem:$0x13F00] =	vst v63  }
0x20: {  	s0 =	simm.s32 @!p0 $0x6  }
0x21: {  	s1 =	smul.u32 @!p0 $0xF0, s29;
	_ =	swait.ge @!p0 [sflag:s0], $0x2800  }
0x22: {  	p1 =	seq.s32 @!p0 s29, $0x29;
	[sflag:s0] =	ssyncset.done @!p0 $0x0  }
0x23: {  	p1 =	por !p1, p0;
	[sflag:s0] =	ssyncadd.s32 @!p0 $0xFFFFD800;
	s0 =	sadd.s32 @!p0 $0xA0, s1  }
0x24: {  	s30 =	simm.s32 @!p0 $0xEF00;
	s1 =	simm.s32 @!p0 $0x50;
	s0 =	simm.s32 @!p1 $0x0  }
0x25: {  	[tilespmem:s30], [sflag:$0x3] =	stream.indirect.gather @!p0 [hbm4b:s4+s1], $0x80, s0, s1, $0xb8;
	[tilespmem:$0x13F00] =	vst v63  }
0x26: {  	s0 =	sadd.s32 @!p0 $0x2780, s0  }
0x27: {  	s0 =	simm.s32 @p0 $0x2820  }
0x28: {  	[tilespmem:s19], [sflag:$0x3] =	stream.indirect.gather [hbm4b:s5+s13], $0x80, s0, s13, $0xb8;
	[tilespmem:$0x13F00] =	vst v63  }
0x29: {  	_ =	swait.ge [sflag:s20], $0x2800  }
0x2a: {  	[sflag:s20] =	ssyncset.done $0x0  }
0x2b: {  	[sflag:s20] =	ssyncadd.s32 $0xFFFFD800  }
0x2c: {  	_ =	swait.ge [sflag:s20], $0x2800  }
0x2d: {  	[sflag:s20] =	ssyncset.done $0x0  }
0x2e: {  	s1 =	simm.s32 $0xF0;
	[sflag:s20] =	ssyncadd.s32 $0xFFFFD800  }
0x2f: {  	v6 =	vld [tilespmem:s1+$0x7610]  }
0x30: {  	v7 =	vld [tilespmem:s1+$0x7620]  }
0x31: {  	v8 =	vld [tilespmem:s1+$0x7630]  }
0x32: {  	v9 =	vld [tilespmem:s1+$0x7640]  }
0x33: {  	v10 =	vld [tilespmem:s1+$0x7650]  }
0x34: {  	v11 =	vld [tilespmem:s1+$0x7660]  }
0x35: {  	v12 =	vld [tilespmem:s1+$0x7670]  }
0x36: {  	v13 =	vld [tilespmem:s1+$0x7680]  }
0x37: {  	v14 =	vld [tilespmem:s1+$0x7690]  }
0x38: {  	v15 =	vld [tilespmem:s1+$0x76A0]  }
0x39: {  	v5 =	vld [tilespmem:s1+$0x76B0]  }
0x3a: {  	v4 =	vld [tilespmem:s1+$0x76C0]  }
0x3b: {  	v3 =	vld [tilespmem:s1+$0x76D0]  }
0x3c: {  	v2 =	vld [tilespmem:s1+$0x76E0]  }
0x3d: {  	v1 =	vld [tilespmem:s1+$0x76F0]  }
0x3e: {  	v0 =	vld [tilespmem:s1+$0x7700]  }
0x3f: {  	v16 =	vld [tilespmem:s1+$0x4E10]  }
0x40: {  	v17 =	vld [tilespmem:s1+$0x4E20]  }
0x41: {  	v18 =	vld [tilespmem:s1+$0x4E30]  }
0x42: {  	v19 =	vld [tilespmem:s1+$0x4E40]  }
0x43: {  	v20 =	vld [tilespmem:s1+$0x4E50]  }
0x44: {  	v60 =	vld [tilespmem:s1+$0x4E60];
	v6 =	vadd.f32 v6, v16  }
0x45: {  	v21 =	vld [tilespmem:s1+$0x4E70];
	v7 =	vadd.f32 v7, v17  }
0x46: {  	v61 =	vld [tilespmem:s1+$0x4E80];
	[tilespmem:s1+$0x4E10] =	vst v6;
	v6 =	vadd.f32 v8, v18  }
0x47: {  	v62 =	vld [tilespmem:s1+$0x4E90];
	[tilespmem:s1+$0x4E20] =	vst v7;
	v7 =	vadd.f32 v9, v19  }
0x48: {  	v63 =	vld [tilespmem:s1+$0x4EA0];
	[tilespmem:s1+$0x4E30] =	vst v6;
	v6 =	vadd.f32 v10, v20  }
0x49: {  	v8 =	vadd.f32 v11, v60;
	[tilespmem:s1+$0x4E40] =	vst v7;
	v7 =	vld [tilespmem:s1+$0x4EB0]  }
0x4a: {  	v9 =	vadd.f32 v12, v21;
	[tilespmem:s1+$0x4E50] =	vst v6;
	v6 =	vld [tilespmem:s1+$0x4EC0]  }
0x4b: {  	[tilespmem:s1+$0x4E60] =	vst v8;
	v8 =	vld [tilespmem:s1+$0x4ED0];
	v10 =	vadd.f32 v13, v61  }
0x4c: {  	v12 =	vadd.f32 v14, v62;
	[tilespmem:s1+$0x4E70] =	vst v9;
	v9 =	vld [tilespmem:s1+$0x4EE0]  }
0x4d: {  	s31 =	simm.s32 $0x7C0;
	s30 =	smul.u32 $0x3, s29;
	v11 =	vadd.f32 v15, v63;
	[tilespmem:s1+$0x4E80] =	vst v10;
	v10 =	vld [tilespmem:s1+$0x4EF0]  }
.LBB2_3:
0x4e: {  	s0 =	sshra.s32 s31, $0x2;
	p0 =	sne.s32 s31, $0x9FC0;
	[tilespmem:s1+$0x4E90] =	vst v12;
	v5 =	vadd.f32 v5, v7;
	v7 =	vld [tilespmem:s1+$0x4F00]  }
0x4f: {  	v12 =	vld [tilespmem:s0+$0x7610];
	[tilespmem:s1+$0x4EA0] =	vst v11;
	v4 =	vadd.f32 v4, v6  }
0x50: {  	v6 =	vld [tilespmem:s0+$0x7620];
	[tilespmem:s1+$0x4EB0] =	vst v5;
	v3 =	vadd.f32 v3, v8  }
0x51: {  	v8 =	vld [tilespmem:s0+$0x7630];
	[tilespmem:s1+$0x4EC0] =	vst v4;
	v2 =	vadd.f32 v2, v9  }
0x52: {  	v9 =	vld [tilespmem:s0+$0x7640];
	[tilespmem:s1+$0x4ED0] =	vst v3;
	v1 =	vadd.f32 v1, v10  }
0x53: {  	v10 =	vld [tilespmem:s0+$0x7650];
	[tilespmem:s1+$0x4EE0] =	vst v2;
	v0 =	vadd.f32 v0, v7  }
0x54: {  	v7 =	vld [tilespmem:s0+$0x7660];
	[tilespmem:s1+$0x4EF0] =	vst v1  }
0x55: {  	v11 =	vld [tilespmem:s0+$0x7670];
	[tilespmem:s1+$0x4F00] =	vst v0;
	s1 =	smov.u32 s0  }
0x56: {  	v13 =	vld [tilespmem:s1+$0x7680]  }
0x57: {  	v14 =	vld [tilespmem:s1+$0x7690]  }
0x58: {  	v15 =	vld [tilespmem:s1+$0x76A0]  }
0x59: {  	v5 =	vld [tilespmem:s1+$0x76B0]  }
0x5a: {  	v4 =	vld [tilespmem:s1+$0x76C0]  }
0x5b: {  	v3 =	vld [tilespmem:s1+$0x76D0]  }
0x5c: {  	v2 =	vld [tilespmem:s1+$0x76E0]  }
0x5d: {  	v1 =	vld [tilespmem:s1+$0x76F0]  }
0x5e: {  	v0 =	vld [tilespmem:s1+$0x7700]  }
0x5f: {  	v16 =	vld [tilespmem:s1+$0x4E10]  }
0x60: {  	v17 =	vld [tilespmem:s1+$0x4E20]  }
0x61: {  	v18 =	vld [tilespmem:s1+$0x4E30]  }
0x62: {  	v19 =	vld [tilespmem:s1+$0x4E40]  }
0x63: {  	v20 =	vld [tilespmem:s1+$0x4E50]  }
0x64: {  	v12 =	vadd.f32 v12, v16;
	v16 =	vld [tilespmem:s1+$0x4E60]  }
0x65: {  	v6 =	vadd.f32 v6, v17;
	v17 =	vld [tilespmem:s1+$0x4E70]  }
0x66: {  	[tilespmem:s1+$0x4E10] =	vst v12;
	v8 =	vadd.f32 v8, v18;
	v12 =	vld [tilespmem:s1+$0x4E80]  }
0x67: {  	[tilespmem:s1+$0x4E20] =	vst v6;
	v6 =	vadd.f32 v9, v19;
	v9 =	vld [tilespmem:s1+$0x4E90]  }
0x68: {  	[tilespmem:s1+$0x4E30] =	vst v8;
	v8 =	vadd.f32 v10, v20;
	v10 =	vld [tilespmem:s1+$0x4EA0]  }
.Ltmp0:
0x69: {  	[tilespmem:s1+$0x4E40] =	vst v6;
	v16 =	vadd.f32 v7, v16;
	v7 =	vld [tilespmem:s1+$0x4EB0];
	(pc) =	sbr.rel @p0 .LBB2_3-.Ltmp0, $4  }
0x6a: {  	[tilespmem:s1+$0x4E50] =	vst v8;
	v11 =	vadd.f32 v11, v17;
	v6 =	vld [tilespmem:s1+$0x4EC0]  }
0x6b: {  	[tilespmem:s1+$0x4E60] =	vst v16;
	v13 =	vadd.f32 v13, v12;
	v8 =	vld [tilespmem:s1+$0x4ED0]  }
0x6c: {  	[tilespmem:s1+$0x4E70] =	vst v11;
	v12 =	vadd.f32 v14, v9;
	v9 =	vld [tilespmem:s1+$0x4EE0]  }
0x6d: {  	s31 =	sadd.s32 $0x400, s31;
	[tilespmem:s1+$0x4E80] =	vst v13;
	v11 =	vadd.f32 v15, v10;
	v10 =	vld [tilespmem:s1+$0x4EF0]  }
0x6e: {  	[tilespmem:s1+$0x4E90] =	vst v12;
	v5 =	vadd.f32 v5, v7;
	v7 =	vld [tilespmem:s1+$0x4F00]  }
0x6f: {  	[tilespmem:s1+$0x4EA0] =	vst v11;
	v4 =	vadd.f32 v4, v6  }
0x70: {  	p0 =	seq.s32 s29, $0x29;
	[tilespmem:s1+$0x4EB0] =	vst v5;
	v3 =	vadd.f32 v3, v8  }
0x71: {  	s31 =	smul.u32 $0xF0, s29;
	s0 =	sadd.s32 @!p0 $0x3, s30;
	[tilespmem:s1+$0x4EC0] =	vst v4;
	v2 =	vadd.f32 v2, v9  }
0x72: {  	s15 =	smulhi.u32 @!p0 $0x10624DD3, s0;
	[tilespmem:s1+$0x4ED0] =	vst v3;
	v1 =	vadd.f32 v1, v10  }
0x73: {  	s17 =	sadd.s32 s3, s31;
	[tilespmem:s1+$0x4EE0] =	vst v2;
	v0 =	vadd.f32 v0, v7  }
0x74: {  	s17 =	sshll.u32 s17, $0x4;
	s15 =	sshrl.u32 @!p0 s15, $0x3;
	[tilespmem:s1+$0x4EF0] =	vst v1  }
0x75: {  	s17 =	sadd.s32 s6, s17;
	s15 =	smul.u32 @!p0 $0x7D, s15;
	[tilespmem:s1+$0x4F00] =	vst v0  }
0x76: {  	[hbm4b:s17+s2] =	stream.linear.scatter [tilespmem:s14], [sflag:$0x4], $0x2800, $0x38;
	[tilespmem:$0x13F00] =	vst v63  }
0x77: {  	s0 =	ssub.s32 @!p0 s0, s15;
	_ =	swait.ge [sflag:s21], $0x2800  }
0x78: {  	s0 =	smul.u32 @!p0 $0x50, s0;
	[sflag:s21] =	ssyncset.done $0x0  }
0x79: {  	s1 =	simm.s32 @!p0 $0x50;
	s15 =	simm.s32 @!p0 $0x4F00;
	[sflag:s21] =	ssyncadd.s32 $0xFFFFD800  }
0x7a: {  	[tilespmem:s15], [sflag:$0x1] =	stream.indirect.gather @!p0 [hbm4b:s4+s1], $0x80, s0, s1, $0xb8;
	[tilespmem:$0x13F00] =	vst v63  }
0x7b: {  	s0 =	sadd.s32 @!p0 $0x2780, s0;
	s15 =	simm.s32 @!p0 $0x7700  }
0x7c: {  	[tilespmem:s15], [sflag:$0x1] =	stream.indirect.gather @!p0 [hbm4b:s5+s1], $0x80, s0, s1, $0xb8;
	[tilespmem:$0x13F00] =	vst v63  }
0x7d: {  	_ =	swait.ge [sflag:s22], $0x2800  }
0x7e: {  	[sflag:s22] =	ssyncset.done $0x0  }
0x7f: {  	[sflag:s22] =	ssyncadd.s32 $0xFFFFD800  }
0x80: {  	_ =	swait.ge [sflag:s22], $0x2800  }
0x81: {  	[sflag:s22] =	ssyncset.done $0x0  }
0x82: {  	s1 =	simm.s32 $0xF0;
	[sflag:s22] =	ssyncadd.s32 $0xFFFFD800  }
0x83: {  	v6 =	vld [tilespmem:s1+$0xC610]  }
0x84: {  	v7 =	vld [tilespmem:s1+$0xC620]  }
0x85: {  	v8 =	vld [tilespmem:s1+$0xC630]  }
0x86: {  	v9 =	vld [tilespmem:s1+$0xC640]  }
0x87: {  	v10 =	vld [tilespmem:s1+$0xC650]  }
0x88: {  	v11 =	vld [tilespmem:s1+$0xC660]  }
0x89: {  	v12 =	vld [tilespmem:s1+$0xC670]  }
0x8a: {  	v13 =	vld [tilespmem:s1+$0xC680]  }
0x8b: {  	v14 =	vld [tilespmem:s1+$0xC690]  }
0x8c: {  	v15 =	vld [tilespmem:s1+$0xC6A0]  }
0x8d: {  	v5 =	vld [tilespmem:s1+$0xC6B0]  }
0x8e: {  	v4 =	vld [tilespmem:s1+$0xC6C0]  }
0x8f: {  	v3 =	vld [tilespmem:s1+$0xC6D0]  }
0x90: {  	v2 =	vld [tilespmem:s1+$0xC6E0]  }
0x91: {  	v1 =	vld [tilespmem:s1+$0xC6F0]  }
0x92: {  	v0 =	vld [tilespmem:s1+$0xC700]  }
0x93: {  	v16 =	vld [tilespmem:s1+$0x9E10]  }
0x94: {  	v17 =	vld [tilespmem:s1+$0x9E20]  }
0x95: {  	v18 =	vld [tilespmem:s1+$0x9E30]  }
0x96: {  	v19 =	vld [tilespmem:s1+$0x9E40]  }
0x97: {  	v20 =	vld [tilespmem:s1+$0x9E50]  }
0x98: {  	v60 =	vld [tilespmem:s1+$0x9E60];
	v6 =	vadd.f32 v6, v16  }
0x99: {  	v21 =	vld [tilespmem:s1+$0x9E70];
	v7 =	vadd.f32 v7, v17  }
0x9a: {  	v61 =	vld [tilespmem:s1+$0x9E80];
	[tilespmem:s1+$0x9E10] =	vst v6;
	v6 =	vadd.f32 v8, v18  }
0x9b: {  	v62 =	vld [tilespmem:s1+$0x9E90];
	[tilespmem:s1+$0x9E20] =	vst v7;
	v7 =	vadd.f32 v9, v19  }
0x9c: {  	v63 =	vld [tilespmem:s1+$0x9EA0];
	[tilespmem:s1+$0x9E30] =	vst v6;
	v6 =	vadd.f32 v10, v20  }
0x9d: {  	v8 =	vadd.f32 v11, v60;
	[tilespmem:s1+$0x9E40] =	vst v7;
	v7 =	vld [tilespmem:s1+$0x9EB0]  }
0x9e: {  	v9 =	vadd.f32 v12, v21;
	[tilespmem:s1+$0x9E50] =	vst v6;
	v6 =	vld [tilespmem:s1+$0x9EC0]  }
0x9f: {  	[tilespmem:s1+$0x9E60] =	vst v8;
	v8 =	vld [tilespmem:s1+$0x9ED0];
	v10 =	vadd.f32 v13, v61  }
0xa0: {  	v12 =	vadd.f32 v14, v62;
	[tilespmem:s1+$0x9E70] =	vst v9;
	v9 =	vld [tilespmem:s1+$0x9EE0]  }
0xa1: {  	s0 =	simm.s32 $0x7C0;
	v11 =	vadd.f32 v15, v63;
	[tilespmem:s1+$0x9E80] =	vst v10;
	v10 =	vld [tilespmem:s1+$0x9EF0]  }
.LBB2_5:
0xa2: {  	s15 =	sshra.s32 s0, $0x2;
	p1 =	sne.s32 s0, $0x9FC0;
	[tilespmem:s1+$0x9E90] =	vst v12;
	v5 =	vadd.f32 v5, v7;
	v7 =	vld [tilespmem:s1+$0x9F00]  }
0xa3: {  	v12 =	vld [tilespmem:s15+$0xC610];
	[tilespmem:s1+$0x9EA0] =	vst v11;
	v4 =	vadd.f32 v4, v6  }
0xa4: {  	v6 =	vld [tilespmem:s15+$0xC620];
	[tilespmem:s1+$0x9EB0] =	vst v5;
	v3 =	vadd.f32 v3, v8  }
0xa5: {  	v8 =	vld [tilespmem:s15+$0xC630];
	[tilespmem:s1+$0x9EC0] =	vst v4;
	v2 =	vadd.f32 v2, v9  }
0xa6: {  	v9 =	vld [tilespmem:s15+$0xC640];
	[tilespmem:s1+$0x9ED0] =	vst v3;
	v1 =	vadd.f32 v1, v10  }
0xa7: {  	v10 =	vld [tilespmem:s15+$0xC650];
	[tilespmem:s1+$0x9EE0] =	vst v2;
	v0 =	vadd.f32 v0, v7  }
0xa8: {  	v7 =	vld [tilespmem:s15+$0xC660];
	[tilespmem:s1+$0x9EF0] =	vst v1  }
0xa9: {  	v11 =	vld [tilespmem:s15+$0xC670];
	[tilespmem:s1+$0x9F00] =	vst v0;
	s1 =	smov.u32 s15  }
0xaa: {  	v13 =	vld [tilespmem:s1+$0xC680]  }
0xab: {  	v14 =	vld [tilespmem:s1+$0xC690]  }
0xac: {  	v15 =	vld [tilespmem:s1+$0xC6A0]  }
0xad: {  	v5 =	vld [tilespmem:s1+$0xC6B0]  }
0xae: {  	v4 =	vld [tilespmem:s1+$0xC6C0]  }
0xaf: {  	v3 =	vld [tilespmem:s1+$0xC6D0]  }
0xb0: {  	v2 =	vld [tilespmem:s1+$0xC6E0]  }
0xb1: {  	v1 =	vld [tilespmem:s1+$0xC6F0]  }
0xb2: {  	v0 =	vld [tilespmem:s1+$0xC700]  }
0xb3: {  	v16 =	vld [tilespmem:s1+$0x9E10]  }
0xb4: {  	v17 =	vld [tilespmem:s1+$0x9E20]  }
0xb5: {  	v18 =	vld [tilespmem:s1+$0x9E30]  }
0xb6: {  	v19 =	vld [tilespmem:s1+$0x9E40]  }
0xb7: {  	v20 =	vld [tilespmem:s1+$0x9E50]  }
0xb8: {  	v12 =	vadd.f32 v12, v16;
	v16 =	vld [tilespmem:s1+$0x9E60]  }
0xb9: {  	v6 =	vadd.f32 v6, v17;
	v17 =	vld [tilespmem:s1+$0x9E70]  }
0xba: {  	[tilespmem:s1+$0x9E10] =	vst v12;
	v8 =	vadd.f32 v8, v18;
	v12 =	vld [tilespmem:s1+$0x9E80]  }
0xbb: {  	[tilespmem:s1+$0x9E20] =	vst v6;
	v6 =	vadd.f32 v9, v19;
	v9 =	vld [tilespmem:s1+$0x9E90]  }
0xbc: {  	[tilespmem:s1+$0x9E30] =	vst v8;
	v8 =	vadd.f32 v10, v20;
	v10 =	vld [tilespmem:s1+$0x9EA0]  }
.Ltmp1:
0xbd: {  	[tilespmem:s1+$0x9E40] =	vst v6;
	v16 =	vadd.f32 v7, v16;
	v7 =	vld [tilespmem:s1+$0x9EB0];
	(pc) =	sbr.rel @p1 .LBB2_5-.Ltmp1, $4  }
0xbe: {  	[tilespmem:s1+$0x9E50] =	vst v8;
	v11 =	vadd.f32 v11, v17;
	v6 =	vld [tilespmem:s1+$0x9EC0]  }
0xbf: {  	[tilespmem:s1+$0x9E60] =	vst v16;
	v13 =	vadd.f32 v13, v12;
	v8 =	vld [tilespmem:s1+$0x9ED0]  }
0xc0: {  	[tilespmem:s1+$0x9E70] =	vst v11;
	v12 =	vadd.f32 v14, v9;
	v9 =	vld [tilespmem:s1+$0x9EE0]  }
0xc1: {  	s0 =	sadd.s32 $0x400, s0;
	[tilespmem:s1+$0x9E80] =	vst v13;
	v11 =	vadd.f32 v15, v10;
	v10 =	vld [tilespmem:s1+$0x9EF0]  }
0xc2: {  	[tilespmem:s1+$0x9E90] =	vst v12;
	v5 =	vadd.f32 v5, v7;
	v7 =	vld [tilespmem:s1+$0x9F00]  }
0xc3: {  	[tilespmem:s1+$0x9EA0] =	vst v11;
	v4 =	vadd.f32 v4, v6  }
0xc4: {  	[tilespmem:s1+$0x9EB0] =	vst v5;
	v3 =	vadd.f32 v3, v8  }
0xc5: {  	s0 =	sadd.s32 @!p0 $0x4, s30;
	[tilespmem:s1+$0x9EC0] =	vst v4;
	v2 =	vadd.f32 v2, v9  }
0xc6: {  	s15 =	smulhi.u32 @!p0 $0x10624DD3, s0;
	[tilespmem:s1+$0x9ED0] =	vst v3;
	v1 =	vadd.f32 v1, v10  }
0xc7: {  	s17 =	sadd.s32 s10, s31;
	[tilespmem:s1+$0x9EE0] =	vst v2;
	v0 =	vadd.f32 v0, v7  }
0xc8: {  	s17 =	sshll.u32 s17, $0x4;
	s15 =	sshrl.u32 @!p0 s15, $0x3;
	[tilespmem:s1+$0x9EF0] =	vst v1  }
0xc9: {  	s31 =	sadd.s32 s6, s17;
	s15 =	smul.u32 @!p0 $0x7D, s15;
	[tilespmem:s1+$0x9F00] =	vst v0  }
0xca: {  	[hbm4b:s31+s2] =	stream.linear.scatter [tilespmem:s16], [sflag:$0x5], $0x2800, $0x38;
	[tilespmem:$0x13F00] =	vst v63  }
0xcb: {  	s0 =	ssub.s32 @!p0 s0, s15;
	_ =	swait.ge [sflag:s23], $0x2800  }
0xcc: {  	s0 =	smul.u32 @!p0 $0x50, s0;
	[sflag:s23] =	ssyncset.done $0x0  }
0xcd: {  	s15 =	simm.s32 @!p0 $0x9F00;
	s1 =	simm.s32 @!p0 $0x50;
	[sflag:s23] =	ssyncadd.s32 $0xFFFFD800  }
0xce: {  	[tilespmem:s15], [sflag:$0x2] =	stream.indirect.gather @!p0 [hbm4b:s4+s1], $0x80, s0, s1, $0xb8;
	[tilespmem:$0x13F00] =	vst v63  }
0xcf: {  	s0 =	sadd.s32 @!p0 $0x2780, s0;
	s15 =	simm.s32 @!p0 $0xC700  }
0xd0: {  	[tilespmem:s15], [sflag:$0x2] =	stream.indirect.gather @!p0 [hbm4b:s5+s1], $0x80, s0, s1, $0xb8;
	[tilespmem:$0x13F00] =	vst v63  }
0xd1: {  	_ =	swait.ge [sflag:s24], $0x2800  }
0xd2: {  	[sflag:s24] =	ssyncset.done $0x0  }
0xd3: {  	[sflag:s24] =	ssyncadd.s32 $0xFFFFD800  }
0xd4: {  	_ =	swait.ge [sflag:s24], $0x2800  }
0xd5: {  	[sflag:s24] =	ssyncset.done $0x0  }
0xd6: {  	s1 =	simm.s32 $0xF0;
	[sflag:s24] =	ssyncadd.s32 $0xFFFFD800  }
0xd7: {  	v6 =	vld [tilespmem:s1+$0x11610]  }
0xd8: {  	v7 =	vld [tilespmem:s1+$0x11620]  }
0xd9: {  	v8 =	vld [tilespmem:s1+$0x11630]  }
0xda: {  	v9 =	vld [tilespmem:s1+$0x11640]  }
0xdb: {  	v10 =	vld [tilespmem:s1+$0x11650]  }
0xdc: {  	v11 =	vld [tilespmem:s1+$0x11660]  }
0xdd: {  	v12 =	vld [tilespmem:s1+$0x11670]  }
0xde: {  	v13 =	vld [tilespmem:s1+$0x11680]  }
0xdf: {  	v14 =	vld [tilespmem:s1+$0x11690]  }
0xe0: {  	v15 =	vld [tilespmem:s1+$0x116A0]  }
0xe1: {  	v5 =	vld [tilespmem:s1+$0x116B0]  }
0xe2: {  	v4 =	vld [tilespmem:s1+$0x116C0]  }
0xe3: {  	v3 =	vld [tilespmem:s1+$0x116D0]  }
0xe4: {  	v2 =	vld [tilespmem:s1+$0x116E0]  }
0xe5: {  	v1 =	vld [tilespmem:s1+$0x116F0]  }
0xe6: {  	v0 =	vld [tilespmem:s1+$0x11700]  }
0xe7: {  	v16 =	vld [tilespmem:s1+$0xEE10]  }
0xe8: {  	v17 =	vld [tilespmem:s1+$0xEE20]  }
0xe9: {  	v18 =	vld [tilespmem:s1+$0xEE30]  }
0xea: {  	v19 =	vld [tilespmem:s1+$0xEE40]  }
0xeb: {  	v20 =	vld [tilespmem:s1+$0xEE50]  }
0xec: {  	v60 =	vld [tilespmem:s1+$0xEE60];
	v6 =	vadd.f32 v6, v16  }
0xed: {  	v21 =	vld [tilespmem:s1+$0xEE70];
	v7 =	vadd.f32 v7, v17  }
0xee: {  	v61 =	vld [tilespmem:s1+$0xEE80];
	[tilespmem:s1+$0xEE10] =	vst v6;
	v6 =	vadd.f32 v8, v18  }
0xef: {  	v62 =	vld [tilespmem:s1+$0xEE90];
	[tilespmem:s1+$0xEE20] =	vst v7;
	v7 =	vadd.f32 v9, v19  }
0xf0: {  	v63 =	vld [tilespmem:s1+$0xEEA0];
	[tilespmem:s1+$0xEE30] =	vst v6;
	v6 =	vadd.f32 v10, v20  }
0xf1: {  	v8 =	vld [tilespmem:s1+$0xEEB0];
	[tilespmem:s1+$0xEE40] =	vst v7;
	v7 =	vadd.f32 v11, v60  }
0xf2: {  	v10 =	vadd.f32 v12, v21;
	[tilespmem:s1+$0xEE50] =	vst v6;
	v6 =	vld [tilespmem:s1+$0xEEC0]  }
0xf3: {  	v9 =	vld [tilespmem:s1+$0xEED0];
	v11 =	vadd.f32 v13, v61;
	[tilespmem:s1+$0xEE60] =	vst v7  }
0xf4: {  	v12 =	vadd.f32 v14, v62;
	[tilespmem:s1+$0xEE70] =	vst v10;
	v7 =	vld [tilespmem:s1+$0xEEE0]  }
0xf5: {  	s30 =	sadd.s32 $0x2, s30;
	s0 =	simm.s32 $0x7C0;
	[tilespmem:s1+$0xEE80] =	vst v11;
	v11 =	vadd.f32 v15, v63;
	v10 =	vld [tilespmem:s1+$0xEEF0]  }
.LBB2_7:
0xf6: {  	s15 =	sshra.s32 s0, $0x2;
	p0 =	sne.s32 s0, $0x9FC0;
	[tilespmem:s1+$0xEE90] =	vst v12;
	v5 =	vadd.f32 v5, v8;
	v8 =	vld [tilespmem:s1+$0xEF00]  }
0xf7: {  	v12 =	vld [tilespmem:s15+$0x11610];
	[tilespmem:s1+$0xEEA0] =	vst v11;
	v4 =	vadd.f32 v4, v6  }
0xf8: {  	v6 =	vld [tilespmem:s15+$0x11620];
	[tilespmem:s1+$0xEEB0] =	vst v5;
	v3 =	vadd.f32 v3, v9  }
0xf9: {  	v9 =	vld [tilespmem:s15+$0x11630];
	[tilespmem:s1+$0xEEC0] =	vst v4;
	v2 =	vadd.f32 v2, v7  }
0xfa: {  	v7 =	vld [tilespmem:s15+$0x11640];
	[tilespmem:s1+$0xEED0] =	vst v3;
	v1 =	vadd.f32 v1, v10  }
0xfb: {  	v10 =	vld [tilespmem:s15+$0x11650];
	[tilespmem:s1+$0xEEE0] =	vst v2;
	v0 =	vadd.f32 v0, v8  }
0xfc: {  	v8 =	vld [tilespmem:s15+$0x11660];
	[tilespmem:s1+$0xEEF0] =	vst v1  }
0xfd: {  	v11 =	vld [tilespmem:s15+$0x11670];
	[tilespmem:s1+$0xEF00] =	vst v0;
	s1 =	smov.u32 s15  }
0xfe: {  	v13 =	vld [tilespmem:s1+$0x11680]  }
0xff: {  	v14 =	vld [tilespmem:s1+$0x11690]  }
0x100: {  	v15 =	vld [tilespmem:s1+$0x116A0]  }
0x101: {  	v5 =	vld [tilespmem:s1+$0x116B0]  }
0x102: {  	v4 =	vld [tilespmem:s1+$0x116C0]  }
0x103: {  	v3 =	vld [tilespmem:s1+$0x116D0]  }
0x104: {  	v2 =	vld [tilespmem:s1+$0x116E0]  }
0x105: {  	v1 =	vld [tilespmem:s1+$0x116F0]  }
0x106: {  	v0 =	vld [tilespmem:s1+$0x11700]  }
0x107: {  	v16 =	vld [tilespmem:s1+$0xEE10]  }
0x108: {  	v17 =	vld [tilespmem:s1+$0xEE20]  }
0x109: {  	v18 =	vld [tilespmem:s1+$0xEE30]  }
0x10a: {  	v19 =	vld [tilespmem:s1+$0xEE40]  }
0x10b: {  	v20 =	vld [tilespmem:s1+$0xEE50]  }
0x10c: {  	v12 =	vadd.f32 v12, v16;
	v16 =	vld [tilespmem:s1+$0xEE60]  }
0x10d: {  	v6 =	vadd.f32 v6, v17;
	v17 =	vld [tilespmem:s1+$0xEE70]  }
0x10e: {  	[tilespmem:s1+$0xEE10] =	vst v12;
	v9 =	vadd.f32 v9, v18;
	v12 =	vld [tilespmem:s1+$0xEE80]  }
0x10f: {  	[tilespmem:s1+$0xEE20] =	vst v6;
	v6 =	vadd.f32 v7, v19;
	v7 =	vld [tilespmem:s1+$0xEE90]  }
0x110: {  	[tilespmem:s1+$0xEE30] =	vst v9;
	v9 =	vadd.f32 v10, v20;
	v10 =	vld [tilespmem:s1+$0xEEA0]  }
.Ltmp2:
0x111: {  	[tilespmem:s1+$0xEE40] =	vst v6;
	v16 =	vadd.f32 v8, v16;
	v8 =	vld [tilespmem:s1+$0xEEB0];
	(pc) =	sbr.rel @p0 .LBB2_7-.Ltmp2, $4  }
0x112: {  	[tilespmem:s1+$0xEE50] =	vst v9;
	v11 =	vadd.f32 v11, v17;
	v6 =	vld [tilespmem:s1+$0xEEC0]  }
0x113: {  	[tilespmem:s1+$0xEE60] =	vst v16;
	v13 =	vadd.f32 v13, v12;
	v9 =	vld [tilespmem:s1+$0xEED0]  }
0x114: {  	[tilespmem:s1+$0xEE70] =	vst v11;
	v12 =	vadd.f32 v14, v7;
	v7 =	vld [tilespmem:s1+$0xEEE0]  }
0x115: {  	s0 =	sadd.s32 $0x400, s0;
	[tilespmem:s1+$0xEE80] =	vst v13;
	v11 =	vadd.f32 v15, v10;
	v10 =	vld [tilespmem:s1+$0xEEF0]  }
0x116: {  	[tilespmem:s1+$0xEE90] =	vst v12;
	v5 =	vadd.f32 v5, v8;
	v63 =	vld [tilespmem:s1+$0xEF00]  }
0x117: {  	s0 =	smul.u32 $0x50, s30;
	[tilespmem:s1+$0xEEA0] =	vst v11;
	v4 =	vadd.f32 v4, v6  }
0x118: {  	p0 =	seq.s32 s30, $0x7D;
	s29 =	sadd.s32 $0x1, s29;
	[tilespmem:s1+$0xEEB0] =	vst v5;
	v3 =	vadd.f32 v3, v9  }
0x119: {  	s0 =	simm.s32 @p0 $0x0;
	p0 =	sne.s32 s29, $0x2A;
	[tilespmem:s1+$0xEEC0] =	vst v4;
	v2 =	vadd.f32 v2, v7  }
.Ltmp3:
0x11a: {  	[tilespmem:s1+$0xEED0] =	vst v3;
	v1 =	vadd.f32 v1, v10;
	(pc) =	sbr.rel @p0 .LBB2_2-.Ltmp3, $4  }
0x11b: {  	s0 =	sadd.s32 s3, s0;
	[tilespmem:s1+$0xEEE0] =	vst v2;
	v0 =	vadd.f32 v0, v63  }
0x11c: {  	s0 =	sshll.u32 s0, $0x4;
	[tilespmem:s1+$0xEEF0] =	vst v1  }
0x11d: {  	s0 =	sadd.s32 s6, s0;
	[tilespmem:s1+$0xEF00] =	vst v0  }
0x11e: {  	[hbm4b:s0+s2] =	stream.linear.scatter [tilespmem:s25], [sflag:$0x6], $0x2800, $0x38;
	[tilespmem:$0x13F00] =	vst v63  }
0x11f: {  	s28 =	sadd.s32 $0x1, s28  }
0x120: {  	p0 =	sne.s32 s28, s9  }
.Ltmp4:
0x121: {  	_ = 	snop;
	(pc) =	sbr.rel @p0 .LBB2_1-.Ltmp4, $4  }
0x122: {  	_ = 	snop  }
0x123: {  	_ =	swait.ge [sflag:s26], $0x2800  }
0x124: {  	[sflag:s26] =	ssyncset.done $0x0  }
0x125: {  	[sflag:s26] =	ssyncadd.s32 $0xFFFFD800  }
0x126: {  	_ =	sfence.sel $0x180000  }
0x127: {  	[bflag:$0x0] =	sbarrier.arrive $0xFFFF  }
0x128: {  	_ =	strace $0x9000004D  }
0x129: {  	s0 =	stileid.u32;
	[bflag:$0x2] =	sbarrier.arrive $0xFFFF  }
0x12a: {  	p0 =	sne.s32 s0, $0x0;
	s0 =	rddreg [dreg:$0x1]  }
0x12b: {  	s0 =	sadd.s32 @!p0 $0x100000, s0  }
0x12c: {  	[sflag:s0] =	ssyncadd.tile.s32 @!p0 $0x1;
	_ =	shalt  }
.Lfunc_end2:
_tile_overlayer_lowered:
.L_overlay_start_2:
0x12d: {  	(tag) =	ssettag $0x2  }
0x12e: {  	s0 =	rddreg [dreg:$0x0];
	s2 =	stileid.u32  }
0x12f: {  	s1 =	rddreg [dreg:$0x1];
	p0 =	sne.s32 s2, $0x0  }
0x130: {  	s3 =	rddreg [dreg:$0x2];
	[bflag:$0x3] =	sbarrier.arrive $0xFFFF;
	s2 =	simm.s32 @!p0 $0x1C07  }
0x131: {  	[timem:s3], [sflag:s2] =	dma.local @!p0 [hbm:s0], s1  }
0x132: {  	s0 =	simm.s32 @!p0 $0x7  }
0x133: {  	_ =	swait.ge @!p0 [sflag:s0], s1  }
0x134: {  	s1 =	ssub.s32 @!p0 $0x0, s1;
	[sflag:s0] =	ssyncset.done @!p0 $0x0  }
0x135: {  	[sflag:s0] =	ssyncadd.s32 @!p0 s1  }
0x136: {  	[bflag:$0x3] =	sbarrier.arrive $0xFFFF  }
0x137: {  	_ =	shalt  }

// kernel: kernel.21.cloned.1.call-start
scs
__scs_entry_jumppad:
0x0: {  	(pc) =	sbr.rel $0x88, $3  }
0x1: {  	(tag) =	ssettag $0x0;
	lr =	simm.s32 $0x1  }
0x2: {  	[smem:$0x3F7F] =	sst lr;
	_ =	strace $0xD0000000  }
0x3: {  	_ = 	snop  }
0x4: {  	_ = 	snop  }
0x5: {  	_ = 	snop  }
0x6: {  	_ = 	snop  }
0x7: {  	_ = 	snop  }
__scs_overlays_trampoline_lowered:
0x8: {  	[smem:$0x3F8E] =	sst s0  }
0x9: {  	[smem:$0x3F8F] =	sst s1  }
0xa: {  	[smem:$0x3F90] =	sst s2  }
0xb: {  	[smem:$0x3F91] =	sst s3  }
0xc: {  	[smem:$0x3F92] =	sst s4  }
0xd: {  	[smem:$0x3F93] =	sst s5  }
0xe: {  	[smem:$0x3F94] =	sst s6  }
0xf: {  	[smem:$0x3F95] =	sst s7  }
0x10: {  	[smem:$0x3F96] =	sst s8  }
0x11: {  	[smem:$0x3F97] =	sst s9;
	s0 =	simm.s32 @!p0 $0x0  }
0x12: {  	s1 =	sld [smem:$0x3F7D];
	s0 =	simm.s32 @p0 $0x1  }
0x13: {  	[smem:$0x3F98] =	sst s0;
	s0 =	simm.s32 @!p1 $0x0  }
0x14: {  	s2 =	sld [smem:$0x3F7C];
	s0 =	simm.s32 @p1 $0x1  }
0x15: {  	[smem:$0x3F99] =	sst s0;
	s0 =	simm.s32 @!p2 $0x0  }
0x16: {  	s3 =	sld [smem:$0x3FDB];
	s0 =	simm.s32 @p2 $0x1  }
0x17: {  	s4 =	simm.s32 $0x1BF5;
	[smem:$0x3F9B] =	sst s0  }
0x18: {  	s0 =	sld [smem:$0x3F7E];
	_ =	swait.ge [sflag:s4], $0x0  }
0x19: {  	s7 =	sld [smem:$0x3F7F]  }
0x1a: {  	s8 =	sadd.s32 $0xFFFFE003, lr  }
0x1b: {  	s9 =	sadd.s32 $0xFFFFFEF7, lr;
	s5 =	simm.s32 $0xFFFFFFFF;
	p2 =	slt.u32 s8, $0xFFFFF086  }
0x1c: {  	p1 =	slt.u32 s9, $0xF7A;
	s5 =	simm.s32 @!p2 $0x0  }
0x1d: {  	s5 =	simm.s32 @p1 $0x1;
	p0 =	seq.s32 s7, s2  }
0x1e: {  	s7 =	smul.u32 @!p0 $0xF7A, s2;
	p2 =	seq.s32 @!p0 s5, $0x0  }
0x1f: {  	s9 =	smul.u32 $0xF7A, s1;
	s8 =	simm.s32 @!p0 $0x1BF5;
	p2 =	por !p2, p0  }
0x20: {  	[sflag:s8] =	ssyncset.s32 @!p0 $0xFFFFF086;
	s6 =	sadd.s32 @!p0 s3, s7;
	s7 =	simm.s32 @!p0 $0x108  }
0x21: {  	s3 =	sadd.s32 s3, s9;
	s6 =	sadd.s32 @!p0 $0x88, s6;
	s7 =	simm.s32 @p2 $0x1082  }
0x22: {  	[simem:s7], [sflag:s8] =	dma.local @!p0 [hbm:s6], $0xF7A  }
0x23: {  	s9 =	sor.u32 $0xD0000000, s2;
	s6 =	simm.s32 $0x108;
	_ =	swait.ge @!p0 [sflag:s8], $0x0  }
0x24: {  	s3 =	sadd.s32 $0x88, s3;
	s6 =	simm.s32 @!p1 $0x1082;
	[sflag:s4] =	ssyncset.s32 $0xFFFFF086  }
0x25: {  	[simem:s6], [sflag:s4] =	dma.local [hbm:s3], $0xF7A  }
0x26: {  	[smem:$0x3F7F] =	sst s1;
	(tag) =	ssettag s2;
	_ =	strace s9  }
0x27: {  	s1 =	sld [smem:$0x3F8F]  }
0x28: {  	s2 =	sld [smem:$0x3F90]  }
0x29: {  	s4 =	sld [smem:$0x3F92]  }
0x2a: {  	p0 =	seq.s32 s5, $0x0;
	s5 =	sld [smem:$0x3F93]  }
0x2b: {  	s6 =	sld [smem:$0x3F94]  }
0x2c: {  	s7 =	sld [smem:$0x3F95]  }
0x2d: {  	s3 =	simm.s32 $0x108;
	s8 =	sld [smem:$0x3F96]  }
0x2e: {  	s3 =	simm.s32 @!p0 $0x1082;
	s9 =	sld [smem:$0x3F97]  }
0x2f: {  	lr =	sadd.s32 s0, s3;
	s0 =	sld [smem:$0x3F8E]  }
0x30: {  	s3 =	sld [smem:$0x3F91]  }
0x31: {  	[smem:$0x3F9A] =	sst s10  }
0x32: {  	s10 =	sld [smem:$0x3F98];
	_ =	sdelay $0x3  }
0x33: {  	p0 =	seq.s32 s10, $0x1;
	s10 =	sld [smem:$0x3F9A];
	_ =	sdelay $0x3  }
0x34: {  	[smem:$0x3F9A] =	sst s10  }
0x35: {  	s10 =	sld [smem:$0x3F99];
	_ =	sdelay $0x3  }
0x36: {  	p1 =	seq.s32 s10, $0x1;
	s10 =	sld [smem:$0x3F9A];
	_ =	sdelay $0x3  }
0x37: {  	[smem:$0x3F9A] =	sst s10  }
0x38: {  	s10 =	sld [smem:$0x3F9B]  }
0x39: {  	_ = 	snop;
	(pc) =	sbr.ind lr, $3  }
0x3a: {  	_ = 	snop  }
0x3b: {  	_ = 	snop  }
0x3c: {  	p2 =	seq.s32 s10, $0x1;
	s10 =	sld [smem:$0x3F9A]  }
0x3d: {  	_ =	shalt  }
0x3e: {  	_ =	shalt  }
0x3f: {  	_ =	shalt  }
0x40: {  	_ =	shalt  }
0x41: {  	_ =	shalt  }
0x42: {  	_ =	shalt  }
0x43: {  	_ =	shalt  }
0x44: {  	_ =	shalt  }
0x45: {  	_ =	shalt  }
0x46: {  	_ =	shalt  }
0x47: {  	_ =	shalt  }
0x48: {  	_ =	shalt  }
0x49: {  	_ =	shalt  }
0x4a: {  	_ =	shalt  }
0x4b: {  	_ =	shalt  }
0x4c: {  	_ =	shalt  }
0x4d: {  	_ =	shalt  }
0x4e: {  	_ =	shalt  }
0x4f: {  	_ =	shalt  }
0x50: {  	_ =	shalt  }
0x51: {  	_ =	shalt  }
0x52: {  	_ =	shalt  }
0x53: {  	_ =	shalt  }
0x54: {  	_ =	shalt  }
0x55: {  	_ =	shalt  }
0x56: {  	_ =	shalt  }
0x57: {  	_ =	shalt  }
0x58: {  	_ =	shalt  }
0x59: {  	_ =	shalt  }
0x5a: {  	_ =	shalt  }
0x5b: {  	_ =	shalt  }
0x5c: {  	_ =	shalt  }
0x5d: {  	_ =	shalt  }
0x5e: {  	_ =	shalt  }
0x5f: {  	_ =	shalt  }
0x60: {  	_ =	shalt  }
0x61: {  	_ =	shalt  }
0x62: {  	_ =	shalt  }
0x63: {  	_ =	shalt  }
0x64: {  	_ =	shalt  }
0x65: {  	_ =	shalt  }
0x66: {  	_ =	shalt  }
0x67: {  	_ =	shalt  }
0x68: {  	_ =	shalt  }
0x69: {  	_ =	shalt  }
0x6a: {  	_ =	shalt  }
0x6b: {  	_ =	shalt  }
0x6c: {  	_ =	shalt  }
0x6d: {  	_ =	shalt  }
0x6e: {  	_ =	shalt  }
0x6f: {  	_ =	shalt  }
0x70: {  	_ =	shalt  }
0x71: {  	_ =	shalt  }
0x72: {  	_ =	shalt  }
0x73: {  	_ =	shalt  }
0x74: {  	_ =	shalt  }
0x75: {  	_ =	shalt  }
0x76: {  	_ =	shalt  }
0x77: {  	_ =	shalt  }
0x78: {  	_ =	shalt  }
0x79: {  	_ =	shalt  }
0x7a: {  	_ =	shalt  }
0x7b: {  	_ =	shalt  }
0x7c: {  	_ =	shalt  }
0x7d: {  	_ =	shalt  }
0x7e: {  	_ =	shalt  }
0x7f: {  	_ =	shalt  }
0x80: {  	_ =	shalt  }
0x81: {  	_ =	shalt  }
0x82: {  	_ =	shalt  }
0x83: {  	_ =	shalt  }
0x84: {  	_ =	shalt  }
0x85: {  	_ =	shalt  }
0x86: {  	_ =	shalt  }
0x87: {  	_ =	shalt  }
.Lfunc_end0:
.L_simem_size_0:
called_computation.3_lowered:
.L_overlay_start_0:
0x88: {  	s2 =	sld [smem:$0x3FD9]  }
0x89: {  	s3 =	sld [smem:$0x3FFE];
	_ =	sdelay $0x1  }
0x8a: {  	s1 =	srdreg.scid  }
0x8b: {  	s0 =	sand.u32 $0x1, s1  }
0x8c: {  	s16 =	sshll.u32 s0, $0xA;
	s2 =	sadd.s32 s3, s2  }
0x8d: {  	s2 =	sadd.s32 s2, s16  }
0x8e: {  	[smem:$0x3FA6] =	sst s2  }
0x8f: {  	_ = 	snop  }
0x90: {  	(tm) =	ssettm $0x1  }
0x91: {  	s17 =	sld [smem:$0x3FFB];
	_ =	sdelay $0x3  }
0x92: {  	_ =	strace s17  }
0x93: {  	s2 =	sld [smem:$0x3FFC];
	_ =	sdelay $0x3  }
0x94: {  	_ =	strace s2  }
0x95: {  	s2 =	sld [smem:$0x3FFD];
	_ =	sdelay $0x3  }
0x96: {  	_ =	strace s2  }
0x97: {  	_ =	strace $0x8FFFFFFF  }
0x98: {  	s18 =	sld [smem:$0x3FDB];
	_ =	sdelay $0x1  }
0x99: {  	s19 =	simm.s32 $_scs_section_size  }
0x9a: {  	s4 =	simm.s32 $_size__tile_overlayer_lowered;
	s5 =	simm.s32 $_tile_overlayer_lowered  }
0x9b: {  	s22 =	simm.s32 $0x1BFF;
	s21 =	sshll.u32 s5, $0x1;
	s2 =	sadd.s32 s19, s18  }
0x9c: {  	s6 =	simm.s32 $0x0;
	s20 =	sshll.u32 s4, $0x1;
	s4 =	sadd.s32 s21, s2  }
0x9d: {  	[timem:s6], [sflag:s22] =	dma.local [hbm:s4], s20  }
0x9e: {  	_ =	swait.ge [sflag:s22], s20  }
0x9f: {  	s3 =	ssub.s32 $0x0, s20;
	[sflag:s22] =	ssyncset.done $0x0  }
0xa0: {  	[sflag:s22] =	ssyncadd.s32 s3;
	_ =	sdelay $0x1  }
0xa1: {  	s23 =	simm.s32 $0x1B8B  }
0xa2: {  	_ =	swait.ge [sflag:s23], $0x1  }
0xa3: {  	[sflag:s23] =	ssyncset.done $0x0  }
0xa4: {  	s25 =	simm.s32 $0x1B8E;
	s24 =	sld [smem:$0x3FFE];
	[sflag:s23] =	ssyncadd.s32 $0xFFFFFFFF  }
0xa5: {  	s26 =	simm.s32 $execute0_lowered;
	[smem:$0x3FD2] =	sst s25  }
0xa6: {  	s4 =	sshll.u32 s26, $0x1;
	_ =	strace $0x8000004F;
	[dreg:$0x1] =	wrdreg $0xFFFFFFFF  }
0xa7: {  	s28 =	simm.s32 $_size_execute0_lowered;
	s2 =	sadd.s32 s2, s4;
	[dreg:$0x0] =	wrdreg $0x0  }
0xa8: {  	s4 =	sshll.u32 s28, $0x1;
	[dreg:$0x2] =	wrdreg s2  }
0xa9: {  	[dreg:$0x3] =	wrdreg s4  }
0xaa: {  	[dreg:$0x4] =	wrdreg $0xC0  }
0xab: {  	_ =	task [dreg:s6], $0x5FFFF  }
0xac: {  	[dreg:$0x1] =	wrdreg $0xFFFFFFFF  }
0xad: {  	[dreg:$0x0] =	wrdreg $0x60  }
0xae: {  	[dreg:$0x2] =	wrdreg s24  }
0xaf: {  	[dreg:$0x3] =	wrdreg $0x79000  }
0xb0: {  	[dreg:$0x4] =	wrdreg $0x9  }
0xb1: {  	_ =	task.clear_ibuf [dreg:s6], $0x5FFFF;
	_ =	strace $0x9000004F  }
0xb2: {  	s29 =	simm.s32 $0x9;
	_ =	strace $0x80000051  }
0xb3: {  	_ =	swait.ge [sflag:s29], $0x1  }
0xb4: {  	[sflag:s29] =	ssyncadd.s32 $0xFFFFFFFF  }
0xb5: {  	_ =	strace $0x90000051  }
0xb6: {  	_ =	sfence  }
0xb7: {  	s30 =	sld [smem:$0x0];
	_ =	sdelay $0x2  }
0xb8: {  	s31 =	sshll.u32 s1, $0xD;
	s1 =	sshrl.u32 s1, $0x2  }
0xb9: {  	s3 =	sand.u32 $0x4000, s31;
	s1 =	sadd.s32 s1, s30  }
0xba: {  	s0 =	sor.u32 s3, s0;
	s1 =	sshll.u32 s1, $0x11  }
0xbb: {  	s0 =	sor.u32 s1, s0  }
0xbc: {  	s0 =	sadd.s32 $0x8F2B, s0  }
0xbd: {  	[sflag:s0] =	ssyncadd.remote.s32 $0x1  }
0xbe: {  	_ =	sfence.sel $0xFFFF  }
0xbf: {  	[dreg:$0x0] =	wrdreg $0xFFFFFFFF;
	(pc) =	sbr.abs _section_cstart, $3  }
0xc0: {  	[dreg:$0x1] =	wrdreg $0xFFFFFFFF  }
0xc1: {  	_ =	task.clear_ibuf [dreg:s6], $0x2FFFF;
	_ =	strace $0x9FFFFFFF  }
0xc2: {  	(tm) =	ssettm $0x7FFFFFFF  }
0xc3: {  	_ =	shalt  }
tec
execute0_lowered:
.L_overlay_start_1:
0x0: {  	(tag) =	ssettag $0x1  }
0x1: {  	s3 =	rddreg [dreg:$0x0];
	s1 =	simm.s32 $0x0  }
0x2: {  	s0 =	srdreg.scid;
	s16 =	stileid.u32;
	s31 =	simm.s32 $0x5100  }
0x3: {  	[smem:$0x7FF] =	sst s1;
	s2 =	sadd.s32 $0x572600, s3;
	s4 =	sand.u32 $0x1, s0  }
0x4: {  	s5 =	smul.u32 $0x14000, s16;
	s7 =	sadd.s32 $0x90600, s3;
	s0 =	ssub.s32 $0x2, s4  }
0x5: {  	s6 =	sshll.u32 s4, $0x4;
	s12 =	smul.u32 $0x140000, s4;
	s8 =	sshrl.u32 s0, $0x1  }
0x6: {  	s6 =	sor.u32 s16, s6;
	s10 =	sadd.s32 $0x5000, s5;
	s11 =	sadd.s32 $0x7800, s5  }
0x7: {  	s13 =	sadd.s32 $0xA000, s5;
	s21 =	sadd.s32 $0xC800, s5;
	s22 =	sadd.s32 $0xF000, s5  }
0x8: {  	s23 =	sadd.s32 $0x11800, s5;
	s0 =	ssub.s32 s0, s8;
	s9 =	smul.u32 $0x2710, s6  }
0x9: {  	s8 =	sor.u32 $0x2800, s5;
	s6 =	smul.u32 $0x27100, s6;
	s5 =	sadd.s32 s5, s12  }
0xa: {  	s17 =	sadd.s32 s12, s10;
	s19 =	sadd.s32 s12, s11;
	s5 =	sshrl.u32 s5, $0x3  }
0xb: {  	s14 =	sadd.s32 s12, s8;
	s18 =	sshrl.u32 s17, $0x3;
	s20 =	sshrl.u32 s19, $0x3  }
0xc: {  	s19 =	sadd.s32 s12, s23;
	s0 =	smax.u32 s0, $0x1;
	s25 =	sadd.s32 $0x50, s9  }
0xd: {  	s26 =	sadd.s32 s2, s6;
	s5 =	sadd.s32 s7, s5;
	s15 =	sshrl.u32 s14, $0x3  }
0xe: {  	s14 =	sadd.s32 s12, s21;
	s24 =	sshll.u32 s25, $0x4;
	[dreg:$0x4] =	wrdreg s5  }
0xf: {  	s5 =	sadd.s32 s7, s15;
	s15 =	smul.u32 $0x271000, s4;
	s14 =	sshrl.u32 s14, $0x3  }
0x10: {  	s4 =	smul.u32 $0x27100, s4;
	s6 =	sadd.s32 s2, s24;
	[dreg:$0x5] =	wrdreg s5  }
0x11: {  	s5 =	sadd.s32 s7, s18;
	s24 =	sadd.s32 s12, s13;
	[dreg:$0x3] =	wrdreg s6  }
0x12: {  	s18 =	smul.u32 $0x50000, s16;
	[dreg:$0x6] =	wrdreg s5;
	s6 =	sshrl.u32 s24, $0x3  }
0x13: {  	s5 =	sadd.s32 s7, s20;
	s2 =	sadd.s32 s15, s2;
	s20 =	smul.u32 $0x27100, s16  }
0x14: {  	s15 =	sadd.s32 s12, s22;
	s12 =	rddreg [dreg:$0x1];
	s24 =	smul.u32 $0x2710, s16  }
0x15: {  	[dreg:$0x7] =	wrdreg s5;
	s6 =	sadd.s32 s7, s6;
	s5 =	sadd.s32 s7, s14  }
0x16: {  	s17 =	sshrl.u32 s15, $0x3;
	s15 =	sadd.s32 $0x11200, s3;
	s28 =	sadd.s32 s10, s12  }
0x17: {  	s10 =	sadd.s32 s13, s12;
	s21 =	sadd.s32 s21, s12;
	[dreg:$0x8] =	wrdreg s6  }
0x18: {  	s22 =	sadd.s32 s22, s12;
	s23 =	sadd.s32 s23, s12;
	[dreg:$0x9] =	wrdreg s5  }
0x19: {  	s5 =	sadd.s32 s7, s17;
	s14 =	sadd.s32 s20, s2;
	s2 =	sadd.s32 s24, s4  }
0x1a: {  	s17 =	sadd.s32 s8, s12;
	s8 =	sadd.s32 s11, s12;
	s11 =	sshrl.u32 s9, $0x3  }
0x1b: {  	s6 =	simm.s32 $0x3;
	s9 =	simm.s32 $0x4;
	[dreg:$0xa] =	wrdreg s5  }
0x1c: {  	s5 =	sshrl.u32 s19, $0x3;
	s24 =	sadd.s32 s15, s11;
	s13 =	sadd.s32 $0x140, s2  }
0x1d: {  	s19 =	sadd.s32 $0xF0, s2;
	s30 =	sadd.s32 $0xA0, s2;
	s11 =	simm.s32 $0x5  }
0x1e: {  	s5 =	sadd.s32 s7, s5;
	s7 =	sshrl.u32 s18, $0x2;
	s18 =	sshrl.u32 s25, $0x3  }
0x1f: {  	s3 =	sshrl.u32 s13, $0x3;
	s20 =	sshrl.u32 s19, $0x3;
	[dreg:$0xb] =	wrdreg s5  }
0x20: {  	s16 =	sadd.s32 s7, s12;
	_ =	strace $0x80000050;
	[dreg:$0xc] =	wrdreg s8  }
0x21: {  	s4 =	sadd.s32 s15, s18;
	s3 =	sadd.s32 s3, s15;
	[dreg:$0xd] =	wrdreg s10  }
0x22: {  	s29 =	sadd.s32 s20, s15;
	s5 =	simm.s32 $0x1;
	[dreg:$0xe] =	wrdreg s4  }
0x23: {  	s7 =	simm.s32 $0x50;
	[dreg:$0xf] =	wrdreg s0;
	s25 =	ssub.s32 $0x14, s3  }
0x24: {  	s0 =	simm.s32 $0x100;
	s3 =	simm.s32 $0x80;
	s4 =	simm.s32 $0x2900  }
0x25: {  	v0 =	vimm.f32 $0.0e+00;
	s8 =	simm.s32 $0x2;
	s10 =	simm.s32 $0x0;
	[dreg:$0x10] =	wrdreg s25  }
.LBB2_1:
0x26: {  	s13 =	simm.s32 $0x70;
	s25 =	simm.s32 $0x3C0  }
.LBB2_2:
0x27: {  	p0 =	sne.s32 s25, $0x9FC0;
	[tilespmem:s13+$0x5100] =	vst v0  }
0x28: {  	[tilespmem:s13+$0x5090] =	vst v0  }
0x29: {  	[tilespmem:s13+$0x50A0] =	vst v0  }
.Ltmp0:
0x2a: {  	[tilespmem:s13+$0x50B0] =	vst v0;
	(pc) =	sbr.rel @p0 .LBB2_2-.Ltmp0, $4  }
0x2b: {  	[tilespmem:s13+$0x50C0] =	vst v0  }
0x2c: {  	[tilespmem:s13+$0x50D0] =	vst v0  }
0x2d: {  	[tilespmem:s13+$0x50E0] =	vst v0  }
0x2e: {  	[tilespmem:s13+$0x50F0] =	vst v0;
	s13 =	sshra.s32 s25, $0x2;
	s25 =	sadd.s32 $0x200, s25  }
0x2f: {  	[tilespmem:s13+$0x5100] =	vst v0  }
0x30: {  	[tilespmem:s13+$0x5090] =	vst v0  }
0x31: {  	[tilespmem:s13+$0x50A0] =	vst v0  }
0x32: {  	[tilespmem:s13+$0x50B0] =	vst v0  }
0x33: {  	[tilespmem:s13+$0x50C0] =	vst v0  }
0x34: {  	[tilespmem:s13+$0x50D0] =	vst v0  }
0x35: {  	[tilespmem:s13+$0x50E0] =	vst v0  }
0x36: {  	[tilespmem:s13+$0x50F0] =	vst v0  }
0x37: {  	[spmem:s16] =	stream.linear.scatter [tilespmem:s31], [sflag:$0x5], $0x2800, $0x38;
	[tilespmem:$0x1B900] =	vst v63  }
0x38: {  	_ =	swait.ge [sflag:s11], $0x2800  }
0x39: {  	[sflag:s11] =	ssyncset.done $0x0  }
0x3a: {  	[sflag:s11] =	ssyncadd.s32 $0xFFFFD800  }
0x3b: {  	[spmem:s17] =	stream.linear.scatter [tilespmem:s31], [sflag:$0x5], $0x2800, $0x38;
	[tilespmem:$0x1B900] =	vst v63  }
0x3c: {  	_ =	swait.ge [sflag:s11], $0x2800  }
0x3d: {  	[sflag:s11] =	ssyncset.done $0x0  }
0x3e: {  	[sflag:s11] =	ssyncadd.s32 $0xFFFFD800  }
0x3f: {  	[spmem:s28] =	stream.linear.scatter [tilespmem:s31], [sflag:$0x5], $0x2800, $0x38;
	[tilespmem:$0x1B900] =	vst v63  }
0x40: {  	_ =	swait.ge [sflag:s11], $0x2800  }
0x41: {  	[sflag:s11] =	ssyncset.done $0x0  }
0x42: {  	s2 =	rddreg [dreg:$0xc];
	[sflag:s11] =	ssyncadd.s32 $0xFFFFD800  }
0x43: {  	[spmem:s2] =	stream.linear.scatter [tilespmem:s31], [sflag:$0x5], $0x2800, $0x38;
	[tilespmem:$0x1B900] =	vst v63  }
0x44: {  	_ =	swait.ge [sflag:s11], $0x2800  }
0x45: {  	[sflag:s11] =	ssyncset.done $0x0  }
0x46: {  	s13 =	rddreg [dreg:$0xd];
	[sflag:s11] =	ssyncadd.s32 $0xFFFFD800  }
0x47: {  	[spmem:s13] =	stream.linear.scatter [tilespmem:s31], [sflag:$0x5], $0x2800, $0x38;
	[tilespmem:$0x1B900] =	vst v63  }
0x48: {  	_ =	swait.ge [sflag:s11], $0x2800  }
0x49: {  	[sflag:s11] =	ssyncset.done $0x0  }
0x4a: {  	[sflag:s11] =	ssyncadd.s32 $0xFFFFD800  }
0x4b: {  	[spmem:s21] =	stream.linear.scatter [tilespmem:s31], [sflag:$0x5], $0x2800, $0x38;
	[tilespmem:$0x1B900] =	vst v63  }
0x4c: {  	_ =	swait.ge [sflag:s11], $0x2800  }
0x4d: {  	[sflag:s11] =	ssyncset.done $0x0  }
0x4e: {  	[sflag:s11] =	ssyncadd.s32 $0xFFFFD800  }
0x4f: {  	[spmem:s22] =	stream.linear.scatter [tilespmem:s31], [sflag:$0x5], $0x2800, $0x38;
	[tilespmem:$0x1B900] =	vst v63  }
0x50: {  	_ =	swait.ge [sflag:s11], $0x2800  }
0x51: {  	[sflag:s11] =	ssyncset.done $0x0  }
0x52: {  	[sflag:s11] =	ssyncadd.s32 $0xFFFFD800  }
0x53: {  	[spmem:s23] =	stream.linear.scatter [tilespmem:s31], [sflag:$0x5], $0x2800, $0x38;
	[tilespmem:$0x1B900] =	vst v63  }
0x54: {  	_ =	swait.ge [sflag:s11], $0x2800  }
0x55: {  	[sflag:s11] =	ssyncset.done $0x0  }
0x56: {  	[sflag:s11] =	ssyncadd.s32 $0xFFFFD800  }
0x57: {  	s18 =	smov.u32 s16;
	s16 =	simm.s32 $0x0;
	[bflag:$0x0] =	sbarrier.arrive $0xFFFF  }
0x58: {  	[tilespmem:s16], [sflag:$0x1] =	stream.linear.gather [hbm4b:s24+s16], $0x50, $0x38;
	[tilespmem:$0x1B900] =	vst v63  }
0x59: {  	_ = 	snop  }
0x5a: {  	[tilespmem:s0], [sflag:$0x3] =	stream.linear.gather [hbm4b:s26+s16], $0x2800, $0x38;
	[tilespmem:$0x1B900] =	vst v63  }
0x5b: {  	s25 =	rddreg [dreg:$0xe]  }
0x5c: {  	[tilespmem:s3], [sflag:$0x2] =	stream.linear.gather [hbm4b:s25+s16], $0x50, $0x38;
	[tilespmem:$0x1B900] =	vst v63  }
0x5d: {  	s19 =	smov.u32 s17;
	s17 =	smov.u32 s26;
	s26 =	rddreg [dreg:$0x3]  }
0x5e: {  	[tilespmem:s4], [sflag:$0x4] =	stream.linear.gather [hbm4b:s26+s16], $0x2800, $0x38;
	[tilespmem:$0x1B900] =	vst v63  }
0x5f: {  	_ =	swait.ge [sflag:s5], $0x50  }
0x60: {  	[sflag:s5] =	ssyncset.done $0x0  }
0x61: {  	[sflag:s5] =	ssyncadd.s32 $0xFFFFFFB0  }
0x62: {  	_ =	swait.ge [sflag:s6], $0x2800  }
0x63: {  	[sflag:s6] =	ssyncset.done $0x0  }
0x64: {  	[sflag:s6] =	ssyncadd.s32 $0xFFFFD800  }
0x65: {  	[spmem:s12] =	stream.indirect.scatter.add.f32 [tilespmem:s0], [sflag:$0x5], $0x80, s1, s7, $0xb8;
	[tilespmem:$0x1B900] =	vst v63  }
0x66: {  	_ =	swait.ge [sflag:s11], $0x2800  }
0x67: {  	s13 =	sshrl.u32 s30, $0x3;
	[sflag:s11] =	ssyncset.done $0x0  }
0x68: {  	s2 =	sadd.s32 s15, s13;
	s25 =	sadd.s32 $0x0, s14;
	[sflag:s11] =	ssyncadd.s32 $0xFFFFD800  }
0x69: {  	[tilespmem:s1], [sflag:$0x1] =	stream.linear.gather [hbm4b:s2+s1], $0x50, $0x38;
	[tilespmem:$0x1B900] =	vst v63  }
0x6a: {  	s16 =	sadd.s32 $0xA00, s25  }
0x6b: {  	[tilespmem:s0], [sflag:$0x3] =	stream.linear.gather [hbm4b:s16+s1], $0x2800, $0x38;
	[tilespmem:$0x1B900] =	vst v63  }
0x6c: {  	_ =	swait.ge [sflag:s8], $0x50  }
0x6d: {  	[sflag:s8] =	ssyncset.done $0x0  }
0x6e: {  	[sflag:s8] =	ssyncadd.s32 $0xFFFFFFB0  }
0x6f: {  	_ =	swait.ge [sflag:s9], $0x2800  }
0x70: {  	[sflag:s9] =	ssyncset.done $0x0  }
0x71: {  	s20 =	smov.u32 s28;
	[sflag:s9] =	ssyncadd.s32 $0xFFFFD800  }
0x72: {  	[spmem:s12] =	stream.indirect.scatter.add.f32 [tilespmem:s4], [sflag:$0x5], $0x80, s3, s7, $0xb8;
	[tilespmem:$0x1B900] =	vst v63  }
0x73: {  	s28 =	sadd.s32 $0x14, s29;
	s13 =	simm.s32 $0xA00;
	_ =	swait.ge [sflag:s11], $0x2800  }
0x74: {  	s2 =	sadd.s32 $0xF00, s25;
	[sflag:s11] =	ssyncset.done $0x0;
	s25 =	rddreg [dreg:$0x10]  }
0x75: {  	s26 =	sadd.s32 $0xA0, s30;
	[sflag:s11] =	ssyncadd.s32 $0xFFFFD800;
	s25 =	sadd.s32 $0xFFFFFFEC, s25  }
0x76: {  	[tilespmem:s3], [sflag:$0x2] =	stream.linear.gather [hbm4b:s29+s1], $0x50, $0x38;
	[tilespmem:$0x1B900] =	vst v63  }
.LBB2_4:
0x77: {  	[tilespmem:s4], [sflag:$0x4] =	stream.linear.gather [hbm4b:s2+s1], $0x2800, $0x38;
	[tilespmem:$0x1B900] =	vst v63  }
0x78: {  	s2 =	smov.u32 s13;
	s13 =	sadd.s32 $0xA00, s13;
	_ =	swait.ge [sflag:s5], $0x50  }
0x79: {  	p0 =	sne.s32 s13, $0x26200;
	[sflag:s5] =	ssyncset.done $0x0  }
0x7a: {  	[sflag:s5] =	ssyncadd.s32 $0xFFFFFFB0  }
0x7b: {  	_ =	swait.ge [sflag:s6], $0x2800  }
0x7c: {  	[sflag:s6] =	ssyncset.done $0x0  }
0x7d: {  	[sflag:s6] =	ssyncadd.s32 $0xFFFFD800  }
0x7e: {  	[spmem:s12] =	stream.indirect.scatter.add.f32 [tilespmem:s0], [sflag:$0x5], $0x80, s1, s7, $0xb8;
	[tilespmem:$0x1B900] =	vst v63  }
0x7f: {  	_ =	swait.ge [sflag:s11], $0x2800  }
0x80: {  	s16 =	sshrl.u32 s26, $0x3;
	[sflag:s11] =	ssyncset.done $0x0  }
0x81: {  	s16 =	sadd.s32 s15, s16;
	s2 =	sadd.s32 s2, s14;
	[sflag:s11] =	ssyncadd.s32 $0xFFFFD800  }
0x82: {  	[tilespmem:s1], [sflag:$0x1] =	stream.linear.gather [hbm4b:s16+s1], $0x50, $0x38;
	[tilespmem:$0x1B900] =	vst v63  }
0x83: {  	s16 =	sadd.s32 $0xA00, s2  }
0x84: {  	[tilespmem:s0], [sflag:$0x3] =	stream.linear.gather [hbm4b:s16+s1], $0x2800, $0x38;
	[tilespmem:$0x1B900] =	vst v63  }
0x85: {  	_ =	swait.ge [sflag:s8], $0x50  }
0x86: {  	[sflag:s8] =	ssyncset.done $0x0  }
0x87: {  	[sflag:s8] =	ssyncadd.s32 $0xFFFFFFB0  }
0x88: {  	_ =	swait.ge [sflag:s9], $0x2800  }
0x89: {  	[sflag:s9] =	ssyncset.done $0x0  }
0x8a: {  	[sflag:s9] =	ssyncadd.s32 $0xFFFFD800  }
0x8b: {  	[spmem:s12] =	stream.indirect.scatter.add.f32 [tilespmem:s4], [sflag:$0x5], $0x80, s3, s7, $0xb8;
	[tilespmem:$0x1B900] =	vst v63  }
.Ltmp1:
0x8c: {  	_ =	swait.ge [sflag:s11], $0x2800;
	(pc) =	sbr.rel @p0 .LBB2_4-.Ltmp1, $4  }
0x8d: {  	[sflag:s11] =	ssyncset.done $0x0  }
0x8e: {  	s26 =	sadd.s32 $0xA0, s26;
	[sflag:s11] =	ssyncadd.s32 $0xFFFFD800  }
0x8f: {  	[tilespmem:s3], [sflag:$0x2] =	stream.linear.gather [hbm4b:s28+s1], $0x50, $0x38;
	[tilespmem:$0x1B900] =	vst v63  }
0x90: {  	s25 =	sadd.s32 $0xFFFFFFEC, s25;
	s2 =	sadd.s32 $0xF00, s2;
	s28 =	sadd.s32 $0x14, s28  }
0x91: {  	[tilespmem:s4], [sflag:$0x4] =	stream.linear.gather [hbm4b:s2+s1], $0x2800, $0x38;
	[tilespmem:$0x1B900] =	vst v63  }
0x92: {  	_ =	swait.ge [sflag:s5], $0x50  }
0x93: {  	[sflag:s5] =	ssyncset.done $0x0  }
0x94: {  	[sflag:s5] =	ssyncadd.s32 $0xFFFFFFB0  }
0x95: {  	_ =	swait.ge [sflag:s6], $0x2800  }
0x96: {  	[sflag:s6] =	ssyncset.done $0x0  }
0x97: {  	[sflag:s6] =	ssyncadd.s32 $0xFFFFD800  }
0x98: {  	[spmem:s12] =	stream.indirect.scatter.add.f32 [tilespmem:s0], [sflag:$0x5], $0x80, s1, s7, $0xb8;
	[tilespmem:$0x1B900] =	vst v63  }
0x99: {  	_ =	swait.ge [sflag:s11], $0x2800  }
0x9a: {  	[sflag:s11] =	ssyncset.done $0x0  }
0x9b: {  	s26 =	ssub.s32 $0x0, s25;
	s16 =	sadd.s32 s13, s14;
	[sflag:s11] =	ssyncadd.s32 $0xFFFFD800  }
0x9c: {  	[tilespmem:s1], [sflag:$0x1] =	stream.linear.gather [hbm4b:s26+s1], $0x50, $0x38;
	[tilespmem:$0x1B900] =	vst v63  }
0x9d: {  	s2 =	sadd.s32 $0xA00, s16  }
0x9e: {  	[tilespmem:s0], [sflag:$0x3] =	stream.linear.gather [hbm4b:s2+s1], $0x2800, $0x38;
	[tilespmem:$0x1B900] =	vst v63  }
0x9f: {  	_ =	swait.ge [sflag:s8], $0x50  }
0xa0: {  	[sflag:s8] =	ssyncset.done $0x0  }
0xa1: {  	[sflag:s8] =	ssyncadd.s32 $0xFFFFFFB0  }
0xa2: {  	_ =	swait.ge [sflag:s9], $0x2800  }
0xa3: {  	[sflag:s9] =	ssyncset.done $0x0  }
0xa4: {  	[sflag:s9] =	ssyncadd.s32 $0xFFFFD800  }
0xa5: {  	[spmem:s12] =	stream.indirect.scatter.add.f32 [tilespmem:s4], [sflag:$0x5], $0x80, s3, s7, $0xb8;
	[tilespmem:$0x1B900] =	vst v63  }
0xa6: {  	_ =	swait.ge [sflag:s11], $0x2800  }
0xa7: {  	[sflag:s11] =	ssyncset.done $0x0  }
0xa8: {  	[sflag:s11] =	ssyncadd.s32 $0xFFFFD800  }
0xa9: {  	[tilespmem:s3], [sflag:$0x2] =	stream.linear.gather [hbm4b:s24+s1], $0x50, $0x38;
	[tilespmem:$0x1B900] =	vst v63  }
0xaa: {  	_ = 	snop  }
0xab: {  	[tilespmem:s4], [sflag:$0x4] =	stream.linear.gather [hbm4b:s17+s1], $0x2800, $0x38;
	[tilespmem:$0x1B900] =	vst v63  }
0xac: {  	_ =	swait.ge [sflag:s5], $0x50  }
0xad: {  	[sflag:s5] =	ssyncset.done $0x0  }
0xae: {  	[sflag:s5] =	ssyncadd.s32 $0xFFFFFFB0  }
0xaf: {  	_ =	swait.ge [sflag:s6], $0x2800  }
0xb0: {  	[sflag:s6] =	ssyncset.done $0x0  }
0xb1: {  	[sflag:s6] =	ssyncadd.s32 $0xFFFFD800  }
0xb2: {  	[spmem:s12] =	stream.indirect.scatter.add.f32 [tilespmem:s0], [sflag:$0x5], $0x80, s1, s7, $0xb8;
	[tilespmem:$0x1B900] =	vst v63  }
0xb3: {  	_ =	swait.ge [sflag:s11], $0x2800  }
0xb4: {  	[sflag:s11] =	ssyncset.done $0x0  }
0xb5: {  	[sflag:s11] =	ssyncadd.s32 $0xFFFFD800  }
0xb6: {  	_ =	swait.ge [sflag:s8], $0x50  }
0xb7: {  	[sflag:s8] =	ssyncset.done $0x0  }
0xb8: {  	[sflag:s8] =	ssyncadd.s32 $0xFFFFFFB0  }
0xb9: {  	_ =	swait.ge [sflag:s9], $0x2800  }
0xba: {  	[sflag:s9] =	ssyncset.done $0x0  }
0xbb: {  	[sflag:s9] =	ssyncadd.s32 $0xFFFFD800  }
0xbc: {  	[bflag:$0x0] =	sbarrier.arrive $0xFFFF  }
0xbd: {  	[tilespmem:s31], [sflag:$0x5] =	stream.linear.gather [spmem:s18], $0x2800, $0x38;
	[tilespmem:$0x1B900] =	vst v63  }
0xbe: {  	_ =	swait.ge [sflag:s11], $0x2800  }
0xbf: {  	[sflag:s11] =	ssyncset.done $0x0  }
0xc0: {  	s25 =	rddreg [dreg:$0x4];
	[sflag:s11] =	ssyncadd.s32 $0xFFFFD800  }
0xc1: {  	[hbm4b:s25+s1] =	stream.linear.scatter [tilespmem:s31], [sflag:$0x5], $0x2800, $0x38;
	[tilespmem:$0x1B900] =	vst v63  }
0xc2: {  	_ =	swait.ge [sflag:s11], $0x2800  }
0xc3: {  	[sflag:s11] =	ssyncset.done $0x0  }
0xc4: {  	[sflag:s11] =	ssyncadd.s32 $0xFFFFD800  }
0xc5: {  	[tilespmem:s31], [sflag:$0x5] =	stream.linear.gather [spmem:s19], $0x2800, $0x38;
	[tilespmem:$0x1B900] =	vst v63  }
0xc6: {  	_ =	swait.ge [sflag:s11], $0x2800  }
0xc7: {  	[sflag:s11] =	ssyncset.done $0x0  }
0xc8: {  	s13 =	rddreg [dreg:$0x5];
	[sflag:s11] =	ssyncadd.s32 $0xFFFFD800  }
0xc9: {  	[hbm4b:s13+s1] =	stream.linear.scatter [tilespmem:s31], [sflag:$0x5], $0x2800, $0x38;
	[tilespmem:$0x1B900] =	vst v63  }
0xca: {  	_ =	swait.ge [sflag:s11], $0x2800  }
0xcb: {  	[sflag:s11] =	ssyncset.done $0x0  }
0xcc: {  	[sflag:s11] =	ssyncadd.s32 $0xFFFFD800  }
0xcd: {  	[tilespmem:s31], [sflag:$0x5] =	stream.linear.gather [spmem:s20], $0x2800, $0x38;
	[tilespmem:$0x1B900] =	vst v63  }
0xce: {  	_ =	swait.ge [sflag:s11], $0x2800  }
0xcf: {  	[sflag:s11] =	ssyncset.done $0x0  }
0xd0: {  	s16 =	smov.u32 s18;
	s18 =	rddreg [dreg:$0x6];
	[sflag:s11] =	ssyncadd.s32 $0xFFFFD800  }
0xd1: {  	[hbm4b:s18+s1] =	stream.linear.scatter [tilespmem:s31], [sflag:$0x5], $0x2800, $0x38;
	[tilespmem:$0x1B900] =	vst v63  }
0xd2: {  	_ =	swait.ge [sflag:s11], $0x2800  }
0xd3: {  	s26 =	smov.u32 s17;
	[sflag:s11] =	ssyncset.done $0x0  }
0xd4: {  	s17 =	smov.u32 s19;
	s19 =	rddreg [dreg:$0xc];
	[sflag:s11] =	ssyncadd.s32 $0xFFFFD800  }
0xd5: {  	[tilespmem:s31], [sflag:$0x5] =	stream.linear.gather [spmem:s19], $0x2800, $0x38;
	[tilespmem:$0x1B900] =	vst v63  }
0xd6: {  	_ =	swait.ge [sflag:s11], $0x2800  }
0xd7: {  	[sflag:s11] =	ssyncset.done $0x0  }
0xd8: {  	s28 =	smov.u32 s20;
	s20 =	rddreg [dreg:$0x7];
	[sflag:s11] =	ssyncadd.s32 $0xFFFFD800  }
0xd9: {  	[hbm4b:s20+s1] =	stream.linear.scatter [tilespmem:s31], [sflag:$0x5], $0x2800, $0x38;
	[tilespmem:$0x1B900] =	vst v63  }
0xda: {  	_ =	swait.ge [sflag:s11], $0x2800  }
0xdb: {  	[sflag:s11] =	ssyncset.done $0x0  }
0xdc: {  	s25 =	rddreg [dreg:$0xd];
	[sflag:s11] =	ssyncadd.s32 $0xFFFFD800  }
0xdd: {  	[tilespmem:s31], [sflag:$0x5] =	stream.linear.gather [spmem:s25], $0x2800, $0x38;
	[tilespmem:$0x1B900] =	vst v63  }
0xde: {  	_ =	swait.ge [sflag:s11], $0x2800  }
0xdf: {  	[sflag:s11] =	ssyncset.done $0x0  }
0xe0: {  	s13 =	rddreg [dreg:$0x8];
	[sflag:s11] =	ssyncadd.s32 $0xFFFFD800  }
0xe1: {  	[hbm4b:s13+s1] =	stream.linear.scatter [tilespmem:s31], [sflag:$0x5], $0x2800, $0x38;
	[tilespmem:$0x1B900] =	vst v63  }
0xe2: {  	_ =	swait.ge [sflag:s11], $0x2800  }
0xe3: {  	[sflag:s11] =	ssyncset.done $0x0  }
0xe4: {  	[sflag:s11] =	ssyncadd.s32 $0xFFFFD800  }
0xe5: {  	[tilespmem:s31], [sflag:$0x5] =	stream.linear.gather [spmem:s21], $0x2800, $0x38;
	[tilespmem:$0x1B900] =	vst v63  }
0xe6: {  	_ =	swait.ge [sflag:s11], $0x2800  }
0xe7: {  	[sflag:s11] =	ssyncset.done $0x0  }
0xe8: {  	s18 =	rddreg [dreg:$0x9];
	[sflag:s11] =	ssyncadd.s32 $0xFFFFD800  }
0xe9: {  	[hbm4b:s18+s1] =	stream.linear.scatter [tilespmem:s31], [sflag:$0x5], $0x2800, $0x38;
	[tilespmem:$0x1B900] =	vst v63  }
0xea: {  	_ =	swait.ge [sflag:s11], $0x2800  }
0xeb: {  	[sflag:s11] =	ssyncset.done $0x0  }
0xec: {  	[sflag:s11] =	ssyncadd.s32 $0xFFFFD800  }
0xed: {  	[tilespmem:s31], [sflag:$0x5] =	stream.linear.gather [spmem:s22], $0x2800, $0x38;
	[tilespmem:$0x1B900] =	vst v63  }
0xee: {  	_ =	swait.ge [sflag:s11], $0x2800  }
0xef: {  	[sflag:s11] =	ssyncset.done $0x0  }
0xf0: {  	s19 =	rddreg [dreg:$0xa];
	[sflag:s11] =	ssyncadd.s32 $0xFFFFD800  }
0xf1: {  	[hbm4b:s19+s1] =	stream.linear.scatter [tilespmem:s31], [sflag:$0x5], $0x2800, $0x38;
	[tilespmem:$0x1B900] =	vst v63  }
0xf2: {  	_ =	swait.ge [sflag:s11], $0x2800  }
0xf3: {  	[sflag:s11] =	ssyncset.done $0x0  }
0xf4: {  	[sflag:s11] =	ssyncadd.s32 $0xFFFFD800  }
0xf5: {  	[tilespmem:s31], [sflag:$0x5] =	stream.linear.gather [spmem:s23], $0x2800, $0x38;
	[tilespmem:$0x1B900] =	vst v63  }
0xf6: {  	_ =	swait.ge [sflag:s11], $0x2800  }
0xf7: {  	[sflag:s11] =	ssyncset.done $0x0  }
0xf8: {  	s20 =	rddreg [dreg:$0xb];
	[sflag:s11] =	ssyncadd.s32 $0xFFFFD800  }
0xf9: {  	[hbm4b:s20+s1] =	stream.linear.scatter [tilespmem:s31], [sflag:$0x5], $0x2800, $0x38;
	[tilespmem:$0x1B900] =	vst v63  }
0xfa: {  	_ =	swait.ge [sflag:s11], $0x2800  }
0xfb: {  	s10 =	sadd.s32 $0x1, s10;
	s25 =	rddreg [dreg:$0xf]  }
0xfc: {  	p0 =	sne.s32 s10, s25  }
.Ltmp2:
0xfd: {  	_ = 	snop;
	(pc) =	sbr.rel @p0 .LBB2_1-.Ltmp2, $3  }
0xfe: {  	_ =	sdelay $0x1  }
0xff: {  	[sflag:s11] =	ssyncset.done $0x0  }
0x100: {  	[sflag:s11] =	ssyncadd.s32 $0xFFFFD800  }
0x101: {  	_ =	sfence.sel $0x180000  }
0x102: {  	[bflag:$0x0] =	sbarrier.arrive $0xFFFF  }
0x103: {  	_ =	strace $0x90000050  }
0x104: {  	s0 =	stileid.u32;
	[bflag:$0x2] =	sbarrier.arrive $0xFFFF  }
0x105: {  	p0 =	sne.s32 s0, $0x0;
	s0 =	rddreg [dreg:$0x2]  }
0x106: {  	s0 =	sadd.s32 @!p0 $0x100000, s0  }
0x107: {  	[sflag:s0] =	ssyncadd.tile.s32 @!p0 $0x1;
	_ =	shalt  }
.Lfunc_end2:
_tile_overlayer_lowered:
.L_overlay_start_2:
0x108: {  	(tag) =	ssettag $0x2  }
0x109: {  	s0 =	rddreg [dreg:$0x0];
	s2 =	stileid.u32  }
0x10a: {  	s1 =	rddreg [dreg:$0x1];
	p0 =	sne.s32 s2, $0x0  }
0x10b: {  	s3 =	rddreg [dreg:$0x2];
	[bflag:$0x3] =	sbarrier.arrive $0xFFFF;
	s2 =	simm.s32 @!p0 $0x1C05  }
0x10c: {  	[timem:s3], [sflag:s2] =	dma.local @!p0 [hbm:s0], s1  }
0x10d: {  	s0 =	simm.s32 @!p0 $0x5  }
0x10e: {  	_ =	swait.ge @!p0 [sflag:s0], s1  }
0x10f: {  	s1 =	ssub.s32 @!p0 $0x0, s1;
	[sflag:s0] =	ssyncset.done @!p0 $0x0  }
0x110: {  	[sflag:s0] =	ssyncadd.s32 @!p0 s1  }
0x111: {  	[bflag:$0x3] =	sbarrier.arrive $0xFFFF  }
0x112: {  	_ =	shalt  }

</sc_bundles>
